<compile_context>
chip_gen: v7x
topology: tpu7x:2x2x1
jax: 0.10.2.dev20260603
libtpu: 0.0.44.dev20260713+nightly
codegen_flags: <defaults>
</compile_context>

<pallas_src>
import functools

import jax
import jax.numpy as jnp
from jax import lax
from jax.experimental import pallas as pl
from jax.experimental.pallas import tpu as pltpu
from jax.experimental.pallas import tpu_sc as plsc

N = 50000
N_TYPES = 10
NPAD = 50048
STRIPE = NPAD // 16
E_RAW = 800000
EP = 802816
EPW = EP // 32
NB = EPW // 128
R = 1000
EPS = 1e-5

_f32 = jnp.float32
_sds = jax.ShapeDtypeStruct



def _sc_mesh():
    return plsc.VectorSubcoreMesh(core_axis_name="c", subcore_axis_name="s")


@functools.lru_cache(maxsize=None)
def _make_deg_kernel():
    @functools.partial(
        pl.kernel,
        mesh=_sc_mesh(),
        out_type=_sds((2, NPAD, 16), _f32),
        compiler_params=pltpu.CompilerParams(use_tc_tiling_on_sc=False),
        scratch_types=[
            pltpu.VMEM((128,), jnp.int32),
            pltpu.VMEM((128, 16), _f32),
            pltpu.VMEM_SHARED((NPAD, 16), _f32),
        ],
    )
    def deg_kernel(dst_hbm, ones_hbm, zeros_hbm, out_hbm, dst_v, ones_v, acc):
        cid = lax.axis_index("c")
        sid = lax.axis_index("s")
        wid = cid * 16 + sid
        pltpu.sync_copy(ones_hbm, ones_v)
        pltpu.sync_copy(zeros_hbm, acc.at[pl.ds(sid * STRIPE, STRIPE)])
        plsc.subcore_barrier()

        def body(j, carry):
            base = wid * EPW + j * 128
            pltpu.sync_copy(dst_hbm.at[pl.ds(base, 128)], dst_v)
            pltpu.sync_copy(ones_v, acc.at[dst_v], add=True)
            return carry

        lax.fori_loop(0, NB, body, 0)
        plsc.subcore_barrier()
        pltpu.sync_copy(acc.at[pl.ds(sid * STRIPE, STRIPE)],
                        out_hbm.at[cid, pl.ds(sid * STRIPE, STRIPE)])

    return deg_kernel


@functools.lru_cache(maxsize=None)
def _make_scatter_kernel(k):
    @functools.partial(
        pl.kernel,
        mesh=_sc_mesh(),
        out_type=_sds((2, NPAD, k, 32), _f32),
        compiler_params=pltpu.CompilerParams(use_tc_tiling_on_sc=False),
        scratch_types=[
            pltpu.VMEM((128,), jnp.int32),
            pltpu.VMEM((128,), jnp.int32),
            pltpu.VMEM((128, 32), _f32),
            pltpu.VMEM_SHARED((NPAD, 32), _f32),
            pltpu.SemaphoreType.DMA,
        ],
    )
    def scat_kernel(hmp_hbm, idx_hbm, dst_hbm, zeros_hbm, out_hbm,
                    idx_v, dst_v, rows_v, acc, sem):
        cid = lax.axis_index("c")
        sid = lax.axis_index("s")
        wid = cid * 16 + sid
        for c in range(k):
            pltpu.sync_copy(zeros_hbm, acc.at[pl.ds(sid * STRIPE, STRIPE)])
            plsc.subcore_barrier()

            def body(j, carry):
                base = wid * EPW + j * 128
                pltpu.sync_copy(idx_hbm.at[pl.ds(c * EP + base, 128)], idx_v)
                pltpu.sync_copy(dst_hbm.at[pl.ds(base, 128)], dst_v)
                pltpu.async_copy(hmp_hbm.at[idx_v], rows_v, sem).wait()
                pltpu.sync_copy(rows_v, acc.at[dst_v], add=True)
                return carry

            lax.fori_loop(0, NB, body, 0)
            plsc.subcore_barrier()
            pltpu.sync_copy(acc.at[pl.ds(sid * STRIPE, STRIPE)],
                            out_hbm.at[cid, pl.ds(sid * STRIPE, STRIPE), c])

    return scat_kernel



def _mm(xs, w, b):
    n = xs[0].shape[0]
    o = w.shape[1]
    nx = len(xs)

    def kern(*refs):
        xrefs = refs[:nx]
        w_ref, b_ref = refs[nx], refs[nx + 1]
        y_ref = refs[nx + 2]
        if nx == 1:
            x = xrefs[0][...]
        else:
            x = jnp.concatenate([r[...] for r in xrefs], axis=1)
        xb = jnp.concatenate([x, jnp.ones((R, 1), _f32)], axis=1)
        wb = jnp.concatenate([w_ref[...], b_ref[...]], axis=0)
        y_ref[...] = jnp.dot(xb, wb, preferred_element_type=_f32,
                             precision=lax.Precision.HIGHEST)

    return pl.pallas_call(
        kern,
        grid=(n // R,),
        in_specs=[pl.BlockSpec((R, x.shape[1]), lambda i: (i, 0)) for x in xs]
        + [pl.BlockSpec(w.shape, lambda i: (0, 0)),
           pl.BlockSpec((1, o), lambda i: (0, 0))],
        out_specs=pl.BlockSpec((R, o), lambda i: (i, 0)),
        out_shape=_sds((n, o), _f32),
    )(*xs, w, b.reshape(1, o))


def _norm_act(y, alpha_v, gamma, beta, leaky, alpha_arr=None):
    n, o = y.shape
    mu = jnp.mean(y, axis=0)
    if alpha_arr is None:
        var = jnp.var(y, axis=0)
    else:
        sh = y - alpha_arr * mu
        var = jnp.mean(sh * sh, axis=0)
    sq = jnp.sqrt(var + EPS)

    def kern(y_ref, mu_ref, sq_ref, a_ref, g_ref, be_ref, o_ref):
        t = (g_ref[...] * (y_ref[...] - a_ref[...] * mu_ref[...])
             / sq_ref[...] + be_ref[...])
        if leaky:
            o_ref[...] = jnp.where(t >= 0, t, 0.2 * t)
        else:
            o_ref[...] = jnp.maximum(t, 0.0)

    return pl.pallas_call(
        kern,
        grid=(n // R,),
        in_specs=[pl.BlockSpec((R, o), lambda i: (i, 0))]
        + [pl.BlockSpec((1, o), lambda i: (0, 0))] * 5,
        out_specs=pl.BlockSpec((R, o), lambda i: (i, 0)),
        out_shape=_sds((n, o), _f32),
    )(y, mu.reshape(1, o), sq.reshape(1, o), alpha_v.reshape(1, o),
      gamma.reshape(1, o), beta.reshape(1, o))


def _dis_from_parts(parts):
    def kern(p_ref, o_ref):
        p = p_ref[...]
        deg = p[0, :, 0:8] + p[1, :, 0:8] + 1.0
        o_ref[...] = 1.0 / jnp.sqrt(deg)

    return pl.pallas_call(
        kern,
        grid=(N // R,),
        in_specs=[pl.BlockSpec((2, R, 16), lambda i: (0, i, 0))],
        out_specs=pl.BlockSpec((R, 8), lambda i: (i, 0)),
        out_shape=_sds((N, 8), _f32),
    )(parts)


def _sel_mm(onehot_v, m, w, b):
    o = w.shape[1]

    def kern(oh_ref, m_ref, w_ref, b_ref, y_ref):
        sel = jnp.dot(oh_ref[...], m_ref[...], preferred_element_type=_f32,
                      precision=lax.Precision.HIGHEST)
        xb = jnp.concatenate([sel, jnp.ones((R, 1), _f32)], axis=1)
        wb = jnp.concatenate([w_ref[...], b_ref[...]], axis=0)
        y_ref[...] = jnp.dot(xb, wb, preferred_element_type=_f32,
                             precision=lax.Precision.HIGHEST)

    return pl.pallas_call(
        kern,
        grid=(N // R,),
        in_specs=[pl.BlockSpec((R, 16), lambda i: (i, 0)),
                  pl.BlockSpec(m.shape, lambda i: (0, 0)),
                  pl.BlockSpec(w.shape, lambda i: (0, 0)),
                  pl.BlockSpec((1, o), lambda i: (0, 0))],
        out_specs=pl.BlockSpec((R, o), lambda i: (i, 0)),
        out_shape=_sds((N, o), _f32),
    )(onehot_v, m, w, b.reshape(1, o))


def _conv_transform(e, w, dis):
    n, _ = e.shape
    o = w.shape[1]

    def kern(e_ref, w_ref, d_ref, o_ref):
        o_ref[...] = jnp.dot(e_ref[...], w_ref[...],
                             preferred_element_type=_f32) * d_ref[...][:, 0:1]

    return pl.pallas_call(
        kern,
        grid=(n // R,),
        in_specs=[pl.BlockSpec((R, e.shape[1]), lambda i: (i, 0)),
                  pl.BlockSpec(w.shape, lambda i: (0, 0)),
                  pl.BlockSpec((R, 8), lambda i: (i, 0))],
        out_specs=pl.BlockSpec((R, o), lambda i: (i, 0)),
        out_shape=_sds((n, o), _f32),
    )(e, w, dis)


def _conv_combine(parts, hmp, dis, b):
    o = hmp.shape[1]

    def kern(p_ref, h_ref, d_ref, b_ref, y_ref):
        p = p_ref[...]
        y_ref[...] = (d_ref[...][:, 0:1] * (p[0] + p[1] + h_ref[...])
                      + b_ref[...])

    return pl.pallas_call(
        kern,
        grid=(N // R,),
        in_specs=[pl.BlockSpec((2, R, o), lambda i: (0, i, 0)),
                  pl.BlockSpec((R, o), lambda i: (i, 0)),
                  pl.BlockSpec((R, 8), lambda i: (i, 0)),
                  pl.BlockSpec((1, o), lambda i: (0, 0))],
        out_specs=pl.BlockSpec((R, o), lambda i: (i, 0)),
        out_shape=_sds((N, o), _f32),
    )(parts, hmp, dis, b.reshape(1, o))


def _head(d, wl, bl, gum):
    o = wl.shape[1]

    def kern(d_ref, w_ref, b_ref, g_ref, lo_ref, lh_ref, ls_ref):
        lo = jnp.dot(jnp.concatenate([d_ref[...], jnp.ones((R, 1), _f32)], 1),
                     jnp.concatenate([w_ref[...], b_ref[...]], 0),
                     preferred_element_type=_f32,
                     precision=lax.Precision.HIGHEST)
        lo_ref[...] = lo
        y = lo + g_ref[...]
        m = jnp.max(y, axis=1, keepdims=True)
        ey = jnp.exp(y - m)
        soft = ey / jnp.sum(ey, axis=1, keepdims=True)
        ls_ref[...] = soft
        mx = jnp.max(soft, axis=1, keepdims=True)
        ii = lax.broadcasted_iota(jnp.int32, (R, o), 1)
        cand = jnp.where(soft == mx, ii, o)
        amin = jnp.min(cand, axis=1, keepdims=True)
        hard = jnp.where(ii == amin, 1.0, 0.0)
        lh_ref[...] = (hard - soft) + soft

    return pl.pallas_call(
        kern,
        grid=(N // R,),
        in_specs=[pl.BlockSpec((R, d.shape[1]), lambda i: (i, 0)),
                  pl.BlockSpec(wl.shape, lambda i: (0, 0)),
                  pl.BlockSpec((1, o), lambda i: (0, 0)),
                  pl.BlockSpec((R, o), lambda i: (i, 0))],
        out_specs=[pl.BlockSpec((R, o), lambda i: (i, 0))] * 3,
        out_shape=[_sds((N, o), _f32)] * 3,
    )(d, wl, bl.reshape(1, o), gum)



def kernel(local_x, voxel_x, z, params, local_type, voxel_type, edge_index):
    src = edge_index[0].astype(jnp.int32)
    dst = edge_index[1].astype(jnp.int32)
    pad = EP - E_RAW
    src_p = jnp.concatenate([src, jnp.zeros((pad,), jnp.int32)])
    dst_p = jnp.concatenate([dst, jnp.full((pad,), NPAD - 1, jnp.int32)])

    zeros16 = jnp.zeros((STRIPE, 16), _f32)
    zeros32 = jnp.zeros((STRIPE, 32), _f32)
    ones16 = jnp.ones((128, 16), _f32)

    deg_parts = _make_deg_kernel()(dst_p, ones16, zeros16)
    dis = _dis_from_parts(deg_parts)

    counts = jnp.bincount(local_type, length=N_TYPES).astype(_f32)
    sums = jax.ops.segment_sum(local_x, local_type, num_segments=N_TYPES)
    means = sums / jnp.clip(counts, 1.0)[:, None]
    m10 = jnp.where((counts > 0)[:, None], means, 0.0)
    m = jnp.zeros((16, 128), _f32).at[:N_TYPES].set(m10)
    onehot_v = (voxel_type[:, None] == jnp.arange(16)[None, :]).astype(_f32)
    (w1, b1, g1, be1), (w2, b2, g2, be2) = params['le']
    ones_o = jnp.ones((w1.shape[1],), _f32)
    y = _sel_mm(onehot_v, m, w1, b1)
    h = _norm_act(y, ones_o, g1, be1, leaky=True)
    y = _mm([h], w2, b2)
    encoded = _norm_act(y, ones_o, g2, be2, leaky=True)

    zs = z[0]
    x = None
    cur = [encoded, voxel_x, zs]
    for (w, b, g, be) in params['mlp']:
        y = _mm(cur, w, b)
        x = _norm_act(y, jnp.ones((w.shape[1],), _f32), g, be, leaky=True)
        cur = [x]

    e = x
    for (w, b, al, ga, be) in params['conv']:
        o = w.shape[1]
        k = o // 32
        hmp = _conv_transform(e, w, dis)
        hmp_rows = hmp.reshape(N * k, 32)
        idx = jnp.concatenate([src_p * k + c for c in range(k)])
        parts = _make_scatter_kernel(k)(hmp_rows, idx, dst_p, zeros32)
        parts = parts.reshape(2, NPAD, o)
        y = _conv_combine(parts, hmp, dis, b)
        e = _norm_act(y, al, ga, be, leaky=False, alpha_arr=al)

    cur = [e, x, encoded, voxel_x, zs]
    d = None
    for (w, b, g, be) in params['dec']:
        y = _mm(cur, w, b)
        d = _norm_act(y, jnp.ones((w.shape[1],), _f32), g, be, leaky=True)
        cur = [d]

    wl, bl = params['dec_final']
    u = jax.random.uniform(jax.random.key(42), (N, wl.shape[1]),
                           minval=1e-6, maxval=1.0 - 1e-6)
    gum = -jnp.log(-jnp.log(u))
    logits, label_hard, label_soft = _head(d, wl, bl, gum)
    return logits, label_hard, label_soft

# --- scband reference (transcript-rebuilt; emitter-appended) ---
"""Pipeline reference for scband-voxel-gnngenerator-66546223284347 (READ-ONLY COPY).

The authoritative reference and input builder live on the scoring server;
editing this copy changes nothing except your own understanding.
"""

import jax, jax.numpy as jnp
import numpy as np

N_LOCAL = 5000
N_VOXEL = 50000
E = 800000
D_FEAT = 128
Z_DIM = 128
HIDDEN = 128
NUM_CLASSES = 16
N_TYPES = 10

def _leaky(x):
    return jnp.where(x >= 0, x, 0.2 * x)

def _batchnorm(x, gamma, beta, eps=1e-5):
    mu = jnp.mean(x, axis=0)
    var = jnp.var(x, axis=0)
    return gamma * (x - mu) / jnp.sqrt(var + eps) + beta

def _graphnorm(x, alpha, gamma, beta, eps=1e-5):
    mean = jnp.mean(x, axis=0)
    sh = x - alpha * mean
    var = jnp.mean(sh * sh, axis=0)
    return gamma * sh / jnp.sqrt(var + eps) + beta

def _make_params(key):
    def lin(k, i, o):
        kw, kb = jax.random.split(k)
        W = jax.random.normal(kw, (i, o), jnp.float32) * (1.0 / np.sqrt(i))
        b = jnp.zeros((o,), jnp.float32)
        return W, b
    ks = iter(jax.random.split(key, 32))
    params = {}
    le = []
    for (i, o) in [(D_FEAT, HIDDEN), (HIDDEN, HIDDEN)]:
        W, b = lin(next(ks), i, o)
        le.append((W, b, jnp.ones((o,), jnp.float32), jnp.zeros((o,), jnp.float32)))
    params['le'] = le
    mlp = []
    for (i, o) in [(HIDDEN + D_FEAT + Z_DIM, HIDDEN), (HIDDEN, HIDDEN)]:
        W, b = lin(next(ks), i, o)
        mlp.append((W, b, jnp.ones((o,), jnp.float32), jnp.zeros((o,), jnp.float32)))
    params['mlp'] = mlp
    conv = []
    for (i, o) in [(128, 64), (64, 32), (32, 64), (64, 128)]:
        W, b = lin(next(ks), i, o)
        conv.append((W, b, jnp.ones((o,), jnp.float32), jnp.ones((o,), jnp.float32), jnp.zeros((o,), jnp.float32)))
    params['conv'] = conv
    dec = []
    for (i, o) in [(HIDDEN + D_FEAT + Z_DIM + 128 + HIDDEN, HIDDEN), (128, 64), (64, 32), (32, 16)]:
        W, b = lin(next(ks), i, o)
        dec.append((W, b, jnp.ones((o,), jnp.float32), jnp.zeros((o,), jnp.float32)))
    params['dec'] = dec
    params['dec_final'] = lin(next(ks), 16, NUM_CLASSES)
    return params

def setup_inputs(seed: int = 0):
    key = jax.random.key(seed)
    ks = jax.random.split(key, 8)
    return {
        'local_x': jax.random.normal(ks[0], (N_LOCAL, D_FEAT), jnp.float32),
        'voxel_x': jax.random.normal(ks[1], (N_VOXEL, D_FEAT), jnp.float32),
        'z': jax.random.normal(ks[2], (1, N_VOXEL, Z_DIM), jnp.float32),
        'params': _make_params(ks[3]),
        'local_type': jax.random.randint(ks[4], (N_LOCAL,), 0, N_TYPES),
        'voxel_type': jax.random.randint(ks[5], (N_VOXEL,), 0, N_TYPES),
        'edge_index': jax.random.randint(ks[6], (2, E), 0, N_VOXEL),
    }

def _forward(local_x, voxel_x, z, params, local_type, voxel_type, src, dst, normw):
    N = voxel_x.shape[0]
    # per-type mean matching (torch: loop over unique types, assign mean)
    counts = jnp.bincount(local_type, length=N_TYPES).astype(jnp.float32)
    sums = jax.ops.segment_sum(local_x, local_type, num_segments=N_TYPES)
    means = sums / jnp.clip(counts, 1.0)[:, None]
    matched = jnp.where((counts[voxel_type] > 0)[:, None], means[voxel_type], 0.0)
    h = matched
    for (W, b, g, be) in params['le']:
        h = _leaky(_batchnorm(h @ W + b, g, be))
    encoded_local = h
    zs = z[0]
    combined = jnp.concatenate([encoded_local, voxel_x, zs], axis=-1)
    x = combined
    for (W, b, g, be) in params['mlp']:
        x = _leaky(_batchnorm(x @ W + b, g, be))
    e = x
    for (W, b, al, ga, be) in params['conv']:
        hm = e @ W  # GCNConv: transform then propagate with sym-normalized adj (self-loops added)
        msg = hm[src] * normw[:, None]
        e = jax.ops.segment_sum(msg, dst, num_segments=N) + b
        e = _graphnorm(e, al, ga, be)
        e = jax.nn.relu(e)  # Dropout(0.2) in eval mode = identity
    final = jnp.concatenate([e, x, encoded_local, voxel_x, zs], axis=-1)
    d = final
    for (W, b, g, be) in params['dec']:
        d = _leaky(_batchnorm(d @ W + b, g, be))
    Wl, bl = params['dec_final']
    logits = d @ Wl + bl
    u = jax.random.uniform(jax.random.key(42), logits.shape, minval=1e-6, maxval=1.0 - 1e-6)
    gumbel = -jnp.log(-jnp.log(u))
    label_soft = jax.nn.softmax((logits + gumbel) / 1.0, axis=-1)
    hard = jax.nn.one_hot(jnp.argmax(label_soft, axis=1), NUM_CLASSES, dtype=label_soft.dtype)
    label_hard = hard - jax.lax.stop_gradient(label_soft) + label_soft
    return logits, label_hard, label_soft

def reference(local_x, voxel_x, z, params, local_type, voxel_type, edge_index):
    N = voxel_x.shape[0]
    loop = jnp.arange(N, dtype=edge_index.dtype)
    src = jnp.concatenate([edge_index[0], loop])
    dst = jnp.concatenate([edge_index[1], loop])
    deg = jax.ops.segment_sum(jnp.ones(src.shape, jnp.float32), dst, num_segments=N)
    dis = jnp.where(deg > 0, 1.0 / jnp.sqrt(deg), 0.0)
    normw = dis[src] * dis[dst]
    return _forward(local_x, voxel_x, z, params, local_type, voxel_type, src, dst, normw)

if __name__ == "__main__":
    import jax
    _d = setup_inputs()
    print(jax.jit(kernel)(*tuple(_d.values())))

</pallas_src>

<mosaic_0001>
#map = affine_map<(d0, d1) -> (0)>
#map1 = affine_map<(d0, d1) -> (0, 0)>
#map2 = affine_map<(d0, d1) -> (0, 0, 0)>
module attributes {stable_mosaic.version = 14 : i64} {
  func.func @deg_kernel(%arg0: i32, %arg1: i32, %arg2: memref<802816xi32, #tpu.memory_space<hbm>>, %arg3: memref<128x16xf32, #tpu.memory_space<hbm>>, %arg4: memref<3128x16xf32, #tpu.memory_space<hbm>>, %arg5: memref<2x50048x16xf32, #tpu.memory_space<hbm>>, %arg6: memref<128xi32, #tpu.memory_space<vmem>>, %arg7: memref<128x16xf32, #tpu.memory_space<vmem>>, %arg8: memref<50048x16xf32, #tpu.memory_space<vmem_shared>>) attributes {dimension_semantics = [#tpu.dimension_semantics<core_parallel>, #tpu.dimension_semantics<subcore_parallel>], iteration_bounds = array<i64: 2, 16>, scalar_prefetch = 0 : i64, scratch_operands = 3 : i64, tpu.core_type = #tpu.core_type<sc_vector_subcore>, window_params = [{transform_indices = #map}, {transform_indices = #map1}, {transform_indices = #map1}, {transform_indices = #map2}]} {
    %mul3A = arith.constant 16 : i32
    %mul3A_0 = arith.muli %arg0, %mul3A : i32
    %add3A = arith.addi %mul3A_0, %arg1 : i32
    "tpu.region"() ({
      %run_scoped3A = tpu.sem_alloc : memref<!tpu.dma_semaphore, #tpu.memory_space<semaphore_mem>>
      tpu.enqueue_dma source(%arg3 : memref<128x16xf32, #tpu.memory_space<hbm>>) target(%arg7 : memref<128x16xf32, #tpu.memory_space<vmem>>) target_semaphore(%run_scoped3A : memref<!tpu.dma_semaphore, #tpu.memory_space<semaphore_mem>>)
      tpu.wait_dma2 semaphore(%run_scoped3A : memref<!tpu.dma_semaphore, #tpu.memory_space<semaphore_mem>>) src(%arg3 : memref<128x16xf32, #tpu.memory_space<hbm>>) dst(%arg7 : memref<128x16xf32, #tpu.memory_space<vmem>>)
      tpu.yield
    }) : () -> ()
    %mul3A_1 = arith.constant 3128 : i32
    %mul3A_2 = arith.muli %arg1, %mul3A_1 : i32
    "tpu.region"() ({
      %run_scoped3A = tpu.sem_alloc : memref<!tpu.dma_semaphore, #tpu.memory_space<semaphore_mem>>
      %dma_start3A = arith.constant 0 : i32
      %dma_start3A_13 = tpu.memref_slice %arg8[%mul3A_2, %dma_start3A] : memref<50048x16xf32, #tpu.memory_space<vmem_shared>> -> memref<3128x16xf32, #tpu.memory_space<vmem_shared>>
      tpu.enqueue_dma source(%arg4 : memref<3128x16xf32, #tpu.memory_space<hbm>>) target(%dma_start3A_13 : memref<3128x16xf32, #tpu.memory_space<vmem_shared>>) target_semaphore(%run_scoped3A : memref<!tpu.dma_semaphore, #tpu.memory_space<semaphore_mem>>)
      %dma_wait3A = arith.constant 0 : i32
      %dma_wait3A_14 = tpu.memref_slice %arg8[%mul3A_2, %dma_wait3A] : memref<50048x16xf32, #tpu.memory_space<vmem_shared>> -> memref<3128x16xf32, #tpu.memory_space<vmem_shared>>
      tpu.wait_dma2 semaphore(%run_scoped3A : memref<!tpu.dma_semaphore, #tpu.memory_space<semaphore_mem>>) src(%arg4 : memref<3128x16xf32, #tpu.memory_space<hbm>>) dst(%dma_wait3A_14 : memref<3128x16xf32, #tpu.memory_space<vmem_shared>>)
      tpu.yield
    }) : () -> ()
    %barrier3A = arith.constant 0 : index
    tpu.barrier barrier_id(%barrier3A)
    %scan3A = arith.constant 0 : i32
    %scan3A_3 = arith.constant 0 : i32
    %scan3A_4 = arith.constant 196 : i32
    %scan3A_5 = arith.addi %scan3A_3, %scan3A_4 : i32
    %scan3A_6 = arith.constant 1 : i32
    scf.for %scan3A_13 = %scan3A_3 to %scan3A_5 step %scan3A_6  : i32 {
      %mul3A_14 = arith.constant 25088 : i32
      %mul3A_15 = arith.muli %add3A, %mul3A_14 : i32
      %mul3A_16 = arith.constant 128 : i32
      %mul3A_17 = arith.muli %scan3A_13, %mul3A_16 : i32
      %add3A_18 = arith.addi %mul3A_15, %mul3A_17 : i32
      "tpu.region"() ({
        %run_scoped3A = tpu.sem_alloc : memref<!tpu.dma_semaphore, #tpu.memory_space<semaphore_mem>>
        %dma_start3A = tpu.memref_slice %arg2[%add3A_18] : memref<802816xi32, #tpu.memory_space<hbm>> -> memref<128xi32, #tpu.memory_space<hbm>>
        %dma_start3A_19 = tpu.memref_slice %arg2[%add3A_18] : memref<802816xi32, #tpu.memory_space<hbm>> -> memref<128xi32, #tpu.memory_space<hbm>>
        tpu.enqueue_dma source(%dma_start3A_19 : memref<128xi32, #tpu.memory_space<hbm>>) target(%arg6 : memref<128xi32, #tpu.memory_space<vmem>>) target_semaphore(%run_scoped3A : memref<!tpu.dma_semaphore, #tpu.memory_space<semaphore_mem>>)
        %dma_wait3A = tpu.memref_slice %arg2[%add3A_18] : memref<802816xi32, #tpu.memory_space<hbm>> -> memref<128xi32, #tpu.memory_space<hbm>>
        %dma_wait3A_20 = tpu.memref_slice %arg2[%add3A_18] : memref<802816xi32, #tpu.memory_space<hbm>> -> memref<128xi32, #tpu.memory_space<hbm>>
        tpu.wait_dma2 semaphore(%run_scoped3A : memref<!tpu.dma_semaphore, #tpu.memory_space<semaphore_mem>>) src(%dma_wait3A_20 : memref<128xi32, #tpu.memory_space<hbm>>) dst(%arg6 : memref<128xi32, #tpu.memory_space<vmem>>)
        tpu.yield
      }) : () -> ()
      "tpu.region"() ({
        %run_scoped3A = tpu.sem_alloc : memref<!tpu.dma_semaphore, #tpu.memory_space<semaphore_mem>>
        %dma_start3A = arith.constant 0 : i32
        %dma_start3A_19 = arith.constant 0 : i32
        %dma_start3A_20 = tpu.memref_slice %arg8[%dma_start3A, %dma_start3A_19] : memref<50048x16xf32, #tpu.memory_space<vmem_shared>> -> memref<50048x16xf32, #tpu.memory_space<vmem_shared>>
        tpu.enqueue_indirect_dma source(%arg7 : memref<128x16xf32, #tpu.memory_space<vmem>>) target(%dma_start3A_20 : memref<50048x16xf32, #tpu.memory_space<vmem_shared>>) offsets(%arg6 : memref<128xi32, #tpu.memory_space<vmem>>) semaphore(%run_scoped3A : memref<!tpu.dma_semaphore, #tpu.memory_space<semaphore_mem>>) {add = true}
        %dma_wait3A = arith.constant 0 : i32
        %dma_wait3A_21 = arith.constant 0 : i32
        %dma_wait3A_22 = tpu.memref_slice %arg8[%dma_wait3A, %dma_wait3A_21] : memref<50048x16xf32, #tpu.memory_space<vmem_shared>> -> memref<50048x16xf32, #tpu.memory_space<vmem_shared>>
        tpu.wait_indirect_dma semaphore(%run_scoped3A : memref<!tpu.dma_semaphore, #tpu.memory_space<semaphore_mem>>) src(%arg7 : memref<128x16xf32, #tpu.memory_space<vmem>>) dst(%dma_wait3A_22 : memref<50048x16xf32, #tpu.memory_space<vmem_shared>>)
        tpu.yield
      }) : () -> ()
    }
    %scan3A_7 = arith.constant 196 : i32
    %barrier3A_8 = arith.constant 0 : index
    tpu.barrier barrier_id(%barrier3A_8)
    %mul3A_9 = arith.constant 3128 : i32
    %mul3A_10 = arith.muli %arg1, %mul3A_9 : i32
    %mul3A_11 = arith.constant 3128 : i32
    %mul3A_12 = arith.muli %arg1, %mul3A_11 : i32
    "tpu.region"() ({
      %run_scoped3A = tpu.sem_alloc : memref<!tpu.dma_semaphore, #tpu.memory_space<semaphore_mem>>
      %dma_start3A = arith.constant 0 : i32
      %dma_start3A_13 = tpu.memref_slice %arg5[%arg0, %mul3A_12, %dma_start3A] : memref<2x50048x16xf32, #tpu.memory_space<hbm>> -> memref<1x3128x16xf32, #tpu.memory_space<hbm>>
      %dma_start3A_14 = tpu.memref_squeeze %dma_start3A_13 : memref<1x3128x16xf32, #tpu.memory_space<hbm>> -> memref<3128x16xf32, #tpu.memory_space<hbm>>
      %dma_start3A_15 = arith.constant 0 : i32
      %dma_start3A_16 = tpu.memref_slice %arg8[%mul3A_10, %dma_start3A_15] : memref<50048x16xf32, #tpu.memory_space<vmem_shared>> -> memref<3128x16xf32, #tpu.memory_space<vmem_shared>>
      tpu.enqueue_dma source(%dma_start3A_16 : memref<3128x16xf32, #tpu.memory_space<vmem_shared>>) target(%dma_start3A_14 : memref<3128x16xf32, #tpu.memory_space<hbm>>) target_semaphore(%run_scoped3A : memref<!tpu.dma_semaphore, #tpu.memory_space<semaphore_mem>>)
      %dma_wait3A = arith.constant 0 : i32
      %dma_wait3A_17 = tpu.memref_slice %arg5[%arg0, %mul3A_12, %dma_wait3A] : memref<2x50048x16xf32, #tpu.memory_space<hbm>> -> memref<1x3128x16xf32, #tpu.memory_space<hbm>>
      %dma_wait3A_18 = tpu.memref_squeeze %dma_wait3A_17 : memref<1x3128x16xf32, #tpu.memory_space<hbm>> -> memref<3128x16xf32, #tpu.memory_space<hbm>>
      %dma_wait3A_19 = arith.constant 0 : i32
      %dma_wait3A_20 = tpu.memref_slice %arg8[%mul3A_10, %dma_wait3A_19] : memref<50048x16xf32, #tpu.memory_space<vmem_shared>> -> memref<3128x16xf32, #tpu.memory_space<vmem_shared>>
      tpu.wait_dma2 semaphore(%run_scoped3A : memref<!tpu.dma_semaphore, #tpu.memory_space<semaphore_mem>>) src(%dma_wait3A_20 : memref<3128x16xf32, #tpu.memory_space<vmem_shared>>) dst(%dma_wait3A_18 : memref<3128x16xf32, #tpu.memory_space<hbm>>)
      tpu.yield
    }) : () -> ()
    return
  }
}

#map = affine_map<(d0, d1) -> (0, 0)>
#map1 = affine_map<(d0, d1) -> (0)>
#map2 = affine_map<(d0, d1) -> (0, 0, 0, 0)>
module attributes {stable_mosaic.version = 14 : i64} {
  func.func @scat_kernel(%arg0: i32, %arg1: i32, %arg2: memref<100000x32xf32, #tpu.memory_space<hbm>>, %arg3: memref<1605632xi32, #tpu.memory_space<hbm>>, %arg4: memref<802816xi32, #tpu.memory_space<hbm>>, %arg5: memref<3128x32xf32, #tpu.memory_space<hbm>>, %arg6: memref<2x50048x2x32xf32, #tpu.memory_space<hbm>>, %arg7: memref<128xi32, #tpu.memory_space<vmem>>, %arg8: memref<128xi32, #tpu.memory_space<vmem>>, %arg9: memref<128x32xf32, #tpu.memory_space<vmem>>, %arg10: memref<50048x32xf32, #tpu.memory_space<vmem_shared>>, %arg11: memref<!tpu.dma_semaphore, #tpu.memory_space<semaphore_mem>>) attributes {dimension_semantics = [#tpu.dimension_semantics<core_parallel>, #tpu.dimension_semantics<subcore_parallel>], iteration_bounds = array<i64: 2, 16>, scalar_prefetch = 0 : i64, scratch_operands = 5 : i64, tpu.core_type = #tpu.core_type<sc_vector_subcore>, window_params = [{transform_indices = #map}, {transform_indices = #map1}, {transform_indices = #map1}, {transform_indices = #map}, {transform_indices = #map2}]} {
    %mul3A = arith.constant 16 : i32
    %mul3A_0 = arith.muli %arg0, %mul3A : i32
    %add3A = arith.addi %mul3A_0, %arg1 : i32
    %mul3A_1 = arith.constant 3128 : i32
    %mul3A_2 = arith.muli %arg1, %mul3A_1 : i32
    "tpu.region"() ({
      %run_scoped3A_28 = tpu.sem_alloc : memref<!tpu.dma_semaphore, #tpu.memory_space<semaphore_mem>>
      %dma_start3A = arith.constant 0 : i32
      %dma_start3A_29 = tpu.memref_slice %arg10[%mul3A_2, %dma_start3A] : memref<50048x32xf32, #tpu.memory_space<vmem_shared>> -> memref<3128x32xf32, #tpu.memory_space<vmem_shared>>
      tpu.enqueue_dma source(%arg5 : memref<3128x32xf32, #tpu.memory_space<hbm>>) target(%dma_start3A_29 : memref<3128x32xf32, #tpu.memory_space<vmem_shared>>) target_semaphore(%run_scoped3A_28 : memref<!tpu.dma_semaphore, #tpu.memory_space<semaphore_mem>>)
      %dma_wait3A = arith.constant 0 : i32
      %dma_wait3A_30 = tpu.memref_slice %arg10[%mul3A_2, %dma_wait3A] : memref<50048x32xf32, #tpu.memory_space<vmem_shared>> -> memref<3128x32xf32, #tpu.memory_space<vmem_shared>>
      tpu.wait_dma2 semaphore(%run_scoped3A_28 : memref<!tpu.dma_semaphore, #tpu.memory_space<semaphore_mem>>) src(%arg5 : memref<3128x32xf32, #tpu.memory_space<hbm>>) dst(%dma_wait3A_30 : memref<3128x32xf32, #tpu.memory_space<vmem_shared>>)
      tpu.yield
    }) : () -> ()
    %barrier3A = arith.constant 0 : index
    tpu.barrier barrier_id(%barrier3A)
    %scan3A = arith.constant 0 : i32
    %scan3A_3 = arith.constant 0 : i32
    %scan3A_4 = arith.constant 196 : i32
    %scan3A_5 = arith.addi %scan3A_3, %scan3A_4 : i32
    %scan3A_6 = arith.constant 1 : i32
    scf.for %scan3A_28 = %scan3A_3 to %scan3A_5 step %scan3A_6  : i32 {
      %mul3A_29 = arith.constant 25088 : i32
      %mul3A_30 = arith.muli %add3A, %mul3A_29 : i32
      %mul3A_31 = arith.constant 128 : i32
      %mul3A_32 = arith.muli %scan3A_28, %mul3A_31 : i32
      %add3A_33 = arith.addi %mul3A_30, %mul3A_32 : i32
      %add3A_34 = arith.constant 0 : i32
      %add3A_35 = arith.addi %add3A_34, %add3A_33 : i32
      "tpu.region"() ({
        %run_scoped3A_40 = tpu.sem_alloc : memref<!tpu.dma_semaphore, #tpu.memory_space<semaphore_mem>>
        %dma_start3A_41 = tpu.memref_slice %arg3[%add3A_35] : memref<1605632xi32, #tpu.memory_space<hbm>> -> memref<128xi32, #tpu.memory_space<hbm>>
        %dma_start3A_42 = tpu.memref_slice %arg3[%add3A_35] : memref<1605632xi32, #tpu.memory_space<hbm>> -> memref<128xi32, #tpu.memory_space<hbm>>
        tpu.enqueue_dma source(%dma_start3A_42 : memref<128xi32, #tpu.memory_space<hbm>>) target(%arg7 : memref<128xi32, #tpu.memory_space<vmem>>) target_semaphore(%run_scoped3A_40 : memref<!tpu.dma_semaphore, #tpu.memory_space<semaphore_mem>>)
        %dma_wait3A_43 = tpu.memref_slice %arg3[%add3A_35] : memref<1605632xi32, #tpu.memory_space<hbm>> -> memref<128xi32, #tpu.memory_space<hbm>>
        %dma_wait3A_44 = tpu.memref_slice %arg3[%add3A_35] : memref<1605632xi32, #tpu.memory_space<hbm>> -> memref<128xi32, #tpu.memory_space<hbm>>
        tpu.wait_dma2 semaphore(%run_scoped3A_40 : memref<!tpu.dma_semaphore, #tpu.memory_space<semaphore_mem>>) src(%dma_wait3A_44 : memref<128xi32, #tpu.memory_space<hbm>>) dst(%arg7 : memref<128xi32, #tpu.memory_space<vmem>>)
        tpu.yield
      }) : () -> ()
      "tpu.region"() ({
        %run_scoped3A_40 = tpu.sem_alloc : memref<!tpu.dma_semaphore, #tpu.memory_space<semaphore_mem>>
        %dma_start3A_41 = tpu.memref_slice %arg4[%add3A_33] : memref<802816xi32, #tpu.memory_space<hbm>> -> memref<128xi32, #tpu.memory_space<hbm>>
        %dma_start3A_42 = tpu.memref_slice %arg4[%add3A_33] : memref<802816xi32, #tpu.memory_space<hbm>> -> memref<128xi32, #tpu.memory_space<hbm>>
        tpu.enqueue_dma source(%dma_start3A_42 : memref<128xi32, #tpu.memory_space<hbm>>) target(%arg8 : memref<128xi32, #tpu.memory_space<vmem>>) target_semaphore(%run_scoped3A_40 : memref<!tpu.dma_semaphore, #tpu.memory_space<semaphore_mem>>)
        %dma_wait3A_43 = tpu.memref_slice %arg4[%add3A_33] : memref<802816xi32, #tpu.memory_space<hbm>> -> memref<128xi32, #tpu.memory_space<hbm>>
        %dma_wait3A_44 = tpu.memref_slice %arg4[%add3A_33] : memref<802816xi32, #tpu.memory_space<hbm>> -> memref<128xi32, #tpu.memory_space<hbm>>
        tpu.wait_dma2 semaphore(%run_scoped3A_40 : memref<!tpu.dma_semaphore, #tpu.memory_space<semaphore_mem>>) src(%dma_wait3A_44 : memref<128xi32, #tpu.memory_space<hbm>>) dst(%arg8 : memref<128xi32, #tpu.memory_space<vmem>>)
        tpu.yield
      }) : () -> ()
      %dma_start3A = arith.constant 0 : i32
      %dma_start3A_36 = arith.constant 0 : i32
      %dma_start3A_37 = tpu.memref_slice %arg2[%dma_start3A, %dma_start3A_36] : memref<100000x32xf32, #tpu.memory_space<hbm>> -> memref<100000x32xf32, #tpu.memory_space<hbm>>
      tpu.enqueue_indirect_dma source(%dma_start3A_37 : memref<100000x32xf32, #tpu.memory_space<hbm>>) target(%arg9 : memref<128x32xf32, #tpu.memory_space<vmem>>) offsets(%arg7 : memref<128xi32, #tpu.memory_space<vmem>>) semaphore(%arg11 : memref<!tpu.dma_semaphore, #tpu.memory_space<semaphore_mem>>)
      %dma_wait3A = arith.constant 0 : i32
      %dma_wait3A_38 = arith.constant 0 : i32
      %dma_wait3A_39 = tpu.memref_slice %arg2[%dma_wait3A, %dma_wait3A_38] : memref<100000x32xf32, #tpu.memory_space<hbm>> -> memref<100000x32xf32, #tpu.memory_space<hbm>>
      tpu.wait_indirect_dma semaphore(%arg11 : memref<!tpu.dma_semaphore, #tpu.memory_space<semaphore_mem>>) src(%dma_wait3A_39 : memref<100000x32xf32, #tpu.memory_space<hbm>>) dst(%arg9 : memref<128x32xf32, #tpu.memory_space<vmem>>)
      "tpu.region"() ({
        %run_scoped3A_40 = tpu.sem_alloc : memref<!tpu.dma_semaphore, #tpu.memory_space<semaphore_mem>>
        %dma_start3A_41 = arith.constant 0 : i32
        %dma_start3A_42 = arith.constant 0 : i32
        %dma_start3A_43 = tpu.memref_slice %arg10[%dma_start3A_41, %dma_start3A_42] : memref<50048x32xf32, #tpu.memory_space<vmem_shared>> -> memref<50048x32xf32, #tpu.memory_space<vmem_shared>>
        tpu.enqueue_indirect_dma source(%arg9 : memref<128x32xf32, #tpu.memory_space<vmem>>) target(%dma_start3A_43 : memref<50048x32xf32, #tpu.memory_space<vmem_shared>>) offsets(%arg8 : memref<128xi32, #tpu.memory_space<vmem>>) semaphore(%run_scoped3A_40 : memref<!tpu.dma_semaphore, #tpu.memory_space<semaphore_mem>>) {add = true}
        %dma_wait3A_44 = arith.constant 0 : i32
        %dma_wait3A_45 = arith.constant 0 : i32
        %dma_wait3A_46 = tpu.memref_slice %arg10[%dma_wait3A_44, %dma_wait3A_45] : memref<50048x32xf32, #tpu.memory_space<vmem_shared>> -> memref<50048x32xf32, #tpu.memory_space<vmem_shared>>
        tpu.wait_indirect_dma semaphore(%run_scoped3A_40 : memref<!tpu.dma_semaphore, #tpu.memory_space<semaphore_mem>>) src(%arg9 : memref<128x32xf32, #tpu.memory_space<vmem>>) dst(%dma_wait3A_46 : memref<50048x32xf32, #tpu.memory_space<vmem_shared>>)
        tpu.yield
      }) : () -> ()
    }
    %scan3A_7 = arith.constant 196 : i32
    %barrier3A_8 = arith.constant 0 : index
    tpu.barrier barrier_id(%barrier3A_8)
    %mul3A_9 = arith.constant 3128 : i32
    %mul3A_10 = arith.muli %arg1, %mul3A_9 : i32
    %mul3A_11 = arith.constant 3128 : i32
    %mul3A_12 = arith.muli %arg1, %mul3A_11 : i32
    %run_scoped3A = arith.constant 0 : i32
    "tpu.region"() ({
      %run_scoped3A_28 = tpu.sem_alloc : memref<!tpu.dma_semaphore, #tpu.memory_space<semaphore_mem>>
      %dma_start3A = arith.constant 0 : i32
      %dma_start3A_29 = tpu.memref_slice %arg6[%arg0, %mul3A_12, %run_scoped3A, %dma_start3A] : memref<2x50048x2x32xf32, #tpu.memory_space<hbm>> -> memref<1x3128x1x32xf32, #tpu.memory_space<hbm>>
      %dma_start3A_30 = tpu.memref_squeeze %dma_start3A_29 : memref<1x3128x1x32xf32, #tpu.memory_space<hbm>> -> memref<3128x32xf32, #tpu.memory_space<hbm>>
      %dma_start3A_31 = arith.constant 0 : i32
      %dma_start3A_32 = tpu.memref_slice %arg10[%mul3A_10, %dma_start3A_31] : memref<50048x32xf32, #tpu.memory_space<vmem_shared>> -> memref<3128x32xf32, #tpu.memory_space<vmem_shared>>
      tpu.enqueue_dma source(%dma_start3A_32 : memref<3128x32xf32, #tpu.memory_space<vmem_shared>>) target(%dma_start3A_30 : memref<3128x32xf32, #tpu.memory_space<hbm>>) target_semaphore(%run_scoped3A_28 : memref<!tpu.dma_semaphore, #tpu.memory_space<semaphore_mem>>)
      %dma_wait3A = arith.constant 0 : i32
      %dma_wait3A_33 = tpu.memref_slice %arg6[%arg0, %mul3A_12, %run_scoped3A, %dma_wait3A] : memref<2x50048x2x32xf32, #tpu.memory_space<hbm>> -> memref<1x3128x1x32xf32, #tpu.memory_space<hbm>>
      %dma_wait3A_34 = tpu.memref_squeeze %dma_wait3A_33 : memref<1x3128x1x32xf32, #tpu.memory_space<hbm>> -> memref<3128x32xf32, #tpu.memory_space<hbm>>
      %dma_wait3A_35 = arith.constant 0 : i32
      %dma_wait3A_36 = tpu.memref_slice %arg10[%mul3A_10, %dma_wait3A_35] : memref<50048x32xf32, #tpu.memory_space<vmem_shared>> -> memref<3128x32xf32, #tpu.memory_space<vmem_shared>>
      tpu.wait_dma2 semaphore(%run_scoped3A_28 : memref<!tpu.dma_semaphore, #tpu.memory_space<semaphore_mem>>) src(%dma_wait3A_36 : memref<3128x32xf32, #tpu.memory_space<vmem_shared>>) dst(%dma_wait3A_34 : memref<3128x32xf32, #tpu.memory_space<hbm>>)
      tpu.yield
    }) : () -> ()
    %mul3A_13 = arith.constant 3128 : i32
    %mul3A_14 = arith.muli %arg1, %mul3A_13 : i32
    "tpu.region"() ({
      %run_scoped3A_28 = tpu.sem_alloc : memref<!tpu.dma_semaphore, #tpu.memory_space<semaphore_mem>>
      %dma_start3A = arith.constant 0 : i32
      %dma_start3A_29 = tpu.memref_slice %arg10[%mul3A_14, %dma_start3A] : memref<50048x32xf32, #tpu.memory_space<vmem_shared>> -> memref<3128x32xf32, #tpu.memory_space<vmem_shared>>
      tpu.enqueue_dma source(%arg5 : memref<3128x32xf32, #tpu.memory_space<hbm>>) target(%dma_start3A_29 : memref<3128x32xf32, #tpu.memory_space<vmem_shared>>) target_semaphore(%run_scoped3A_28 : memref<!tpu.dma_semaphore, #tpu.memory_space<semaphore_mem>>)
      %dma_wait3A = arith.constant 0 : i32
      %dma_wait3A_30 = tpu.memref_slice %arg10[%mul3A_14, %dma_wait3A] : memref<50048x32xf32, #tpu.memory_space<vmem_shared>> -> memref<3128x32xf32, #tpu.memory_space<vmem_shared>>
      tpu.wait_dma2 semaphore(%run_scoped3A_28 : memref<!tpu.dma_semaphore, #tpu.memory_space<semaphore_mem>>) src(%arg5 : memref<3128x32xf32, #tpu.memory_space<hbm>>) dst(%dma_wait3A_30 : memref<3128x32xf32, #tpu.memory_space<vmem_shared>>)
      tpu.yield
    }) : () -> ()
    %barrier3A_15 = arith.constant 0 : index
    tpu.barrier barrier_id(%barrier3A_15)
    %scan3A_16 = arith.constant 0 : i32
    %scan3A_17 = arith.constant 0 : i32
    %scan3A_18 = arith.constant 196 : i32
    %scan3A_19 = arith.addi %scan3A_17, %scan3A_18 : i32
    %scan3A_20 = arith.constant 1 : i32
    scf.for %scan3A_28 = %scan3A_17 to %scan3A_19 step %scan3A_20  : i32 {
      %mul3A_29 = arith.constant 25088 : i32
      %mul3A_30 = arith.muli %add3A, %mul3A_29 : i32
      %mul3A_31 = arith.constant 128 : i32
      %mul3A_32 = arith.muli %scan3A_28, %mul3A_31 : i32
      %add3A_33 = arith.addi %mul3A_30, %mul3A_32 : i32
      %add3A_34 = arith.constant 802816 : i32
      %add3A_35 = arith.addi %add3A_34, %add3A_33 : i32
      "tpu.region"() ({
        %run_scoped3A_40 = tpu.sem_alloc : memref<!tpu.dma_semaphore, #tpu.memory_space<semaphore_mem>>
        %dma_start3A_41 = tpu.memref_slice %arg3[%add3A_35] : memref<1605632xi32, #tpu.memory_space<hbm>> -> memref<128xi32, #tpu.memory_space<hbm>>
        %dma_start3A_42 = tpu.memref_slice %arg3[%add3A_35] : memref<1605632xi32, #tpu.memory_space<hbm>> -> memref<128xi32, #tpu.memory_space<hbm>>
        tpu.enqueue_dma source(%dma_start3A_42 : memref<128xi32, #tpu.memory_space<hbm>>) target(%arg7 : memref<128xi32, #tpu.memory_space<vmem>>) target_semaphore(%run_scoped3A_40 : memref<!tpu.dma_semaphore, #tpu.memory_space<semaphore_mem>>)
        %dma_wait3A_43 = tpu.memref_slice %arg3[%add3A_35] : memref<1605632xi32, #tpu.memory_space<hbm>> -> memref<128xi32, #tpu.memory_space<hbm>>
        %dma_wait3A_44 = tpu.memref_slice %arg3[%add3A_35] : memref<1605632xi32, #tpu.memory_space<hbm>> -> memref<128xi32, #tpu.memory_space<hbm>>
        tpu.wait_dma2 semaphore(%run_scoped3A_40 : memref<!tpu.dma_semaphore, #tpu.memory_space<semaphore_mem>>) src(%dma_wait3A_44 : memref<128xi32, #tpu.memory_space<hbm>>) dst(%arg7 : memref<128xi32, #tpu.memory_space<vmem>>)
        tpu.yield
      }) : () -> ()
      "tpu.region"() ({
        %run_scoped3A_40 = tpu.sem_alloc : memref<!tpu.dma_semaphore, #tpu.memory_space<semaphore_mem>>
        %dma_start3A_41 = tpu.memref_slice %arg4[%add3A_33] : memref<802816xi32, #tpu.memory_space<hbm>> -> memref<128xi32, #tpu.memory_space<hbm>>
        %dma_start3A_42 = tpu.memref_slice %arg4[%add3A_33] : memref<802816xi32, #tpu.memory_space<hbm>> -> memref<128xi32, #tpu.memory_space<hbm>>
        tpu.enqueue_dma source(%dma_start3A_42 : memref<128xi32, #tpu.memory_space<hbm>>) target(%arg8 : memref<128xi32, #tpu.memory_space<vmem>>) target_semaphore(%run_scoped3A_40 : memref<!tpu.dma_semaphore, #tpu.memory_space<semaphore_mem>>)
        %dma_wait3A_43 = tpu.memref_slice %arg4[%add3A_33] : memref<802816xi32, #tpu.memory_space<hbm>> -> memref<128xi32, #tpu.memory_space<hbm>>
        %dma_wait3A_44 = tpu.memref_slice %arg4[%add3A_33] : memref<802816xi32, #tpu.memory_space<hbm>> -> memref<128xi32, #tpu.memory_space<hbm>>
        tpu.wait_dma2 semaphore(%run_scoped3A_40 : memref<!tpu.dma_semaphore, #tpu.memory_space<semaphore_mem>>) src(%dma_wait3A_44 : memref<128xi32, #tpu.memory_space<hbm>>) dst(%arg8 : memref<128xi32, #tpu.memory_space<vmem>>)
        tpu.yield
      }) : () -> ()
      %dma_start3A = arith.constant 0 : i32
      %dma_start3A_36 = arith.constant 0 : i32
      %dma_start3A_37 = tpu.memref_slice %arg2[%dma_start3A, %dma_start3A_36] : memref<100000x32xf32, #tpu.memory_space<hbm>> -> memref<100000x32xf32, #tpu.memory_space<hbm>>
      tpu.enqueue_indirect_dma source(%dma_start3A_37 : memref<100000x32xf32, #tpu.memory_space<hbm>>) target(%arg9 : memref<128x32xf32, #tpu.memory_space<vmem>>) offsets(%arg7 : memref<128xi32, #tpu.memory_space<vmem>>) semaphore(%arg11 : memref<!tpu.dma_semaphore, #tpu.memory_space<semaphore_mem>>)
      %dma_wait3A = arith.constant 0 : i32
      %dma_wait3A_38 = arith.constant 0 : i32
      %dma_wait3A_39 = tpu.memref_slice %arg2[%dma_wait3A, %dma_wait3A_38] : memref<100000x32xf32, #tpu.memory_space<hbm>> -> memref<100000x32xf32, #tpu.memory_space<hbm>>
      tpu.wait_indirect_dma semaphore(%arg11 : memref<!tpu.dma_semaphore, #tpu.memory_space<semaphore_mem>>) src(%dma_wait3A_39 : memref<100000x32xf32, #tpu.memory_space<hbm>>) dst(%arg9 : memref<128x32xf32, #tpu.memory_space<vmem>>)
      "tpu.region"() ({
        %run_scoped3A_40 = tpu.sem_alloc : memref<!tpu.dma_semaphore, #tpu.memory_space<semaphore_mem>>
        %dma_start3A_41 = arith.constant 0 : i32
        %dma_start3A_42 = arith.constant 0 : i32
        %dma_start3A_43 = tpu.memref_slice %arg10[%dma_start3A_41, %dma_start3A_42] : memref<50048x32xf32, #tpu.memory_space<vmem_shared>> -> memref<50048x32xf32, #tpu.memory_space<vmem_shared>>
        tpu.enqueue_indirect_dma source(%arg9 : memref<128x32xf32, #tpu.memory_space<vmem>>) target(%dma_start3A_43 : memref<50048x32xf32, #tpu.memory_space<vmem_shared>>) offsets(%arg8 : memref<128xi32, #tpu.memory_space<vmem>>) semaphore(%run_scoped3A_40 : memref<!tpu.dma_semaphore, #tpu.memory_space<semaphore_mem>>) {add = true}
        %dma_wait3A_44 = arith.constant 0 : i32
        %dma_wait3A_45 = arith.constant 0 : i32
        %dma_wait3A_46 = tpu.memref_slice %arg10[%dma_wait3A_44, %dma_wait3A_45] : memref<50048x32xf32, #tpu.memory_space<vmem_shared>> -> memref<50048x32xf32, #tpu.memory_space<vmem_shared>>
        tpu.wait_indirect_dma semaphore(%run_scoped3A_40 : memref<!tpu.dma_semaphore, #tpu.memory_space<semaphore_mem>>) src(%arg9 : memref<128x32xf32, #tpu.memory_space<vmem>>) dst(%dma_wait3A_46 : memref<50048x32xf32, #tpu.memory_space<vmem_shared>>)
        tpu.yield
      }) : () -> ()
    }
    %scan3A_21 = arith.constant 196 : i32
    %barrier3A_22 = arith.constant 0 : index
    tpu.barrier barrier_id(%barrier3A_22)
    %mul3A_23 = arith.constant 3128 : i32
    %mul3A_24 = arith.muli %arg1, %mul3A_23 : i32
    %mul3A_25 = arith.constant 3128 : i32
    %mul3A_26 = arith.muli %arg1, %mul3A_25 : i32
    %run_scoped3A_27 = arith.constant 1 : i32
    "tpu.region"() ({
      %run_scoped3A_28 = tpu.sem_alloc : memref<!tpu.dma_semaphore, #tpu.memory_space<semaphore_mem>>
      %dma_start3A = arith.constant 0 : i32
      %dma_start3A_29 = tpu.memref_slice %arg6[%arg0, %mul3A_26, %run_scoped3A_27, %dma_start3A] : memref<2x50048x2x32xf32, #tpu.memory_space<hbm>> -> memref<1x3128x1x32xf32, #tpu.memory_space<hbm>>
      %dma_start3A_30 = tpu.memref_squeeze %dma_start3A_29 : memref<1x3128x1x32xf32, #tpu.memory_space<hbm>> -> memref<3128x32xf32, #tpu.memory_space<hbm>>
      %dma_start3A_31 = arith.constant 0 : i32
      %dma_start3A_32 = tpu.memref_slice %arg10[%mul3A_24, %dma_start3A_31] : memref<50048x32xf32, #tpu.memory_space<vmem_shared>> -> memref<3128x32xf32, #tpu.memory_space<vmem_shared>>
      tpu.enqueue_dma source(%dma_start3A_32 : memref<3128x32xf32, #tpu.memory_space<vmem_shared>>) target(%dma_start3A_30 : memref<3128x32xf32, #tpu.memory_space<hbm>>) target_semaphore(%run_scoped3A_28 : memref<!tpu.dma_semaphore, #tpu.memory_space<semaphore_mem>>)
      %dma_wait3A = arith.constant 0 : i32
      %dma_wait3A_33 = tpu.memref_slice %arg6[%arg0, %mul3A_26, %run_scoped3A_27, %dma_wait3A] : memref<2x50048x2x32xf32, #tpu.memory_space<hbm>> -> memref<1x3128x1x32xf32, #tpu.memory_space<hbm>>
      %dma_wait3A_34 = tpu.memref_squeeze %dma_wait3A_33 : memref<1x3128x1x32xf32, #tpu.memory_space<hbm>> -> memref<3128x32xf32, #tpu.memory_space<hbm>>
      %dma_wait3A_35 = arith.constant 0 : i32
      %dma_wait3A_36 = tpu.memref_slice %arg10[%mul3A_24, %dma_wait3A_35] : memref<50048x32xf32, #tpu.memory_space<vmem_shared>> -> memref<3128x32xf32, #tpu.memory_space<vmem_shared>>
      tpu.wait_dma2 semaphore(%run_scoped3A_28 : memref<!tpu.dma_semaphore, #tpu.memory_space<semaphore_mem>>) src(%dma_wait3A_36 : memref<3128x32xf32, #tpu.memory_space<vmem_shared>>) dst(%dma_wait3A_34 : memref<3128x32xf32, #tpu.memory_space<hbm>>)
      tpu.yield
    }) : () -> ()
    return
  }
}

#map = affine_map<(d0, d1) -> (0, 0)>
#map1 = affine_map<(d0, d1) -> (0)>
#map2 = affine_map<(d0, d1) -> (0, 0, 0, 0)>
module attributes {stable_mosaic.version = 14 : i64} {
  func.func @scat_kernel(%arg0: i32, %arg1: i32, %arg2: memref<50000x32xf32, #tpu.memory_space<hbm>>, %arg3: memref<802816xi32, #tpu.memory_space<hbm>>, %arg4: memref<802816xi32, #tpu.memory_space<hbm>>, %arg5: memref<3128x32xf32, #tpu.memory_space<hbm>>, %arg6: memref<2x50048x1x32xf32, #tpu.memory_space<hbm>>, %arg7: memref<128xi32, #tpu.memory_space<vmem>>, %arg8: memref<128xi32, #tpu.memory_space<vmem>>, %arg9: memref<128x32xf32, #tpu.memory_space<vmem>>, %arg10: memref<50048x32xf32, #tpu.memory_space<vmem_shared>>, %arg11: memref<!tpu.dma_semaphore, #tpu.memory_space<semaphore_mem>>) attributes {dimension_semantics = [#tpu.dimension_semantics<core_parallel>, #tpu.dimension_semantics<subcore_parallel>], iteration_bounds = array<i64: 2, 16>, scalar_prefetch = 0 : i64, scratch_operands = 5 : i64, tpu.core_type = #tpu.core_type<sc_vector_subcore>, window_params = [{transform_indices = #map}, {transform_indices = #map1}, {transform_indices = #map1}, {transform_indices = #map}, {transform_indices = #map2}]} {
    %mul3A = arith.constant 16 : i32
    %mul3A_0 = arith.muli %arg0, %mul3A : i32
    %add3A = arith.addi %mul3A_0, %arg1 : i32
    %mul3A_1 = arith.constant 3128 : i32
    %mul3A_2 = arith.muli %arg1, %mul3A_1 : i32
    "tpu.region"() ({
      %run_scoped3A_13 = tpu.sem_alloc : memref<!tpu.dma_semaphore, #tpu.memory_space<semaphore_mem>>
      %dma_start3A = arith.constant 0 : i32
      %dma_start3A_14 = tpu.memref_slice %arg10[%mul3A_2, %dma_start3A] : memref<50048x32xf32, #tpu.memory_space<vmem_shared>> -> memref<3128x32xf32, #tpu.memory_space<vmem_shared>>
      tpu.enqueue_dma source(%arg5 : memref<3128x32xf32, #tpu.memory_space<hbm>>) target(%dma_start3A_14 : memref<3128x32xf32, #tpu.memory_space<vmem_shared>>) target_semaphore(%run_scoped3A_13 : memref<!tpu.dma_semaphore, #tpu.memory_space<semaphore_mem>>)
      %dma_wait3A = arith.constant 0 : i32
      %dma_wait3A_15 = tpu.memref_slice %arg10[%mul3A_2, %dma_wait3A] : memref<50048x32xf32, #tpu.memory_space<vmem_shared>> -> memref<3128x32xf32, #tpu.memory_space<vmem_shared>>
      tpu.wait_dma2 semaphore(%run_scoped3A_13 : memref<!tpu.dma_semaphore, #tpu.memory_space<semaphore_mem>>) src(%arg5 : memref<3128x32xf32, #tpu.memory_space<hbm>>) dst(%dma_wait3A_15 : memref<3128x32xf32, #tpu.memory_space<vmem_shared>>)
      tpu.yield
    }) : () -> ()
    %barrier3A = arith.constant 0 : index
    tpu.barrier barrier_id(%barrier3A)
    %scan3A = arith.constant 0 : i32
    %scan3A_3 = arith.constant 0 : i32
    %scan3A_4 = arith.constant 196 : i32
    %scan3A_5 = arith.addi %scan3A_3, %scan3A_4 : i32
    %scan3A_6 = arith.constant 1 : i32
    scf.for %scan3A_13 = %scan3A_3 to %scan3A_5 step %scan3A_6  : i32 {
      %mul3A_14 = arith.constant 25088 : i32
      %mul3A_15 = arith.muli %add3A, %mul3A_14 : i32
      %mul3A_16 = arith.constant 128 : i32
      %mul3A_17 = arith.muli %scan3A_13, %mul3A_16 : i32
      %add3A_18 = arith.addi %mul3A_15, %mul3A_17 : i32
      %add3A_19 = arith.constant 0 : i32
      %add3A_20 = arith.addi %add3A_19, %add3A_18 : i32
      "tpu.region"() ({
        %run_scoped3A_25 = tpu.sem_alloc : memref<!tpu.dma_semaphore, #tpu.memory_space<semaphore_mem>>
        %dma_start3A_26 = tpu.memref_slice %arg3[%add3A_20] : memref<802816xi32, #tpu.memory_space<hbm>> -> memref<128xi32, #tpu.memory_space<hbm>>
        %dma_start3A_27 = tpu.memref_slice %arg3[%add3A_20] : memref<802816xi32, #tpu.memory_space<hbm>> -> memref<128xi32, #tpu.memory_space<hbm>>
        tpu.enqueue_dma source(%dma_start3A_27 : memref<128xi32, #tpu.memory_space<hbm>>) target(%arg7 : memref<128xi32, #tpu.memory_space<vmem>>) target_semaphore(%run_scoped3A_25 : memref<!tpu.dma_semaphore, #tpu.memory_space<semaphore_mem>>)
        %dma_wait3A_28 = tpu.memref_slice %arg3[%add3A_20] : memref<802816xi32, #tpu.memory_space<hbm>> -> memref<128xi32, #tpu.memory_space<hbm>>
        %dma_wait3A_29 = tpu.memref_slice %arg3[%add3A_20] : memref<802816xi32, #tpu.memory_space<hbm>> -> memref<128xi32, #tpu.memory_space<hbm>>
        tpu.wait_dma2 semaphore(%run_scoped3A_25 : memref<!tpu.dma_semaphore, #tpu.memory_space<semaphore_mem>>) src(%dma_wait3A_29 : memref<128xi32, #tpu.memory_space<hbm>>) dst(%arg7 : memref<128xi32, #tpu.memory_space<vmem>>)
        tpu.yield
      }) : () -> ()
      "tpu.region"() ({
        %run_scoped3A_25 = tpu.sem_alloc : memref<!tpu.dma_semaphore, #tpu.memory_space<semaphore_mem>>
        %dma_start3A_26 = tpu.memref_slice %arg4[%add3A_18] : memref<802816xi32, #tpu.memory_space<hbm>> -> memref<128xi32, #tpu.memory_space<hbm>>
        %dma_start3A_27 = tpu.memref_slice %arg4[%add3A_18] : memref<802816xi32, #tpu.memory_space<hbm>> -> memref<128xi32, #tpu.memory_space<hbm>>
        tpu.enqueue_dma source(%dma_start3A_27 : memref<128xi32, #tpu.memory_space<hbm>>) target(%arg8 : memref<128xi32, #tpu.memory_space<vmem>>) target_semaphore(%run_scoped3A_25 : memref<!tpu.dma_semaphore, #tpu.memory_space<semaphore_mem>>)
        %dma_wait3A_28 = tpu.memref_slice %arg4[%add3A_18] : memref<802816xi32, #tpu.memory_space<hbm>> -> memref<128xi32, #tpu.memory_space<hbm>>
        %dma_wait3A_29 = tpu.memref_slice %arg4[%add3A_18] : memref<802816xi32, #tpu.memory_space<hbm>> -> memref<128xi32, #tpu.memory_space<hbm>>
        tpu.wait_dma2 semaphore(%run_scoped3A_25 : memref<!tpu.dma_semaphore, #tpu.memory_space<semaphore_mem>>) src(%dma_wait3A_29 : memref<128xi32, #tpu.memory_space<hbm>>) dst(%arg8 : memref<128xi32, #tpu.memory_space<vmem>>)
        tpu.yield
      }) : () -> ()
      %dma_start3A = arith.constant 0 : i32
      %dma_start3A_21 = arith.constant 0 : i32
      %dma_start3A_22 = tpu.memref_slice %arg2[%dma_start3A, %dma_start3A_21] : memref<50000x32xf32, #tpu.memory_space<hbm>> -> memref<50000x32xf32, #tpu.memory_space<hbm>>
      tpu.enqueue_indirect_dma source(%dma_start3A_22 : memref<50000x32xf32, #tpu.memory_space<hbm>>) target(%arg9 : memref<128x32xf32, #tpu.memory_space<vmem>>) offsets(%arg7 : memref<128xi32, #tpu.memory_space<vmem>>) semaphore(%arg11 : memref<!tpu.dma_semaphore, #tpu.memory_space<semaphore_mem>>)
      %dma_wait3A = arith.constant 0 : i32
      %dma_wait3A_23 = arith.constant 0 : i32
      %dma_wait3A_24 = tpu.memref_slice %arg2[%dma_wait3A, %dma_wait3A_23] : memref<50000x32xf32, #tpu.memory_space<hbm>> -> memref<50000x32xf32, #tpu.memory_space<hbm>>
      tpu.wait_indirect_dma semaphore(%arg11 : memref<!tpu.dma_semaphore, #tpu.memory_space<semaphore_mem>>) src(%dma_wait3A_24 : memref<50000x32xf32, #tpu.memory_space<hbm>>) dst(%arg9 : memref<128x32xf32, #tpu.memory_space<vmem>>)
      "tpu.region"() ({
        %run_scoped3A_25 = tpu.sem_alloc : memref<!tpu.dma_semaphore, #tpu.memory_space<semaphore_mem>>
        %dma_start3A_26 = arith.constant 0 : i32
        %dma_start3A_27 = arith.constant 0 : i32
        %dma_start3A_28 = tpu.memref_slice %arg10[%dma_start3A_26, %dma_start3A_27] : memref<50048x32xf32, #tpu.memory_space<vmem_shared>> -> memref<50048x32xf32, #tpu.memory_space<vmem_shared>>
        tpu.enqueue_indirect_dma source(%arg9 : memref<128x32xf32, #tpu.memory_space<vmem>>) target(%dma_start3A_28 : memref<50048x32xf32, #tpu.memory_space<vmem_shared>>) offsets(%arg8 : memref<128xi32, #tpu.memory_space<vmem>>) semaphore(%run_scoped3A_25 : memref<!tpu.dma_semaphore, #tpu.memory_space<semaphore_mem>>) {add = true}
        %dma_wait3A_29 = arith.constant 0 : i32
        %dma_wait3A_30 = arith.constant 0 : i32
        %dma_wait3A_31 = tpu.memref_slice %arg10[%dma_wait3A_29, %dma_wait3A_30] : memref<50048x32xf32, #tpu.memory_space<vmem_shared>> -> memref<50048x32xf32, #tpu.memory_space<vmem_shared>>
        tpu.wait_indirect_dma semaphore(%run_scoped3A_25 : memref<!tpu.dma_semaphore, #tpu.memory_space<semaphore_mem>>) src(%arg9 : memref<128x32xf32, #tpu.memory_space<vmem>>) dst(%dma_wait3A_31 : memref<50048x32xf32, #tpu.memory_space<vmem_shared>>)
        tpu.yield
      }) : () -> ()
    }
    %scan3A_7 = arith.constant 196 : i32
    %barrier3A_8 = arith.constant 0 : index
    tpu.barrier barrier_id(%barrier3A_8)
    %mul3A_9 = arith.constant 3128 : i32
    %mul3A_10 = arith.muli %arg1, %mul3A_9 : i32
    %mul3A_11 = arith.constant 3128 : i32
    %mul3A_12 = arith.muli %arg1, %mul3A_11 : i32
    %run_scoped3A = arith.constant 0 : i32
    "tpu.region"() ({
      %run_scoped3A_13 = tpu.sem_alloc : memref<!tpu.dma_semaphore, #tpu.memory_space<semaphore_mem>>
      %dma_start3A = arith.constant 0 : i32
      %dma_start3A_14 = tpu.memref_slice %arg6[%arg0, %mul3A_12, %run_scoped3A, %dma_start3A] : memref<2x50048x1x32xf32, #tpu.memory_space<hbm>> -> memref<1x3128x1x32xf32, #tpu.memory_space<hbm>>
      %dma_start3A_15 = tpu.memref_squeeze %dma_start3A_14 : memref<1x3128x1x32xf32, #tpu.memory_space<hbm>> -> memref<3128x32xf32, #tpu.memory_space<hbm>>
      %dma_start3A_16 = arith.constant 0 : i32
      %dma_start3A_17 = tpu.memref_slice %arg10[%mul3A_10, %dma_start3A_16] : memref<50048x32xf32, #tpu.memory_space<vmem_shared>> -> memref<3128x32xf32, #tpu.memory_space<vmem_shared>>
      tpu.enqueue_dma source(%dma_start3A_17 : memref<3128x32xf32, #tpu.memory_space<vmem_shared>>) target(%dma_start3A_15 : memref<3128x32xf32, #tpu.memory_space<hbm>>) target_semaphore(%run_scoped3A_13 : memref<!tpu.dma_semaphore, #tpu.memory_space<semaphore_mem>>)
      %dma_wait3A = arith.constant 0 : i32
      %dma_wait3A_18 = tpu.memref_slice %arg6[%arg0, %mul3A_12, %run_scoped3A, %dma_wait3A] : memref<2x50048x1x32xf32, #tpu.memory_space<hbm>> -> memref<1x3128x1x32xf32, #tpu.memory_space<hbm>>
      %dma_wait3A_19 = tpu.memref_squeeze %dma_wait3A_18 : memref<1x3128x1x32xf32, #tpu.memory_space<hbm>> -> memref<3128x32xf32, #tpu.memory_space<hbm>>
      %dma_wait3A_20 = arith.constant 0 : i32
      %dma_wait3A_21 = tpu.memref_slice %arg10[%mul3A_10, %dma_wait3A_20] : memref<50048x32xf32, #tpu.memory_space<vmem_shared>> -> memref<3128x32xf32, #tpu.memory_space<vmem_shared>>
      tpu.wait_dma2 semaphore(%run_scoped3A_13 : memref<!tpu.dma_semaphore, #tpu.memory_space<semaphore_mem>>) src(%dma_wait3A_21 : memref<3128x32xf32, #tpu.memory_space<vmem_shared>>) dst(%dma_wait3A_19 : memref<3128x32xf32, #tpu.memory_space<hbm>>)
      tpu.yield
    }) : () -> ()
    return
  }
}

#map = affine_map<(d0, d1) -> (0, 0)>
#map1 = affine_map<(d0, d1) -> (0)>
#map2 = affine_map<(d0, d1) -> (0, 0, 0, 0)>
module attributes {stable_mosaic.version = 14 : i64} {
  func.func @scat_kernel(%arg0: i32, %arg1: i32, %arg2: memref<100000x32xf32, #tpu.memory_space<hbm>>, %arg3: memref<1605632xi32, #tpu.memory_space<hbm>>, %arg4: memref<802816xi32, #tpu.memory_space<hbm>>, %arg5: memref<3128x32xf32, #tpu.memory_space<hbm>>, %arg6: memref<2x50048x2x32xf32, #tpu.memory_space<hbm>>, %arg7: memref<128xi32, #tpu.memory_space<vmem>>, %arg8: memref<128xi32, #tpu.memory_space<vmem>>, %arg9: memref<128x32xf32, #tpu.memory_space<vmem>>, %arg10: memref<50048x32xf32, #tpu.memory_space<vmem_shared>>, %arg11: memref<!tpu.dma_semaphore, #tpu.memory_space<semaphore_mem>>) attributes {dimension_semantics = [#tpu.dimension_semantics<core_parallel>, #tpu.dimension_semantics<subcore_parallel>], iteration_bounds = array<i64: 2, 16>, scalar_prefetch = 0 : i64, scratch_operands = 5 : i64, tpu.core_type = #tpu.core_type<sc_vector_subcore>, window_params = [{transform_indices = #map}, {transform_indices = #map1}, {transform_indices = #map1}, {transform_indices = #map}, {transform_indices = #map2}]} {
    %mul3A = arith.constant 16 : i32
    %mul3A_0 = arith.muli %arg0, %mul3A : i32
    %add3A = arith.addi %mul3A_0, %arg1 : i32
    %mul3A_1 = arith.constant 3128 : i32
    %mul3A_2 = arith.muli %arg1, %mul3A_1 : i32
    "tpu.region"() ({
      %run_scoped3A_28 = tpu.sem_alloc : memref<!tpu.dma_semaphore, #tpu.memory_space<semaphore_mem>>
      %dma_start3A = arith.constant 0 : i32
      %dma_start3A_29 = tpu.memref_slice %arg10[%mul3A_2, %dma_start3A] : memref<50048x32xf32, #tpu.memory_space<vmem_shared>> -> memref<3128x32xf32, #tpu.memory_space<vmem_shared>>
      tpu.enqueue_dma source(%arg5 : memref<3128x32xf32, #tpu.memory_space<hbm>>) target(%dma_start3A_29 : memref<3128x32xf32, #tpu.memory_space<vmem_shared>>) target_semaphore(%run_scoped3A_28 : memref<!tpu.dma_semaphore, #tpu.memory_space<semaphore_mem>>)
      %dma_wait3A = arith.constant 0 : i32
      %dma_wait3A_30 = tpu.memref_slice %arg10[%mul3A_2, %dma_wait3A] : memref<50048x32xf32, #tpu.memory_space<vmem_shared>> -> memref<3128x32xf32, #tpu.memory_space<vmem_shared>>
      tpu.wait_dma2 semaphore(%run_scoped3A_28 : memref<!tpu.dma_semaphore, #tpu.memory_space<semaphore_mem>>) src(%arg5 : memref<3128x32xf32, #tpu.memory_space<hbm>>) dst(%dma_wait3A_30 : memref<3128x32xf32, #tpu.memory_space<vmem_shared>>)
      tpu.yield
    }) : () -> ()
    %barrier3A = arith.constant 0 : index
    tpu.barrier barrier_id(%barrier3A)
    %scan3A = arith.constant 0 : i32
    %scan3A_3 = arith.constant 0 : i32
    %scan3A_4 = arith.constant 196 : i32
    %scan3A_5 = arith.addi %scan3A_3, %scan3A_4 : i32
    %scan3A_6 = arith.constant 1 : i32
    scf.for %scan3A_28 = %scan3A_3 to %scan3A_5 step %scan3A_6  : i32 {
      %mul3A_29 = arith.constant 25088 : i32
      %mul3A_30 = arith.muli %add3A, %mul3A_29 : i32
      %mul3A_31 = arith.constant 128 : i32
      %mul3A_32 = arith.muli %scan3A_28, %mul3A_31 : i32
      %add3A_33 = arith.addi %mul3A_30, %mul3A_32 : i32
      %add3A_34 = arith.constant 0 : i32
      %add3A_35 = arith.addi %add3A_34, %add3A_33 : i32
      "tpu.region"() ({
        %run_scoped3A_40 = tpu.sem_alloc : memref<!tpu.dma_semaphore, #tpu.memory_space<semaphore_mem>>
        %dma_start3A_41 = tpu.memref_slice %arg3[%add3A_35] : memref<1605632xi32, #tpu.memory_space<hbm>> -> memref<128xi32, #tpu.memory_space<hbm>>
        %dma_start3A_42 = tpu.memref_slice %arg3[%add3A_35] : memref<1605632xi32, #tpu.memory_space<hbm>> -> memref<128xi32, #tpu.memory_space<hbm>>
        tpu.enqueue_dma source(%dma_start3A_42 : memref<128xi32, #tpu.memory_space<hbm>>) target(%arg7 : memref<128xi32, #tpu.memory_space<vmem>>) target_semaphore(%run_scoped3A_40 : memref<!tpu.dma_semaphore, #tpu.memory_space<semaphore_mem>>)
        %dma_wait3A_43 = tpu.memref_slice %arg3[%add3A_35] : memref<1605632xi32, #tpu.memory_space<hbm>> -> memref<128xi32, #tpu.memory_space<hbm>>
        %dma_wait3A_44 = tpu.memref_slice %arg3[%add3A_35] : memref<1605632xi32, #tpu.memory_space<hbm>> -> memref<128xi32, #tpu.memory_space<hbm>>
        tpu.wait_dma2 semaphore(%run_scoped3A_40 : memref<!tpu.dma_semaphore, #tpu.memory_space<semaphore_mem>>) src(%dma_wait3A_44 : memref<128xi32, #tpu.memory_space<hbm>>) dst(%arg7 : memref<128xi32, #tpu.memory_space<vmem>>)
        tpu.yield
      }) : () -> ()
      "tpu.region"() ({
        %run_scoped3A_40 = tpu.sem_alloc : memref<!tpu.dma_semaphore, #tpu.memory_space<semaphore_mem>>
        %dma_start3A_41 = tpu.memref_slice %arg4[%add3A_33] : memref<802816xi32, #tpu.memory_space<hbm>> -> memref<128xi32, #tpu.memory_space<hbm>>
        %dma_start3A_42 = tpu.memref_slice %arg4[%add3A_33] : memref<802816xi32, #tpu.memory_space<hbm>> -> memref<128xi32, #tpu.memory_space<hbm>>
        tpu.enqueue_dma source(%dma_start3A_42 : memref<128xi32, #tpu.memory_space<hbm>>) target(%arg8 : memref<128xi32, #tpu.memory_space<vmem>>) target_semaphore(%run_scoped3A_40 : memref<!tpu.dma_semaphore, #tpu.memory_space<semaphore_mem>>)
        %dma_wait3A_43 = tpu.memref_slice %arg4[%add3A_33] : memref<802816xi32, #tpu.memory_space<hbm>> -> memref<128xi32, #tpu.memory_space<hbm>>
        %dma_wait3A_44 = tpu.memref_slice %arg4[%add3A_33] : memref<802816xi32, #tpu.memory_space<hbm>> -> memref<128xi32, #tpu.memory_space<hbm>>
        tpu.wait_dma2 semaphore(%run_scoped3A_40 : memref<!tpu.dma_semaphore, #tpu.memory_space<semaphore_mem>>) src(%dma_wait3A_44 : memref<128xi32, #tpu.memory_space<hbm>>) dst(%arg8 : memref<128xi32, #tpu.memory_space<vmem>>)
        tpu.yield
      }) : () -> ()
      %dma_start3A = arith.constant 0 : i32
      %dma_start3A_36 = arith.constant 0 : i32
      %dma_start3A_37 = tpu.memref_slice %arg2[%dma_start3A, %dma_start3A_36] : memref<100000x32xf32, #tpu.memory_space<hbm>> -> memref<100000x32xf32, #tpu.memory_space<hbm>>
      tpu.enqueue_indirect_dma source(%dma_start3A_37 : memref<100000x32xf32, #tpu.memory_space<hbm>>) target(%arg9 : memref<128x32xf32, #tpu.memory_space<vmem>>) offsets(%arg7 : memref<128xi32, #tpu.memory_space<vmem>>) semaphore(%arg11 : memref<!tpu.dma_semaphore, #tpu.memory_space<semaphore_mem>>)
      %dma_wait3A = arith.constant 0 : i32
      %dma_wait3A_38 = arith.constant 0 : i32
      %dma_wait3A_39 = tpu.memref_slice %arg2[%dma_wait3A, %dma_wait3A_38] : memref<100000x32xf32, #tpu.memory_space<hbm>> -> memref<100000x32xf32, #tpu.memory_space<hbm>>
      tpu.wait_indirect_dma semaphore(%arg11 : memref<!tpu.dma_semaphore, #tpu.memory_space<semaphore_mem>>) src(%dma_wait3A_39 : memref<100000x32xf32, #tpu.memory_space<hbm>>) dst(%arg9 : memref<128x32xf32, #tpu.memory_space<vmem>>)
      "tpu.region"() ({
        %run_scoped3A_40 = tpu.sem_alloc : memref<!tpu.dma_semaphore, #tpu.memory_space<semaphore_mem>>
        %dma_start3A_41 = arith.constant 0 : i32
        %dma_start3A_42 = arith.constant 0 : i32
        %dma_start3A_43 = tpu.memref_slice %arg10[%dma_start3A_41, %dma_start3A_42] : memref<50048x32xf32, #tpu.memory_space<vmem_shared>> -> memref<50048x32xf32, #tpu.memory_space<vmem_shared>>
        tpu.enqueue_indirect_dma source(%arg9 : memref<128x32xf32, #tpu.memory_space<vmem>>) target(%dma_start3A_43 : memref<50048x32xf32, #tpu.memory_space<vmem_shared>>) offsets(%arg8 : memref<128xi32, #tpu.memory_space<vmem>>) semaphore(%run_scoped3A_40 : memref<!tpu.dma_semaphore, #tpu.memory_space<semaphore_mem>>) {add = true}
        %dma_wait3A_44 = arith.constant 0 : i32
        %dma_wait3A_45 = arith.constant 0 : i32
        %dma_wait3A_46 = tpu.memref_slice %arg10[%dma_wait3A_44, %dma_wait3A_45] : memref<50048x32xf32, #tpu.memory_space<vmem_shared>> -> memref<50048x32xf32, #tpu.memory_space<vmem_shared>>
        tpu.wait_indirect_dma semaphore(%run_scoped3A_40 : memref<!tpu.dma_semaphore, #tpu.memory_space<semaphore_mem>>) src(%arg9 : memref<128x32xf32, #tpu.memory_space<vmem>>) dst(%dma_wait3A_46 : memref<50048x32xf32, #tpu.memory_space<vmem_shared>>)
        tpu.yield
      }) : () -> ()
    }
    %scan3A_7 = arith.constant 196 : i32
    %barrier3A_8 = arith.constant 0 : index
    tpu.barrier barrier_id(%barrier3A_8)
    %mul3A_9 = arith.constant 3128 : i32
    %mul3A_10 = arith.muli %arg1, %mul3A_9 : i32
    %mul3A_11 = arith.constant 3128 : i32
    %mul3A_12 = arith.muli %arg1, %mul3A_11 : i32
    %run_scoped3A = arith.constant 0 : i32
    "tpu.region"() ({
      %run_scoped3A_28 = tpu.sem_alloc : memref<!tpu.dma_semaphore, #tpu.memory_space<semaphore_mem>>
      %dma_start3A = arith.constant 0 : i32
      %dma_start3A_29 = tpu.memref_slice %arg6[%arg0, %mul3A_12, %run_scoped3A, %dma_start3A] : memref<2x50048x2x32xf32, #tpu.memory_space<hbm>> -> memref<1x3128x1x32xf32, #tpu.memory_space<hbm>>
      %dma_start3A_30 = tpu.memref_squeeze %dma_start3A_29 : memref<1x3128x1x32xf32, #tpu.memory_space<hbm>> -> memref<3128x32xf32, #tpu.memory_space<hbm>>
      %dma_start3A_31 = arith.constant 0 : i32
      %dma_start3A_32 = tpu.memref_slice %arg10[%mul3A_10, %dma_start3A_31] : memref<50048x32xf32, #tpu.memory_space<vmem_shared>> -> memref<3128x32xf32, #tpu.memory_space<vmem_shared>>
      tpu.enqueue_dma source(%dma_start3A_32 : memref<3128x32xf32, #tpu.memory_space<vmem_shared>>) target(%dma_start3A_30 : memref<3128x32xf32, #tpu.memory_space<hbm>>) target_semaphore(%run_scoped3A_28 : memref<!tpu.dma_semaphore, #tpu.memory_space<semaphore_mem>>)
      %dma_wait3A = arith.constant 0 : i32
      %dma_wait3A_33 = tpu.memref_slice %arg6[%arg0, %mul3A_12, %run_scoped3A, %dma_wait3A] : memref<2x50048x2x32xf32, #tpu.memory_space<hbm>> -> memref<1x3128x1x32xf32, #tpu.memory_space<hbm>>
      %dma_wait3A_34 = tpu.memref_squeeze %dma_wait3A_33 : memref<1x3128x1x32xf32, #tpu.memory_space<hbm>> -> memref<3128x32xf32, #tpu.memory_space<hbm>>
      %dma_wait3A_35 = arith.constant 0 : i32
      %dma_wait3A_36 = tpu.memref_slice %arg10[%mul3A_10, %dma_wait3A_35] : memref<50048x32xf32, #tpu.memory_space<vmem_shared>> -> memref<3128x32xf32, #tpu.memory_space<vmem_shared>>
      tpu.wait_dma2 semaphore(%run_scoped3A_28 : memref<!tpu.dma_semaphore, #tpu.memory_space<semaphore_mem>>) src(%dma_wait3A_36 : memref<3128x32xf32, #tpu.memory_space<vmem_shared>>) dst(%dma_wait3A_34 : memref<3128x32xf32, #tpu.memory_space<hbm>>)
      tpu.yield
    }) : () -> ()
    %mul3A_13 = arith.constant 3128 : i32
    %mul3A_14 = arith.muli %arg1, %mul3A_13 : i32
    "tpu.region"() ({
      %run_scoped3A_28 = tpu.sem_alloc : memref<!tpu.dma_semaphore, #tpu.memory_space<semaphore_mem>>
      %dma_start3A = arith.constant 0 : i32
      %dma_start3A_29 = tpu.memref_slice %arg10[%mul3A_14, %dma_start3A] : memref<50048x32xf32, #tpu.memory_space<vmem_shared>> -> memref<3128x32xf32, #tpu.memory_space<vmem_shared>>
      tpu.enqueue_dma source(%arg5 : memref<3128x32xf32, #tpu.memory_space<hbm>>) target(%dma_start3A_29 : memref<3128x32xf32, #tpu.memory_space<vmem_shared>>) target_semaphore(%run_scoped3A_28 : memref<!tpu.dma_semaphore, #tpu.memory_space<semaphore_mem>>)
      %dma_wait3A = arith.constant 0 : i32
      %dma_wait3A_30 = tpu.memref_slice %arg10[%mul3A_14, %dma_wait3A] : memref<50048x32xf32, #tpu.memory_space<vmem_shared>> -> memref<3128x32xf32, #tpu.memory_space<vmem_shared>>
      tpu.wait_dma2 semaphore(%run_scoped3A_28 : memref<!tpu.dma_semaphore, #tpu.memory_space<semaphore_mem>>) src(%arg5 : memref<3128x32xf32, #tpu.memory_space<hbm>>) dst(%dma_wait3A_30 : memref<3128x32xf32, #tpu.memory_space<vmem_shared>>)
      tpu.yield
    }) : () -> ()
    %barrier3A_15 = arith.constant 0 : index
    tpu.barrier barrier_id(%barrier3A_15)
    %scan3A_16 = arith.constant 0 : i32
    %scan3A_17 = arith.constant 0 : i32
    %scan3A_18 = arith.constant 196 : i32
    %scan3A_19 = arith.addi %scan3A_17, %scan3A_18 : i32
    %scan3A_20 = arith.constant 1 : i32
    scf.for %scan3A_28 = %scan3A_17 to %scan3A_19 step %scan3A_20  : i32 {
      %mul3A_29 = arith.constant 25088 : i32
      %mul3A_30 = arith.muli %add3A, %mul3A_29 : i32
      %mul3A_31 = arith.constant 128 : i32
      %mul3A_32 = arith.muli %scan3A_28, %mul3A_31 : i32
      %add3A_33 = arith.addi %mul3A_30, %mul3A_32 : i32
      %add3A_34 = arith.constant 802816 : i32
      %add3A_35 = arith.addi %add3A_34, %add3A_33 : i32
      "tpu.region"() ({
        %run_scoped3A_40 = tpu.sem_alloc : memref<!tpu.dma_semaphore, #tpu.memory_space<semaphore_mem>>
        %dma_start3A_41 = tpu.memref_slice %arg3[%add3A_35] : memref<1605632xi32, #tpu.memory_space<hbm>> -> memref<128xi32, #tpu.memory_space<hbm>>
        %dma_start3A_42 = tpu.memref_slice %arg3[%add3A_35] : memref<1605632xi32, #tpu.memory_space<hbm>> -> memref<128xi32, #tpu.memory_space<hbm>>
        tpu.enqueue_dma source(%dma_start3A_42 : memref<128xi32, #tpu.memory_space<hbm>>) target(%arg7 : memref<128xi32, #tpu.memory_space<vmem>>) target_semaphore(%run_scoped3A_40 : memref<!tpu.dma_semaphore, #tpu.memory_space<semaphore_mem>>)
        %dma_wait3A_43 = tpu.memref_slice %arg3[%add3A_35] : memref<1605632xi32, #tpu.memory_space<hbm>> -> memref<128xi32, #tpu.memory_space<hbm>>
        %dma_wait3A_44 = tpu.memref_slice %arg3[%add3A_35] : memref<1605632xi32, #tpu.memory_space<hbm>> -> memref<128xi32, #tpu.memory_space<hbm>>
        tpu.wait_dma2 semaphore(%run_scoped3A_40 : memref<!tpu.dma_semaphore, #tpu.memory_space<semaphore_mem>>) src(%dma_wait3A_44 : memref<128xi32, #tpu.memory_space<hbm>>) dst(%arg7 : memref<128xi32, #tpu.memory_space<vmem>>)
        tpu.yield
      }) : () -> ()
      "tpu.region"() ({
        %run_scoped3A_40 = tpu.sem_alloc : memref<!tpu.dma_semaphore, #tpu.memory_space<semaphore_mem>>
        %dma_start3A_41 = tpu.memref_slice %arg4[%add3A_33] : memref<802816xi32, #tpu.memory_space<hbm>> -> memref<128xi32, #tpu.memory_space<hbm>>
        %dma_start3A_42 = tpu.memref_slice %arg4[%add3A_33] : memref<802816xi32, #tpu.memory_space<hbm>> -> memref<128xi32, #tpu.memory_space<hbm>>
        tpu.enqueue_dma source(%dma_start3A_42 : memref<128xi32, #tpu.memory_space<hbm>>) target(%arg8 : memref<128xi32, #tpu.memory_space<vmem>>) target_semaphore(%run_scoped3A_40 : memref<!tpu.dma_semaphore, #tpu.memory_space<semaphore_mem>>)
        %dma_wait3A_43 = tpu.memref_slice %arg4[%add3A_33] : memref<802816xi32, #tpu.memory_space<hbm>> -> memref<128xi32, #tpu.memory_space<hbm>>
        %dma_wait3A_44 = tpu.memref_slice %arg4[%add3A_33] : memref<802816xi32, #tpu.memory_space<hbm>> -> memref<128xi32, #tpu.memory_space<hbm>>
        tpu.wait_dma2 semaphore(%run_scoped3A_40 : memref<!tpu.dma_semaphore, #tpu.memory_space<semaphore_mem>>) src(%dma_wait3A_44 : memref<128xi32, #tpu.memory_space<hbm>>) dst(%arg8 : memref<128xi32, #tpu.memory_space<vmem>>)
        tpu.yield
      }) : () -> ()
      %dma_start3A = arith.constant 0 : i32
      %dma_start3A_36 = arith.constant 0 : i32
      %dma_start3A_37 = tpu.memref_slice %arg2[%dma_start3A, %dma_start3A_36] : memref<100000x32xf32, #tpu.memory_space<hbm>> -> memref<100000x32xf32, #tpu.memory_space<hbm>>
      tpu.enqueue_indirect_dma source(%dma_start3A_37 : memref<100000x32xf32, #tpu.memory_space<hbm>>) target(%arg9 : memref<128x32xf32, #tpu.memory_space<vmem>>) offsets(%arg7 : memref<128xi32, #tpu.memory_space<vmem>>) semaphore(%arg11 : memref<!tpu.dma_semaphore, #tpu.memory_space<semaphore_mem>>)
      %dma_wait3A = arith.constant 0 : i32
      %dma_wait3A_38 = arith.constant 0 : i32
      %dma_wait3A_39 = tpu.memref_slice %arg2[%dma_wait3A, %dma_wait3A_38] : memref<100000x32xf32, #tpu.memory_space<hbm>> -> memref<100000x32xf32, #tpu.memory_space<hbm>>
      tpu.wait_indirect_dma semaphore(%arg11 : memref<!tpu.dma_semaphore, #tpu.memory_space<semaphore_mem>>) src(%dma_wait3A_39 : memref<100000x32xf32, #tpu.memory_space<hbm>>) dst(%arg9 : memref<128x32xf32, #tpu.memory_space<vmem>>)
      "tpu.region"() ({
        %run_scoped3A_40 = tpu.sem_alloc : memref<!tpu.dma_semaphore, #tpu.memory_space<semaphore_mem>>
        %dma_start3A_41 = arith.constant 0 : i32
        %dma_start3A_42 = arith.constant 0 : i32
        %dma_start3A_43 = tpu.memref_slice %arg10[%dma_start3A_41, %dma_start3A_42] : memref<50048x32xf32, #tpu.memory_space<vmem_shared>> -> memref<50048x32xf32, #tpu.memory_space<vmem_shared>>
        tpu.enqueue_indirect_dma source(%arg9 : memref<128x32xf32, #tpu.memory_space<vmem>>) target(%dma_start3A_43 : memref<50048x32xf32, #tpu.memory_space<vmem_shared>>) offsets(%arg8 : memref<128xi32, #tpu.memory_space<vmem>>) semaphore(%run_scoped3A_40 : memref<!tpu.dma_semaphore, #tpu.memory_space<semaphore_mem>>) {add = true}
        %dma_wait3A_44 = arith.constant 0 : i32
        %dma_wait3A_45 = arith.constant 0 : i32
        %dma_wait3A_46 = tpu.memref_slice %arg10[%dma_wait3A_44, %dma_wait3A_45] : memref<50048x32xf32, #tpu.memory_space<vmem_shared>> -> memref<50048x32xf32, #tpu.memory_space<vmem_shared>>
        tpu.wait_indirect_dma semaphore(%run_scoped3A_40 : memref<!tpu.dma_semaphore, #tpu.memory_space<semaphore_mem>>) src(%arg9 : memref<128x32xf32, #tpu.memory_space<vmem>>) dst(%dma_wait3A_46 : memref<50048x32xf32, #tpu.memory_space<vmem_shared>>)
        tpu.yield
      }) : () -> ()
    }
    %scan3A_21 = arith.constant 196 : i32
    %barrier3A_22 = arith.constant 0 : index
    tpu.barrier barrier_id(%barrier3A_22)
    %mul3A_23 = arith.constant 3128 : i32
    %mul3A_24 = arith.muli %arg1, %mul3A_23 : i32
    %mul3A_25 = arith.constant 3128 : i32
    %mul3A_26 = arith.muli %arg1, %mul3A_25 : i32
    %run_scoped3A_27 = arith.constant 1 : i32
    "tpu.region"() ({
      %run_scoped3A_28 = tpu.sem_alloc : memref<!tpu.dma_semaphore, #tpu.memory_space<semaphore_mem>>
      %dma_start3A = arith.constant 0 : i32
      %dma_start3A_29 = tpu.memref_slice %arg6[%arg0, %mul3A_26, %run_scoped3A_27, %dma_start3A] : memref<2x50048x2x32xf32, #tpu.memory_space<hbm>> -> memref<1x3128x1x32xf32, #tpu.memory_space<hbm>>
      %dma_start3A_30 = tpu.memref_squeeze %dma_start3A_29 : memref<1x3128x1x32xf32, #tpu.memory_space<hbm>> -> memref<3128x32xf32, #tpu.memory_space<hbm>>
      %dma_start3A_31 = arith.constant 0 : i32
      %dma_start3A_32 = tpu.memref_slice %arg10[%mul3A_24, %dma_start3A_31] : memref<50048x32xf32, #tpu.memory_space<vmem_shared>> -> memref<3128x32xf32, #tpu.memory_space<vmem_shared>>
      tpu.enqueue_dma source(%dma_start3A_32 : memref<3128x32xf32, #tpu.memory_space<vmem_shared>>) target(%dma_start3A_30 : memref<3128x32xf32, #tpu.memory_space<hbm>>) target_semaphore(%run_scoped3A_28 : memref<!tpu.dma_semaphore, #tpu.memory_space<semaphore_mem>>)
      %dma_wait3A = arith.constant 0 : i32
      %dma_wait3A_33 = tpu.memref_slice %arg6[%arg0, %mul3A_26, %run_scoped3A_27, %dma_wait3A] : memref<2x50048x2x32xf32, #tpu.memory_space<hbm>> -> memref<1x3128x1x32xf32, #tpu.memory_space<hbm>>
      %dma_wait3A_34 = tpu.memref_squeeze %dma_wait3A_33 : memref<1x3128x1x32xf32, #tpu.memory_space<hbm>> -> memref<3128x32xf32, #tpu.memory_space<hbm>>
      %dma_wait3A_35 = arith.constant 0 : i32
      %dma_wait3A_36 = tpu.memref_slice %arg10[%mul3A_24, %dma_wait3A_35] : memref<50048x32xf32, #tpu.memory_space<vmem_shared>> -> memref<3128x32xf32, #tpu.memory_space<vmem_shared>>
      tpu.wait_dma2 semaphore(%run_scoped3A_28 : memref<!tpu.dma_semaphore, #tpu.memory_space<semaphore_mem>>) src(%dma_wait3A_36 : memref<3128x32xf32, #tpu.memory_space<vmem_shared>>) dst(%dma_wait3A_34 : memref<3128x32xf32, #tpu.memory_space<hbm>>)
      tpu.yield
    }) : () -> ()
    return
  }
}

#map = affine_map<(d0, d1) -> (0, 0)>
#map1 = affine_map<(d0, d1) -> (0)>
#map2 = affine_map<(d0, d1) -> (0, 0, 0, 0)>
module attributes {stable_mosaic.version = 14 : i64} {
  func.func @scat_kernel(%arg0: i32, %arg1: i32, %arg2: memref<200000x32xf32, #tpu.memory_space<hbm>>, %arg3: memref<3211264xi32, #tpu.memory_space<hbm>>, %arg4: memref<802816xi32, #tpu.memory_space<hbm>>, %arg5: memref<3128x32xf32, #tpu.memory_space<hbm>>, %arg6: memref<2x50048x4x32xf32, #tpu.memory_space<hbm>>, %arg7: memref<128xi32, #tpu.memory_space<vmem>>, %arg8: memref<128xi32, #tpu.memory_space<vmem>>, %arg9: memref<128x32xf32, #tpu.memory_space<vmem>>, %arg10: memref<50048x32xf32, #tpu.memory_space<vmem_shared>>, %arg11: memref<!tpu.dma_semaphore, #tpu.memory_space<semaphore_mem>>) attributes {dimension_semantics = [#tpu.dimension_semantics<core_parallel>, #tpu.dimension_semantics<subcore_parallel>], iteration_bounds = array<i64: 2, 16>, scalar_prefetch = 0 : i64, scratch_operands = 5 : i64, tpu.core_type = #tpu.core_type<sc_vector_subcore>, window_params = [{transform_indices = #map}, {transform_indices = #map1}, {transform_indices = #map1}, {transform_indices = #map}, {transform_indices = #map2}]} {
    %mul3A = arith.constant 16 : i32
    %mul3A_0 = arith.muli %arg0, %mul3A : i32
    %add3A = arith.addi %mul3A_0, %arg1 : i32
    %mul3A_1 = arith.constant 3128 : i32
    %mul3A_2 = arith.muli %arg1, %mul3A_1 : i32
    "tpu.region"() ({
      %run_scoped3A_58 = tpu.sem_alloc : memref<!tpu.dma_semaphore, #tpu.memory_space<semaphore_mem>>
      %dma_start3A = arith.constant 0 : i32
      %dma_start3A_59 = tpu.memref_slice %arg10[%mul3A_2, %dma_start3A] : memref<50048x32xf32, #tpu.memory_space<vmem_shared>> -> memref<3128x32xf32, #tpu.memory_space<vmem_shared>>
      tpu.enqueue_dma source(%arg5 : memref<3128x32xf32, #tpu.memory_space<hbm>>) target(%dma_start3A_59 : memref<3128x32xf32, #tpu.memory_space<vmem_shared>>) target_semaphore(%run_scoped3A_58 : memref<!tpu.dma_semaphore, #tpu.memory_space<semaphore_mem>>)
      %dma_wait3A = arith.constant 0 : i32
      %dma_wait3A_60 = tpu.memref_slice %arg10[%mul3A_2, %dma_wait3A] : memref<50048x32xf32, #tpu.memory_space<vmem_shared>> -> memref<3128x32xf32, #tpu.memory_space<vmem_shared>>
      tpu.wait_dma2 semaphore(%run_scoped3A_58 : memref<!tpu.dma_semaphore, #tpu.memory_space<semaphore_mem>>) src(%arg5 : memref<3128x32xf32, #tpu.memory_space<hbm>>) dst(%dma_wait3A_60 : memref<3128x32xf32, #tpu.memory_space<vmem_shared>>)
      tpu.yield
    }) : () -> ()
    %barrier3A = arith.constant 0 : index
    tpu.barrier barrier_id(%barrier3A)
    %scan3A = arith.constant 0 : i32
    %scan3A_3 = arith.constant 0 : i32
    %scan3A_4 = arith.constant 196 : i32
    %scan3A_5 = arith.addi %scan3A_3, %scan3A_4 : i32
    %scan3A_6 = arith.constant 1 : i32
    scf.for %scan3A_58 = %scan3A_3 to %scan3A_5 step %scan3A_6  : i32 {
      %mul3A_59 = arith.constant 25088 : i32
      %mul3A_60 = arith.muli %add3A, %mul3A_59 : i32
      %mul3A_61 = arith.constant 128 : i32
      %mul3A_62 = arith.muli %scan3A_58, %mul3A_61 : i32
      %add3A_63 = arith.addi %mul3A_60, %mul3A_62 : i32
      %add3A_64 = arith.constant 0 : i32
      %add3A_65 = arith.addi %add3A_64, %add3A_63 : i32
      "tpu.region"() ({
        %run_scoped3A_70 = tpu.sem_alloc : memref<!tpu.dma_semaphore, #tpu.memory_space<semaphore_mem>>
        %dma_start3A_71 = tpu.memref_slice %arg3[%add3A_65] : memref<3211264xi32, #tpu.memory_space<hbm>> -> memref<128xi32, #tpu.memory_space<hbm>>
        %dma_start3A_72 = tpu.memref_slice %arg3[%add3A_65] : memref<3211264xi32, #tpu.memory_space<hbm>> -> memref<128xi32, #tpu.memory_space<hbm>>
        tpu.enqueue_dma source(%dma_start3A_72 : memref<128xi32, #tpu.memory_space<hbm>>) target(%arg7 : memref<128xi32, #tpu.memory_space<vmem>>) target_semaphore(%run_scoped3A_70 : memref<!tpu.dma_semaphore, #tpu.memory_space<semaphore_mem>>)
        %dma_wait3A_73 = tpu.memref_slice %arg3[%add3A_65] : memref<3211264xi32, #tpu.memory_space<hbm>> -> memref<128xi32, #tpu.memory_space<hbm>>
        %dma_wait3A_74 = tpu.memref_slice %arg3[%add3A_65] : memref<3211264xi32, #tpu.memory_space<hbm>> -> memref<128xi32, #tpu.memory_space<hbm>>
        tpu.wait_dma2 semaphore(%run_scoped3A_70 : memref<!tpu.dma_semaphore, #tpu.memory_space<semaphore_mem>>) src(%dma_wait3A_74 : memref<128xi32, #tpu.memory_space<hbm>>) dst(%arg7 : memref<128xi32, #tpu.memory_space<vmem>>)
        tpu.yield
      }) : () -> ()
      "tpu.region"() ({
        %run_scoped3A_70 = tpu.sem_alloc : memref<!tpu.dma_semaphore, #tpu.memory_space<semaphore_mem>>
        %dma_start3A_71 = tpu.memref_slice %arg4[%add3A_63] : memref<802816xi32, #tpu.memory_space<hbm>> -> memref<128xi32, #tpu.memory_space<hbm>>
        %dma_start3A_72 = tpu.memref_slice %arg4[%add3A_63] : memref<802816xi32, #tpu.memory_space<hbm>> -> memref<128xi32, #tpu.memory_space<hbm>>
        tpu.enqueue_dma source(%dma_start3A_72 : memref<128xi32, #tpu.memory_space<hbm>>) target(%arg8 : memref<128xi32, #tpu.memory_space<vmem>>) target_semaphore(%run_scoped3A_70 : memref<!tpu.dma_semaphore, #tpu.memory_space<semaphore_mem>>)
        %dma_wait3A_73 = tpu.memref_slice %arg4[%add3A_63] : memref<802816xi32, #tpu.memory_space<hbm>> -> memref<128xi32, #tpu.memory_space<hbm>>
        %dma_wait3A_74 = tpu.memref_slice %arg4[%add3A_63] : memref<802816xi32, #tpu.memory_space<hbm>> -> memref<128xi32, #tpu.memory_space<hbm>>
        tpu.wait_dma2 semaphore(%run_scoped3A_70 : memref<!tpu.dma_semaphore, #tpu.memory_space<semaphore_mem>>) src(%dma_wait3A_74 : memref<128xi32, #tpu.memory_space<hbm>>) dst(%arg8 : memref<128xi32, #tpu.memory_space<vmem>>)
        tpu.yield
      }) : () -> ()
      %dma_start3A = arith.constant 0 : i32
      %dma_start3A_66 = arith.constant 0 : i32
      %dma_start3A_67 = tpu.memref_slice %arg2[%dma_start3A, %dma_start3A_66] : memref<200000x32xf32, #tpu.memory_space<hbm>> -> memref<200000x32xf32, #tpu.memory_space<hbm>>
      tpu.enqueue_indirect_dma source(%dma_start3A_67 : memref<200000x32xf32, #tpu.memory_space<hbm>>) target(%arg9 : memref<128x32xf32, #tpu.memory_space<vmem>>) offsets(%arg7 : memref<128xi32, #tpu.memory_space<vmem>>) semaphore(%arg11 : memref<!tpu.dma_semaphore, #tpu.memory_space<semaphore_mem>>)
      %dma_wait3A = arith.constant 0 : i32
      %dma_wait3A_68 = arith.constant 0 : i32
      %dma_wait3A_69 = tpu.memref_slice %arg2[%dma_wait3A, %dma_wait3A_68] : memref<200000x32xf32, #tpu.memory_space<hbm>> -> memref<200000x32xf32, #tpu.memory_space<hbm>>
      tpu.wait_indirect_dma semaphore(%arg11 : memref<!tpu.dma_semaphore, #tpu.memory_space<semaphore_mem>>) src(%dma_wait3A_69 : memref<200000x32xf32, #tpu.memory_space<hbm>>) dst(%arg9 : memref<128x32xf32, #tpu.memory_space<vmem>>)
      "tpu.region"() ({
        %run_scoped3A_70 = tpu.sem_alloc : memref<!tpu.dma_semaphore, #tpu.memory_space<semaphore_mem>>
        %dma_start3A_71 = arith.constant 0 : i32
        %dma_start3A_72 = arith.constant 0 : i32
        %dma_start3A_73 = tpu.memref_slice %arg10[%dma_start3A_71, %dma_start3A_72] : memref<50048x32xf32, #tpu.memory_space<vmem_shared>> -> memref<50048x32xf32, #tpu.memory_space<vmem_shared>>
        tpu.enqueue_indirect_dma source(%arg9 : memref<128x32xf32, #tpu.memory_space<vmem>>) target(%dma_start3A_73 : memref<50048x32xf32, #tpu.memory_space<vmem_shared>>) offsets(%arg8 : memref<128xi32, #tpu.memory_space<vmem>>) semaphore(%run_scoped3A_70 : memref<!tpu.dma_semaphore, #tpu.memory_space<semaphore_mem>>) {add = true}
        %dma_wait3A_74 = arith.constant 0 : i32
        %dma_wait3A_75 = arith.constant 0 : i32
        %dma_wait3A_76 = tpu.memref_slice %arg10[%dma_wait3A_74, %dma_wait3A_75] : memref<50048x32xf32, #tpu.memory_space<vmem_shared>> -> memref<50048x32xf32, #tpu.memory_space<vmem_shared>>
        tpu.wait_indirect_dma semaphore(%run_scoped3A_70 : memref<!tpu.dma_semaphore, #tpu.memory_space<semaphore_mem>>) src(%arg9 : memref<128x32xf32, #tpu.memory_space<vmem>>) dst(%dma_wait3A_76 : memref<50048x32xf32, #tpu.memory_space<vmem_shared>>)
        tpu.yield
      }) : () -> ()
    }
    %scan3A_7 = arith.constant 196 : i32
    %barrier3A_8 = arith.constant 0 : index
    tpu.barrier barrier_id(%barrier3A_8)
    %mul3A_9 = arith.constant 3128 : i32
    %mul3A_10 = arith.muli %arg1, %mul3A_9 : i32
    %mul3A_11 = arith.constant 3128 : i32
    %mul3A_12 = arith.muli %arg1, %mul3A_11 : i32
    %run_scoped3A = arith.constant 0 : i32
    "tpu.region"() ({
      %run_scoped3A_58 = tpu.sem_alloc : memref<!tpu.dma_semaphore, #tpu.memory_space<semaphore_mem>>
      %dma_start3A = arith.constant 0 : i32
      %dma_start3A_59 = tpu.memref_slice %arg6[%arg0, %mul3A_12, %run_scoped3A, %dma_start3A] : memref<2x50048x4x32xf32, #tpu.memory_space<hbm>> -> memref<1x3128x1x32xf32, #tpu.memory_space<hbm>>
      %dma_start3A_60 = tpu.memref_squeeze %dma_start3A_59 : memref<1x3128x1x32xf32, #tpu.memory_space<hbm>> -> memref<3128x32xf32, #tpu.memory_space<hbm>>
      %dma_start3A_61 = arith.constant 0 : i32
      %dma_start3A_62 = tpu.memref_slice %arg10[%mul3A_10, %dma_start3A_61] : memref<50048x32xf32, #tpu.memory_space<vmem_shared>> -> memref<3128x32xf32, #tpu.memory_space<vmem_shared>>
      tpu.enqueue_dma source(%dma_start3A_62 : memref<3128x32xf32, #tpu.memory_space<vmem_shared>>) target(%dma_start3A_60 : memref<3128x32xf32, #tpu.memory_space<hbm>>) target_semaphore(%run_scoped3A_58 : memref<!tpu.dma_semaphore, #tpu.memory_space<semaphore_mem>>)
      %dma_wait3A = arith.constant 0 : i32
      %dma_wait3A_63 = tpu.memref_slice %arg6[%arg0, %mul3A_12, %run_scoped3A, %dma_wait3A] : memref<2x50048x4x32xf32, #tpu.memory_space<hbm>> -> memref<1x3128x1x32xf32, #tpu.memory_space<hbm>>
      %dma_wait3A_64 = tpu.memref_squeeze %dma_wait3A_63 : memref<1x3128x1x32xf32, #tpu.memory_space<hbm>> -> memref<3128x32xf32, #tpu.memory_space<hbm>>
      %dma_wait3A_65 = arith.constant 0 : i32
      %dma_wait3A_66 = tpu.memref_slice %arg10[%mul3A_10, %dma_wait3A_65] : memref<50048x32xf32, #tpu.memory_space<vmem_shared>> -> memref<3128x32xf32, #tpu.memory_space<vmem_shared>>
      tpu.wait_dma2 semaphore(%run_scoped3A_58 : memref<!tpu.dma_semaphore, #tpu.memory_space<semaphore_mem>>) src(%dma_wait3A_66 : memref<3128x32xf32, #tpu.memory_space<vmem_shared>>) dst(%dma_wait3A_64 : memref<3128x32xf32, #tpu.memory_space<hbm>>)
      tpu.yield
    }) : () -> ()
    %mul3A_13 = arith.constant 3128 : i32
    %mul3A_14 = arith.muli %arg1, %mul3A_13 : i32
    "tpu.region"() ({
      %run_scoped3A_58 = tpu.sem_alloc : memref<!tpu.dma_semaphore, #tpu.memory_space<semaphore_mem>>
      %dma_start3A = arith.constant 0 : i32
      %dma_start3A_59 = tpu.memref_slice %arg10[%mul3A_14, %dma_start3A] : memref<50048x32xf32, #tpu.memory_space<vmem_shared>> -> memref<3128x32xf32, #tpu.memory_space<vmem_shared>>
      tpu.enqueue_dma source(%arg5 : memref<3128x32xf32, #tpu.memory_space<hbm>>) target(%dma_start3A_59 : memref<3128x32xf32, #tpu.memory_space<vmem_shared>>) target_semaphore(%run_scoped3A_58 : memref<!tpu.dma_semaphore, #tpu.memory_space<semaphore_mem>>)
      %dma_wait3A = arith.constant 0 : i32
      %dma_wait3A_60 = tpu.memref_slice %arg10[%mul3A_14, %dma_wait3A] : memref<50048x32xf32, #tpu.memory_space<vmem_shared>> -> memref<3128x32xf32, #tpu.memory_space<vmem_shared>>
      tpu.wait_dma2 semaphore(%run_scoped3A_58 : memref<!tpu.dma_semaphore, #tpu.memory_space<semaphore_mem>>) src(%arg5 : memref<3128x32xf32, #tpu.memory_space<hbm>>) dst(%dma_wait3A_60 : memref<3128x32xf32, #tpu.memory_space<vmem_shared>>)
      tpu.yield
    }) : () -> ()
    %barrier3A_15 = arith.constant 0 : index
    tpu.barrier barrier_id(%barrier3A_15)
    %scan3A_16 = arith.constant 0 : i32
    %scan3A_17 = arith.constant 0 : i32
    %scan3A_18 = arith.constant 196 : i32
    %scan3A_19 = arith.addi %scan3A_17, %scan3A_18 : i32
    %scan3A_20 = arith.constant 1 : i32
    scf.for %scan3A_58 = %scan3A_17 to %scan3A_19 step %scan3A_20  : i32 {
      %mul3A_59 = arith.constant 25088 : i32
      %mul3A_60 = arith.muli %add3A, %mul3A_59 : i32
      %mul3A_61 = arith.constant 128 : i32
      %mul3A_62 = arith.muli %scan3A_58, %mul3A_61 : i32
      %add3A_63 = arith.addi %mul3A_60, %mul3A_62 : i32
      %add3A_64 = arith.constant 802816 : i32
      %add3A_65 = arith.addi %add3A_64, %add3A_63 : i32
      "tpu.region"() ({
        %run_scoped3A_70 = tpu.sem_alloc : memref<!tpu.dma_semaphore, #tpu.memory_space<semaphore_mem>>
        %dma_start3A_71 = tpu.memref_slice %arg3[%add3A_65] : memref<3211264xi32, #tpu.memory_space<hbm>> -> memref<128xi32, #tpu.memory_space<hbm>>
        %dma_start3A_72 = tpu.memref_slice %arg3[%add3A_65] : memref<3211264xi32, #tpu.memory_space<hbm>> -> memref<128xi32, #tpu.memory_space<hbm>>
        tpu.enqueue_dma source(%dma_start3A_72 : memref<128xi32, #tpu.memory_space<hbm>>) target(%arg7 : memref<128xi32, #tpu.memory_space<vmem>>) target_semaphore(%run_scoped3A_70 : memref<!tpu.dma_semaphore, #tpu.memory_space<semaphore_mem>>)
        %dma_wait3A_73 = tpu.memref_slice %arg3[%add3A_65] : memref<3211264xi32, #tpu.memory_space<hbm>> -> memref<128xi32, #tpu.memory_space<hbm>>
        %dma_wait3A_74 = tpu.memref_slice %arg3[%add3A_65] : memref<3211264xi32, #tpu.memory_space<hbm>> -> memref<128xi32, #tpu.memory_space<hbm>>
        tpu.wait_dma2 semaphore(%run_scoped3A_70 : memref<!tpu.dma_semaphore, #tpu.memory_space<semaphore_mem>>) src(%dma_wait3A_74 : memref<128xi32, #tpu.memory_space<hbm>>) dst(%arg7 : memref<128xi32, #tpu.memory_space<vmem>>)
        tpu.yield
      }) : () -> ()
      "tpu.region"() ({
        %run_scoped3A_70 = tpu.sem_alloc : memref<!tpu.dma_semaphore, #tpu.memory_space<semaphore_mem>>
        %dma_start3A_71 = tpu.memref_slice %arg4[%add3A_63] : memref<802816xi32, #tpu.memory_space<hbm>> -> memref<128xi32, #tpu.memory_space<hbm>>
        %dma_start3A_72 = tpu.memref_slice %arg4[%add3A_63] : memref<802816xi32, #tpu.memory_space<hbm>> -> memref<128xi32, #tpu.memory_space<hbm>>
        tpu.enqueue_dma source(%dma_start3A_72 : memref<128xi32, #tpu.memory_space<hbm>>) target(%arg8 : memref<128xi32, #tpu.memory_space<vmem>>) target_semaphore(%run_scoped3A_70 : memref<!tpu.dma_semaphore, #tpu.memory_space<semaphore_mem>>)
        %dma_wait3A_73 = tpu.memref_slice %arg4[%add3A_63] : memref<802816xi32, #tpu.memory_space<hbm>> -> memref<128xi32, #tpu.memory_space<hbm>>
        %dma_wait3A_74 = tpu.memref_slice %arg4[%add3A_63] : memref<802816xi32, #tpu.memory_space<hbm>> -> memref<128xi32, #tpu.memory_space<hbm>>
        tpu.wait_dma2 semaphore(%run_scoped3A_70 : memref<!tpu.dma_semaphore, #tpu.memory_space<semaphore_mem>>) src(%dma_wait3A_74 : memref<128xi32, #tpu.memory_space<hbm>>) dst(%arg8 : memref<128xi32, #tpu.memory_space<vmem>>)
        tpu.yield
      }) : () -> ()
      %dma_start3A = arith.constant 0 : i32
      %dma_start3A_66 = arith.constant 0 : i32
      %dma_start3A_67 = tpu.memref_slice %arg2[%dma_start3A, %dma_start3A_66] : memref<200000x32xf32, #tpu.memory_space<hbm>> -> memref<200000x32xf32, #tpu.memory_space<hbm>>
      tpu.enqueue_indirect_dma source(%dma_start3A_67 : memref<200000x32xf32, #tpu.memory_space<hbm>>) target(%arg9 : memref<128x32xf32, #tpu.memory_space<vmem>>) offsets(%arg7 : memref<128xi32, #tpu.memory_space<vmem>>) semaphore(%arg11 : memref<!tpu.dma_semaphore, #tpu.memory_space<semaphore_mem>>)
      %dma_wait3A = arith.constant 0 : i32
      %dma_wait3A_68 = arith.constant 0 : i32
      %dma_wait3A_69 = tpu.memref_slice %arg2[%dma_wait3A, %dma_wait3A_68] : memref<200000x32xf32, #tpu.memory_space<hbm>> -> memref<200000x32xf32, #tpu.memory_space<hbm>>
      tpu.wait_indirect_dma semaphore(%arg11 : memref<!tpu.dma_semaphore, #tpu.memory_space<semaphore_mem>>) src(%dma_wait3A_69 : memref<200000x32xf32, #tpu.memory_space<hbm>>) dst(%arg9 : memref<128x32xf32, #tpu.memory_space<vmem>>)
      "tpu.region"() ({
        %run_scoped3A_70 = tpu.sem_alloc : memref<!tpu.dma_semaphore, #tpu.memory_space<semaphore_mem>>
        %dma_start3A_71 = arith.constant 0 : i32
        %dma_start3A_72 = arith.constant 0 : i32
        %dma_start3A_73 = tpu.memref_slice %arg10[%dma_start3A_71, %dma_start3A_72] : memref<50048x32xf32, #tpu.memory_space<vmem_shared>> -> memref<50048x32xf32, #tpu.memory_space<vmem_shared>>
        tpu.enqueue_indirect_dma source(%arg9 : memref<128x32xf32, #tpu.memory_space<vmem>>) target(%dma_start3A_73 : memref<50048x32xf32, #tpu.memory_space<vmem_shared>>) offsets(%arg8 : memref<128xi32, #tpu.memory_space<vmem>>) semaphore(%run_scoped3A_70 : memref<!tpu.dma_semaphore, #tpu.memory_space<semaphore_mem>>) {add = true}
        %dma_wait3A_74 = arith.constant 0 : i32
        %dma_wait3A_75 = arith.constant 0 : i32
        %dma_wait3A_76 = tpu.memref_slice %arg10[%dma_wait3A_74, %dma_wait3A_75] : memref<50048x32xf32, #tpu.memory_space<vmem_shared>> -> memref<50048x32xf32, #tpu.memory_space<vmem_shared>>
        tpu.wait_indirect_dma semaphore(%run_scoped3A_70 : memref<!tpu.dma_semaphore, #tpu.memory_space<semaphore_mem>>) src(%arg9 : memref<128x32xf32, #tpu.memory_space<vmem>>) dst(%dma_wait3A_76 : memref<50048x32xf32, #tpu.memory_space<vmem_shared>>)
        tpu.yield
      }) : () -> ()
    }
    %scan3A_21 = arith.constant 196 : i32
    %barrier3A_22 = arith.constant 0 : index
    tpu.barrier barrier_id(%barrier3A_22)
    %mul3A_23 = arith.constant 3128 : i32
    %mul3A_24 = arith.muli %arg1, %mul3A_23 : i32
    %mul3A_25 = arith.constant 3128 : i32
    %mul3A_26 = arith.muli %arg1, %mul3A_25 : i32
    %run_scoped3A_27 = arith.constant 1 : i32
    "tpu.region"() ({
      %run_scoped3A_58 = tpu.sem_alloc : memref<!tpu.dma_semaphore, #tpu.memory_space<semaphore_mem>>
      %dma_start3A = arith.constant 0 : i32
      %dma_start3A_59 = tpu.memref_slice %arg6[%arg0, %mul3A_26, %run_scoped3A_27, %dma_start3A] : memref<2x50048x4x32xf32, #tpu.memory_space<hbm>> -> memref<1x3128x1x32xf32, #tpu.memory_space<hbm>>
      %dma_start3A_60 = tpu.memref_squeeze %dma_start3A_59 : memref<1x3128x1x32xf32, #tpu.memory_space<hbm>> -> memref<3128x32xf32, #tpu.memory_space<hbm>>
      %dma_start3A_61 = arith.constant 0 : i32
      %dma_start3A_62 = tpu.memref_slice %arg10[%mul3A_24, %dma_start3A_61] : memref<50048x32xf32, #tpu.memory_space<vmem_shared>> -> memref<3128x32xf32, #tpu.memory_space<vmem_shared>>
      tpu.enqueue_dma source(%dma_start3A_62 : memref<3128x32xf32, #tpu.memory_space<vmem_shared>>) target(%dma_start3A_60 : memref<3128x32xf32, #tpu.memory_space<hbm>>) target_semaphore(%run_scoped3A_58 : memref<!tpu.dma_semaphore, #tpu.memory_space<semaphore_mem>>)
      %dma_wait3A = arith.constant 0 : i32
      %dma_wait3A_63 = tpu.memref_slice %arg6[%arg0, %mul3A_26, %run_scoped3A_27, %dma_wait3A] : memref<2x50048x4x32xf32, #tpu.memory_space<hbm>> -> memref<1x3128x1x32xf32, #tpu.memory_space<hbm>>
      %dma_wait3A_64 = tpu.memref_squeeze %dma_wait3A_63 : memref<1x3128x1x32xf32, #tpu.memory_space<hbm>> -> memref<3128x32xf32, #tpu.memory_space<hbm>>
      %dma_wait3A_65 = arith.constant 0 : i32
      %dma_wait3A_66 = tpu.memref_slice %arg10[%mul3A_24, %dma_wait3A_65] : memref<50048x32xf32, #tpu.memory_space<vmem_shared>> -> memref<3128x32xf32, #tpu.memory_space<vmem_shared>>
      tpu.wait_dma2 semaphore(%run_scoped3A_58 : memref<!tpu.dma_semaphore, #tpu.memory_space<semaphore_mem>>) src(%dma_wait3A_66 : memref<3128x32xf32, #tpu.memory_space<vmem_shared>>) dst(%dma_wait3A_64 : memref<3128x32xf32, #tpu.memory_space<hbm>>)
      tpu.yield
    }) : () -> ()
    %mul3A_28 = arith.constant 3128 : i32
    %mul3A_29 = arith.muli %arg1, %mul3A_28 : i32
    "tpu.region"() ({
      %run_scoped3A_58 = tpu.sem_alloc : memref<!tpu.dma_semaphore, #tpu.memory_space<semaphore_mem>>
      %dma_start3A = arith.constant 0 : i32
      %dma_start3A_59 = tpu.memref_slice %arg10[%mul3A_29, %dma_start3A] : memref<50048x32xf32, #tpu.memory_space<vmem_shared>> -> memref<3128x32xf32, #tpu.memory_space<vmem_shared>>
      tpu.enqueue_dma source(%arg5 : memref<3128x32xf32, #tpu.memory_space<hbm>>) target(%dma_start3A_59 : memref<3128x32xf32, #tpu.memory_space<vmem_shared>>) target_semaphore(%run_scoped3A_58 : memref<!tpu.dma_semaphore, #tpu.memory_space<semaphore_mem>>)
      %dma_wait3A = arith.constant 0 : i32
      %dma_wait3A_60 = tpu.memref_slice %arg10[%mul3A_29, %dma_wait3A] : memref<50048x32xf32, #tpu.memory_space<vmem_shared>> -> memref<3128x32xf32, #tpu.memory_space<vmem_shared>>
      tpu.wait_dma2 semaphore(%run_scoped3A_58 : memref<!tpu.dma_semaphore, #tpu.memory_space<semaphore_mem>>) src(%arg5 : memref<3128x32xf32, #tpu.memory_space<hbm>>) dst(%dma_wait3A_60 : memref<3128x32xf32, #tpu.memory_space<vmem_shared>>)
      tpu.yield
    }) : () -> ()
    %barrier3A_30 = arith.constant 0 : index
    tpu.barrier barrier_id(%barrier3A_30)
    %scan3A_31 = arith.constant 0 : i32
    %scan3A_32 = arith.constant 0 : i32
    %scan3A_33 = arith.constant 196 : i32
    %scan3A_34 = arith.addi %scan3A_32, %scan3A_33 : i32
    %scan3A_35 = arith.constant 1 : i32
    scf.for %scan3A_58 = %scan3A_32 to %scan3A_34 step %scan3A_35  : i32 {
      %mul3A_59 = arith.constant 25088 : i32
      %mul3A_60 = arith.muli %add3A, %mul3A_59 : i32
      %mul3A_61 = arith.constant 128 : i32
      %mul3A_62 = arith.muli %scan3A_58, %mul3A_61 : i32
      %add3A_63 = arith.addi %mul3A_60, %mul3A_62 : i32
      %add3A_64 = arith.constant 1605632 : i32
      %add3A_65 = arith.addi %add3A_64, %add3A_63 : i32
      "tpu.region"() ({
        %run_scoped3A_70 = tpu.sem_alloc : memref<!tpu.dma_semaphore, #tpu.memory_space<semaphore_mem>>
        %dma_start3A_71 = tpu.memref_slice %arg3[%add3A_65] : memref<3211264xi32, #tpu.memory_space<hbm>> -> memref<128xi32, #tpu.memory_space<hbm>>
        %dma_start3A_72 = tpu.memref_slice %arg3[%add3A_65] : memref<3211264xi32, #tpu.memory_space<hbm>> -> memref<128xi32, #tpu.memory_space<hbm>>
        tpu.enqueue_dma source(%dma_start3A_72 : memref<128xi32, #tpu.memory_space<hbm>>) target(%arg7 : memref<128xi32, #tpu.memory_space<vmem>>) target_semaphore(%run_scoped3A_70 : memref<!tpu.dma_semaphore, #tpu.memory_space<semaphore_mem>>)
        %dma_wait3A_73 = tpu.memref_slice %arg3[%add3A_65] : memref<3211264xi32, #tpu.memory_space<hbm>> -> memref<128xi32, #tpu.memory_space<hbm>>
        %dma_wait3A_74 = tpu.memref_slice %arg3[%add3A_65] : memref<3211264xi32, #tpu.memory_space<hbm>> -> memref<128xi32, #tpu.memory_space<hbm>>
        tpu.wait_dma2 semaphore(%run_scoped3A_70 : memref<!tpu.dma_semaphore, #tpu.memory_space<semaphore_mem>>) src(%dma_wait3A_74 : memref<128xi32, #tpu.memory_space<hbm>>) dst(%arg7 : memref<128xi32, #tpu.memory_space<vmem>>)
        tpu.yield
      }) : () -> ()
      "tpu.region"() ({
        %run_scoped3A_70 = tpu.sem_alloc : memref<!tpu.dma_semaphore, #tpu.memory_space<semaphore_mem>>
        %dma_start3A_71 = tpu.memref_slice %arg4[%add3A_63] : memref<802816xi32, #tpu.memory_space<hbm>> -> memref<128xi32, #tpu.memory_space<hbm>>
        %dma_start3A_72 = tpu.memref_slice %arg4[%add3A_63] : memref<802816xi32, #tpu.memory_space<hbm>> -> memref<128xi32, #tpu.memory_space<hbm>>
        tpu.enqueue_dma source(%dma_start3A_72 : memref<128xi32, #tpu.memory_space<hbm>>) target(%arg8 : memref<128xi32, #tpu.memory_space<vmem>>) target_semaphore(%run_scoped3A_70 : memref<!tpu.dma_semaphore, #tpu.memory_space<semaphore_mem>>)
        %dma_wait3A_73 = tpu.memref_slice %arg4[%add3A_63] : memref<802816xi32, #tpu.memory_space<hbm>> -> memref<128xi32, #tpu.memory_space<hbm>>
        %dma_wait3A_74 = tpu.memref_slice %arg4[%add3A_63] : memref<802816xi32, #tpu.memory_space<hbm>> -> memref<128xi32, #tpu.memory_space<hbm>>
        tpu.wait_dma2 semaphore(%run_scoped3A_70 : memref<!tpu.dma_semaphore, #tpu.memory_space<semaphore_mem>>) src(%dma_wait3A_74 : memref<128xi32, #tpu.memory_space<hbm>>) dst(%arg8 : memref<128xi32, #tpu.memory_space<vmem>>)
        tpu.yield
      }) : () -> ()
      %dma_start3A = arith.constant 0 : i32
      %dma_start3A_66 = arith.constant 0 : i32
      %dma_start3A_67 = tpu.memref_slice %arg2[%dma_start3A, %dma_start3A_66] : memref<200000x32xf32, #tpu.memory_space<hbm>> -> memref<200000x32xf32, #tpu.memory_space<hbm>>
      tpu.enqueue_indirect_dma source(%dma_start3A_67 : memref<200000x32xf32, #tpu.memory_space<hbm>>) target(%arg9 : memref<128x32xf32, #tpu.memory_space<vmem>>) offsets(%arg7 : memref<128xi32, #tpu.memory_space<vmem>>) semaphore(%arg11 : memref<!tpu.dma_semaphore, #tpu.memory_space<semaphore_mem>>)
      %dma_wait3A = arith.constant 0 : i32
      %dma_wait3A_68 = arith.constant 0 : i32
      %dma_wait3A_69 = tpu.memref_slice %arg2[%dma_wait3A, %dma_wait3A_68] : memref<200000x32xf32, #tpu.memory_space<hbm>> -> memref<200000x32xf32, #tpu.memory_space<hbm>>
      tpu.wait_indirect_dma semaphore(%arg11 : memref<!tpu.dma_semaphore, #tpu.memory_space<semaphore_mem>>) src(%dma_wait3A_69 : memref<200000x32xf32, #tpu.memory_space<hbm>>) dst(%arg9 : memref<128x32xf32, #tpu.memory_space<vmem>>)
      "tpu.region"() ({
        %run_scoped3A_70 = tpu.sem_alloc : memref<!tpu.dma_semaphore, #tpu.memory_space<semaphore_mem>>
        %dma_start3A_71 = arith.constant 0 : i32
        %dma_start3A_72 = arith.constant 0 : i32
        %dma_start3A_73 = tpu.memref_slice %arg10[%dma_start3A_71, %dma_start3A_72] : memref<50048x32xf32, #tpu.memory_space<vmem_shared>> -> memref<50048x32xf32, #tpu.memory_space<vmem_shared>>
        tpu.enqueue_indirect_dma source(%arg9 : memref<128x32xf32, #tpu.memory_space<vmem>>) target(%dma_start3A_73 : memref<50048x32xf32, #tpu.memory_space<vmem_shared>>) offsets(%arg8 : memref<128xi32, #tpu.memory_space<vmem>>) semaphore(%run_scoped3A_70 : memref<!tpu.dma_semaphore, #tpu.memory_space<semaphore_mem>>) {add = true}
        %dma_wait3A_74 = arith.constant 0 : i32
        %dma_wait3A_75 = arith.constant 0 : i32
        %dma_wait3A_76 = tpu.memref_slice %arg10[%dma_wait3A_74, %dma_wait3A_75] : memref<50048x32xf32, #tpu.memory_space<vmem_shared>> -> memref<50048x32xf32, #tpu.memory_space<vmem_shared>>
        tpu.wait_indirect_dma semaphore(%run_scoped3A_70 : memref<!tpu.dma_semaphore, #tpu.memory_space<semaphore_mem>>) src(%arg9 : memref<128x32xf32, #tpu.memory_space<vmem>>) dst(%dma_wait3A_76 : memref<50048x32xf32, #tpu.memory_space<vmem_shared>>)
        tpu.yield
      }) : () -> ()
    }
    %scan3A_36 = arith.constant 196 : i32
    %barrier3A_37 = arith.constant 0 : index
    tpu.barrier barrier_id(%barrier3A_37)
    %mul3A_38 = arith.constant 3128 : i32
    %mul3A_39 = arith.muli %arg1, %mul3A_38 : i32
    %mul3A_40 = arith.constant 3128 : i32
    %mul3A_41 = arith.muli %arg1, %mul3A_40 : i32
    %run_scoped3A_42 = arith.constant 2 : i32
    "tpu.region"() ({
      %run_scoped3A_58 = tpu.sem_alloc : memref<!tpu.dma_semaphore, #tpu.memory_space<semaphore_mem>>
      %dma_start3A = arith.constant 0 : i32
      %dma_start3A_59 = tpu.memref_slice %arg6[%arg0, %mul3A_41, %run_scoped3A_42, %dma_start3A] : memref<2x50048x4x32xf32, #tpu.memory_space<hbm>> -> memref<1x3128x1x32xf32, #tpu.memory_space<hbm>>
      %dma_start3A_60 = tpu.memref_squeeze %dma_start3A_59 : memref<1x3128x1x32xf32, #tpu.memory_space<hbm>> -> memref<3128x32xf32, #tpu.memory_space<hbm>>
      %dma_start3A_61 = arith.constant 0 : i32
      %dma_start3A_62 = tpu.memref_slice %arg10[%mul3A_39, %dma_start3A_61] : memref<50048x32xf32, #tpu.memory_space<vmem_shared>> -> memref<3128x32xf32, #tpu.memory_space<vmem_shared>>
      tpu.enqueue_dma source(%dma_start3A_62 : memref<3128x32xf32, #tpu.memory_space<vmem_shared>>) target(%dma_start3A_60 : memref<3128x32xf32, #tpu.memory_space<hbm>>) target_semaphore(%run_scoped3A_58 : memref<!tpu.dma_semaphore, #tpu.memory_space<semaphore_mem>>)
      %dma_wait3A = arith.constant 0 : i32
      %dma_wait3A_63 = tpu.memref_slice %arg6[%arg0, %mul3A_41, %run_scoped3A_42, %dma_wait3A] : memref<2x50048x4x32xf32, #tpu.memory_space<hbm>> -> memref<1x3128x1x32xf32, #tpu.memory_space<hbm>>
      %dma_wait3A_64 = tpu.memref_squeeze %dma_wait3A_63 : memref<1x3128x1x32xf32, #tpu.memory_space<hbm>> -> memref<3128x32xf32, #tpu.memory_space<hbm>>
      %dma_wait3A_65 = arith.constant 0 : i32
      %dma_wait3A_66 = tpu.memref_slice %arg10[%mul3A_39, %dma_wait3A_65] : memref<50048x32xf32, #tpu.memory_space<vmem_shared>> -> memref<3128x32xf32, #tpu.memory_space<vmem_shared>>
      tpu.wait_dma2 semaphore(%run_scoped3A_58 : memref<!tpu.dma_semaphore, #tpu.memory_space<semaphore_mem>>) src(%dma_wait3A_66 : memref<3128x32xf32, #tpu.memory_space<vmem_shared>>) dst(%dma_wait3A_64 : memref<3128x32xf32, #tpu.memory_space<hbm>>)
      tpu.yield
    }) : () -> ()
    %mul3A_43 = arith.constant 3128 : i32
    %mul3A_44 = arith.muli %arg1, %mul3A_43 : i32
    "tpu.region"() ({
      %run_scoped3A_58 = tpu.sem_alloc : memref<!tpu.dma_semaphore, #tpu.memory_space<semaphore_mem>>
      %dma_start3A = arith.constant 0 : i32
      %dma_start3A_59 = tpu.memref_slice %arg10[%mul3A_44, %dma_start3A] : memref<50048x32xf32, #tpu.memory_space<vmem_shared>> -> memref<3128x32xf32, #tpu.memory_space<vmem_shared>>
      tpu.enqueue_dma source(%arg5 : memref<3128x32xf32, #tpu.memory_space<hbm>>) target(%dma_start3A_59 : memref<3128x32xf32, #tpu.memory_space<vmem_shared>>) target_semaphore(%run_scoped3A_58 : memref<!tpu.dma_semaphore, #tpu.memory_space<semaphore_mem>>)
      %dma_wait3A = arith.constant 0 : i32
      %dma_wait3A_60 = tpu.memref_slice %arg10[%mul3A_44, %dma_wait3A] : memref<50048x32xf32, #tpu.memory_space<vmem_shared>> -> memref<3128x32xf32, #tpu.memory_space<vmem_shared>>
      tpu.wait_dma2 semaphore(%run_scoped3A_58 : memref<!tpu.dma_semaphore, #tpu.memory_space<semaphore_mem>>) src(%arg5 : memref<3128x32xf32, #tpu.memory_space<hbm>>) dst(%dma_wait3A_60 : memref<3128x32xf32, #tpu.memory_space<vmem_shared>>)
      tpu.yield
    }) : () -> ()
    %barrier3A_45 = arith.constant 0 : index
    tpu.barrier barrier_id(%barrier3A_45)
    %scan3A_46 = arith.constant 0 : i32
    %scan3A_47 = arith.constant 0 : i32
    %scan3A_48 = arith.constant 196 : i32
    %scan3A_49 = arith.addi %scan3A_47, %scan3A_48 : i32
    %scan3A_50 = arith.constant 1 : i32
    scf.for %scan3A_58 = %scan3A_47 to %scan3A_49 step %scan3A_50  : i32 {
      %mul3A_59 = arith.constant 25088 : i32
      %mul3A_60 = arith.muli %add3A, %mul3A_59 : i32
      %mul3A_61 = arith.constant 128 : i32
      %mul3A_62 = arith.muli %scan3A_58, %mul3A_61 : i32
      %add3A_63 = arith.addi %mul3A_60, %mul3A_62 : i32
      %add3A_64 = arith.constant 2408448 : i32
      %add3A_65 = arith.addi %add3A_64, %add3A_63 : i32
      "tpu.region"() ({
        %run_scoped3A_70 = tpu.sem_alloc : memref<!tpu.dma_semaphore, #tpu.memory_space<semaphore_mem>>
        %dma_start3A_71 = tpu.memref_slice %arg3[%add3A_65] : memref<3211264xi32, #tpu.memory_space<hbm>> -> memref<128xi32, #tpu.memory_space<hbm>>
        %dma_start3A_72 = tpu.memref_slice %arg3[%add3A_65] : memref<3211264xi32, #tpu.memory_space<hbm>> -> memref<128xi32, #tpu.memory_space<hbm>>
        tpu.enqueue_dma source(%dma_start3A_72 : memref<128xi32, #tpu.memory_space<hbm>>) target(%arg7 : memref<128xi32, #tpu.memory_space<vmem>>) target_semaphore(%run_scoped3A_70 : memref<!tpu.dma_semaphore, #tpu.memory_space<semaphore_mem>>)
        %dma_wait3A_73 = tpu.memref_slice %arg3[%add3A_65] : memref<3211264xi32, #tpu.memory_space<hbm>> -> memref<128xi32, #tpu.memory_space<hbm>>
        %dma_wait3A_74 = tpu.memref_slice %arg3[%add3A_65] : memref<3211264xi32, #tpu.memory_space<hbm>> -> memref<128xi32, #tpu.memory_space<hbm>>
        tpu.wait_dma2 semaphore(%run_scoped3A_70 : memref<!tpu.dma_semaphore, #tpu.memory_space<semaphore_mem>>) src(%dma_wait3A_74 : memref<128xi32, #tpu.memory_space<hbm>>) dst(%arg7 : memref<128xi32, #tpu.memory_space<vmem>>)
        tpu.yield
      }) : () -> ()
      "tpu.region"() ({
        %run_scoped3A_70 = tpu.sem_alloc : memref<!tpu.dma_semaphore, #tpu.memory_space<semaphore_mem>>
        %dma_start3A_71 = tpu.memref_slice %arg4[%add3A_63] : memref<802816xi32, #tpu.memory_space<hbm>> -> memref<128xi32, #tpu.memory_space<hbm>>
        %dma_start3A_72 = tpu.memref_slice %arg4[%add3A_63] : memref<802816xi32, #tpu.memory_space<hbm>> -> memref<128xi32, #tpu.memory_space<hbm>>
        tpu.enqueue_dma source(%dma_start3A_72 : memref<128xi32, #tpu.memory_space<hbm>>) target(%arg8 : memref<128xi32, #tpu.memory_space<vmem>>) target_semaphore(%run_scoped3A_70 : memref<!tpu.dma_semaphore, #tpu.memory_space<semaphore_mem>>)
        %dma_wait3A_73 = tpu.memref_slice %arg4[%add3A_63] : memref<802816xi32, #tpu.memory_space<hbm>> -> memref<128xi32, #tpu.memory_space<hbm>>
        %dma_wait3A_74 = tpu.memref_slice %arg4[%add3A_63] : memref<802816xi32, #tpu.memory_space<hbm>> -> memref<128xi32, #tpu.memory_space<hbm>>
        tpu.wait_dma2 semaphore(%run_scoped3A_70 : memref<!tpu.dma_semaphore, #tpu.memory_space<semaphore_mem>>) src(%dma_wait3A_74 : memref<128xi32, #tpu.memory_space<hbm>>) dst(%arg8 : memref<128xi32, #tpu.memory_space<vmem>>)
        tpu.yield
      }) : () -> ()
      %dma_start3A = arith.constant 0 : i32
      %dma_start3A_66 = arith.constant 0 : i32
      %dma_start3A_67 = tpu.memref_slice %arg2[%dma_start3A, %dma_start3A_66] : memref<200000x32xf32, #tpu.memory_space<hbm>> -> memref<200000x32xf32, #tpu.memory_space<hbm>>
      tpu.enqueue_indirect_dma source(%dma_start3A_67 : memref<200000x32xf32, #tpu.memory_space<hbm>>) target(%arg9 : memref<128x32xf32, #tpu.memory_space<vmem>>) offsets(%arg7 : memref<128xi32, #tpu.memory_space<vmem>>) semaphore(%arg11 : memref<!tpu.dma_semaphore, #tpu.memory_space<semaphore_mem>>)
      %dma_wait3A = arith.constant 0 : i32
      %dma_wait3A_68 = arith.constant 0 : i32
      %dma_wait3A_69 = tpu.memref_slice %arg2[%dma_wait3A, %dma_wait3A_68] : memref<200000x32xf32, #tpu.memory_space<hbm>> -> memref<200000x32xf32, #tpu.memory_space<hbm>>
      tpu.wait_indirect_dma semaphore(%arg11 : memref<!tpu.dma_semaphore, #tpu.memory_space<semaphore_mem>>) src(%dma_wait3A_69 : memref<200000x32xf32, #tpu.memory_space<hbm>>) dst(%arg9 : memref<128x32xf32, #tpu.memory_space<vmem>>)
      "tpu.region"() ({
        %run_scoped3A_70 = tpu.sem_alloc : memref<!tpu.dma_semaphore, #tpu.memory_space<semaphore_mem>>
        %dma_start3A_71 = arith.constant 0 : i32
        %dma_start3A_72 = arith.constant 0 : i32
        %dma_start3A_73 = tpu.memref_slice %arg10[%dma_start3A_71, %dma_start3A_72] : memref<50048x32xf32, #tpu.memory_space<vmem_shared>> -> memref<50048x32xf32, #tpu.memory_space<vmem_shared>>
        tpu.enqueue_indirect_dma source(%arg9 : memref<128x32xf32, #tpu.memory_space<vmem>>) target(%dma_start3A_73 : memref<50048x32xf32, #tpu.memory_space<vmem_shared>>) offsets(%arg8 : memref<128xi32, #tpu.memory_space<vmem>>) semaphore(%run_scoped3A_70 : memref<!tpu.dma_semaphore, #tpu.memory_space<semaphore_mem>>) {add = true}
        %dma_wait3A_74 = arith.constant 0 : i32
        %dma_wait3A_75 = arith.constant 0 : i32
        %dma_wait3A_76 = tpu.memref_slice %arg10[%dma_wait3A_74, %dma_wait3A_75] : memref<50048x32xf32, #tpu.memory_space<vmem_shared>> -> memref<50048x32xf32, #tpu.memory_space<vmem_shared>>
        tpu.wait_indirect_dma semaphore(%run_scoped3A_70 : memref<!tpu.dma_semaphore, #tpu.memory_space<semaphore_mem>>) src(%arg9 : memref<128x32xf32, #tpu.memory_space<vmem>>) dst(%dma_wait3A_76 : memref<50048x32xf32, #tpu.memory_space<vmem_shared>>)
        tpu.yield
      }) : () -> ()
    }
    %scan3A_51 = arith.constant 196 : i32
    %barrier3A_52 = arith.constant 0 : index
    tpu.barrier barrier_id(%barrier3A_52)
    %mul3A_53 = arith.constant 3128 : i32
    %mul3A_54 = arith.muli %arg1, %mul3A_53 : i32
    %mul3A_55 = arith.constant 3128 : i32
    %mul3A_56 = arith.muli %arg1, %mul3A_55 : i32
    %run_scoped3A_57 = arith.constant 3 : i32
    "tpu.region"() ({
      %run_scoped3A_58 = tpu.sem_alloc : memref<!tpu.dma_semaphore, #tpu.memory_space<semaphore_mem>>
      %dma_start3A = arith.constant 0 : i32
      %dma_start3A_59 = tpu.memref_slice %arg6[%arg0, %mul3A_56, %run_scoped3A_57, %dma_start3A] : memref<2x50048x4x32xf32, #tpu.memory_space<hbm>> -> memref<1x3128x1x32xf32, #tpu.memory_space<hbm>>
      %dma_start3A_60 = tpu.memref_squeeze %dma_start3A_59 : memref<1x3128x1x32xf32, #tpu.memory_space<hbm>> -> memref<3128x32xf32, #tpu.memory_space<hbm>>
      %dma_start3A_61 = arith.constant 0 : i32
      %dma_start3A_62 = tpu.memref_slice %arg10[%mul3A_54, %dma_start3A_61] : memref<50048x32xf32, #tpu.memory_space<vmem_shared>> -> memref<3128x32xf32, #tpu.memory_space<vmem_shared>>
      tpu.enqueue_dma source(%dma_start3A_62 : memref<3128x32xf32, #tpu.memory_space<vmem_shared>>) target(%dma_start3A_60 : memref<3128x32xf32, #tpu.memory_space<hbm>>) target_semaphore(%run_scoped3A_58 : memref<!tpu.dma_semaphore, #tpu.memory_space<semaphore_mem>>)
      %dma_wait3A = arith.constant 0 : i32
      %dma_wait3A_63 = tpu.memref_slice %arg6[%arg0, %mul3A_56, %run_scoped3A_57, %dma_wait3A] : memref<2x50048x4x32xf32, #tpu.memory_space<hbm>> -> memref<1x3128x1x32xf32, #tpu.memory_space<hbm>>
      %dma_wait3A_64 = tpu.memref_squeeze %dma_wait3A_63 : memref<1x3128x1x32xf32, #tpu.memory_space<hbm>> -> memref<3128x32xf32, #tpu.memory_space<hbm>>
      %dma_wait3A_65 = arith.constant 0 : i32
      %dma_wait3A_66 = tpu.memref_slice %arg10[%mul3A_54, %dma_wait3A_65] : memref<50048x32xf32, #tpu.memory_space<vmem_shared>> -> memref<3128x32xf32, #tpu.memory_space<vmem_shared>>
      tpu.wait_dma2 semaphore(%run_scoped3A_58 : memref<!tpu.dma_semaphore, #tpu.memory_space<semaphore_mem>>) src(%dma_wait3A_66 : memref<3128x32xf32, #tpu.memory_space<vmem_shared>>) dst(%dma_wait3A_64 : memref<3128x32xf32, #tpu.memory_space<hbm>>)
      tpu.yield
    }) : () -> ()
    return
  }
}

module attributes {stable_mosaic.version = 14 : i64} {
  func.func @kern(%arg0: i32, %arg1: memref<1000x16xf32, #tpu.memory_space<vmem>>, %arg2: memref<16x128xf32, #tpu.memory_space<vmem>>, %arg3: memref<128x128xf32, #tpu.memory_space<vmem>>, %arg4: memref<1x128xf32, #tpu.memory_space<vmem>>, %arg5: memref<1000x128xf32, #tpu.memory_space<vmem>>) attributes {dimension_semantics = [#tpu.dimension_semantics<arbitrary>], iteration_bounds = array<i64: 50>, scalar_prefetch = 0 : i64, scratch_operands = 0 : i64, tpu.core_type = #tpu.core_type<tc>, window_params = [{transform_indices = @transform_0, window_bounds = array<i64: 1000, 16>}, {pipeline_mode = #tpu.pipeline_mode<synchronous>, transform_indices = @transform_1, window_bounds = array<i64: 16, 128>}, {pipeline_mode = #tpu.pipeline_mode<synchronous>, transform_indices = @transform_2, window_bounds = array<i64: 128, 128>}, {pipeline_mode = #tpu.pipeline_mode<synchronous>, transform_indices = @transform_3, window_bounds = array<i64: 1, 128>}, {transform_indices = @transform_4, window_bounds = array<i64: 1000, 128>}]} {
    %get3A = arith.constant 0 : index
    %get3A_0 = arith.constant 0 : index
    %get3A_1 = vector.load %arg1[%get3A, %get3A_0] : memref<1000x16xf32, #tpu.memory_space<vmem>>, vector<1000x16xf32>
    %get3A_2 = arith.constant 0 : index
    %get3A_3 = arith.constant 0 : index
    %get3A_4 = vector.load %arg2[%get3A_2, %get3A_3] : memref<16x128xf32, #tpu.memory_space<vmem>>, vector<16x128xf32>
    %dot_general3A = arith.constant dense<0.000000e+00> : vector<1000x128xf32>
    %dot_general3A_5 = tpu.matmul %get3A_1, %get3A_4, %dot_general3A {dimension_numbers = #tpu.dot_dimension_numbers<[1], [0], [0], [1], [0, 0, 1, 1], [], []>, precision = #tpu.contract_precision<fp32>, transpose_lhs_hint = false} : vector<1000x16xf32>, vector<16x128xf32>, vector<1000x128xf32> -> vector<1000x128xf32>
    %broadcast_in_dim3A = arith.constant 1.000000e+00 : f32
    %broadcast_in_dim3A_6 = vector.broadcast %broadcast_in_dim3A : f32 to vector<1000x1xf32>
    %concatenate3A = tpu.concatenate %dot_general3A_5, %broadcast_in_dim3A_6 in 1 : vector<1000x128xf32>, vector<1000x1xf32> -> vector<1000x129xf32>
    %get3A_7 = arith.constant 0 : index
    %get3A_8 = arith.constant 0 : index
    %get3A_9 = vector.load %arg3[%get3A_7, %get3A_8] : memref<128x128xf32, #tpu.memory_space<vmem>>, vector<128x128xf32>
    %get3A_10 = arith.constant 0 : index
    %get3A_11 = arith.constant 0 : index
    %get3A_12 = vector.load %arg4[%get3A_10, %get3A_11] : memref<1x128xf32, #tpu.memory_space<vmem>>, vector<1x128xf32>
    %concatenate3A_13 = tpu.concatenate %get3A_9, %get3A_12 in 0 : vector<128x128xf32>, vector<1x128xf32> -> vector<129x128xf32>
    %dot_general3A_14 = arith.constant dense<0.000000e+00> : vector<1000x128xf32>
    %dot_general3A_15 = tpu.matmul %concatenate3A, %concatenate3A_13, %dot_general3A_14 {dimension_numbers = #tpu.dot_dimension_numbers<[1], [0], [0], [1], [0, 0, 1, 1], [], []>, precision = #tpu.contract_precision<fp32>, transpose_lhs_hint = false} : vector<1000x129xf32>, vector<129x128xf32>, vector<1000x128xf32> -> vector<1000x128xf32>
    %swap3A = arith.constant 0 : index
    %swap3A_16 = arith.constant 0 : index
    %swap3A_17 = vector.load %arg5[%swap3A, %swap3A_16] : memref<1000x128xf32, #tpu.memory_space<vmem>>, vector<1000x128xf32>
    tpu.vector_store %arg5[%swap3A, %swap3A_16], %dot_general3A_15 {strides = array<i32>} : memref<1000x128xf32, #tpu.memory_space<vmem>>, vector<1000x128xf32>,
    return
  }
  func.func @transform_0(%arg0: i32) -> (i32, i32) {
    %c0_i32 = arith.constant 0 : i32
    %c0_i32_0 = arith.constant 0 : i32
    return %arg0, %c0_i32 : i32, i32
  }
  func.func @transform_1(%arg0: i32) -> (i32, i32) {
    %c0_i32 = arith.constant 0 : i32
    %c0_i32_0 = arith.constant 0 : i32
    %c0_i32_1 = arith.constant 0 : i32
    return %c0_i32, %c0_i32_0 : i32, i32
  }
  func.func @transform_2(%arg0: i32) -> (i32, i32) {
    %c0_i32 = arith.constant 0 : i32
    %c0_i32_0 = arith.constant 0 : i32
    %c0_i32_1 = arith.constant 0 : i32
    return %c0_i32, %c0_i32_0 : i32, i32
  }
  func.func @transform_3(%arg0: i32) -> (i32, i32) {
    %c0_i32 = arith.constant 0 : i32
    %c0_i32_0 = arith.constant 0 : i32
    %c0_i32_1 = arith.constant 0 : i32
    return %c0_i32, %c0_i32_0 : i32, i32
  }
  func.func @transform_4(%arg0: i32) -> (i32, i32) {
    %c0_i32 = arith.constant 0 : i32
    %c0_i32_0 = arith.constant 0 : i32
    return %arg0, %c0_i32 : i32, i32
  }
}

module attributes {stable_mosaic.version = 14 : i64} {
  func.func @kern(%arg0: i32, %arg1: memref<1000x128xf32, #tpu.memory_space<vmem>>, %arg2: memref<1x128xf32, #tpu.memory_space<vmem>>, %arg3: memref<1x128xf32, #tpu.memory_space<vmem>>, %arg4: memref<1x128xf32, #tpu.memory_space<vmem>>, %arg5: memref<1x128xf32, #tpu.memory_space<vmem>>, %arg6: memref<1x128xf32, #tpu.memory_space<vmem>>, %arg7: memref<1000x128xf32, #tpu.memory_space<vmem>>) attributes {dimension_semantics = [#tpu.dimension_semantics<arbitrary>], iteration_bounds = array<i64: 50>, scalar_prefetch = 0 : i64, scratch_operands = 0 : i64, tpu.core_type = #tpu.core_type<tc>, window_params = [{transform_indices = @transform_0, window_bounds = array<i64: 1000, 128>}, {pipeline_mode = #tpu.pipeline_mode<synchronous>, transform_indices = @transform_1, window_bounds = array<i64: 1, 128>}, {pipeline_mode = #tpu.pipeline_mode<synchronous>, transform_indices = @transform_2, window_bounds = array<i64: 1, 128>}, {pipeline_mode = #tpu.pipeline_mode<synchronous>, transform_indices = @transform_3, window_bounds = array<i64: 1, 128>}, {pipeline_mode = #tpu.pipeline_mode<synchronous>, transform_indices = @transform_4, window_bounds = array<i64: 1, 128>}, {pipeline_mode = #tpu.pipeline_mode<synchronous>, transform_indices = @transform_5, window_bounds = array<i64: 1, 128>}, {transform_indices = @transform_6, window_bounds = array<i64: 1000, 128>}]} {
    %get3A = arith.constant 0 : index
    %get3A_0 = arith.constant 0 : index
    %get3A_1 = vector.load %arg5[%get3A, %get3A_0] : memref<1x128xf32, #tpu.memory_space<vmem>>, vector<1x128xf32>
    %get3A_2 = arith.constant 0 : index
    %get3A_3 = arith.constant 0 : index
    %get3A_4 = vector.load %arg1[%get3A_2, %get3A_3] : memref<1000x128xf32, #tpu.memory_space<vmem>>, vector<1000x128xf32>
    %get3A_5 = arith.constant 0 : index
    %get3A_6 = arith.constant 0 : index
    %get3A_7 = vector.load %arg4[%get3A_5, %get3A_6] : memref<1x128xf32, #tpu.memory_space<vmem>>, vector<1x128xf32>
    %get3A_8 = arith.constant 0 : index
    %get3A_9 = arith.constant 0 : index
    %get3A_10 = vector.load %arg2[%get3A_8, %get3A_9] : memref<1x128xf32, #tpu.memory_space<vmem>>, vector<1x128xf32>
    %mul3A = arith.mulf %get3A_7, %get3A_10 : vector<1x128xf32>
    %sub3A = vector.broadcast %mul3A : vector<1x128xf32> to vector<1000x128xf32>
    %sub3A_11 = arith.subf %get3A_4, %sub3A : vector<1000x128xf32>
    %mul3A_12 = vector.broadcast %get3A_1 : vector<1x128xf32> to vector<1000x128xf32>
    %mul3A_13 = arith.mulf %mul3A_12, %sub3A_11 : vector<1000x128xf32>
    %get3A_14 = arith.constant 0 : index
    %get3A_15 = arith.constant 0 : index
    %get3A_16 = vector.load %arg3[%get3A_14, %get3A_15] : memref<1x128xf32, #tpu.memory_space<vmem>>, vector<1x128xf32>
    %div3A = vector.broadcast %get3A_16 : vector<1x128xf32> to vector<1000x128xf32>
    %div3A_17 = arith.divf %mul3A_13, %div3A : vector<1000x128xf32>
    %get3A_18 = arith.constant 0 : index
    %get3A_19 = arith.constant 0 : index
    %get3A_20 = vector.load %arg6[%get3A_18, %get3A_19] : memref<1x128xf32, #tpu.memory_space<vmem>>, vector<1x128xf32>
    %add3A = vector.broadcast %get3A_20 : vector<1x128xf32> to vector<1000x128xf32>
    %add3A_21 = arith.addf %div3A_17, %add3A : vector<1000x128xf32>
    %ge3A = arith.constant 0.000000e+00 : f32
    %ge3A_22 = vector.broadcast %ge3A : f32 to vector<1000x128xf32>
    %ge3A_23 = arith.cmpf oge, %add3A_21, %ge3A_22 : vector<1000x128xf32>
    %mul3A_24 = arith.constant 2.000000e-01 : f32
    %mul3A_25 = vector.broadcast %mul3A_24 : f32 to vector<1000x128xf32>
    %mul3A_26 = arith.mulf %mul3A_25, %add3A_21 : vector<1000x128xf32>
    %select_n3A = arith.select %ge3A_23, %add3A_21, %mul3A_26 : vector<1000x128xi1>, vector<1000x128xf32>
    %swap3A = arith.constant 0 : index
    %swap3A_27 = arith.constant 0 : index
    %swap3A_28 = vector.load %arg7[%swap3A, %swap3A_27] : memref<1000x128xf32, #tpu.memory_space<vmem>>, vector<1000x128xf32>
    tpu.vector_store %arg7[%swap3A, %swap3A_27], %select_n3A {strides = array<i32>} : memref<1000x128xf32, #tpu.memory_space<vmem>>, vector<1000x128xf32>,
    return
  }
  func.func @transform_0(%arg0: i32) -> (i32, i32) {
    %c0_i32 = arith.constant 0 : i32
    %c0_i32_0 = arith.constant 0 : i32
    return %arg0, %c0_i32 : i32, i32
  }
  func.func @transform_1(%arg0: i32) -> (i32, i32) {
    %c0_i32 = arith.constant 0 : i32
    %c0_i32_0 = arith.constant 0 : i32
    %c0_i32_1 = arith.constant 0 : i32
    return %c0_i32, %c0_i32_0 : i32, i32
  }
  func.func @transform_2(%arg0: i32) -> (i32, i32) {
    %c0_i32 = arith.constant 0 : i32
    %c0_i32_0 = arith.constant 0 : i32
    %c0_i32_1 = arith.constant 0 : i32
    return %c0_i32, %c0_i32_0 : i32, i32
  }
  func.func @transform_3(%arg0: i32) -> (i32, i32) {
    %c0_i32 = arith.constant 0 : i32
    %c0_i32_0 = arith.constant 0 : i32
    %c0_i32_1 = arith.constant 0 : i32
    return %c0_i32, %c0_i32_0 : i32, i32
  }
  func.func @transform_4(%arg0: i32) -> (i32, i32) {
    %c0_i32 = arith.constant 0 : i32
    %c0_i32_0 = arith.constant 0 : i32
    %c0_i32_1 = arith.constant 0 : i32
    return %c0_i32, %c0_i32_0 : i32, i32
  }
  func.func @transform_5(%arg0: i32) -> (i32, i32) {
    %c0_i32 = arith.constant 0 : i32
    %c0_i32_0 = arith.constant 0 : i32
    %c0_i32_1 = arith.constant 0 : i32
    return %c0_i32, %c0_i32_0 : i32, i32
  }
  func.func @transform_6(%arg0: i32) -> (i32, i32) {
    %c0_i32 = arith.constant 0 : i32
    %c0_i32_0 = arith.constant 0 : i32
    return %arg0, %c0_i32 : i32, i32
  }
}

module attributes {stable_mosaic.version = 14 : i64} {
  func.func @kern(%arg0: i32, %arg1: memref<1000x128xf32, #tpu.memory_space<vmem>>, %arg2: memref<128x128xf32, #tpu.memory_space<vmem>>, %arg3: memref<1x128xf32, #tpu.memory_space<vmem>>, %arg4: memref<1000x128xf32, #tpu.memory_space<vmem>>) attributes {dimension_semantics = [#tpu.dimension_semantics<arbitrary>], iteration_bounds = array<i64: 50>, scalar_prefetch = 0 : i64, scratch_operands = 0 : i64, tpu.core_type = #tpu.core_type<tc>, window_params = [{transform_indices = @transform_0, window_bounds = array<i64: 1000, 128>}, {pipeline_mode = #tpu.pipeline_mode<synchronous>, transform_indices = @transform_1, window_bounds = array<i64: 128, 128>}, {pipeline_mode = #tpu.pipeline_mode<synchronous>, transform_indices = @transform_2, window_bounds = array<i64: 1, 128>}, {transform_indices = @transform_3, window_bounds = array<i64: 1000, 128>}]} {
    %get3A = arith.constant 0 : index
    %get3A_0 = arith.constant 0 : index
    %get3A_1 = vector.load %arg1[%get3A, %get3A_0] : memref<1000x128xf32, #tpu.memory_space<vmem>>, vector<1000x128xf32>
    %broadcast_in_dim3A = arith.constant 1.000000e+00 : f32
    %broadcast_in_dim3A_2 = vector.broadcast %broadcast_in_dim3A : f32 to vector<1000x1xf32>
    %concatenate3A = tpu.concatenate %get3A_1, %broadcast_in_dim3A_2 in 1 : vector<1000x128xf32>, vector<1000x1xf32> -> vector<1000x129xf32>
    %get3A_3 = arith.constant 0 : index
    %get3A_4 = arith.constant 0 : index
    %get3A_5 = vector.load %arg2[%get3A_3, %get3A_4] : memref<128x128xf32, #tpu.memory_space<vmem>>, vector<128x128xf32>
    %get3A_6 = arith.constant 0 : index
    %get3A_7 = arith.constant 0 : index
    %get3A_8 = vector.load %arg3[%get3A_6, %get3A_7] : memref<1x128xf32, #tpu.memory_space<vmem>>, vector<1x128xf32>
    %concatenate3A_9 = tpu.concatenate %get3A_5, %get3A_8 in 0 : vector<128x128xf32>, vector<1x128xf32> -> vector<129x128xf32>
    %dot_general3A = arith.constant dense<0.000000e+00> : vector<1000x128xf32>
    %dot_general3A_10 = tpu.matmul %concatenate3A, %concatenate3A_9, %dot_general3A {dimension_numbers = #tpu.dot_dimension_numbers<[1], [0], [0], [1], [0, 0, 1, 1], [], []>, precision = #tpu.contract_precision<fp32>, transpose_lhs_hint = false} : vector<1000x129xf32>, vector<129x128xf32>, vector<1000x128xf32> -> vector<1000x128xf32>
    %swap3A = arith.constant 0 : index
    %swap3A_11 = arith.constant 0 : index
    %swap3A_12 = vector.load %arg4[%swap3A, %swap3A_11] : memref<1000x128xf32, #tpu.memory_space<vmem>>, vector<1000x128xf32>
    tpu.vector_store %arg4[%swap3A, %swap3A_11], %dot_general3A_10 {strides = array<i32>} : memref<1000x128xf32, #tpu.memory_space<vmem>>, vector<1000x128xf32>,
    return
  }
  func.func @transform_0(%arg0: i32) -> (i32, i32) {
    %c0_i32 = arith.constant 0 : i32
    %c0_i32_0 = arith.constant 0 : i32
    return %arg0, %c0_i32 : i32, i32
  }
  func.func @transform_1(%arg0: i32) -> (i32, i32) {
    %c0_i32 = arith.constant 0 : i32
    %c0_i32_0 = arith.constant 0 : i32
    %c0_i32_1 = arith.constant 0 : i32
    return %c0_i32, %c0_i32_0 : i32, i32
  }
  func.func @transform_2(%arg0: i32) -> (i32, i32) {
    %c0_i32 = arith.constant 0 : i32
    %c0_i32_0 = arith.constant 0 : i32
    %c0_i32_1 = arith.constant 0 : i32
    return %c0_i32, %c0_i32_0 : i32, i32
  }
  func.func @transform_3(%arg0: i32) -> (i32, i32) {
    %c0_i32 = arith.constant 0 : i32
    %c0_i32_0 = arith.constant 0 : i32
    return %arg0, %c0_i32 : i32, i32
  }
}

module attributes {stable_mosaic.version = 14 : i64} {
  func.func @kern(%arg0: i32, %arg1: memref<1000x128xf32, #tpu.memory_space<vmem>>, %arg2: memref<1000x128xf32, #tpu.memory_space<vmem>>, %arg3: memref<1000x128xf32, #tpu.memory_space<vmem>>, %arg4: memref<384x128xf32, #tpu.memory_space<vmem>>, %arg5: memref<1x128xf32, #tpu.memory_space<vmem>>, %arg6: memref<1000x128xf32, #tpu.memory_space<vmem>>) attributes {dimension_semantics = [#tpu.dimension_semantics<arbitrary>], iteration_bounds = array<i64: 50>, scalar_prefetch = 0 : i64, scratch_operands = 0 : i64, tpu.core_type = #tpu.core_type<tc>, window_params = [{transform_indices = @transform_0, window_bounds = array<i64: 1000, 128>}, {transform_indices = @transform_1, window_bounds = array<i64: 1000, 128>}, {transform_indices = @transform_2, window_bounds = array<i64: 1000, 128>}, {pipeline_mode = #tpu.pipeline_mode<synchronous>, transform_indices = @transform_3, window_bounds = array<i64: 384, 128>}, {pipeline_mode = #tpu.pipeline_mode<synchronous>, transform_indices = @transform_4, window_bounds = array<i64: 1, 128>}, {transform_indices = @transform_5, window_bounds = array<i64: 1000, 128>}]} {
    %get3A = arith.constant 0 : index
    %get3A_0 = arith.constant 0 : index
    %get3A_1 = vector.load %arg1[%get3A, %get3A_0] : memref<1000x128xf32, #tpu.memory_space<vmem>>, vector<1000x128xf32>
    %get3A_2 = arith.constant 0 : index
    %get3A_3 = arith.constant 0 : index
    %get3A_4 = vector.load %arg2[%get3A_2, %get3A_3] : memref<1000x128xf32, #tpu.memory_space<vmem>>, vector<1000x128xf32>
    %get3A_5 = arith.constant 0 : index
    %get3A_6 = arith.constant 0 : index
    %get3A_7 = vector.load %arg3[%get3A_5, %get3A_6] : memref<1000x128xf32, #tpu.memory_space<vmem>>, vector<1000x128xf32>
    %concatenate3A = tpu.concatenate %get3A_1, %get3A_4, %get3A_7 in 1 : vector<1000x128xf32>, vector<1000x128xf32>, vector<1000x128xf32> -> vector<1000x384xf32>
    %broadcast_in_dim3A = arith.constant 1.000000e+00 : f32
    %broadcast_in_dim3A_8 = vector.broadcast %broadcast_in_dim3A : f32 to vector<1000x1xf32>
    %concatenate3A_9 = tpu.concatenate %concatenate3A, %broadcast_in_dim3A_8 in 1 : vector<1000x384xf32>, vector<1000x1xf32> -> vector<1000x385xf32>
    %get3A_10 = arith.constant 0 : index
    %get3A_11 = arith.constant 0 : index
    %get3A_12 = vector.load %arg4[%get3A_10, %get3A_11] : memref<384x128xf32, #tpu.memory_space<vmem>>, vector<384x128xf32>
    %get3A_13 = arith.constant 0 : index
    %get3A_14 = arith.constant 0 : index
    %get3A_15 = vector.load %arg5[%get3A_13, %get3A_14] : memref<1x128xf32, #tpu.memory_space<vmem>>, vector<1x128xf32>
    %concatenate3A_16 = tpu.concatenate %get3A_12, %get3A_15 in 0 : vector<384x128xf32>, vector<1x128xf32> -> vector<385x128xf32>
    %dot_general3A = arith.constant dense<0.000000e+00> : vector<1000x128xf32>
    %dot_general3A_17 = tpu.matmul %concatenate3A_9, %concatenate3A_16, %dot_general3A {dimension_numbers = #tpu.dot_dimension_numbers<[1], [0], [0], [1], [0, 0, 1, 1], [], []>, precision = #tpu.contract_precision<fp32>, transpose_lhs_hint = false} : vector<1000x385xf32>, vector<385x128xf32>, vector<1000x128xf32> -> vector<1000x128xf32>
    %swap3A = arith.constant 0 : index
    %swap3A_18 = arith.constant 0 : index
    %swap3A_19 = vector.load %arg6[%swap3A, %swap3A_18] : memref<1000x128xf32, #tpu.memory_space<vmem>>, vector<1000x128xf32>
    tpu.vector_store %arg6[%swap3A, %swap3A_18], %dot_general3A_17 {strides = array<i32>} : memref<1000x128xf32, #tpu.memory_space<vmem>>, vector<1000x128xf32>,
    return
  }
  func.func @transform_0(%arg0: i32) -> (i32, i32) {
    %c0_i32 = arith.constant 0 : i32
    %c0_i32_0 = arith.constant 0 : i32
    return %arg0, %c0_i32 : i32, i32
  }
  func.func @transform_1(%arg0: i32) -> (i32, i32) {
    %c0_i32 = arith.constant 0 : i32
    %c0_i32_0 = arith.constant 0 : i32
    return %arg0, %c0_i32 : i32, i32
  }
  func.func @transform_2(%arg0: i32) -> (i32, i32) {
    %c0_i32 = arith.constant 0 : i32
    %c0_i32_0 = arith.constant 0 : i32
    return %arg0, %c0_i32 : i32, i32
  }
  func.func @transform_3(%arg0: i32) -> (i32, i32) {
    %c0_i32 = arith.constant 0 : i32
    %c0_i32_0 = arith.constant 0 : i32
    %c0_i32_1 = arith.constant 0 : i32
    return %c0_i32, %c0_i32_0 : i32, i32
  }
  func.func @transform_4(%arg0: i32) -> (i32, i32) {
    %c0_i32 = arith.constant 0 : i32
    %c0_i32_0 = arith.constant 0 : i32
    %c0_i32_1 = arith.constant 0 : i32
    return %c0_i32, %c0_i32_0 : i32, i32
  }
  func.func @transform_5(%arg0: i32) -> (i32, i32) {
    %c0_i32 = arith.constant 0 : i32
    %c0_i32_0 = arith.constant 0 : i32
    return %arg0, %c0_i32 : i32, i32
  }
}

module attributes {stable_mosaic.version = 14 : i64} {
  func.func @kern(%arg0: i32, %arg1: memref<2x1000x16xf32, #tpu.memory_space<vmem>>, %arg2: memref<1000x8xf32, #tpu.memory_space<vmem>>) attributes {dimension_semantics = [#tpu.dimension_semantics<arbitrary>], iteration_bounds = array<i64: 50>, scalar_prefetch = 0 : i64, scratch_operands = 0 : i64, tpu.core_type = #tpu.core_type<tc>, window_params = [{transform_indices = @transform_0, window_bounds = array<i64: 2, 1000, 16>}, {transform_indices = @transform_1, window_bounds = array<i64: 1000, 8>}]} {
    %get3A = arith.constant 0 : index
    %get3A_0 = arith.constant 0 : index
    %get3A_1 = arith.constant 0 : index
    %get3A_2 = vector.load %arg1[%get3A, %get3A_0, %get3A_1] : memref<2x1000x16xf32, #tpu.memory_space<vmem>>, vector<2x1000x16xf32>
    %slice3A = vector.extract_strided_slice %get3A_2 {offsets = [0, 0, 0], sizes = [1, 1000, 8], strides = [1, 1, 1]} : vector<2x1000x16xf32> to vector<1x1000x8xf32>
    %squeeze3A = vector.shape_cast %slice3A : vector<1x1000x8xf32> to vector<1000x8xf32>
    %slice3A_3 = vector.extract_strided_slice %get3A_2 {offsets = [1, 0, 0], sizes = [1, 1000, 8], strides = [1, 1, 1]} : vector<2x1000x16xf32> to vector<1x1000x8xf32>
    %squeeze3A_4 = vector.shape_cast %slice3A_3 : vector<1x1000x8xf32> to vector<1000x8xf32>
    %add3A = arith.addf %squeeze3A, %squeeze3A_4 : vector<1000x8xf32>
    %add3A_5 = arith.constant 1.000000e+00 : f32
    %add3A_6 = vector.broadcast %add3A_5 : f32 to vector<1000x8xf32>
    %add3A_7 = arith.addf %add3A, %add3A_6 : vector<1000x8xf32>
    %sqrt3A = math.sqrt %add3A_7 : vector<1000x8xf32>
    %div3A = arith.constant 1.000000e+00 : f32
    %div3A_8 = vector.broadcast %div3A : f32 to vector<1000x8xf32>
    %div3A_9 = arith.divf %div3A_8, %sqrt3A : vector<1000x8xf32>
    %swap3A = arith.constant 0 : index
    %swap3A_10 = arith.constant 0 : index
    %swap3A_11 = vector.load %arg2[%swap3A, %swap3A_10] : memref<1000x8xf32, #tpu.memory_space<vmem>>, vector<1000x8xf32>
    tpu.vector_store %arg2[%swap3A, %swap3A_10], %div3A_9 {strides = array<i32>} : memref<1000x8xf32, #tpu.memory_space<vmem>>, vector<1000x8xf32>,
    return
  }
  func.func @transform_0(%arg0: i32) -> (i32, i32, i32) {
    %c0_i32 = arith.constant 0 : i32
    %c0_i32_0 = arith.constant 0 : i32
    %c0_i32_1 = arith.constant 0 : i32
    return %c0_i32, %arg0, %c0_i32_0 : i32, i32, i32
  }
  func.func @transform_1(%arg0: i32) -> (i32, i32) {
    %c0_i32 = arith.constant 0 : i32
    %c0_i32_0 = arith.constant 0 : i32
    return %arg0, %c0_i32 : i32, i32
  }
}

module attributes {stable_mosaic.version = 14 : i64} {
  func.func @kern(%arg0: i32, %arg1: memref<1000x128xf32, #tpu.memory_space<vmem>>, %arg2: memref<128x64xf32, #tpu.memory_space<vmem>>, %arg3: memref<1000x8xf32, #tpu.memory_space<vmem>>, %arg4: memref<1000x64xf32, #tpu.memory_space<vmem>>) attributes {dimension_semantics = [#tpu.dimension_semantics<arbitrary>], iteration_bounds = array<i64: 50>, scalar_prefetch = 0 : i64, scratch_operands = 0 : i64, tpu.core_type = #tpu.core_type<tc>, window_params = [{transform_indices = @transform_0, window_bounds = array<i64: 1000, 128>}, {pipeline_mode = #tpu.pipeline_mode<synchronous>, transform_indices = @transform_1, window_bounds = array<i64: 128, 64>}, {transform_indices = @transform_2, window_bounds = array<i64: 1000, 8>}, {transform_indices = @transform_3, window_bounds = array<i64: 1000, 64>}]} {
    %get3A = arith.constant 0 : index
    %get3A_0 = arith.constant 0 : index
    %get3A_1 = vector.load %arg1[%get3A, %get3A_0] : memref<1000x128xf32, #tpu.memory_space<vmem>>, vector<1000x128xf32>
    %get3A_2 = arith.constant 0 : index
    %get3A_3 = arith.constant 0 : index
    %get3A_4 = vector.load %arg2[%get3A_2, %get3A_3] : memref<128x64xf32, #tpu.memory_space<vmem>>, vector<128x64xf32>
    %dot_general3A = arith.constant dense<0.000000e+00> : vector<1000x64xf32>
    %dot_general3A_5 = tpu.matmul %get3A_1, %get3A_4, %dot_general3A {dimension_numbers = #tpu.dot_dimension_numbers<[1], [0], [0], [1], [0, 0, 1, 1], [], []>, transpose_lhs_hint = false} : vector<1000x128xf32>, vector<128x64xf32>, vector<1000x64xf32> -> vector<1000x64xf32>
    %get3A_6 = arith.constant 0 : index
    %get3A_7 = arith.constant 0 : index
    %get3A_8 = vector.load %arg3[%get3A_6, %get3A_7] : memref<1000x8xf32, #tpu.memory_space<vmem>>, vector<1000x8xf32>
    %slice3A = vector.extract_strided_slice %get3A_8 {offsets = [0, 0], sizes = [1000, 1], strides = [1, 1]} : vector<1000x8xf32> to vector<1000x1xf32>
    %mul3A = vector.broadcast %slice3A : vector<1000x1xf32> to vector<1000x64xf32>
    %mul3A_9 = arith.mulf %dot_general3A_5, %mul3A : vector<1000x64xf32>
    %swap3A = arith.constant 0 : index
    %swap3A_10 = arith.constant 0 : index
    %swap3A_11 = vector.load %arg4[%swap3A, %swap3A_10] : memref<1000x64xf32, #tpu.memory_space<vmem>>, vector<1000x64xf32>
    tpu.vector_store %arg4[%swap3A, %swap3A_10], %mul3A_9 {strides = array<i32>} : memref<1000x64xf32, #tpu.memory_space<vmem>>, vector<1000x64xf32>,
    return
  }
  func.func @transform_0(%arg0: i32) -> (i32, i32) {
    %c0_i32 = arith.constant 0 : i32
    %c0_i32_0 = arith.constant 0 : i32
    return %arg0, %c0_i32 : i32, i32
  }
  func.func @transform_1(%arg0: i32) -> (i32, i32) {
    %c0_i32 = arith.constant 0 : i32
    %c0_i32_0 = arith.constant 0 : i32
    %c0_i32_1 = arith.constant 0 : i32
    return %c0_i32, %c0_i32_0 : i32, i32
  }
  func.func @transform_2(%arg0: i32) -> (i32, i32) {
    %c0_i32 = arith.constant 0 : i32
    %c0_i32_0 = arith.constant 0 : i32
    return %arg0, %c0_i32 : i32, i32
  }
  func.func @transform_3(%arg0: i32) -> (i32, i32) {
    %c0_i32 = arith.constant 0 : i32
    %c0_i32_0 = arith.constant 0 : i32
    return %arg0, %c0_i32 : i32, i32
  }
}

module attributes {stable_mosaic.version = 14 : i64} {
  func.func @kern(%arg0: i32, %arg1: memref<2x1000x64xf32, #tpu.memory_space<vmem>>, %arg2: memref<1000x64xf32, #tpu.memory_space<vmem>>, %arg3: memref<1000x8xf32, #tpu.memory_space<vmem>>, %arg4: memref<1x64xf32, #tpu.memory_space<vmem>>, %arg5: memref<1000x64xf32, #tpu.memory_space<vmem>>) attributes {dimension_semantics = [#tpu.dimension_semantics<arbitrary>], iteration_bounds = array<i64: 50>, scalar_prefetch = 0 : i64, scratch_operands = 0 : i64, tpu.core_type = #tpu.core_type<tc>, window_params = [{transform_indices = @transform_0, window_bounds = array<i64: 2, 1000, 64>}, {transform_indices = @transform_1, window_bounds = array<i64: 1000, 64>}, {transform_indices = @transform_2, window_bounds = array<i64: 1000, 8>}, {pipeline_mode = #tpu.pipeline_mode<synchronous>, transform_indices = @transform_3, window_bounds = array<i64: 1, 64>}, {transform_indices = @transform_4, window_bounds = array<i64: 1000, 64>}]} {
    %get3A = arith.constant 0 : index
    %get3A_0 = arith.constant 0 : index
    %get3A_1 = arith.constant 0 : index
    %get3A_2 = vector.load %arg1[%get3A, %get3A_0, %get3A_1] : memref<2x1000x64xf32, #tpu.memory_space<vmem>>, vector<2x1000x64xf32>
    %get3A_3 = arith.constant 0 : index
    %get3A_4 = arith.constant 0 : index
    %get3A_5 = vector.load %arg3[%get3A_3, %get3A_4] : memref<1000x8xf32, #tpu.memory_space<vmem>>, vector<1000x8xf32>
    %slice3A = vector.extract_strided_slice %get3A_5 {offsets = [0, 0], sizes = [1000, 1], strides = [1, 1]} : vector<1000x8xf32> to vector<1000x1xf32>
    %slice3A_6 = vector.extract_strided_slice %get3A_2 {offsets = [0, 0, 0], sizes = [1, 1000, 64], strides = [1, 1, 1]} : vector<2x1000x64xf32> to vector<1x1000x64xf32>
    %squeeze3A = vector.shape_cast %slice3A_6 : vector<1x1000x64xf32> to vector<1000x64xf32>
    %slice3A_7 = vector.extract_strided_slice %get3A_2 {offsets = [1, 0, 0], sizes = [1, 1000, 64], strides = [1, 1, 1]} : vector<2x1000x64xf32> to vector<1x1000x64xf32>
    %squeeze3A_8 = vector.shape_cast %slice3A_7 : vector<1x1000x64xf32> to vector<1000x64xf32>
    %add3A = arith.addf %squeeze3A, %squeeze3A_8 : vector<1000x64xf32>
    %get3A_9 = arith.constant 0 : index
    %get3A_10 = arith.constant 0 : index
    %get3A_11 = vector.load %arg2[%get3A_9, %get3A_10] : memref<1000x64xf32, #tpu.memory_space<vmem>>, vector<1000x64xf32>
    %add3A_12 = arith.addf %add3A, %get3A_11 : vector<1000x64xf32>
    %mul3A = vector.broadcast %slice3A : vector<1000x1xf32> to vector<1000x64xf32>
    %mul3A_13 = arith.mulf %mul3A, %add3A_12 : vector<1000x64xf32>
    %get3A_14 = arith.constant 0 : index
    %get3A_15 = arith.constant 0 : index
    %get3A_16 = vector.load %arg4[%get3A_14, %get3A_15] : memref<1x64xf32, #tpu.memory_space<vmem>>, vector<1x64xf32>
    %add3A_17 = vector.broadcast %get3A_16 : vector<1x64xf32> to vector<1000x64xf32>
    %add3A_18 = arith.addf %mul3A_13, %add3A_17 : vector<1000x64xf32>
    %swap3A = arith.constant 0 : index
    %swap3A_19 = arith.constant 0 : index
    %swap3A_20 = vector.load %arg5[%swap3A, %swap3A_19] : memref<1000x64xf32, #tpu.memory_space<vmem>>, vector<1000x64xf32>
    tpu.vector_store %arg5[%swap3A, %swap3A_19], %add3A_18 {strides = array<i32>} : memref<1000x64xf32, #tpu.memory_space<vmem>>, vector<1000x64xf32>,
    return
  }
  func.func @transform_0(%arg0: i32) -> (i32, i32, i32) {
    %c0_i32 = arith.constant 0 : i32
    %c0_i32_0 = arith.constant 0 : i32
    %c0_i32_1 = arith.constant 0 : i32
    return %c0_i32, %arg0, %c0_i32_0 : i32, i32, i32
  }
  func.func @transform_1(%arg0: i32) -> (i32, i32) {
    %c0_i32 = arith.constant 0 : i32
    %c0_i32_0 = arith.constant 0 : i32
    return %arg0, %c0_i32 : i32, i32
  }
  func.func @transform_2(%arg0: i32) -> (i32, i32) {
    %c0_i32 = arith.constant 0 : i32
    %c0_i32_0 = arith.constant 0 : i32
    return %arg0, %c0_i32 : i32, i32
  }
  func.func @transform_3(%arg0: i32) -> (i32, i32) {
    %c0_i32 = arith.constant 0 : i32
    %c0_i32_0 = arith.constant 0 : i32
    %c0_i32_1 = arith.constant 0 : i32
    return %c0_i32, %c0_i32_0 : i32, i32
  }
  func.func @transform_4(%arg0: i32) -> (i32, i32) {
    %c0_i32 = arith.constant 0 : i32
    %c0_i32_0 = arith.constant 0 : i32
    return %arg0, %c0_i32 : i32, i32
  }
}

module attributes {stable_mosaic.version = 14 : i64} {
  func.func @kern(%arg0: i32, %arg1: memref<1000x64xf32, #tpu.memory_space<vmem>>, %arg2: memref<1x64xf32, #tpu.memory_space<vmem>>, %arg3: memref<1x64xf32, #tpu.memory_space<vmem>>, %arg4: memref<1x64xf32, #tpu.memory_space<vmem>>, %arg5: memref<1x64xf32, #tpu.memory_space<vmem>>, %arg6: memref<1x64xf32, #tpu.memory_space<vmem>>, %arg7: memref<1000x64xf32, #tpu.memory_space<vmem>>) attributes {dimension_semantics = [#tpu.dimension_semantics<arbitrary>], iteration_bounds = array<i64: 50>, scalar_prefetch = 0 : i64, scratch_operands = 0 : i64, tpu.core_type = #tpu.core_type<tc>, window_params = [{transform_indices = @transform_0, window_bounds = array<i64: 1000, 64>}, {pipeline_mode = #tpu.pipeline_mode<synchronous>, transform_indices = @transform_1, window_bounds = array<i64: 1, 64>}, {pipeline_mode = #tpu.pipeline_mode<synchronous>, transform_indices = @transform_2, window_bounds = array<i64: 1, 64>}, {pipeline_mode = #tpu.pipeline_mode<synchronous>, transform_indices = @transform_3, window_bounds = array<i64: 1, 64>}, {pipeline_mode = #tpu.pipeline_mode<synchronous>, transform_indices = @transform_4, window_bounds = array<i64: 1, 64>}, {pipeline_mode = #tpu.pipeline_mode<synchronous>, transform_indices = @transform_5, window_bounds = array<i64: 1, 64>}, {transform_indices = @transform_6, window_bounds = array<i64: 1000, 64>}]} {
    %get3A = arith.constant 0 : index
    %get3A_0 = arith.constant 0 : index
    %get3A_1 = vector.load %arg5[%get3A, %get3A_0] : memref<1x64xf32, #tpu.memory_space<vmem>>, vector<1x64xf32>
    %get3A_2 = arith.constant 0 : index
    %get3A_3 = arith.constant 0 : index
    %get3A_4 = vector.load %arg1[%get3A_2, %get3A_3] : memref<1000x64xf32, #tpu.memory_space<vmem>>, vector<1000x64xf32>
    %get3A_5 = arith.constant 0 : index
    %get3A_6 = arith.constant 0 : index
    %get3A_7 = vector.load %arg4[%get3A_5, %get3A_6] : memref<1x64xf32, #tpu.memory_space<vmem>>, vector<1x64xf32>
    %get3A_8 = arith.constant 0 : index
    %get3A_9 = arith.constant 0 : index
    %get3A_10 = vector.load %arg2[%get3A_8, %get3A_9] : memref<1x64xf32, #tpu.memory_space<vmem>>, vector<1x64xf32>
    %mul3A = arith.mulf %get3A_7, %get3A_10 : vector<1x64xf32>
    %sub3A = vector.broadcast %mul3A : vector<1x64xf32> to vector<1000x64xf32>
    %sub3A_11 = arith.subf %get3A_4, %sub3A : vector<1000x64xf32>
    %mul3A_12 = vector.broadcast %get3A_1 : vector<1x64xf32> to vector<1000x64xf32>
    %mul3A_13 = arith.mulf %mul3A_12, %sub3A_11 : vector<1000x64xf32>
    %get3A_14 = arith.constant 0 : index
    %get3A_15 = arith.constant 0 : index
    %get3A_16 = vector.load %arg3[%get3A_14, %get3A_15] : memref<1x64xf32, #tpu.memory_space<vmem>>, vector<1x64xf32>
    %div3A = vector.broadcast %get3A_16 : vector<1x64xf32> to vector<1000x64xf32>
    %div3A_17 = arith.divf %mul3A_13, %div3A : vector<1000x64xf32>
    %get3A_18 = arith.constant 0 : index
    %get3A_19 = arith.constant 0 : index
    %get3A_20 = vector.load %arg6[%get3A_18, %get3A_19] : memref<1x64xf32, #tpu.memory_space<vmem>>, vector<1x64xf32>
    %add3A = vector.broadcast %get3A_20 : vector<1x64xf32> to vector<1000x64xf32>
    %add3A_21 = arith.addf %div3A_17, %add3A : vector<1000x64xf32>
    %max3A = arith.constant 0.000000e+00 : f32
    %max3A_22 = vector.broadcast %max3A : f32 to vector<1000x64xf32>
    %max3A_23 = arith.maximumf %add3A_21, %max3A_22 : vector<1000x64xf32>
    %swap3A = arith.constant 0 : index
    %swap3A_24 = arith.constant 0 : index
    %swap3A_25 = vector.load %arg7[%swap3A, %swap3A_24] : memref<1000x64xf32, #tpu.memory_space<vmem>>, vector<1000x64xf32>
    tpu.vector_store %arg7[%swap3A, %swap3A_24], %max3A_23 {strides = array<i32>} : memref<1000x64xf32, #tpu.memory_space<vmem>>, vector<1000x64xf32>,
    return
  }
  func.func @transform_0(%arg0: i32) -> (i32, i32) {
    %c0_i32 = arith.constant 0 : i32
    %c0_i32_0 = arith.constant 0 : i32
    return %arg0, %c0_i32 : i32, i32
  }
  func.func @transform_1(%arg0: i32) -> (i32, i32) {
    %c0_i32 = arith.constant 0 : i32
    %c0_i32_0 = arith.constant 0 : i32
    %c0_i32_1 = arith.constant 0 : i32
    return %c0_i32, %c0_i32_0 : i32, i32
  }
  func.func @transform_2(%arg0: i32) -> (i32, i32) {
    %c0_i32 = arith.constant 0 : i32
    %c0_i32_0 = arith.constant 0 : i32
    %c0_i32_1 = arith.constant 0 : i32
    return %c0_i32, %c0_i32_0 : i32, i32
  }
  func.func @transform_3(%arg0: i32) -> (i32, i32) {
    %c0_i32 = arith.constant 0 : i32
    %c0_i32_0 = arith.constant 0 : i32
    %c0_i32_1 = arith.constant 0 : i32
    return %c0_i32, %c0_i32_0 : i32, i32
  }
  func.func @transform_4(%arg0: i32) -> (i32, i32) {
    %c0_i32 = arith.constant 0 : i32
    %c0_i32_0 = arith.constant 0 : i32
    %c0_i32_1 = arith.constant 0 : i32
    return %c0_i32, %c0_i32_0 : i32, i32
  }
  func.func @transform_5(%arg0: i32) -> (i32, i32) {
    %c0_i32 = arith.constant 0 : i32
    %c0_i32_0 = arith.constant 0 : i32
    %c0_i32_1 = arith.constant 0 : i32
    return %c0_i32, %c0_i32_0 : i32, i32
  }
  func.func @transform_6(%arg0: i32) -> (i32, i32) {
    %c0_i32 = arith.constant 0 : i32
    %c0_i32_0 = arith.constant 0 : i32
    return %arg0, %c0_i32 : i32, i32
  }
}

module attributes {stable_mosaic.version = 14 : i64} {
  func.func @kern(%arg0: i32, %arg1: memref<1000x64xf32, #tpu.memory_space<vmem>>, %arg2: memref<64x32xf32, #tpu.memory_space<vmem>>, %arg3: memref<1000x8xf32, #tpu.memory_space<vmem>>, %arg4: memref<1000x32xf32, #tpu.memory_space<vmem>>) attributes {dimension_semantics = [#tpu.dimension_semantics<arbitrary>], iteration_bounds = array<i64: 50>, scalar_prefetch = 0 : i64, scratch_operands = 0 : i64, tpu.core_type = #tpu.core_type<tc>, window_params = [{transform_indices = @transform_0, window_bounds = array<i64: 1000, 64>}, {pipeline_mode = #tpu.pipeline_mode<synchronous>, transform_indices = @transform_1, window_bounds = array<i64: 64, 32>}, {transform_indices = @transform_2, window_bounds = array<i64: 1000, 8>}, {transform_indices = @transform_3, window_bounds = array<i64: 1000, 32>}]} {
    %get3A = arith.constant 0 : index
    %get3A_0 = arith.constant 0 : index
    %get3A_1 = vector.load %arg1[%get3A, %get3A_0] : memref<1000x64xf32, #tpu.memory_space<vmem>>, vector<1000x64xf32>
    %get3A_2 = arith.constant 0 : index
    %get3A_3 = arith.constant 0 : index
    %get3A_4 = vector.load %arg2[%get3A_2, %get3A_3] : memref<64x32xf32, #tpu.memory_space<vmem>>, vector<64x32xf32>
    %dot_general3A = arith.constant dense<0.000000e+00> : vector<1000x32xf32>
    %dot_general3A_5 = tpu.matmul %get3A_1, %get3A_4, %dot_general3A {dimension_numbers = #tpu.dot_dimension_numbers<[1], [0], [0], [1], [0, 0, 1, 1], [], []>, transpose_lhs_hint = false} : vector<1000x64xf32>, vector<64x32xf32>, vector<1000x32xf32> -> vector<1000x32xf32>
    %get3A_6 = arith.constant 0 : index
    %get3A_7 = arith.constant 0 : index
    %get3A_8 = vector.load %arg3[%get3A_6, %get3A_7] : memref<1000x8xf32, #tpu.memory_space<vmem>>, vector<1000x8xf32>
    %slice3A = vector.extract_strided_slice %get3A_8 {offsets = [0, 0], sizes = [1000, 1], strides = [1, 1]} : vector<1000x8xf32> to vector<1000x1xf32>
    %mul3A = vector.broadcast %slice3A : vector<1000x1xf32> to vector<1000x32xf32>
    %mul3A_9 = arith.mulf %dot_general3A_5, %mul3A : vector<1000x32xf32>
    %swap3A = arith.constant 0 : index
    %swap3A_10 = arith.constant 0 : index
    %swap3A_11 = vector.load %arg4[%swap3A, %swap3A_10] : memref<1000x32xf32, #tpu.memory_space<vmem>>, vector<1000x32xf32>
    tpu.vector_store %arg4[%swap3A, %swap3A_10], %mul3A_9 {strides = array<i32>} : memref<1000x32xf32, #tpu.memory_space<vmem>>, vector<1000x32xf32>,
    return
  }
  func.func @transform_0(%arg0: i32) -> (i32, i32) {
    %c0_i32 = arith.constant 0 : i32
    %c0_i32_0 = arith.constant 0 : i32
    return %arg0, %c0_i32 : i32, i32
  }
  func.func @transform_1(%arg0: i32) -> (i32, i32) {
    %c0_i32 = arith.constant 0 : i32
    %c0_i32_0 = arith.constant 0 : i32
    %c0_i32_1 = arith.constant 0 : i32
    return %c0_i32, %c0_i32_0 : i32, i32
  }
  func.func @transform_2(%arg0: i32) -> (i32, i32) {
    %c0_i32 = arith.constant 0 : i32
    %c0_i32_0 = arith.constant 0 : i32
    return %arg0, %c0_i32 : i32, i32
  }
  func.func @transform_3(%arg0: i32) -> (i32, i32) {
    %c0_i32 = arith.constant 0 : i32
    %c0_i32_0 = arith.constant 0 : i32
    return %arg0, %c0_i32 : i32, i32
  }
}

module attributes {stable_mosaic.version = 14 : i64} {
  func.func @kern(%arg0: i32, %arg1: memref<2x1000x32xf32, #tpu.memory_space<vmem>>, %arg2: memref<1000x32xf32, #tpu.memory_space<vmem>>, %arg3: memref<1000x8xf32, #tpu.memory_space<vmem>>, %arg4: memref<1x32xf32, #tpu.memory_space<vmem>>, %arg5: memref<1000x32xf32, #tpu.memory_space<vmem>>) attributes {dimension_semantics = [#tpu.dimension_semantics<arbitrary>], iteration_bounds = array<i64: 50>, scalar_prefetch = 0 : i64, scratch_operands = 0 : i64, tpu.core_type = #tpu.core_type<tc>, window_params = [{transform_indices = @transform_0, window_bounds = array<i64: 2, 1000, 32>}, {transform_indices = @transform_1, window_bounds = array<i64: 1000, 32>}, {transform_indices = @transform_2, window_bounds = array<i64: 1000, 8>}, {pipeline_mode = #tpu.pipeline_mode<synchronous>, transform_indices = @transform_3, window_bounds = array<i64: 1, 32>}, {transform_indices = @transform_4, window_bounds = array<i64: 1000, 32>}]} {
    %get3A = arith.constant 0 : index
    %get3A_0 = arith.constant 0 : index
    %get3A_1 = arith.constant 0 : index
    %get3A_2 = vector.load %arg1[%get3A, %get3A_0, %get3A_1] : memref<2x1000x32xf32, #tpu.memory_space<vmem>>, vector<2x1000x32xf32>
    %get3A_3 = arith.constant 0 : index
    %get3A_4 = arith.constant 0 : index
    %get3A_5 = vector.load %arg3[%get3A_3, %get3A_4] : memref<1000x8xf32, #tpu.memory_space<vmem>>, vector<1000x8xf32>
    %slice3A = vector.extract_strided_slice %get3A_5 {offsets = [0, 0], sizes = [1000, 1], strides = [1, 1]} : vector<1000x8xf32> to vector<1000x1xf32>
    %slice3A_6 = vector.extract_strided_slice %get3A_2 {offsets = [0, 0, 0], sizes = [1, 1000, 32], strides = [1, 1, 1]} : vector<2x1000x32xf32> to vector<1x1000x32xf32>
    %squeeze3A = vector.shape_cast %slice3A_6 : vector<1x1000x32xf32> to vector<1000x32xf32>
    %slice3A_7 = vector.extract_strided_slice %get3A_2 {offsets = [1, 0, 0], sizes = [1, 1000, 32], strides = [1, 1, 1]} : vector<2x1000x32xf32> to vector<1x1000x32xf32>
    %squeeze3A_8 = vector.shape_cast %slice3A_7 : vector<1x1000x32xf32> to vector<1000x32xf32>
    %add3A = arith.addf %squeeze3A, %squeeze3A_8 : vector<1000x32xf32>
    %get3A_9 = arith.constant 0 : index
    %get3A_10 = arith.constant 0 : index
    %get3A_11 = vector.load %arg2[%get3A_9, %get3A_10] : memref<1000x32xf32, #tpu.memory_space<vmem>>, vector<1000x32xf32>
    %add3A_12 = arith.addf %add3A, %get3A_11 : vector<1000x32xf32>
    %mul3A = vector.broadcast %slice3A : vector<1000x1xf32> to vector<1000x32xf32>
    %mul3A_13 = arith.mulf %mul3A, %add3A_12 : vector<1000x32xf32>
    %get3A_14 = arith.constant 0 : index
    %get3A_15 = arith.constant 0 : index
    %get3A_16 = vector.load %arg4[%get3A_14, %get3A_15] : memref<1x32xf32, #tpu.memory_space<vmem>>, vector<1x32xf32>
    %add3A_17 = vector.broadcast %get3A_16 : vector<1x32xf32> to vector<1000x32xf32>
    %add3A_18 = arith.addf %mul3A_13, %add3A_17 : vector<1000x32xf32>
    %swap3A = arith.constant 0 : index
    %swap3A_19 = arith.constant 0 : index
    %swap3A_20 = vector.load %arg5[%swap3A, %swap3A_19] : memref<1000x32xf32, #tpu.memory_space<vmem>>, vector<1000x32xf32>
    tpu.vector_store %arg5[%swap3A, %swap3A_19], %add3A_18 {strides = array<i32>} : memref<1000x32xf32, #tpu.memory_space<vmem>>, vector<1000x32xf32>,
    return
  }
  func.func @transform_0(%arg0: i32) -> (i32, i32, i32) {
    %c0_i32 = arith.constant 0 : i32
    %c0_i32_0 = arith.constant 0 : i32
    %c0_i32_1 = arith.constant 0 : i32
    return %c0_i32, %arg0, %c0_i32_0 : i32, i32, i32
  }
  func.func @transform_1(%arg0: i32) -> (i32, i32) {
    %c0_i32 = arith.constant 0 : i32
    %c0_i32_0 = arith.constant 0 : i32
    return %arg0, %c0_i32 : i32, i32
  }
  func.func @transform_2(%arg0: i32) -> (i32, i32) {
    %c0_i32 = arith.constant 0 : i32
    %c0_i32_0 = arith.constant 0 : i32
    return %arg0, %c0_i32 : i32, i32
  }
  func.func @transform_3(%arg0: i32) -> (i32, i32) {
    %c0_i32 = arith.constant 0 : i32
    %c0_i32_0 = arith.constant 0 : i32
    %c0_i32_1 = arith.constant 0 : i32
    return %c0_i32, %c0_i32_0 : i32, i32
  }
  func.func @transform_4(%arg0: i32) -> (i32, i32) {
    %c0_i32 = arith.constant 0 : i32
    %c0_i32_0 = arith.constant 0 : i32
    return %arg0, %c0_i32 : i32, i32
  }
}

module attributes {stable_mosaic.version = 14 : i64} {
  func.func @kern(%arg0: i32, %arg1: memref<1000x32xf32, #tpu.memory_space<vmem>>, %arg2: memref<1x32xf32, #tpu.memory_space<vmem>>, %arg3: memref<1x32xf32, #tpu.memory_space<vmem>>, %arg4: memref<1x32xf32, #tpu.memory_space<vmem>>, %arg5: memref<1x32xf32, #tpu.memory_space<vmem>>, %arg6: memref<1x32xf32, #tpu.memory_space<vmem>>, %arg7: memref<1000x32xf32, #tpu.memory_space<vmem>>) attributes {dimension_semantics = [#tpu.dimension_semantics<arbitrary>], iteration_bounds = array<i64: 50>, scalar_prefetch = 0 : i64, scratch_operands = 0 : i64, tpu.core_type = #tpu.core_type<tc>, window_params = [{transform_indices = @transform_0, window_bounds = array<i64: 1000, 32>}, {pipeline_mode = #tpu.pipeline_mode<synchronous>, transform_indices = @transform_1, window_bounds = array<i64: 1, 32>}, {pipeline_mode = #tpu.pipeline_mode<synchronous>, transform_indices = @transform_2, window_bounds = array<i64: 1, 32>}, {pipeline_mode = #tpu.pipeline_mode<synchronous>, transform_indices = @transform_3, window_bounds = array<i64: 1, 32>}, {pipeline_mode = #tpu.pipeline_mode<synchronous>, transform_indices = @transform_4, window_bounds = array<i64: 1, 32>}, {pipeline_mode = #tpu.pipeline_mode<synchronous>, transform_indices = @transform_5, window_bounds = array<i64: 1, 32>}, {transform_indices = @transform_6, window_bounds = array<i64: 1000, 32>}]} {
    %get3A = arith.constant 0 : index
    %get3A_0 = arith.constant 0 : index
    %get3A_1 = vector.load %arg5[%get3A, %get3A_0] : memref<1x32xf32, #tpu.memory_space<vmem>>, vector<1x32xf32>
    %get3A_2 = arith.constant 0 : index
    %get3A_3 = arith.constant 0 : index
    %get3A_4 = vector.load %arg1[%get3A_2, %get3A_3] : memref<1000x32xf32, #tpu.memory_space<vmem>>, vector<1000x32xf32>
    %get3A_5 = arith.constant 0 : index
    %get3A_6 = arith.constant 0 : index
    %get3A_7 = vector.load %arg4[%get3A_5, %get3A_6] : memref<1x32xf32, #tpu.memory_space<vmem>>, vector<1x32xf32>
    %get3A_8 = arith.constant 0 : index
    %get3A_9 = arith.constant 0 : index
    %get3A_10 = vector.load %arg2[%get3A_8, %get3A_9] : memref<1x32xf32, #tpu.memory_space<vmem>>, vector<1x32xf32>
    %mul3A = arith.mulf %get3A_7, %get3A_10 : vector<1x32xf32>
    %sub3A = vector.broadcast %mul3A : vector<1x32xf32> to vector<1000x32xf32>
    %sub3A_11 = arith.subf %get3A_4, %sub3A : vector<1000x32xf32>
    %mul3A_12 = vector.broadcast %get3A_1 : vector<1x32xf32> to vector<1000x32xf32>
    %mul3A_13 = arith.mulf %mul3A_12, %sub3A_11 : vector<1000x32xf32>
    %get3A_14 = arith.constant 0 : index
    %get3A_15 = arith.constant 0 : index
    %get3A_16 = vector.load %arg3[%get3A_14, %get3A_15] : memref<1x32xf32, #tpu.memory_space<vmem>>, vector<1x32xf32>
    %div3A = vector.broadcast %get3A_16 : vector<1x32xf32> to vector<1000x32xf32>
    %div3A_17 = arith.divf %mul3A_13, %div3A : vector<1000x32xf32>
    %get3A_18 = arith.constant 0 : index
    %get3A_19 = arith.constant 0 : index
    %get3A_20 = vector.load %arg6[%get3A_18, %get3A_19] : memref<1x32xf32, #tpu.memory_space<vmem>>, vector<1x32xf32>
    %add3A = vector.broadcast %get3A_20 : vector<1x32xf32> to vector<1000x32xf32>
    %add3A_21 = arith.addf %div3A_17, %add3A : vector<1000x32xf32>
    %max3A = arith.constant 0.000000e+00 : f32
    %max3A_22 = vector.broadcast %max3A : f32 to vector<1000x32xf32>
    %max3A_23 = arith.maximumf %add3A_21, %max3A_22 : vector<1000x32xf32>
    %swap3A = arith.constant 0 : index
    %swap3A_24 = arith.constant 0 : index
    %swap3A_25 = vector.load %arg7[%swap3A, %swap3A_24] : memref<1000x32xf32, #tpu.memory_space<vmem>>, vector<1000x32xf32>
    tpu.vector_store %arg7[%swap3A, %swap3A_24], %max3A_23 {strides = array<i32>} : memref<1000x32xf32, #tpu.memory_space<vmem>>, vector<1000x32xf32>,
    return
  }
  func.func @transform_0(%arg0: i32) -> (i32, i32) {
    %c0_i32 = arith.constant 0 : i32
    %c0_i32_0 = arith.constant 0 : i32
    return %arg0, %c0_i32 : i32, i32
  }
  func.func @transform_1(%arg0: i32) -> (i32, i32) {
    %c0_i32 = arith.constant 0 : i32
    %c0_i32_0 = arith.constant 0 : i32
    %c0_i32_1 = arith.constant 0 : i32
    return %c0_i32, %c0_i32_0 : i32, i32
  }
  func.func @transform_2(%arg0: i32) -> (i32, i32) {
    %c0_i32 = arith.constant 0 : i32
    %c0_i32_0 = arith.constant 0 : i32
    %c0_i32_1 = arith.constant 0 : i32
    return %c0_i32, %c0_i32_0 : i32, i32
  }
  func.func @transform_3(%arg0: i32) -> (i32, i32) {
    %c0_i32 = arith.constant 0 : i32
    %c0_i32_0 = arith.constant 0 : i32
    %c0_i32_1 = arith.constant 0 : i32
    return %c0_i32, %c0_i32_0 : i32, i32
  }
  func.func @transform_4(%arg0: i32) -> (i32, i32) {
    %c0_i32 = arith.constant 0 : i32
    %c0_i32_0 = arith.constant 0 : i32
    %c0_i32_1 = arith.constant 0 : i32
    return %c0_i32, %c0_i32_0 : i32, i32
  }
  func.func @transform_5(%arg0: i32) -> (i32, i32) {
    %c0_i32 = arith.constant 0 : i32
    %c0_i32_0 = arith.constant 0 : i32
    %c0_i32_1 = arith.constant 0 : i32
    return %c0_i32, %c0_i32_0 : i32, i32
  }
  func.func @transform_6(%arg0: i32) -> (i32, i32) {
    %c0_i32 = arith.constant 0 : i32
    %c0_i32_0 = arith.constant 0 : i32
    return %arg0, %c0_i32 : i32, i32
  }
}

module attributes {stable_mosaic.version = 14 : i64} {
  func.func @kern(%arg0: i32, %arg1: memref<1000x32xf32, #tpu.memory_space<vmem>>, %arg2: memref<32x64xf32, #tpu.memory_space<vmem>>, %arg3: memref<1000x8xf32, #tpu.memory_space<vmem>>, %arg4: memref<1000x64xf32, #tpu.memory_space<vmem>>) attributes {dimension_semantics = [#tpu.dimension_semantics<arbitrary>], iteration_bounds = array<i64: 50>, scalar_prefetch = 0 : i64, scratch_operands = 0 : i64, tpu.core_type = #tpu.core_type<tc>, window_params = [{transform_indices = @transform_0, window_bounds = array<i64: 1000, 32>}, {pipeline_mode = #tpu.pipeline_mode<synchronous>, transform_indices = @transform_1, window_bounds = array<i64: 32, 64>}, {transform_indices = @transform_2, window_bounds = array<i64: 1000, 8>}, {transform_indices = @transform_3, window_bounds = array<i64: 1000, 64>}]} {
    %get3A = arith.constant 0 : index
    %get3A_0 = arith.constant 0 : index
    %get3A_1 = vector.load %arg1[%get3A, %get3A_0] : memref<1000x32xf32, #tpu.memory_space<vmem>>, vector<1000x32xf32>
    %get3A_2 = arith.constant 0 : index
    %get3A_3 = arith.constant 0 : index
    %get3A_4 = vector.load %arg2[%get3A_2, %get3A_3] : memref<32x64xf32, #tpu.memory_space<vmem>>, vector<32x64xf32>
    %dot_general3A = arith.constant dense<0.000000e+00> : vector<1000x64xf32>
    %dot_general3A_5 = tpu.matmul %get3A_1, %get3A_4, %dot_general3A {dimension_numbers = #tpu.dot_dimension_numbers<[1], [0], [0], [1], [0, 0, 1, 1], [], []>, transpose_lhs_hint = false} : vector<1000x32xf32>, vector<32x64xf32>, vector<1000x64xf32> -> vector<1000x64xf32>
    %get3A_6 = arith.constant 0 : index
    %get3A_7 = arith.constant 0 : index
    %get3A_8 = vector.load %arg3[%get3A_6, %get3A_7] : memref<1000x8xf32, #tpu.memory_space<vmem>>, vector<1000x8xf32>
    %slice3A = vector.extract_strided_slice %get3A_8 {offsets = [0, 0], sizes = [1000, 1], strides = [1, 1]} : vector<1000x8xf32> to vector<1000x1xf32>
    %mul3A = vector.broadcast %slice3A : vector<1000x1xf32> to vector<1000x64xf32>
    %mul3A_9 = arith.mulf %dot_general3A_5, %mul3A : vector<1000x64xf32>
    %swap3A = arith.constant 0 : index
    %swap3A_10 = arith.constant 0 : index
    %swap3A_11 = vector.load %arg4[%swap3A, %swap3A_10] : memref<1000x64xf32, #tpu.memory_space<vmem>>, vector<1000x64xf32>
    tpu.vector_store %arg4[%swap3A, %swap3A_10], %mul3A_9 {strides = array<i32>} : memref<1000x64xf32, #tpu.memory_space<vmem>>, vector<1000x64xf32>,
    return
  }
  func.func @transform_0(%arg0: i32) -> (i32, i32) {
    %c0_i32 = arith.constant 0 : i32
    %c0_i32_0 = arith.constant 0 : i32
    return %arg0, %c0_i32 : i32, i32
  }
  func.func @transform_1(%arg0: i32) -> (i32, i32) {
    %c0_i32 = arith.constant 0 : i32
    %c0_i32_0 = arith.constant 0 : i32
    %c0_i32_1 = arith.constant 0 : i32
    return %c0_i32, %c0_i32_0 : i32, i32
  }
  func.func @transform_2(%arg0: i32) -> (i32, i32) {
    %c0_i32 = arith.constant 0 : i32
    %c0_i32_0 = arith.constant 0 : i32
    return %arg0, %c0_i32 : i32, i32
  }
  func.func @transform_3(%arg0: i32) -> (i32, i32) {
    %c0_i32 = arith.constant 0 : i32
    %c0_i32_0 = arith.constant 0 : i32
    return %arg0, %c0_i32 : i32, i32
  }
}

module attributes {stable_mosaic.version = 14 : i64} {
  func.func @kern(%arg0: i32, %arg1: memref<1000x64xf32, #tpu.memory_space<vmem>>, %arg2: memref<64x128xf32, #tpu.memory_space<vmem>>, %arg3: memref<1000x8xf32, #tpu.memory_space<vmem>>, %arg4: memref<1000x128xf32, #tpu.memory_space<vmem>>) attributes {dimension_semantics = [#tpu.dimension_semantics<arbitrary>], iteration_bounds = array<i64: 50>, scalar_prefetch = 0 : i64, scratch_operands = 0 : i64, tpu.core_type = #tpu.core_type<tc>, window_params = [{transform_indices = @transform_0, window_bounds = array<i64: 1000, 64>}, {pipeline_mode = #tpu.pipeline_mode<synchronous>, transform_indices = @transform_1, window_bounds = array<i64: 64, 128>}, {transform_indices = @transform_2, window_bounds = array<i64: 1000, 8>}, {transform_indices = @transform_3, window_bounds = array<i64: 1000, 128>}]} {
    %get3A = arith.constant 0 : index
    %get3A_0 = arith.constant 0 : index
    %get3A_1 = vector.load %arg1[%get3A, %get3A_0] : memref<1000x64xf32, #tpu.memory_space<vmem>>, vector<1000x64xf32>
    %get3A_2 = arith.constant 0 : index
    %get3A_3 = arith.constant 0 : index
    %get3A_4 = vector.load %arg2[%get3A_2, %get3A_3] : memref<64x128xf32, #tpu.memory_space<vmem>>, vector<64x128xf32>
    %dot_general3A = arith.constant dense<0.000000e+00> : vector<1000x128xf32>
    %dot_general3A_5 = tpu.matmul %get3A_1, %get3A_4, %dot_general3A {dimension_numbers = #tpu.dot_dimension_numbers<[1], [0], [0], [1], [0, 0, 1, 1], [], []>, transpose_lhs_hint = false} : vector<1000x64xf32>, vector<64x128xf32>, vector<1000x128xf32> -> vector<1000x128xf32>
    %get3A_6 = arith.constant 0 : index
    %get3A_7 = arith.constant 0 : index
    %get3A_8 = vector.load %arg3[%get3A_6, %get3A_7] : memref<1000x8xf32, #tpu.memory_space<vmem>>, vector<1000x8xf32>
    %slice3A = vector.extract_strided_slice %get3A_8 {offsets = [0, 0], sizes = [1000, 1], strides = [1, 1]} : vector<1000x8xf32> to vector<1000x1xf32>
    %mul3A = vector.broadcast %slice3A : vector<1000x1xf32> to vector<1000x128xf32>
    %mul3A_9 = arith.mulf %dot_general3A_5, %mul3A : vector<1000x128xf32>
    %swap3A = arith.constant 0 : index
    %swap3A_10 = arith.constant 0 : index
    %swap3A_11 = vector.load %arg4[%swap3A, %swap3A_10] : memref<1000x128xf32, #tpu.memory_space<vmem>>, vector<1000x128xf32>
    tpu.vector_store %arg4[%swap3A, %swap3A_10], %mul3A_9 {strides = array<i32>} : memref<1000x128xf32, #tpu.memory_space<vmem>>, vector<1000x128xf32>,
    return
  }
  func.func @transform_0(%arg0: i32) -> (i32, i32) {
    %c0_i32 = arith.constant 0 : i32
    %c0_i32_0 = arith.constant 0 : i32
    return %arg0, %c0_i32 : i32, i32
  }
  func.func @transform_1(%arg0: i32) -> (i32, i32) {
    %c0_i32 = arith.constant 0 : i32
    %c0_i32_0 = arith.constant 0 : i32
    %c0_i32_1 = arith.constant 0 : i32
    return %c0_i32, %c0_i32_0 : i32, i32
  }
  func.func @transform_2(%arg0: i32) -> (i32, i32) {
    %c0_i32 = arith.constant 0 : i32
    %c0_i32_0 = arith.constant 0 : i32
    return %arg0, %c0_i32 : i32, i32
  }
  func.func @transform_3(%arg0: i32) -> (i32, i32) {
    %c0_i32 = arith.constant 0 : i32
    %c0_i32_0 = arith.constant 0 : i32
    return %arg0, %c0_i32 : i32, i32
  }
}

module attributes {stable_mosaic.version = 14 : i64} {
  func.func @kern(%arg0: i32, %arg1: memref<2x1000x128xf32, #tpu.memory_space<vmem>>, %arg2: memref<1000x128xf32, #tpu.memory_space<vmem>>, %arg3: memref<1000x8xf32, #tpu.memory_space<vmem>>, %arg4: memref<1x128xf32, #tpu.memory_space<vmem>>, %arg5: memref<1000x128xf32, #tpu.memory_space<vmem>>) attributes {dimension_semantics = [#tpu.dimension_semantics<arbitrary>], iteration_bounds = array<i64: 50>, scalar_prefetch = 0 : i64, scratch_operands = 0 : i64, tpu.core_type = #tpu.core_type<tc>, window_params = [{transform_indices = @transform_0, window_bounds = array<i64: 2, 1000, 128>}, {transform_indices = @transform_1, window_bounds = array<i64: 1000, 128>}, {transform_indices = @transform_2, window_bounds = array<i64: 1000, 8>}, {pipeline_mode = #tpu.pipeline_mode<synchronous>, transform_indices = @transform_3, window_bounds = array<i64: 1, 128>}, {transform_indices = @transform_4, window_bounds = array<i64: 1000, 128>}]} {
    %get3A = arith.constant 0 : index
    %get3A_0 = arith.constant 0 : index
    %get3A_1 = arith.constant 0 : index
    %get3A_2 = vector.load %arg1[%get3A, %get3A_0, %get3A_1] : memref<2x1000x128xf32, #tpu.memory_space<vmem>>, vector<2x1000x128xf32>
    %get3A_3 = arith.constant 0 : index
    %get3A_4 = arith.constant 0 : index
    %get3A_5 = vector.load %arg3[%get3A_3, %get3A_4] : memref<1000x8xf32, #tpu.memory_space<vmem>>, vector<1000x8xf32>
    %slice3A = vector.extract_strided_slice %get3A_5 {offsets = [0, 0], sizes = [1000, 1], strides = [1, 1]} : vector<1000x8xf32> to vector<1000x1xf32>
    %slice3A_6 = vector.extract_strided_slice %get3A_2 {offsets = [0, 0, 0], sizes = [1, 1000, 128], strides = [1, 1, 1]} : vector<2x1000x128xf32> to vector<1x1000x128xf32>
    %squeeze3A = vector.shape_cast %slice3A_6 : vector<1x1000x128xf32> to vector<1000x128xf32>
    %slice3A_7 = vector.extract_strided_slice %get3A_2 {offsets = [1, 0, 0], sizes = [1, 1000, 128], strides = [1, 1, 1]} : vector<2x1000x128xf32> to vector<1x1000x128xf32>
    %squeeze3A_8 = vector.shape_cast %slice3A_7 : vector<1x1000x128xf32> to vector<1000x128xf32>
    %add3A = arith.addf %squeeze3A, %squeeze3A_8 : vector<1000x128xf32>
    %get3A_9 = arith.constant 0 : index
    %get3A_10 = arith.constant 0 : index
    %get3A_11 = vector.load %arg2[%get3A_9, %get3A_10] : memref<1000x128xf32, #tpu.memory_space<vmem>>, vector<1000x128xf32>
    %add3A_12 = arith.addf %add3A, %get3A_11 : vector<1000x128xf32>
    %mul3A = vector.broadcast %slice3A : vector<1000x1xf32> to vector<1000x128xf32>
    %mul3A_13 = arith.mulf %mul3A, %add3A_12 : vector<1000x128xf32>
    %get3A_14 = arith.constant 0 : index
    %get3A_15 = arith.constant 0 : index
    %get3A_16 = vector.load %arg4[%get3A_14, %get3A_15] : memref<1x128xf32, #tpu.memory_space<vmem>>, vector<1x128xf32>
    %add3A_17 = vector.broadcast %get3A_16 : vector<1x128xf32> to vector<1000x128xf32>
    %add3A_18 = arith.addf %mul3A_13, %add3A_17 : vector<1000x128xf32>
    %swap3A = arith.constant 0 : index
    %swap3A_19 = arith.constant 0 : index
    %swap3A_20 = vector.load %arg5[%swap3A, %swap3A_19] : memref<1000x128xf32, #tpu.memory_space<vmem>>, vector<1000x128xf32>
    tpu.vector_store %arg5[%swap3A, %swap3A_19], %add3A_18 {strides = array<i32>} : memref<1000x128xf32, #tpu.memory_space<vmem>>, vector<1000x128xf32>,
    return
  }
  func.func @transform_0(%arg0: i32) -> (i32, i32, i32) {
    %c0_i32 = arith.constant 0 : i32
    %c0_i32_0 = arith.constant 0 : i32
    %c0_i32_1 = arith.constant 0 : i32
    return %c0_i32, %arg0, %c0_i32_0 : i32, i32, i32
  }
  func.func @transform_1(%arg0: i32) -> (i32, i32) {
    %c0_i32 = arith.constant 0 : i32
    %c0_i32_0 = arith.constant 0 : i32
    return %arg0, %c0_i32 : i32, i32
  }
  func.func @transform_2(%arg0: i32) -> (i32, i32) {
    %c0_i32 = arith.constant 0 : i32
    %c0_i32_0 = arith.constant 0 : i32
    return %arg0, %c0_i32 : i32, i32
  }
  func.func @transform_3(%arg0: i32) -> (i32, i32) {
    %c0_i32 = arith.constant 0 : i32
    %c0_i32_0 = arith.constant 0 : i32
    %c0_i32_1 = arith.constant 0 : i32
    return %c0_i32, %c0_i32_0 : i32, i32
  }
  func.func @transform_4(%arg0: i32) -> (i32, i32) {
    %c0_i32 = arith.constant 0 : i32
    %c0_i32_0 = arith.constant 0 : i32
    return %arg0, %c0_i32 : i32, i32
  }
}

module attributes {stable_mosaic.version = 14 : i64} {
  func.func @kern(%arg0: i32, %arg1: memref<1000x128xf32, #tpu.memory_space<vmem>>, %arg2: memref<1x128xf32, #tpu.memory_space<vmem>>, %arg3: memref<1x128xf32, #tpu.memory_space<vmem>>, %arg4: memref<1x128xf32, #tpu.memory_space<vmem>>, %arg5: memref<1x128xf32, #tpu.memory_space<vmem>>, %arg6: memref<1x128xf32, #tpu.memory_space<vmem>>, %arg7: memref<1000x128xf32, #tpu.memory_space<vmem>>) attributes {dimension_semantics = [#tpu.dimension_semantics<arbitrary>], iteration_bounds = array<i64: 50>, scalar_prefetch = 0 : i64, scratch_operands = 0 : i64, tpu.core_type = #tpu.core_type<tc>, window_params = [{transform_indices = @transform_0, window_bounds = array<i64: 1000, 128>}, {pipeline_mode = #tpu.pipeline_mode<synchronous>, transform_indices = @transform_1, window_bounds = array<i64: 1, 128>}, {pipeline_mode = #tpu.pipeline_mode<synchronous>, transform_indices = @transform_2, window_bounds = array<i64: 1, 128>}, {pipeline_mode = #tpu.pipeline_mode<synchronous>, transform_indices = @transform_3, window_bounds = array<i64: 1, 128>}, {pipeline_mode = #tpu.pipeline_mode<synchronous>, transform_indices = @transform_4, window_bounds = array<i64: 1, 128>}, {pipeline_mode = #tpu.pipeline_mode<synchronous>, transform_indices = @transform_5, window_bounds = array<i64: 1, 128>}, {transform_indices = @transform_6, window_bounds = array<i64: 1000, 128>}]} {
    %get3A = arith.constant 0 : index
    %get3A_0 = arith.constant 0 : index
    %get3A_1 = vector.load %arg5[%get3A, %get3A_0] : memref<1x128xf32, #tpu.memory_space<vmem>>, vector<1x128xf32>
    %get3A_2 = arith.constant 0 : index
    %get3A_3 = arith.constant 0 : index
    %get3A_4 = vector.load %arg1[%get3A_2, %get3A_3] : memref<1000x128xf32, #tpu.memory_space<vmem>>, vector<1000x128xf32>
    %get3A_5 = arith.constant 0 : index
    %get3A_6 = arith.constant 0 : index
    %get3A_7 = vector.load %arg4[%get3A_5, %get3A_6] : memref<1x128xf32, #tpu.memory_space<vmem>>, vector<1x128xf32>
    %get3A_8 = arith.constant 0 : index
    %get3A_9 = arith.constant 0 : index
    %get3A_10 = vector.load %arg2[%get3A_8, %get3A_9] : memref<1x128xf32, #tpu.memory_space<vmem>>, vector<1x128xf32>
    %mul3A = arith.mulf %get3A_7, %get3A_10 : vector<1x128xf32>
    %sub3A = vector.broadcast %mul3A : vector<1x128xf32> to vector<1000x128xf32>
    %sub3A_11 = arith.subf %get3A_4, %sub3A : vector<1000x128xf32>
    %mul3A_12 = vector.broadcast %get3A_1 : vector<1x128xf32> to vector<1000x128xf32>
    %mul3A_13 = arith.mulf %mul3A_12, %sub3A_11 : vector<1000x128xf32>
    %get3A_14 = arith.constant 0 : index
    %get3A_15 = arith.constant 0 : index
    %get3A_16 = vector.load %arg3[%get3A_14, %get3A_15] : memref<1x128xf32, #tpu.memory_space<vmem>>, vector<1x128xf32>
    %div3A = vector.broadcast %get3A_16 : vector<1x128xf32> to vector<1000x128xf32>
    %div3A_17 = arith.divf %mul3A_13, %div3A : vector<1000x128xf32>
    %get3A_18 = arith.constant 0 : index
    %get3A_19 = arith.constant 0 : index
    %get3A_20 = vector.load %arg6[%get3A_18, %get3A_19] : memref<1x128xf32, #tpu.memory_space<vmem>>, vector<1x128xf32>
    %add3A = vector.broadcast %get3A_20 : vector<1x128xf32> to vector<1000x128xf32>
    %add3A_21 = arith.addf %div3A_17, %add3A : vector<1000x128xf32>
    %max3A = arith.constant 0.000000e+00 : f32
    %max3A_22 = vector.broadcast %max3A : f32 to vector<1000x128xf32>
    %max3A_23 = arith.maximumf %add3A_21, %max3A_22 : vector<1000x128xf32>
    %swap3A = arith.constant 0 : index
    %swap3A_24 = arith.constant 0 : index
    %swap3A_25 = vector.load %arg7[%swap3A, %swap3A_24] : memref<1000x128xf32, #tpu.memory_space<vmem>>, vector<1000x128xf32>
    tpu.vector_store %arg7[%swap3A, %swap3A_24], %max3A_23 {strides = array<i32>} : memref<1000x128xf32, #tpu.memory_space<vmem>>, vector<1000x128xf32>,
    return
  }
  func.func @transform_0(%arg0: i32) -> (i32, i32) {
    %c0_i32 = arith.constant 0 : i32
    %c0_i32_0 = arith.constant 0 : i32
    return %arg0, %c0_i32 : i32, i32
  }
  func.func @transform_1(%arg0: i32) -> (i32, i32) {
    %c0_i32 = arith.constant 0 : i32
    %c0_i32_0 = arith.constant 0 : i32
    %c0_i32_1 = arith.constant 0 : i32
    return %c0_i32, %c0_i32_0 : i32, i32
  }
  func.func @transform_2(%arg0: i32) -> (i32, i32) {
    %c0_i32 = arith.constant 0 : i32
    %c0_i32_0 = arith.constant 0 : i32
    %c0_i32_1 = arith.constant 0 : i32
    return %c0_i32, %c0_i32_0 : i32, i32
  }
  func.func @transform_3(%arg0: i32) -> (i32, i32) {
    %c0_i32 = arith.constant 0 : i32
    %c0_i32_0 = arith.constant 0 : i32
    %c0_i32_1 = arith.constant 0 : i32
    return %c0_i32, %c0_i32_0 : i32, i32
  }
  func.func @transform_4(%arg0: i32) -> (i32, i32) {
    %c0_i32 = arith.constant 0 : i32
    %c0_i32_0 = arith.constant 0 : i32
    %c0_i32_1 = arith.constant 0 : i32
    return %c0_i32, %c0_i32_0 : i32, i32
  }
  func.func @transform_5(%arg0: i32) -> (i32, i32) {
    %c0_i32 = arith.constant 0 : i32
    %c0_i32_0 = arith.constant 0 : i32
    %c0_i32_1 = arith.constant 0 : i32
    return %c0_i32, %c0_i32_0 : i32, i32
  }
  func.func @transform_6(%arg0: i32) -> (i32, i32) {
    %c0_i32 = arith.constant 0 : i32
    %c0_i32_0 = arith.constant 0 : i32
    return %arg0, %c0_i32 : i32, i32
  }
}

module attributes {stable_mosaic.version = 14 : i64} {
  func.func @kern(%arg0: i32, %arg1: memref<1000x128xf32, #tpu.memory_space<vmem>>, %arg2: memref<1000x128xf32, #tpu.memory_space<vmem>>, %arg3: memref<1000x128xf32, #tpu.memory_space<vmem>>, %arg4: memref<1000x128xf32, #tpu.memory_space<vmem>>, %arg5: memref<1000x128xf32, #tpu.memory_space<vmem>>, %arg6: memref<640x128xf32, #tpu.memory_space<vmem>>, %arg7: memref<1x128xf32, #tpu.memory_space<vmem>>, %arg8: memref<1000x128xf32, #tpu.memory_space<vmem>>) attributes {dimension_semantics = [#tpu.dimension_semantics<arbitrary>], iteration_bounds = array<i64: 50>, scalar_prefetch = 0 : i64, scratch_operands = 0 : i64, tpu.core_type = #tpu.core_type<tc>, window_params = [{transform_indices = @transform_0, window_bounds = array<i64: 1000, 128>}, {transform_indices = @transform_1, window_bounds = array<i64: 1000, 128>}, {transform_indices = @transform_2, window_bounds = array<i64: 1000, 128>}, {transform_indices = @transform_3, window_bounds = array<i64: 1000, 128>}, {transform_indices = @transform_4, window_bounds = array<i64: 1000, 128>}, {pipeline_mode = #tpu.pipeline_mode<synchronous>, transform_indices = @transform_5, window_bounds = array<i64: 640, 128>}, {pipeline_mode = #tpu.pipeline_mode<synchronous>, transform_indices = @transform_6, window_bounds = array<i64: 1, 128>}, {transform_indices = @transform_7, window_bounds = array<i64: 1000, 128>}]} {
    %get3A = arith.constant 0 : index
    %get3A_0 = arith.constant 0 : index
    %get3A_1 = vector.load %arg1[%get3A, %get3A_0] : memref<1000x128xf32, #tpu.memory_space<vmem>>, vector<1000x128xf32>
    %get3A_2 = arith.constant 0 : index
    %get3A_3 = arith.constant 0 : index
    %get3A_4 = vector.load %arg2[%get3A_2, %get3A_3] : memref<1000x128xf32, #tpu.memory_space<vmem>>, vector<1000x128xf32>
    %get3A_5 = arith.constant 0 : index
    %get3A_6 = arith.constant 0 : index
    %get3A_7 = vector.load %arg3[%get3A_5, %get3A_6] : memref<1000x128xf32, #tpu.memory_space<vmem>>, vector<1000x128xf32>
    %get3A_8 = arith.constant 0 : index
    %get3A_9 = arith.constant 0 : index
    %get3A_10 = vector.load %arg4[%get3A_8, %get3A_9] : memref<1000x128xf32, #tpu.memory_space<vmem>>, vector<1000x128xf32>
    %get3A_11 = arith.constant 0 : index
    %get3A_12 = arith.constant 0 : index
    %get3A_13 = vector.load %arg5[%get3A_11, %get3A_12] : memref<1000x128xf32, #tpu.memory_space<vmem>>, vector<1000x128xf32>
    %concatenate3A = tpu.concatenate %get3A_1, %get3A_4, %get3A_7, %get3A_10, %get3A_13 in 1 : vector<1000x128xf32>, vector<1000x128xf32>, vector<1000x128xf32>, vector<1000x128xf32>, vector<1000x128xf32> -> vector<1000x640xf32>
    %broadcast_in_dim3A = arith.constant 1.000000e+00 : f32
    %broadcast_in_dim3A_14 = vector.broadcast %broadcast_in_dim3A : f32 to vector<1000x1xf32>
    %concatenate3A_15 = tpu.concatenate %concatenate3A, %broadcast_in_dim3A_14 in 1 : vector<1000x640xf32>, vector<1000x1xf32> -> vector<1000x641xf32>
    %get3A_16 = arith.constant 0 : index
    %get3A_17 = arith.constant 0 : index
    %get3A_18 = vector.load %arg6[%get3A_16, %get3A_17] : memref<640x128xf32, #tpu.memory_space<vmem>>, vector<640x128xf32>
    %get3A_19 = arith.constant 0 : index
    %get3A_20 = arith.constant 0 : index
    %get3A_21 = vector.load %arg7[%get3A_19, %get3A_20] : memref<1x128xf32, #tpu.memory_space<vmem>>, vector<1x128xf32>
    %concatenate3A_22 = tpu.concatenate %get3A_18, %get3A_21 in 0 : vector<640x128xf32>, vector<1x128xf32> -> vector<641x128xf32>
    %dot_general3A = arith.constant dense<0.000000e+00> : vector<1000x128xf32>
    %dot_general3A_23 = tpu.matmul %concatenate3A_15, %concatenate3A_22, %dot_general3A {dimension_numbers = #tpu.dot_dimension_numbers<[1], [0], [0], [1], [0, 0, 1, 1], [], []>, precision = #tpu.contract_precision<fp32>, transpose_lhs_hint = false} : vector<1000x641xf32>, vector<641x128xf32>, vector<1000x128xf32> -> vector<1000x128xf32>
    %swap3A = arith.constant 0 : index
    %swap3A_24 = arith.constant 0 : index
    %swap3A_25 = vector.load %arg8[%swap3A, %swap3A_24] : memref<1000x128xf32, #tpu.memory_space<vmem>>, vector<1000x128xf32>
    tpu.vector_store %arg8[%swap3A, %swap3A_24], %dot_general3A_23 {strides = array<i32>} : memref<1000x128xf32, #tpu.memory_space<vmem>>, vector<1000x128xf32>,
    return
  }
  func.func @transform_0(%arg0: i32) -> (i32, i32) {
    %c0_i32 = arith.constant 0 : i32
    %c0_i32_0 = arith.constant 0 : i32
    return %arg0, %c0_i32 : i32, i32
  }
  func.func @transform_1(%arg0: i32) -> (i32, i32) {
    %c0_i32 = arith.constant 0 : i32
    %c0_i32_0 = arith.constant 0 : i32
    return %arg0, %c0_i32 : i32, i32
  }
  func.func @transform_2(%arg0: i32) -> (i32, i32) {
    %c0_i32 = arith.constant 0 : i32
    %c0_i32_0 = arith.constant 0 : i32
    return %arg0, %c0_i32 : i32, i32
  }
  func.func @transform_3(%arg0: i32) -> (i32, i32) {
    %c0_i32 = arith.constant 0 : i32
    %c0_i32_0 = arith.constant 0 : i32
    return %arg0, %c0_i32 : i32, i32
  }
  func.func @transform_4(%arg0: i32) -> (i32, i32) {
    %c0_i32 = arith.constant 0 : i32
    %c0_i32_0 = arith.constant 0 : i32
    return %arg0, %c0_i32 : i32, i32
  }
  func.func @transform_5(%arg0: i32) -> (i32, i32) {
    %c0_i32 = arith.constant 0 : i32
    %c0_i32_0 = arith.constant 0 : i32
    %c0_i32_1 = arith.constant 0 : i32
    return %c0_i32, %c0_i32_0 : i32, i32
  }
  func.func @transform_6(%arg0: i32) -> (i32, i32) {
    %c0_i32 = arith.constant 0 : i32
    %c0_i32_0 = arith.constant 0 : i32
    %c0_i32_1 = arith.constant 0 : i32
    return %c0_i32, %c0_i32_0 : i32, i32
  }
  func.func @transform_7(%arg0: i32) -> (i32, i32) {
    %c0_i32 = arith.constant 0 : i32
    %c0_i32_0 = arith.constant 0 : i32
    return %arg0, %c0_i32 : i32, i32
  }
}

module attributes {stable_mosaic.version = 14 : i64} {
  func.func @kern(%arg0: i32, %arg1: memref<1000x128xf32, #tpu.memory_space<vmem>>, %arg2: memref<128x64xf32, #tpu.memory_space<vmem>>, %arg3: memref<1x64xf32, #tpu.memory_space<vmem>>, %arg4: memref<1000x64xf32, #tpu.memory_space<vmem>>) attributes {dimension_semantics = [#tpu.dimension_semantics<arbitrary>], iteration_bounds = array<i64: 50>, scalar_prefetch = 0 : i64, scratch_operands = 0 : i64, tpu.core_type = #tpu.core_type<tc>, window_params = [{transform_indices = @transform_0, window_bounds = array<i64: 1000, 128>}, {pipeline_mode = #tpu.pipeline_mode<synchronous>, transform_indices = @transform_1, window_bounds = array<i64: 128, 64>}, {pipeline_mode = #tpu.pipeline_mode<synchronous>, transform_indices = @transform_2, window_bounds = array<i64: 1, 64>}, {transform_indices = @transform_3, window_bounds = array<i64: 1000, 64>}]} {
    %get3A = arith.constant 0 : index
    %get3A_0 = arith.constant 0 : index
    %get3A_1 = vector.load %arg1[%get3A, %get3A_0] : memref<1000x128xf32, #tpu.memory_space<vmem>>, vector<1000x128xf32>
    %broadcast_in_dim3A = arith.constant 1.000000e+00 : f32
    %broadcast_in_dim3A_2 = vector.broadcast %broadcast_in_dim3A : f32 to vector<1000x1xf32>
    %concatenate3A = tpu.concatenate %get3A_1, %broadcast_in_dim3A_2 in 1 : vector<1000x128xf32>, vector<1000x1xf32> -> vector<1000x129xf32>
    %get3A_3 = arith.constant 0 : index
    %get3A_4 = arith.constant 0 : index
    %get3A_5 = vector.load %arg2[%get3A_3, %get3A_4] : memref<128x64xf32, #tpu.memory_space<vmem>>, vector<128x64xf32>
    %get3A_6 = arith.constant 0 : index
    %get3A_7 = arith.constant 0 : index
    %get3A_8 = vector.load %arg3[%get3A_6, %get3A_7] : memref<1x64xf32, #tpu.memory_space<vmem>>, vector<1x64xf32>
    %concatenate3A_9 = tpu.concatenate %get3A_5, %get3A_8 in 0 : vector<128x64xf32>, vector<1x64xf32> -> vector<129x64xf32>
    %dot_general3A = arith.constant dense<0.000000e+00> : vector<1000x64xf32>
    %dot_general3A_10 = tpu.matmul %concatenate3A, %concatenate3A_9, %dot_general3A {dimension_numbers = #tpu.dot_dimension_numbers<[1], [0], [0], [1], [0, 0, 1, 1], [], []>, precision = #tpu.contract_precision<fp32>, transpose_lhs_hint = false} : vector<1000x129xf32>, vector<129x64xf32>, vector<1000x64xf32> -> vector<1000x64xf32>
    %swap3A = arith.constant 0 : index
    %swap3A_11 = arith.constant 0 : index
    %swap3A_12 = vector.load %arg4[%swap3A, %swap3A_11] : memref<1000x64xf32, #tpu.memory_space<vmem>>, vector<1000x64xf32>
    tpu.vector_store %arg4[%swap3A, %swap3A_11], %dot_general3A_10 {strides = array<i32>} : memref<1000x64xf32, #tpu.memory_space<vmem>>, vector<1000x64xf32>,
    return
  }
  func.func @transform_0(%arg0: i32) -> (i32, i32) {
    %c0_i32 = arith.constant 0 : i32
    %c0_i32_0 = arith.constant 0 : i32
    return %arg0, %c0_i32 : i32, i32
  }
  func.func @transform_1(%arg0: i32) -> (i32, i32) {
    %c0_i32 = arith.constant 0 : i32
    %c0_i32_0 = arith.constant 0 : i32
    %c0_i32_1 = arith.constant 0 : i32
    return %c0_i32, %c0_i32_0 : i32, i32
  }
  func.func @transform_2(%arg0: i32) -> (i32, i32) {
    %c0_i32 = arith.constant 0 : i32
    %c0_i32_0 = arith.constant 0 : i32
    %c0_i32_1 = arith.constant 0 : i32
    return %c0_i32, %c0_i32_0 : i32, i32
  }
  func.func @transform_3(%arg0: i32) -> (i32, i32) {
    %c0_i32 = arith.constant 0 : i32
    %c0_i32_0 = arith.constant 0 : i32
    return %arg0, %c0_i32 : i32, i32
  }
}

module attributes {stable_mosaic.version = 14 : i64} {
  func.func @kern(%arg0: i32, %arg1: memref<1000x64xf32, #tpu.memory_space<vmem>>, %arg2: memref<1x64xf32, #tpu.memory_space<vmem>>, %arg3: memref<1x64xf32, #tpu.memory_space<vmem>>, %arg4: memref<1x64xf32, #tpu.memory_space<vmem>>, %arg5: memref<1x64xf32, #tpu.memory_space<vmem>>, %arg6: memref<1x64xf32, #tpu.memory_space<vmem>>, %arg7: memref<1000x64xf32, #tpu.memory_space<vmem>>) attributes {dimension_semantics = [#tpu.dimension_semantics<arbitrary>], iteration_bounds = array<i64: 50>, scalar_prefetch = 0 : i64, scratch_operands = 0 : i64, tpu.core_type = #tpu.core_type<tc>, window_params = [{transform_indices = @transform_0, window_bounds = array<i64: 1000, 64>}, {pipeline_mode = #tpu.pipeline_mode<synchronous>, transform_indices = @transform_1, window_bounds = array<i64: 1, 64>}, {pipeline_mode = #tpu.pipeline_mode<synchronous>, transform_indices = @transform_2, window_bounds = array<i64: 1, 64>}, {pipeline_mode = #tpu.pipeline_mode<synchronous>, transform_indices = @transform_3, window_bounds = array<i64: 1, 64>}, {pipeline_mode = #tpu.pipeline_mode<synchronous>, transform_indices = @transform_4, window_bounds = array<i64: 1, 64>}, {pipeline_mode = #tpu.pipeline_mode<synchronous>, transform_indices = @transform_5, window_bounds = array<i64: 1, 64>}, {transform_indices = @transform_6, window_bounds = array<i64: 1000, 64>}]} {
    %get3A = arith.constant 0 : index
    %get3A_0 = arith.constant 0 : index
    %get3A_1 = vector.load %arg5[%get3A, %get3A_0] : memref<1x64xf32, #tpu.memory_space<vmem>>, vector<1x64xf32>
    %get3A_2 = arith.constant 0 : index
    %get3A_3 = arith.constant 0 : index
    %get3A_4 = vector.load %arg1[%get3A_2, %get3A_3] : memref<1000x64xf32, #tpu.memory_space<vmem>>, vector<1000x64xf32>
    %get3A_5 = arith.constant 0 : index
    %get3A_6 = arith.constant 0 : index
    %get3A_7 = vector.load %arg4[%get3A_5, %get3A_6] : memref<1x64xf32, #tpu.memory_space<vmem>>, vector<1x64xf32>
    %get3A_8 = arith.constant 0 : index
    %get3A_9 = arith.constant 0 : index
    %get3A_10 = vector.load %arg2[%get3A_8, %get3A_9] : memref<1x64xf32, #tpu.memory_space<vmem>>, vector<1x64xf32>
    %mul3A = arith.mulf %get3A_7, %get3A_10 : vector<1x64xf32>
    %sub3A = vector.broadcast %mul3A : vector<1x64xf32> to vector<1000x64xf32>
    %sub3A_11 = arith.subf %get3A_4, %sub3A : vector<1000x64xf32>
    %mul3A_12 = vector.broadcast %get3A_1 : vector<1x64xf32> to vector<1000x64xf32>
    %mul3A_13 = arith.mulf %mul3A_12, %sub3A_11 : vector<1000x64xf32>
    %get3A_14 = arith.constant 0 : index
    %get3A_15 = arith.constant 0 : index
    %get3A_16 = vector.load %arg3[%get3A_14, %get3A_15] : memref<1x64xf32, #tpu.memory_space<vmem>>, vector<1x64xf32>
    %div3A = vector.broadcast %get3A_16 : vector<1x64xf32> to vector<1000x64xf32>
    %div3A_17 = arith.divf %mul3A_13, %div3A : vector<1000x64xf32>
    %get3A_18 = arith.constant 0 : index
    %get3A_19 = arith.constant 0 : index
    %get3A_20 = vector.load %arg6[%get3A_18, %get3A_19] : memref<1x64xf32, #tpu.memory_space<vmem>>, vector<1x64xf32>
    %add3A = vector.broadcast %get3A_20 : vector<1x64xf32> to vector<1000x64xf32>
    %add3A_21 = arith.addf %div3A_17, %add3A : vector<1000x64xf32>
    %ge3A = arith.constant 0.000000e+00 : f32
    %ge3A_22 = vector.broadcast %ge3A : f32 to vector<1000x64xf32>
    %ge3A_23 = arith.cmpf oge, %add3A_21, %ge3A_22 : vector<1000x64xf32>
    %mul3A_24 = arith.constant 2.000000e-01 : f32
    %mul3A_25 = vector.broadcast %mul3A_24 : f32 to vector<1000x64xf32>
    %mul3A_26 = arith.mulf %mul3A_25, %add3A_21 : vector<1000x64xf32>
    %select_n3A = arith.select %ge3A_23, %add3A_21, %mul3A_26 : vector<1000x64xi1>, vector<1000x64xf32>
    %swap3A = arith.constant 0 : index
    %swap3A_27 = arith.constant 0 : index
    %swap3A_28 = vector.load %arg7[%swap3A, %swap3A_27] : memref<1000x64xf32, #tpu.memory_space<vmem>>, vector<1000x64xf32>
    tpu.vector_store %arg7[%swap3A, %swap3A_27], %select_n3A {strides = array<i32>} : memref<1000x64xf32, #tpu.memory_space<vmem>>, vector<1000x64xf32>,
    return
  }
  func.func @transform_0(%arg0: i32) -> (i32, i32) {
    %c0_i32 = arith.constant 0 : i32
    %c0_i32_0 = arith.constant 0 : i32
    return %arg0, %c0_i32 : i32, i32
  }
  func.func @transform_1(%arg0: i32) -> (i32, i32) {
    %c0_i32 = arith.constant 0 : i32
    %c0_i32_0 = arith.constant 0 : i32
    %c0_i32_1 = arith.constant 0 : i32
    return %c0_i32, %c0_i32_0 : i32, i32
  }
  func.func @transform_2(%arg0: i32) -> (i32, i32) {
    %c0_i32 = arith.constant 0 : i32
    %c0_i32_0 = arith.constant 0 : i32
    %c0_i32_1 = arith.constant 0 : i32
    return %c0_i32, %c0_i32_0 : i32, i32
  }
  func.func @transform_3(%arg0: i32) -> (i32, i32) {
    %c0_i32 = arith.constant 0 : i32
    %c0_i32_0 = arith.constant 0 : i32
    %c0_i32_1 = arith.constant 0 : i32
    return %c0_i32, %c0_i32_0 : i32, i32
  }
  func.func @transform_4(%arg0: i32) -> (i32, i32) {
    %c0_i32 = arith.constant 0 : i32
    %c0_i32_0 = arith.constant 0 : i32
    %c0_i32_1 = arith.constant 0 : i32
    return %c0_i32, %c0_i32_0 : i32, i32
  }
  func.func @transform_5(%arg0: i32) -> (i32, i32) {
    %c0_i32 = arith.constant 0 : i32
    %c0_i32_0 = arith.constant 0 : i32
    %c0_i32_1 = arith.constant 0 : i32
    return %c0_i32, %c0_i32_0 : i32, i32
  }
  func.func @transform_6(%arg0: i32) -> (i32, i32) {
    %c0_i32 = arith.constant 0 : i32
    %c0_i32_0 = arith.constant 0 : i32
    return %arg0, %c0_i32 : i32, i32
  }
}

module attributes {stable_mosaic.version = 14 : i64} {
  func.func @kern(%arg0: i32, %arg1: memref<1000x64xf32, #tpu.memory_space<vmem>>, %arg2: memref<64x32xf32, #tpu.memory_space<vmem>>, %arg3: memref<1x32xf32, #tpu.memory_space<vmem>>, %arg4: memref<1000x32xf32, #tpu.memory_space<vmem>>) attributes {dimension_semantics = [#tpu.dimension_semantics<arbitrary>], iteration_bounds = array<i64: 50>, scalar_prefetch = 0 : i64, scratch_operands = 0 : i64, tpu.core_type = #tpu.core_type<tc>, window_params = [{transform_indices = @transform_0, window_bounds = array<i64: 1000, 64>}, {pipeline_mode = #tpu.pipeline_mode<synchronous>, transform_indices = @transform_1, window_bounds = array<i64: 64, 32>}, {pipeline_mode = #tpu.pipeline_mode<synchronous>, transform_indices = @transform_2, window_bounds = array<i64: 1, 32>}, {transform_indices = @transform_3, window_bounds = array<i64: 1000, 32>}]} {
    %get3A = arith.constant 0 : index
    %get3A_0 = arith.constant 0 : index
    %get3A_1 = vector.load %arg1[%get3A, %get3A_0] : memref<1000x64xf32, #tpu.memory_space<vmem>>, vector<1000x64xf32>
    %broadcast_in_dim3A = arith.constant 1.000000e+00 : f32
    %broadcast_in_dim3A_2 = vector.broadcast %broadcast_in_dim3A : f32 to vector<1000x1xf32>
    %concatenate3A = tpu.concatenate %get3A_1, %broadcast_in_dim3A_2 in 1 : vector<1000x64xf32>, vector<1000x1xf32> -> vector<1000x65xf32>
    %get3A_3 = arith.constant 0 : index
    %get3A_4 = arith.constant 0 : index
    %get3A_5 = vector.load %arg2[%get3A_3, %get3A_4] : memref<64x32xf32, #tpu.memory_space<vmem>>, vector<64x32xf32>
    %get3A_6 = arith.constant 0 : index
    %get3A_7 = arith.constant 0 : index
    %get3A_8 = vector.load %arg3[%get3A_6, %get3A_7] : memref<1x32xf32, #tpu.memory_space<vmem>>, vector<1x32xf32>
    %concatenate3A_9 = tpu.concatenate %get3A_5, %get3A_8 in 0 : vector<64x32xf32>, vector<1x32xf32> -> vector<65x32xf32>
    %dot_general3A = arith.constant dense<0.000000e+00> : vector<1000x32xf32>
    %dot_general3A_10 = tpu.matmul %concatenate3A, %concatenate3A_9, %dot_general3A {dimension_numbers = #tpu.dot_dimension_numbers<[1], [0], [0], [1], [0, 0, 1, 1], [], []>, precision = #tpu.contract_precision<fp32>, transpose_lhs_hint = false} : vector<1000x65xf32>, vector<65x32xf32>, vector<1000x32xf32> -> vector<1000x32xf32>
    %swap3A = arith.constant 0 : index
    %swap3A_11 = arith.constant 0 : index
    %swap3A_12 = vector.load %arg4[%swap3A, %swap3A_11] : memref<1000x32xf32, #tpu.memory_space<vmem>>, vector<1000x32xf32>
    tpu.vector_store %arg4[%swap3A, %swap3A_11], %dot_general3A_10 {strides = array<i32>} : memref<1000x32xf32, #tpu.memory_space<vmem>>, vector<1000x32xf32>,
    return
  }
  func.func @transform_0(%arg0: i32) -> (i32, i32) {
    %c0_i32 = arith.constant 0 : i32
    %c0_i32_0 = arith.constant 0 : i32
    return %arg0, %c0_i32 : i32, i32
  }
  func.func @transform_1(%arg0: i32) -> (i32, i32) {
    %c0_i32 = arith.constant 0 : i32
    %c0_i32_0 = arith.constant 0 : i32
    %c0_i32_1 = arith.constant 0 : i32
    return %c0_i32, %c0_i32_0 : i32, i32
  }
  func.func @transform_2(%arg0: i32) -> (i32, i32) {
    %c0_i32 = arith.constant 0 : i32
    %c0_i32_0 = arith.constant 0 : i32
    %c0_i32_1 = arith.constant 0 : i32
    return %c0_i32, %c0_i32_0 : i32, i32
  }
  func.func @transform_3(%arg0: i32) -> (i32, i32) {
    %c0_i32 = arith.constant 0 : i32
    %c0_i32_0 = arith.constant 0 : i32
    return %arg0, %c0_i32 : i32, i32
  }
}

module attributes {stable_mosaic.version = 14 : i64} {
  func.func @kern(%arg0: i32, %arg1: memref<1000x32xf32, #tpu.memory_space<vmem>>, %arg2: memref<1x32xf32, #tpu.memory_space<vmem>>, %arg3: memref<1x32xf32, #tpu.memory_space<vmem>>, %arg4: memref<1x32xf32, #tpu.memory_space<vmem>>, %arg5: memref<1x32xf32, #tpu.memory_space<vmem>>, %arg6: memref<1x32xf32, #tpu.memory_space<vmem>>, %arg7: memref<1000x32xf32, #tpu.memory_space<vmem>>) attributes {dimension_semantics = [#tpu.dimension_semantics<arbitrary>], iteration_bounds = array<i64: 50>, scalar_prefetch = 0 : i64, scratch_operands = 0 : i64, tpu.core_type = #tpu.core_type<tc>, window_params = [{transform_indices = @transform_0, window_bounds = array<i64: 1000, 32>}, {pipeline_mode = #tpu.pipeline_mode<synchronous>, transform_indices = @transform_1, window_bounds = array<i64: 1, 32>}, {pipeline_mode = #tpu.pipeline_mode<synchronous>, transform_indices = @transform_2, window_bounds = array<i64: 1, 32>}, {pipeline_mode = #tpu.pipeline_mode<synchronous>, transform_indices = @transform_3, window_bounds = array<i64: 1, 32>}, {pipeline_mode = #tpu.pipeline_mode<synchronous>, transform_indices = @transform_4, window_bounds = array<i64: 1, 32>}, {pipeline_mode = #tpu.pipeline_mode<synchronous>, transform_indices = @transform_5, window_bounds = array<i64: 1, 32>}, {transform_indices = @transform_6, window_bounds = array<i64: 1000, 32>}]} {
    %get3A = arith.constant 0 : index
    %get3A_0 = arith.constant 0 : index
    %get3A_1 = vector.load %arg5[%get3A, %get3A_0] : memref<1x32xf32, #tpu.memory_space<vmem>>, vector<1x32xf32>
    %get3A_2 = arith.constant 0 : index
    %get3A_3 = arith.constant 0 : index
    %get3A_4 = vector.load %arg1[%get3A_2, %get3A_3] : memref<1000x32xf32, #tpu.memory_space<vmem>>, vector<1000x32xf32>
    %get3A_5 = arith.constant 0 : index
    %get3A_6 = arith.constant 0 : index
    %get3A_7 = vector.load %arg4[%get3A_5, %get3A_6] : memref<1x32xf32, #tpu.memory_space<vmem>>, vector<1x32xf32>
    %get3A_8 = arith.constant 0 : index
    %get3A_9 = arith.constant 0 : index
    %get3A_10 = vector.load %arg2[%get3A_8, %get3A_9] : memref<1x32xf32, #tpu.memory_space<vmem>>, vector<1x32xf32>
    %mul3A = arith.mulf %get3A_7, %get3A_10 : vector<1x32xf32>
    %sub3A = vector.broadcast %mul3A : vector<1x32xf32> to vector<1000x32xf32>
    %sub3A_11 = arith.subf %get3A_4, %sub3A : vector<1000x32xf32>
    %mul3A_12 = vector.broadcast %get3A_1 : vector<1x32xf32> to vector<1000x32xf32>
    %mul3A_13 = arith.mulf %mul3A_12, %sub3A_11 : vector<1000x32xf32>
    %get3A_14 = arith.constant 0 : index
    %get3A_15 = arith.constant 0 : index
    %get3A_16 = vector.load %arg3[%get3A_14, %get3A_15] : memref<1x32xf32, #tpu.memory_space<vmem>>, vector<1x32xf32>
    %div3A = vector.broadcast %get3A_16 : vector<1x32xf32> to vector<1000x32xf32>
    %div3A_17 = arith.divf %mul3A_13, %div3A : vector<1000x32xf32>
    %get3A_18 = arith.constant 0 : index
    %get3A_19 = arith.constant 0 : index
    %get3A_20 = vector.load %arg6[%get3A_18, %get3A_19] : memref<1x32xf32, #tpu.memory_space<vmem>>, vector<1x32xf32>
    %add3A = vector.broadcast %get3A_20 : vector<1x32xf32> to vector<1000x32xf32>
    %add3A_21 = arith.addf %div3A_17, %add3A : vector<1000x32xf32>
    %ge3A = arith.constant 0.000000e+00 : f32
    %ge3A_22 = vector.broadcast %ge3A : f32 to vector<1000x32xf32>
    %ge3A_23 = arith.cmpf oge, %add3A_21, %ge3A_22 : vector<1000x32xf32>
    %mul3A_24 = arith.constant 2.000000e-01 : f32
    %mul3A_25 = vector.broadcast %mul3A_24 : f32 to vector<1000x32xf32>
    %mul3A_26 = arith.mulf %mul3A_25, %add3A_21 : vector<1000x32xf32>
    %select_n3A = arith.select %ge3A_23, %add3A_21, %mul3A_26 : vector<1000x32xi1>, vector<1000x32xf32>
    %swap3A = arith.constant 0 : index
    %swap3A_27 = arith.constant 0 : index
    %swap3A_28 = vector.load %arg7[%swap3A, %swap3A_27] : memref<1000x32xf32, #tpu.memory_space<vmem>>, vector<1000x32xf32>
    tpu.vector_store %arg7[%swap3A, %swap3A_27], %select_n3A {strides = array<i32>} : memref<1000x32xf32, #tpu.memory_space<vmem>>, vector<1000x32xf32>,
    return
  }
  func.func @transform_0(%arg0: i32) -> (i32, i32) {
    %c0_i32 = arith.constant 0 : i32
    %c0_i32_0 = arith.constant 0 : i32
    return %arg0, %c0_i32 : i32, i32
  }
  func.func @transform_1(%arg0: i32) -> (i32, i32) {
    %c0_i32 = arith.constant 0 : i32
    %c0_i32_0 = arith.constant 0 : i32
    %c0_i32_1 = arith.constant 0 : i32
    return %c0_i32, %c0_i32_0 : i32, i32
  }
  func.func @transform_2(%arg0: i32) -> (i32, i32) {
    %c0_i32 = arith.constant 0 : i32
    %c0_i32_0 = arith.constant 0 : i32
    %c0_i32_1 = arith.constant 0 : i32
    return %c0_i32, %c0_i32_0 : i32, i32
  }
  func.func @transform_3(%arg0: i32) -> (i32, i32) {
    %c0_i32 = arith.constant 0 : i32
    %c0_i32_0 = arith.constant 0 : i32
    %c0_i32_1 = arith.constant 0 : i32
    return %c0_i32, %c0_i32_0 : i32, i32
  }
  func.func @transform_4(%arg0: i32) -> (i32, i32) {
    %c0_i32 = arith.constant 0 : i32
    %c0_i32_0 = arith.constant 0 : i32
    %c0_i32_1 = arith.constant 0 : i32
    return %c0_i32, %c0_i32_0 : i32, i32
  }
  func.func @transform_5(%arg0: i32) -> (i32, i32) {
    %c0_i32 = arith.constant 0 : i32
    %c0_i32_0 = arith.constant 0 : i32
    %c0_i32_1 = arith.constant 0 : i32
    return %c0_i32, %c0_i32_0 : i32, i32
  }
  func.func @transform_6(%arg0: i32) -> (i32, i32) {
    %c0_i32 = arith.constant 0 : i32
    %c0_i32_0 = arith.constant 0 : i32
    return %arg0, %c0_i32 : i32, i32
  }
}

module attributes {stable_mosaic.version = 14 : i64} {
  func.func @kern(%arg0: i32, %arg1: memref<1000x32xf32, #tpu.memory_space<vmem>>, %arg2: memref<32x16xf32, #tpu.memory_space<vmem>>, %arg3: memref<1x16xf32, #tpu.memory_space<vmem>>, %arg4: memref<1000x16xf32, #tpu.memory_space<vmem>>) attributes {dimension_semantics = [#tpu.dimension_semantics<arbitrary>], iteration_bounds = array<i64: 50>, scalar_prefetch = 0 : i64, scratch_operands = 0 : i64, tpu.core_type = #tpu.core_type<tc>, window_params = [{transform_indices = @transform_0, window_bounds = array<i64: 1000, 32>}, {pipeline_mode = #tpu.pipeline_mode<synchronous>, transform_indices = @transform_1, window_bounds = array<i64: 32, 16>}, {pipeline_mode = #tpu.pipeline_mode<synchronous>, transform_indices = @transform_2, window_bounds = array<i64: 1, 16>}, {transform_indices = @transform_3, window_bounds = array<i64: 1000, 16>}]} {
    %get3A = arith.constant 0 : index
    %get3A_0 = arith.constant 0 : index
    %get3A_1 = vector.load %arg1[%get3A, %get3A_0] : memref<1000x32xf32, #tpu.memory_space<vmem>>, vector<1000x32xf32>
    %broadcast_in_dim3A = arith.constant 1.000000e+00 : f32
    %broadcast_in_dim3A_2 = vector.broadcast %broadcast_in_dim3A : f32 to vector<1000x1xf32>
    %concatenate3A = tpu.concatenate %get3A_1, %broadcast_in_dim3A_2 in 1 : vector<1000x32xf32>, vector<1000x1xf32> -> vector<1000x33xf32>
    %get3A_3 = arith.constant 0 : index
    %get3A_4 = arith.constant 0 : index
    %get3A_5 = vector.load %arg2[%get3A_3, %get3A_4] : memref<32x16xf32, #tpu.memory_space<vmem>>, vector<32x16xf32>
    %get3A_6 = arith.constant 0 : index
    %get3A_7 = arith.constant 0 : index
    %get3A_8 = vector.load %arg3[%get3A_6, %get3A_7] : memref<1x16xf32, #tpu.memory_space<vmem>>, vector<1x16xf32>
    %concatenate3A_9 = tpu.concatenate %get3A_5, %get3A_8 in 0 : vector<32x16xf32>, vector<1x16xf32> -> vector<33x16xf32>
    %dot_general3A = arith.constant dense<0.000000e+00> : vector<1000x16xf32>
    %dot_general3A_10 = tpu.matmul %concatenate3A, %concatenate3A_9, %dot_general3A {dimension_numbers = #tpu.dot_dimension_numbers<[1], [0], [0], [1], [0, 0, 1, 1], [], []>, precision = #tpu.contract_precision<fp32>, transpose_lhs_hint = false} : vector<1000x33xf32>, vector<33x16xf32>, vector<1000x16xf32> -> vector<1000x16xf32>
    %swap3A = arith.constant 0 : index
    %swap3A_11 = arith.constant 0 : index
    %swap3A_12 = vector.load %arg4[%swap3A, %swap3A_11] : memref<1000x16xf32, #tpu.memory_space<vmem>>, vector<1000x16xf32>
    tpu.vector_store %arg4[%swap3A, %swap3A_11], %dot_general3A_10 {strides = array<i32>} : memref<1000x16xf32, #tpu.memory_space<vmem>>, vector<1000x16xf32>,
    return
  }
  func.func @transform_0(%arg0: i32) -> (i32, i32) {
    %c0_i32 = arith.constant 0 : i32
    %c0_i32_0 = arith.constant 0 : i32
    return %arg0, %c0_i32 : i32, i32
  }
  func.func @transform_1(%arg0: i32) -> (i32, i32) {
    %c0_i32 = arith.constant 0 : i32
    %c0_i32_0 = arith.constant 0 : i32
    %c0_i32_1 = arith.constant 0 : i32
    return %c0_i32, %c0_i32_0 : i32, i32
  }
  func.func @transform_2(%arg0: i32) -> (i32, i32) {
    %c0_i32 = arith.constant 0 : i32
    %c0_i32_0 = arith.constant 0 : i32
    %c0_i32_1 = arith.constant 0 : i32
    return %c0_i32, %c0_i32_0 : i32, i32
  }
  func.func @transform_3(%arg0: i32) -> (i32, i32) {
    %c0_i32 = arith.constant 0 : i32
    %c0_i32_0 = arith.constant 0 : i32
    return %arg0, %c0_i32 : i32, i32
  }
}

module attributes {stable_mosaic.version = 14 : i64} {
  func.func @kern(%arg0: i32, %arg1: memref<1000x16xf32, #tpu.memory_space<vmem>>, %arg2: memref<1x16xf32, #tpu.memory_space<vmem>>, %arg3: memref<1x16xf32, #tpu.memory_space<vmem>>, %arg4: memref<1x16xf32, #tpu.memory_space<vmem>>, %arg5: memref<1x16xf32, #tpu.memory_space<vmem>>, %arg6: memref<1x16xf32, #tpu.memory_space<vmem>>, %arg7: memref<1000x16xf32, #tpu.memory_space<vmem>>) attributes {dimension_semantics = [#tpu.dimension_semantics<arbitrary>], iteration_bounds = array<i64: 50>, scalar_prefetch = 0 : i64, scratch_operands = 0 : i64, tpu.core_type = #tpu.core_type<tc>, window_params = [{transform_indices = @transform_0, window_bounds = array<i64: 1000, 16>}, {pipeline_mode = #tpu.pipeline_mode<synchronous>, transform_indices = @transform_1, window_bounds = array<i64: 1, 16>}, {pipeline_mode = #tpu.pipeline_mode<synchronous>, transform_indices = @transform_2, window_bounds = array<i64: 1, 16>}, {pipeline_mode = #tpu.pipeline_mode<synchronous>, transform_indices = @transform_3, window_bounds = array<i64: 1, 16>}, {pipeline_mode = #tpu.pipeline_mode<synchronous>, transform_indices = @transform_4, window_bounds = array<i64: 1, 16>}, {pipeline_mode = #tpu.pipeline_mode<synchronous>, transform_indices = @transform_5, window_bounds = array<i64: 1, 16>}, {transform_indices = @transform_6, window_bounds = array<i64: 1000, 16>}]} {
    %get3A = arith.constant 0 : index
    %get3A_0 = arith.constant 0 : index
    %get3A_1 = vector.load %arg5[%get3A, %get3A_0] : memref<1x16xf32, #tpu.memory_space<vmem>>, vector<1x16xf32>
    %get3A_2 = arith.constant 0 : index
    %get3A_3 = arith.constant 0 : index
    %get3A_4 = vector.load %arg1[%get3A_2, %get3A_3] : memref<1000x16xf32, #tpu.memory_space<vmem>>, vector<1000x16xf32>
    %get3A_5 = arith.constant 0 : index
    %get3A_6 = arith.constant 0 : index
    %get3A_7 = vector.load %arg4[%get3A_5, %get3A_6] : memref<1x16xf32, #tpu.memory_space<vmem>>, vector<1x16xf32>
    %get3A_8 = arith.constant 0 : index
    %get3A_9 = arith.constant 0 : index
    %get3A_10 = vector.load %arg2[%get3A_8, %get3A_9] : memref<1x16xf32, #tpu.memory_space<vmem>>, vector<1x16xf32>
    %mul3A = arith.mulf %get3A_7, %get3A_10 : vector<1x16xf32>
    %sub3A = vector.broadcast %mul3A : vector<1x16xf32> to vector<1000x16xf32>
    %sub3A_11 = arith.subf %get3A_4, %sub3A : vector<1000x16xf32>
    %mul3A_12 = vector.broadcast %get3A_1 : vector<1x16xf32> to vector<1000x16xf32>
    %mul3A_13 = arith.mulf %mul3A_12, %sub3A_11 : vector<1000x16xf32>
    %get3A_14 = arith.constant 0 : index
    %get3A_15 = arith.constant 0 : index
    %get3A_16 = vector.load %arg3[%get3A_14, %get3A_15] : memref<1x16xf32, #tpu.memory_space<vmem>>, vector<1x16xf32>
    %div3A = vector.broadcast %get3A_16 : vector<1x16xf32> to vector<1000x16xf32>
    %div3A_17 = arith.divf %mul3A_13, %div3A : vector<1000x16xf32>
    %get3A_18 = arith.constant 0 : index
    %get3A_19 = arith.constant 0 : index
    %get3A_20 = vector.load %arg6[%get3A_18, %get3A_19] : memref<1x16xf32, #tpu.memory_space<vmem>>, vector<1x16xf32>
    %add3A = vector.broadcast %get3A_20 : vector<1x16xf32> to vector<1000x16xf32>
    %add3A_21 = arith.addf %div3A_17, %add3A : vector<1000x16xf32>
    %ge3A = arith.constant 0.000000e+00 : f32
    %ge3A_22 = vector.broadcast %ge3A : f32 to vector<1000x16xf32>
    %ge3A_23 = arith.cmpf oge, %add3A_21, %ge3A_22 : vector<1000x16xf32>
    %mul3A_24 = arith.constant 2.000000e-01 : f32
    %mul3A_25 = vector.broadcast %mul3A_24 : f32 to vector<1000x16xf32>
    %mul3A_26 = arith.mulf %mul3A_25, %add3A_21 : vector<1000x16xf32>
    %select_n3A = arith.select %ge3A_23, %add3A_21, %mul3A_26 : vector<1000x16xi1>, vector<1000x16xf32>
    %swap3A = arith.constant 0 : index
    %swap3A_27 = arith.constant 0 : index
    %swap3A_28 = vector.load %arg7[%swap3A, %swap3A_27] : memref<1000x16xf32, #tpu.memory_space<vmem>>, vector<1000x16xf32>
    tpu.vector_store %arg7[%swap3A, %swap3A_27], %select_n3A {strides = array<i32>} : memref<1000x16xf32, #tpu.memory_space<vmem>>, vector<1000x16xf32>,
    return
  }
  func.func @transform_0(%arg0: i32) -> (i32, i32) {
    %c0_i32 = arith.constant 0 : i32
    %c0_i32_0 = arith.constant 0 : i32
    return %arg0, %c0_i32 : i32, i32
  }
  func.func @transform_1(%arg0: i32) -> (i32, i32) {
    %c0_i32 = arith.constant 0 : i32
    %c0_i32_0 = arith.constant 0 : i32
    %c0_i32_1 = arith.constant 0 : i32
    return %c0_i32, %c0_i32_0 : i32, i32
  }
  func.func @transform_2(%arg0: i32) -> (i32, i32) {
    %c0_i32 = arith.constant 0 : i32
    %c0_i32_0 = arith.constant 0 : i32
    %c0_i32_1 = arith.constant 0 : i32
    return %c0_i32, %c0_i32_0 : i32, i32
  }
  func.func @transform_3(%arg0: i32) -> (i32, i32) {
    %c0_i32 = arith.constant 0 : i32
    %c0_i32_0 = arith.constant 0 : i32
    %c0_i32_1 = arith.constant 0 : i32
    return %c0_i32, %c0_i32_0 : i32, i32
  }
  func.func @transform_4(%arg0: i32) -> (i32, i32) {
    %c0_i32 = arith.constant 0 : i32
    %c0_i32_0 = arith.constant 0 : i32
    %c0_i32_1 = arith.constant 0 : i32
    return %c0_i32, %c0_i32_0 : i32, i32
  }
  func.func @transform_5(%arg0: i32) -> (i32, i32) {
    %c0_i32 = arith.constant 0 : i32
    %c0_i32_0 = arith.constant 0 : i32
    %c0_i32_1 = arith.constant 0 : i32
    return %c0_i32, %c0_i32_0 : i32, i32
  }
  func.func @transform_6(%arg0: i32) -> (i32, i32) {
    %c0_i32 = arith.constant 0 : i32
    %c0_i32_0 = arith.constant 0 : i32
    return %arg0, %c0_i32 : i32, i32
  }
}

module attributes {stable_mosaic.version = 14 : i64} {
  func.func @kern(%arg0: i32, %arg1: memref<1000x16xf32, #tpu.memory_space<vmem>>, %arg2: memref<16x16xf32, #tpu.memory_space<vmem>>, %arg3: memref<1x16xf32, #tpu.memory_space<vmem>>, %arg4: memref<1000x16xf32, #tpu.memory_space<vmem>>, %arg5: memref<1000x16xf32, #tpu.memory_space<vmem>>, %arg6: memref<1000x16xf32, #tpu.memory_space<vmem>>, %arg7: memref<1000x16xf32, #tpu.memory_space<vmem>>) attributes {dimension_semantics = [#tpu.dimension_semantics<arbitrary>], iteration_bounds = array<i64: 50>, scalar_prefetch = 0 : i64, scratch_operands = 0 : i64, tpu.core_type = #tpu.core_type<tc>, window_params = [{transform_indices = @transform_0, window_bounds = array<i64: 1000, 16>}, {pipeline_mode = #tpu.pipeline_mode<synchronous>, transform_indices = @transform_1, window_bounds = array<i64: 16, 16>}, {pipeline_mode = #tpu.pipeline_mode<synchronous>, transform_indices = @transform_2, window_bounds = array<i64: 1, 16>}, {transform_indices = @transform_3, window_bounds = array<i64: 1000, 16>}, {transform_indices = @transform_4, window_bounds = array<i64: 1000, 16>}, {transform_indices = @transform_5, window_bounds = array<i64: 1000, 16>}, {transform_indices = @transform_6, window_bounds = array<i64: 1000, 16>}]} {
    %get3A = arith.constant 0 : index
    %get3A_0 = arith.constant 0 : index
    %get3A_1 = vector.load %arg1[%get3A, %get3A_0] : memref<1000x16xf32, #tpu.memory_space<vmem>>, vector<1000x16xf32>
    %broadcast_in_dim3A = arith.constant 1.000000e+00 : f32
    %broadcast_in_dim3A_2 = vector.broadcast %broadcast_in_dim3A : f32 to vector<1000x1xf32>
    %concatenate3A = tpu.concatenate %get3A_1, %broadcast_in_dim3A_2 in 1 : vector<1000x16xf32>, vector<1000x1xf32> -> vector<1000x17xf32>
    %get3A_3 = arith.constant 0 : index
    %get3A_4 = arith.constant 0 : index
    %get3A_5 = vector.load %arg2[%get3A_3, %get3A_4] : memref<16x16xf32, #tpu.memory_space<vmem>>, vector<16x16xf32>
    %get3A_6 = arith.constant 0 : index
    %get3A_7 = arith.constant 0 : index
    %get3A_8 = vector.load %arg3[%get3A_6, %get3A_7] : memref<1x16xf32, #tpu.memory_space<vmem>>, vector<1x16xf32>
    %concatenate3A_9 = tpu.concatenate %get3A_5, %get3A_8 in 0 : vector<16x16xf32>, vector<1x16xf32> -> vector<17x16xf32>
    %dot_general3A = arith.constant dense<0.000000e+00> : vector<1000x16xf32>
    %dot_general3A_10 = tpu.matmul %concatenate3A, %concatenate3A_9, %dot_general3A {dimension_numbers = #tpu.dot_dimension_numbers<[1], [0], [0], [1], [0, 0, 1, 1], [], []>, precision = #tpu.contract_precision<fp32>, transpose_lhs_hint = false} : vector<1000x17xf32>, vector<17x16xf32>, vector<1000x16xf32> -> vector<1000x16xf32>
    %swap3A = arith.constant 0 : index
    %swap3A_11 = arith.constant 0 : index
    %swap3A_12 = vector.load %arg5[%swap3A, %swap3A_11] : memref<1000x16xf32, #tpu.memory_space<vmem>>, vector<1000x16xf32>
    tpu.vector_store %arg5[%swap3A, %swap3A_11], %dot_general3A_10 {strides = array<i32>} : memref<1000x16xf32, #tpu.memory_space<vmem>>, vector<1000x16xf32>,
    %get3A_13 = arith.constant 0 : index
    %get3A_14 = arith.constant 0 : index
    %get3A_15 = vector.load %arg4[%get3A_13, %get3A_14] : memref<1000x16xf32, #tpu.memory_space<vmem>>, vector<1000x16xf32>
    %add3A = arith.addf %dot_general3A_10, %get3A_15 : vector<1000x16xf32>
    %reduce_max3A = arith.constant dense<0xFF800000> : vector<1000xf32>
    %reduce_max3A_16 = vector.multi_reduction <maximumf>, %add3A, %reduce_max3A [1] : vector<1000x16xf32> to vector<1000xf32>
    %broadcast_in_dim3A_17 = vector.shape_cast %reduce_max3A_16 : vector<1000xf32> to vector<1000x1xf32>
    %sub3A = vector.broadcast %broadcast_in_dim3A_17 : vector<1000x1xf32> to vector<1000x16xf32>
    %sub3A_18 = arith.subf %add3A, %sub3A : vector<1000x16xf32>
    %exp3A = math.exp %sub3A_18 : vector<1000x16xf32>
    %reduce_sum3A = arith.constant dense<0.000000e+00> : vector<1000xf32>
    %reduce_sum3A_19 = vector.multi_reduction <add>, %exp3A, %reduce_sum3A [1] : vector<1000x16xf32> to vector<1000xf32>
    %broadcast_in_dim3A_20 = vector.shape_cast %reduce_sum3A_19 : vector<1000xf32> to vector<1000x1xf32>
    %div3A = vector.broadcast %broadcast_in_dim3A_20 : vector<1000x1xf32> to vector<1000x16xf32>
    %div3A_21 = arith.divf %exp3A, %div3A : vector<1000x16xf32>
    %swap3A_22 = arith.constant 0 : index
    %swap3A_23 = arith.constant 0 : index
    %swap3A_24 = vector.load %arg7[%swap3A_22, %swap3A_23] : memref<1000x16xf32, #tpu.memory_space<vmem>>, vector<1000x16xf32>
    tpu.vector_store %arg7[%swap3A_22, %swap3A_23], %div3A_21 {strides = array<i32>} : memref<1000x16xf32, #tpu.memory_space<vmem>>, vector<1000x16xf32>,
    %reduce_max3A_25 = arith.constant dense<0xFF800000> : vector<1000xf32>
    %reduce_max3A_26 = vector.multi_reduction <maximumf>, %div3A_21, %reduce_max3A_25 [1] : vector<1000x16xf32> to vector<1000xf32>
    %broadcast_in_dim3A_27 = vector.shape_cast %reduce_max3A_26 : vector<1000xf32> to vector<1000x1xf32>
    %iota3A = tpu.iota {dimensions = array<i32: 1>} : vector<1000x16xi32>
    %eq3A = vector.broadcast %broadcast_in_dim3A_27 : vector<1000x1xf32> to vector<1000x16xf32>
    %eq3A_28 = arith.cmpf oeq, %div3A_21, %eq3A : vector<1000x16xf32>
    %jit3A = arith.constant 16 : i32
    %broadcast_in_dim3A_29 = vector.broadcast %jit3A : i32 to vector<1000x16xi32>
    %select_n3A = arith.select %eq3A_28, %iota3A, %broadcast_in_dim3A_29 : vector<1000x16xi1>, vector<1000x16xi32>
    %reduce_min3A = arith.constant dense<2147483647> : vector<1000xi32>
    %reduce_min3A_30 = vector.multi_reduction <minsi>, %select_n3A, %reduce_min3A [1] : vector<1000x16xi32> to vector<1000xi32>
    %broadcast_in_dim3A_31 = vector.shape_cast %reduce_min3A_30 : vector<1000xi32> to vector<1000x1xi32>
    %eq3A_32 = vector.broadcast %broadcast_in_dim3A_31 : vector<1000x1xi32> to vector<1000x16xi32>
    %eq3A_33 = arith.cmpi eq, %iota3A, %eq3A_32 : vector<1000x16xi32>
    %jit3A_34 = arith.constant 1.000000e+00 : f32
    %jit3A_35 = arith.constant 0.000000e+00 : f32
    %broadcast_in_dim3A_36 = vector.broadcast %jit3A_34 : f32 to vector<1000x16xf32>
    %broadcast_in_dim3A_37 = vector.broadcast %jit3A_35 : f32 to vector<1000x16xf32>
    %select_n3A_38 = arith.select %eq3A_33, %broadcast_in_dim3A_36, %broadcast_in_dim3A_37 : vector<1000x16xi1>, vector<1000x16xf32>
    %sub3A_39 = arith.subf %select_n3A_38, %div3A_21 : vector<1000x16xf32>
    %add3A_40 = arith.addf %sub3A_39, %div3A_21 : vector<1000x16xf32>
    %swap3A_41 = arith.constant 0 : index
    %swap3A_42 = arith.constant 0 : index
    %swap3A_43 = vector.load %arg6[%swap3A_41, %swap3A_42] : memref<1000x16xf32, #tpu.memory_space<vmem>>, vector<1000x16xf32>
    tpu.vector_store %arg6[%swap3A_41, %swap3A_42], %add3A_40 {strides = array<i32>} : memref<1000x16xf32, #tpu.memory_space<vmem>>, vector<1000x16xf32>,
    return
  }
  func.func @transform_0(%arg0: i32) -> (i32, i32) {
    %c0_i32 = arith.constant 0 : i32
    %c0_i32_0 = arith.constant 0 : i32
    return %arg0, %c0_i32 : i32, i32
  }
  func.func @transform_1(%arg0: i32) -> (i32, i32) {
    %c0_i32 = arith.constant 0 : i32
    %c0_i32_0 = arith.constant 0 : i32
    %c0_i32_1 = arith.constant 0 : i32
    return %c0_i32, %c0_i32_0 : i32, i32
  }
  func.func @transform_2(%arg0: i32) -> (i32, i32) {
    %c0_i32 = arith.constant 0 : i32
    %c0_i32_0 = arith.constant 0 : i32
    %c0_i32_1 = arith.constant 0 : i32
    return %c0_i32, %c0_i32_0 : i32, i32
  }
  func.func @transform_3(%arg0: i32) -> (i32, i32) {
    %c0_i32 = arith.constant 0 : i32
    %c0_i32_0 = arith.constant 0 : i32
    return %arg0, %c0_i32 : i32, i32
  }
  func.func @transform_4(%arg0: i32) -> (i32, i32) {
    %c0_i32 = arith.constant 0 : i32
    %c0_i32_0 = arith.constant 0 : i32
    return %arg0, %c0_i32 : i32, i32
  }
  func.func @transform_5(%arg0: i32) -> (i32, i32) {
    %c0_i32 = arith.constant 0 : i32
    %c0_i32_0 = arith.constant 0 : i32
    return %arg0, %c0_i32 : i32, i32
  }
  func.func @transform_6(%arg0: i32) -> (i32, i32) {
    %c0_i32 = arith.constant 0 : i32
    %c0_i32_0 = arith.constant 0 : i32
    return %arg0, %c0_i32 : i32, i32
  }
}

</mosaic_0001>

<sc_bundles>
// kernel: kernel.37.cloned.1.call-start
scs
__scs_entry_jumppad:
0x0: {  	(pc) =	sbr.rel $0x88, $3  }
0x1: {  	(tag) =	ssettag $0x0;
	lr =	simm.s32 $0x1  }
0x2: {  	[smem:$0x3F65] =	sst lr;
	_ =	strace $0xD0000000  }
0x3: {  	_ = 	snop  }
0x4: {  	_ = 	snop  }
0x5: {  	_ = 	snop  }
0x6: {  	_ = 	snop  }
0x7: {  	_ = 	snop  }
__scs_overlays_trampoline_lowered:
0x8: {  	[smem:$0x3F74] =	sst s0  }
0x9: {  	[smem:$0x3F75] =	sst s1  }
0xa: {  	[smem:$0x3F76] =	sst s2  }
0xb: {  	[smem:$0x3F77] =	sst s3  }
0xc: {  	[smem:$0x3F78] =	sst s4  }
0xd: {  	[smem:$0x3F79] =	sst s5  }
0xe: {  	[smem:$0x3F7A] =	sst s6  }
0xf: {  	[smem:$0x3F7B] =	sst s7  }
0x10: {  	[smem:$0x3F7C] =	sst s8  }
0x11: {  	[smem:$0x3F7D] =	sst s9;
	s0 =	simm.s32 @!p0 $0x0  }
0x12: {  	s1 =	sld [smem:$0x3F63];
	s0 =	simm.s32 @p0 $0x1  }
0x13: {  	[smem:$0x3F7E] =	sst s0;
	s0 =	simm.s32 @!p1 $0x0  }
0x14: {  	s2 =	sld [smem:$0x3F62];
	s0 =	simm.s32 @p1 $0x1  }
0x15: {  	[smem:$0x3F7F] =	sst s0;
	s0 =	simm.s32 @!p2 $0x0  }
0x16: {  	s3 =	sld [smem:$0x3FDB];
	s0 =	simm.s32 @p2 $0x1  }
0x17: {  	s4 =	simm.s32 $0x1BF5;
	[smem:$0x3F81] =	sst s0  }
0x18: {  	s0 =	sld [smem:$0x3F64];
	_ =	swait.ge [sflag:s4], $0x0  }
0x19: {  	s7 =	sld [smem:$0x3F65]  }
0x1a: {  	s8 =	sadd.s32 $0xFFFFE003, lr  }
0x1b: {  	s9 =	sadd.s32 $0xFFFFFEF7, lr;
	s5 =	simm.s32 $0xFFFFFFFF;
	p2 =	slt.u32 s8, $0xFFFFF086  }
0x1c: {  	p1 =	slt.u32 s9, $0xF7A;
	s5 =	simm.s32 @!p2 $0x0  }
0x1d: {  	s5 =	simm.s32 @p1 $0x1;
	p0 =	seq.s32 s7, s2  }
0x1e: {  	s7 =	smul.u32 @!p0 $0xF7A, s2;
	p2 =	seq.s32 @!p0 s5, $0x0  }
0x1f: {  	s9 =	smul.u32 $0xF7A, s1;
	s8 =	simm.s32 @!p0 $0x1BF5;
	p2 =	por !p2, p0  }
0x20: {  	[sflag:s8] =	ssyncset.s32 @!p0 $0xFFFFF086;
	s6 =	sadd.s32 @!p0 s3, s7;
	s7 =	simm.s32 @!p0 $0x108  }
0x21: {  	s3 =	sadd.s32 s3, s9;
	s6 =	sadd.s32 @!p0 $0x88, s6;
	s7 =	simm.s32 @p2 $0x1082  }
0x22: {  	[simem:s7], [sflag:s8] =	dma.local @!p0 [hbm:s6], $0xF7A  }
0x23: {  	s9 =	sor.u32 $0xD0000000, s2;
	s6 =	simm.s32 $0x108;
	_ =	swait.ge @!p0 [sflag:s8], $0x0  }
0x24: {  	s3 =	sadd.s32 $0x88, s3;
	s6 =	simm.s32 @!p1 $0x1082;
	[sflag:s4] =	ssyncset.s32 $0xFFFFF086  }
0x25: {  	[simem:s6], [sflag:s4] =	dma.local [hbm:s3], $0xF7A  }
0x26: {  	[smem:$0x3F65] =	sst s1;
	(tag) =	ssettag s2;
	_ =	strace s9  }
0x27: {  	s1 =	sld [smem:$0x3F75]  }
0x28: {  	s2 =	sld [smem:$0x3F76]  }
0x29: {  	s4 =	sld [smem:$0x3F78]  }
0x2a: {  	p0 =	seq.s32 s5, $0x0;
	s5 =	sld [smem:$0x3F79]  }
0x2b: {  	s6 =	sld [smem:$0x3F7A]  }
0x2c: {  	s7 =	sld [smem:$0x3F7B]  }
0x2d: {  	s3 =	simm.s32 $0x108;
	s8 =	sld [smem:$0x3F7C]  }
0x2e: {  	s3 =	simm.s32 @!p0 $0x1082;
	s9 =	sld [smem:$0x3F7D]  }
0x2f: {  	lr =	sadd.s32 s0, s3;
	s0 =	sld [smem:$0x3F74]  }
0x30: {  	s3 =	sld [smem:$0x3F77]  }
0x31: {  	[smem:$0x3F80] =	sst s10  }
0x32: {  	s10 =	sld [smem:$0x3F7E];
	_ =	sdelay $0x3  }
0x33: {  	p0 =	seq.s32 s10, $0x1;
	s10 =	sld [smem:$0x3F80];
	_ =	sdelay $0x3  }
0x34: {  	[smem:$0x3F80] =	sst s10  }
0x35: {  	s10 =	sld [smem:$0x3F7F];
	_ =	sdelay $0x3  }
0x36: {  	p1 =	seq.s32 s10, $0x1;
	s10 =	sld [smem:$0x3F80];
	_ =	sdelay $0x3  }
0x37: {  	[smem:$0x3F80] =	sst s10  }
0x38: {  	s10 =	sld [smem:$0x3F81]  }
0x39: {  	_ = 	snop;
	(pc) =	sbr.ind lr, $3  }
0x3a: {  	_ = 	snop  }
0x3b: {  	_ = 	snop  }
0x3c: {  	p2 =	seq.s32 s10, $0x1;
	s10 =	sld [smem:$0x3F80]  }
0x3d: {  	_ =	shalt  }
0x3e: {  	_ =	shalt  }
0x3f: {  	_ =	shalt  }
0x40: {  	_ =	shalt  }
0x41: {  	_ =	shalt  }
0x42: {  	_ =	shalt  }
0x43: {  	_ =	shalt  }
0x44: {  	_ =	shalt  }
0x45: {  	_ =	shalt  }
0x46: {  	_ =	shalt  }
0x47: {  	_ =	shalt  }
0x48: {  	_ =	shalt  }
0x49: {  	_ =	shalt  }
0x4a: {  	_ =	shalt  }
0x4b: {  	_ =	shalt  }
0x4c: {  	_ =	shalt  }
0x4d: {  	_ =	shalt  }
0x4e: {  	_ =	shalt  }
0x4f: {  	_ =	shalt  }
0x50: {  	_ =	shalt  }
0x51: {  	_ =	shalt  }
0x52: {  	_ =	shalt  }
0x53: {  	_ =	shalt  }
0x54: {  	_ =	shalt  }
0x55: {  	_ =	shalt  }
0x56: {  	_ =	shalt  }
0x57: {  	_ =	shalt  }
0x58: {  	_ =	shalt  }
0x59: {  	_ =	shalt  }
0x5a: {  	_ =	shalt  }
0x5b: {  	_ =	shalt  }
0x5c: {  	_ =	shalt  }
0x5d: {  	_ =	shalt  }
0x5e: {  	_ =	shalt  }
0x5f: {  	_ =	shalt  }
0x60: {  	_ =	shalt  }
0x61: {  	_ =	shalt  }
0x62: {  	_ =	shalt  }
0x63: {  	_ =	shalt  }
0x64: {  	_ =	shalt  }
0x65: {  	_ =	shalt  }
0x66: {  	_ =	shalt  }
0x67: {  	_ =	shalt  }
0x68: {  	_ =	shalt  }
0x69: {  	_ =	shalt  }
0x6a: {  	_ =	shalt  }
0x6b: {  	_ =	shalt  }
0x6c: {  	_ =	shalt  }
0x6d: {  	_ =	shalt  }
0x6e: {  	_ =	shalt  }
0x6f: {  	_ =	shalt  }
0x70: {  	_ =	shalt  }
0x71: {  	_ =	shalt  }
0x72: {  	_ =	shalt  }
0x73: {  	_ =	shalt  }
0x74: {  	_ =	shalt  }
0x75: {  	_ =	shalt  }
0x76: {  	_ =	shalt  }
0x77: {  	_ =	shalt  }
0x78: {  	_ =	shalt  }
0x79: {  	_ =	shalt  }
0x7a: {  	_ =	shalt  }
0x7b: {  	_ =	shalt  }
0x7c: {  	_ =	shalt  }
0x7d: {  	_ =	shalt  }
0x7e: {  	_ =	shalt  }
0x7f: {  	_ =	shalt  }
0x80: {  	_ =	shalt  }
0x81: {  	_ =	shalt  }
0x82: {  	_ =	shalt  }
0x83: {  	_ =	shalt  }
0x84: {  	_ =	shalt  }
0x85: {  	_ =	shalt  }
0x86: {  	_ =	shalt  }
0x87: {  	_ =	shalt  }
.Lfunc_end0:
.L_simem_size_0:
called_computation.2_lowered:
.L_overlay_start_0:
0x88: {  	s2 =	sld [smem:$0x3FD9]  }
0x89: {  	s3 =	sld [smem:$0x3FFE];
	_ =	sdelay $0x1  }
0x8a: {  	s1 =	srdreg.scid  }
0x8b: {  	s0 =	sand.u32 $0x1, s1  }
0x8c: {  	s15 =	sshll.u32 s0, $0xA;
	s2 =	sadd.s32 s3, s2  }
0x8d: {  	s2 =	sadd.s32 s2, s15  }
0x8e: {  	[smem:$0x3F8C] =	sst s2  }
0x8f: {  	_ = 	snop  }
0x90: {  	s2 =	sld [smem:$0x3FD0];
	_ =	sdelay $0x2  }
0x91: {  	s16 =	simm.s32 $0xB;
	s4 =	simm.s32 $0x10  }
0x92: {  	[smem:s4], [sflag:s16] =	dma.local [hbm:s2], $0x1  }
0x93: {  	_ =	swait.eq [sflag:s16], $0x1  }
0x94: {  	[sflag:s16] =	ssyncset.done $0x0  }
0x95: {  	[sflag:s16] =	ssyncadd.s32 $0xFFFFFFFF  }
0x96: {  	s17 =	sld [smem:$0x12];
	(tm) =	ssettm $0x1  }
0x97: {  	s18 =	sld [smem:$0x3FFB];
	_ =	sdelay $0x3  }
0x98: {  	_ =	strace s18  }
0x99: {  	s2 =	sld [smem:$0x3FFC];
	_ =	sdelay $0x3  }
0x9a: {  	_ =	strace s2  }
0x9b: {  	s2 =	sld [smem:$0x3FFD];
	_ =	sdelay $0x3  }
0x9c: {  	_ =	strace s2  }
0x9d: {  	_ =	strace $0x8FFFFFFF  }
0x9e: {  	s19 =	sld [smem:$0x3FDB];
	_ =	sdelay $0x1  }
0x9f: {  	s20 =	simm.s32 $_scs_section_size  }
0xa0: {  	s5 =	simm.s32 $_size__tile_overlayer_lowered;
	s6 =	simm.s32 $_tile_overlayer_lowered  }
0xa1: {  	s7 =	simm.s32 $0x1BFF;
	s21 =	sshll.u32 s6, $0x1;
	s4 =	sadd.s32 s20, s19  }
0xa2: {  	s22 =	simm.s32 $0x0;
	s5 =	sshll.u32 s5, $0x1;
	s6 =	sadd.s32 s21, s4  }
0xa3: {  	[timem:s22], [sflag:s7] =	dma.local [hbm:s6], s5  }
0xa4: {  	_ =	swait.ge [sflag:s7], s5  }
0xa5: {  	s5 =	ssub.s32 $0x0, s5;
	[sflag:s7] =	ssyncset.done $0x0  }
0xa6: {  	[sflag:s7] =	ssyncadd.s32 s5;
	_ =	sdelay $0x1  }
0xa7: {  	s23 =	simm.s32 $0x1B8B  }
0xa8: {  	_ =	swait.ge [sflag:s23], $0x1  }
0xa9: {  	[sflag:s23] =	ssyncset.done $0x0  }
0xaa: {  	[sflag:s23] =	ssyncadd.s32 $0xFFFFFFFF  }
0xab: {  	s5 =	sld [smem:$0x0]  }
0xac: {  	s6 =	sand.u32 $0xFFFFFFFE, s1  }
0xad: {  	p0 =	sne.s32 s1, s6  }
0xae: {  	s6 =	sshll.u32 @p0 s6, $0xE  }
0xaf: {  	s6 =	sadd.s32 @p0 $0x11B8D, s6;
	s7 =	sshll.u32 @p0 s5, $0x11  }
0xb0: {  	s6 =	sor.u32 @p0 s7, s6  }
0xb1: {  	[sflag:s6] =	ssyncadd.remote.s32 @p0 $0x1;
	_ =	sdelay $0x1  }
0xb2: {  	s6 =	simm.s32 @p0 $0x1B8D  }
0xb3: {  	_ =	swait.eq @p0 [sflag:s6], $0x1  }
0xb4: {  	[sflag:s6] =	ssyncadd.s32 @p0 $0xFFFFFFFF  }
0xb5: {  	s7 =	sshll.u32 @!p0 s1, $0xE  }
0xb6: {  	s7 =	sor.u32 @!p0 $0x4000, s7;
	s6 =	simm.s32 @!p0 $0x1B8D  }
0xb7: {  	s5 =	sshll.u32 @!p0 s5, $0x11;
	s7 =	sadd.s32 @!p0 $0x11B8D, s7;
	_ =	swait.eq @!p0 [sflag:s6], $0x1  }
0xb8: {  	s5 =	sor.u32 @!p0 s5, s7;
	[sflag:s6] =	ssyncadd.s32 @!p0 $0xFFFFFFFF  }
0xb9: {  	s25 =	simm.s32 $0x1B8E;
	s24 =	sld [smem:$0x3FFE];
	[sflag:s5] =	ssyncadd.remote.s32 @!p0 $0x1  }
0xba: {  	s26 =	simm.s32 $execute0_lowered;
	[smem:$0x3FD2] =	sst s25  }
0xbb: {  	s6 =	sshll.u32 s26, $0x1;
	_ =	strace $0x80000049;
	[dreg:$0x1] =	wrdreg $0xFFFFFFFF  }
0xbc: {  	s28 =	simm.s32 $_size_execute0_lowered;
	s4 =	sadd.s32 s4, s6;
	[dreg:$0x0] =	wrdreg $0x0  }
0xbd: {  	s6 =	sshll.u32 s28, $0x1;
	[dreg:$0x2] =	wrdreg s4  }
0xbe: {  	[dreg:$0x3] =	wrdreg s6  }
0xbf: {  	[dreg:$0x4] =	wrdreg $0xC0  }
0xc0: {  	_ =	task [dreg:s22], $0x5FFFF  }
0xc1: {  	[dreg:$0x1] =	wrdreg $0xFFFFFFFF  }
0xc2: {  	[dreg:$0x0] =	wrdreg $0x60  }
0xc3: {  	[dreg:$0x2] =	wrdreg s24  }
0xc4: {  	[dreg:$0x3] =	wrdreg s17  }
0xc5: {  	[dreg:$0x4] =	wrdreg $0x8800  }
0xc6: {  	[dreg:$0x5] =	wrdreg $0xA  }
0xc7: {  	_ =	task.clear_ibuf [dreg:s22], $0x6FFFF;
	_ =	strace $0x90000049  }
0xc8: {  	s29 =	simm.s32 $0xA;
	_ =	strace $0x8000004B  }
0xc9: {  	_ =	swait.ge [sflag:s29], $0x1  }
0xca: {  	[sflag:s29] =	ssyncadd.s32 $0xFFFFFFFF  }
0xcb: {  	_ =	strace $0x9000004B  }
0xcc: {  	_ =	sfence  }
0xcd: {  	s30 =	sld [smem:$0x0];
	_ =	sdelay $0x2  }
0xce: {  	s31 =	sshll.u32 s1, $0xD;
	s1 =	sshrl.u32 s1, $0x2  }
0xcf: {  	s4 =	sand.u32 $0x4000, s31;
	s1 =	sadd.s32 s1, s30  }
0xd0: {  	s0 =	sor.u32 s4, s0;
	s1 =	sshll.u32 s1, $0x11  }
0xd1: {  	s0 =	sor.u32 s1, s0  }
0xd2: {  	s0 =	sadd.s32 $0x8F2B, s0  }
0xd3: {  	[sflag:s0] =	ssyncadd.remote.s32 $0x1  }
0xd4: {  	_ =	sfence.sel $0xFFFF  }
0xd5: {  	[dreg:$0x0] =	wrdreg $0xFFFFFFFF;
	(pc) =	sbr.abs _section_cstart, $3  }
0xd6: {  	[dreg:$0x1] =	wrdreg $0xFFFFFFFF  }
0xd7: {  	_ =	task.clear_ibuf [dreg:s22], $0x2FFFF;
	_ =	strace $0x9FFFFFFF  }
0xd8: {  	(tm) =	ssettm $0x7FFFFFFF  }
0xd9: {  	_ =	shalt  }
tec
execute0_lowered:
.L_overlay_start_1:
0x0: {  	(tag) =	ssettag $0x1  }
0x1: {  	s6 =	rddreg [dreg:$0x0]  }
0x2: {  	s0 =	srdreg.scid;
	s2 =	rddreg [dreg:$0x1]  }
0x3: {  	s3 =	rddreg [dreg:$0x2];
	s5 =	sand.u32 $0x1, s0  }
0x4: {  	s0 =	stileid.u32;
	s7 =	smul.u32 $0x62000, s5  }
0x5: {  	s1 =	rddreg [dreg:$0x3];
	s4 =	simm.s32 $0x0;
	s8 =	smul.u32 $0x6200, s0  }
0x6: {  	s13 =	simm.s32 $0x0;
	[smem:$0x7FF] =	sst s4;
	s9 =	smul.u32 $0xC380, s0  }
0x7: {  	s26 =	smul.u32 $0xC3800, s5;
	_ =	strace $0x8000004A;
	s29 =	ssub.s32 $0x2, s5  }
0x8: {  	s5 =	sadd.s32 $0x1D800, s6;
	s31 =	sshll.u32 s0, $0x6;
	s11 =	sshrl.u32 s29, $0x1  }
0x9: {  	s7 =	sadd.s32 s8, s7;
	s28 =	sadd.s32 s9, s26;
	s30 =	ssub.s32 s29, s11  }
0xa: {  	s12 =	sadd.s32 s9, s3;
	s9 =	simm.s32 $0x80;
	s7 =	sshrl.u32 s7, $0x3  }
0xb: {  	s11 =	sor.u32 $0x1C01, s31;
	s10 =	sadd.s32 s7, s6;
	s7 =	sshrl.u32 s28, $0x3  }
0xc: {  	s12 =	sshrl.u32 s12, $0x3;
	s6 =	sadd.s32 s7, s6;
	s7 =	smax.u32 s30, $0x1  }
0xd: {  	s8 =	sadd.s32 $0x5000, s10;
	s10 =	simm.s32 $0x1;
	s6 =	sadd.s32 $0x1DA00, s6  }
.LBB2_1:
0xe: {  	[tilespmem:s9], [sflag:$0x1] =	stream.linear.gather [hbm4b:s5+s4], $0x800, $0x38;
	[tilespmem:$0xCC00] =	vst v63  }
0xf: {  	_ =	swait.ge [sflag:s10], $0x800  }
0x10: {  	[sflag:s10] =	ssyncset.done $0x0  }
0x11: {  	[sflag:s10] =	ssyncadd.s32 $0xFFFFF800  }
0x12: {  	[spmem:s12], [sflag:s11] =	dma.local [hbm:s2], $0x1870  }
0x13: {  	_ =	swait.ge [sflag:s10], $0x1870  }
0x14: {  	[sflag:s10] =	ssyncset.done $0x0  }
0x15: {  	[sflag:s10] =	ssyncadd.s32 $0xFFFFE790  }
0x16: {  	s14 =	sadd.s32 $0x0, s8;
	[bflag:$0x0] =	sbarrier.arrive $0xFFFF  }
0x17: {  	[tilespmem:s4], [sflag:$0x1] =	stream.linear.gather [hbm4b:s14+s4], $0x80, $0x38;
	[tilespmem:$0xCC00] =	vst v63  }
0x18: {  	_ =	swait.ge [sflag:s10], $0x80  }
0x19: {  	[sflag:s10] =	ssyncset.done $0x0  }
0x1a: {  	[sflag:s10] =	ssyncadd.s32 $0xFFFFFF80  }
0x1b: {  	[spmem:s3] =	stream.indirect.scatter.add.f32 [tilespmem:s9], [sflag:$0x1], $0x10, s4, s9, $0xb8;
	[tilespmem:$0xCC00] =	vst v63  }
0x1c: {  	_ =	swait.ge [sflag:s10], $0x800  }
0x1d: {  	s15 =	simm.s32 $0x20;
	s14 =	simm.s32 $0x10;
	[sflag:s10] =	ssyncset.done $0x0  }
.LBB2_2:
0x1e: {  	s16 =	sadd.s32 s14, s8  }
0x1f: {  	[sflag:s10] =	ssyncadd.s32 $0xFFFFF800;
	s14 =	smov.u32 s15;
	s17 =	sadd.s32 $0x10, s15  }
0x20: {  	[tilespmem:s4], [sflag:$0x1] =	stream.linear.gather [hbm4b:s16+s4], $0x80, $0x38;
	[tilespmem:$0xCC00] =	vst v63  }
0x21: {  	p0 =	sne.s32 s15, $0xC30;
	_ =	swait.ge [sflag:s10], $0x80  }
.Ltmp0:
0x22: {  	[sflag:s10] =	ssyncset.done $0x0;
	(pc) =	sbr.rel @p0 .LBB2_2-.Ltmp0, $4  }
0x23: {  	[sflag:s10] =	ssyncadd.s32 $0xFFFFFF80  }
0x24: {  	[spmem:s3] =	stream.indirect.scatter.add.f32 [tilespmem:s9], [sflag:$0x1], $0x10, s4, s9, $0xb8;
	[tilespmem:$0xCC00] =	vst v63  }
0x25: {  	_ =	swait.ge [sflag:s10], $0x800  }
0x26: {  	s15 =	smov.u32 s17;
	[sflag:s10] =	ssyncset.done $0x0  }
0x27: {  	s14 =	sadd.s32 s14, s8;
	[sflag:s10] =	ssyncadd.s32 $0xFFFFF800  }
0x28: {  	[tilespmem:s4], [sflag:$0x1] =	stream.linear.gather [hbm4b:s14+s4], $0x80, $0x38;
	[tilespmem:$0xCC00] =	vst v63  }
0x29: {  	_ =	swait.ge [sflag:s10], $0x80  }
0x2a: {  	[sflag:s10] =	ssyncset.done $0x0  }
0x2b: {  	[sflag:s10] =	ssyncadd.s32 $0xFFFFFF80  }
0x2c: {  	[spmem:s3] =	stream.indirect.scatter.add.f32 [tilespmem:s9], [sflag:$0x1], $0x10, s4, s9, $0xb8;
	[tilespmem:$0xCC00] =	vst v63  }
0x2d: {  	_ =	swait.ge [sflag:s10], $0x800  }
0x2e: {  	s13 =	sadd.s32 $0x1, s13;
	[sflag:s10] =	ssyncset.done $0x0  }
0x2f: {  	p0 =	sne.s32 s13, s7;
	[sflag:s10] =	ssyncadd.s32 $0xFFFFF800  }
.Ltmp1:
0x30: {  	[bflag:$0x0] =	sbarrier.arrive $0xFFFF;
	(pc) =	sbr.rel @p0 .LBB2_1-.Ltmp1, $4  }
0x31: {  	[hbm:s6], [sflag:s11] =	dma.local [spmem:s12], $0x1870  }
0x32: {  	_ =	swait.ge [sflag:s10], $0x1870  }
0x33: {  	[sflag:s10] =	ssyncset.done $0x0  }
0x34: {  	[sflag:s10] =	ssyncadd.s32 $0xFFFFE790  }
0x35: {  	_ =	sfence.sel $0x180000  }
0x36: {  	[bflag:$0x0] =	sbarrier.arrive $0xFFFF  }
0x37: {  	p0 =	sne.s32 s0, $0x0;
	_ =	strace $0x9000004A  }
0x38: {  	s0 =	sadd.s32 @!p0 $0x100000, s1;
	[bflag:$0x2] =	sbarrier.arrive $0xFFFF  }
0x39: {  	[sflag:s0] =	ssyncadd.tile.s32 @!p0 $0x1;
	_ =	shalt  }
.Lfunc_end2:
_tile_overlayer_lowered:
.L_overlay_start_2:
0x3a: {  	(tag) =	ssettag $0x2  }
0x3b: {  	s0 =	rddreg [dreg:$0x0];
	s2 =	stileid.u32  }
0x3c: {  	s1 =	rddreg [dreg:$0x1];
	p0 =	sne.s32 s2, $0x0  }
0x3d: {  	s3 =	rddreg [dreg:$0x2];
	[bflag:$0x3] =	sbarrier.arrive $0xFFFF;
	s2 =	simm.s32 @!p0 $0x1C01  }
0x3e: {  	[timem:s3], [sflag:s2] =	dma.local @!p0 [hbm:s0], s1  }
0x3f: {  	s0 =	simm.s32 @!p0 $0x1  }
0x40: {  	_ =	swait.ge @!p0 [sflag:s0], s1  }
0x41: {  	s1 =	ssub.s32 @!p0 $0x0, s1;
	[sflag:s0] =	ssyncset.done @!p0 $0x0  }
0x42: {  	[sflag:s0] =	ssyncadd.s32 @!p0 s1  }
0x43: {  	[bflag:$0x3] =	sbarrier.arrive $0xFFFF  }
0x44: {  	_ =	shalt  }

// kernel: kernel.40.cloned.1.call-start
scs
__scs_entry_jumppad:
0x0: {  	(pc) =	sbr.rel $0x88, $3  }
0x1: {  	(tag) =	ssettag $0x0;
	lr =	simm.s32 $0x1  }
0x2: {  	[smem:$0x3F65] =	sst lr;
	_ =	strace $0xD0000000  }
0x3: {  	_ = 	snop  }
0x4: {  	_ = 	snop  }
0x5: {  	_ = 	snop  }
0x6: {  	_ = 	snop  }
0x7: {  	_ = 	snop  }
__scs_overlays_trampoline_lowered:
0x8: {  	[smem:$0x3F74] =	sst s0  }
0x9: {  	[smem:$0x3F75] =	sst s1  }
0xa: {  	[smem:$0x3F76] =	sst s2  }
0xb: {  	[smem:$0x3F77] =	sst s3  }
0xc: {  	[smem:$0x3F78] =	sst s4  }
0xd: {  	[smem:$0x3F79] =	sst s5  }
0xe: {  	[smem:$0x3F7A] =	sst s6  }
0xf: {  	[smem:$0x3F7B] =	sst s7  }
0x10: {  	[smem:$0x3F7C] =	sst s8  }
0x11: {  	[smem:$0x3F7D] =	sst s9;
	s0 =	simm.s32 @!p0 $0x0  }
0x12: {  	s1 =	sld [smem:$0x3F63];
	s0 =	simm.s32 @p0 $0x1  }
0x13: {  	[smem:$0x3F7E] =	sst s0;
	s0 =	simm.s32 @!p1 $0x0  }
0x14: {  	s2 =	sld [smem:$0x3F62];
	s0 =	simm.s32 @p1 $0x1  }
0x15: {  	[smem:$0x3F7F] =	sst s0;
	s0 =	simm.s32 @!p2 $0x0  }
0x16: {  	s3 =	sld [smem:$0x3FDB];
	s0 =	simm.s32 @p2 $0x1  }
0x17: {  	s4 =	simm.s32 $0x1BF5;
	[smem:$0x3F81] =	sst s0  }
0x18: {  	s0 =	sld [smem:$0x3F64];
	_ =	swait.ge [sflag:s4], $0x0  }
0x19: {  	s7 =	sld [smem:$0x3F65]  }
0x1a: {  	s8 =	sadd.s32 $0xFFFFE003, lr  }
0x1b: {  	s9 =	sadd.s32 $0xFFFFFEF7, lr;
	s5 =	simm.s32 $0xFFFFFFFF;
	p2 =	slt.u32 s8, $0xFFFFF086  }
0x1c: {  	p1 =	slt.u32 s9, $0xF7A;
	s5 =	simm.s32 @!p2 $0x0  }
0x1d: {  	s5 =	simm.s32 @p1 $0x1;
	p0 =	seq.s32 s7, s2  }
0x1e: {  	s7 =	smul.u32 @!p0 $0xF7A, s2;
	p2 =	seq.s32 @!p0 s5, $0x0  }
0x1f: {  	s9 =	smul.u32 $0xF7A, s1;
	s8 =	simm.s32 @!p0 $0x1BF5;
	p2 =	por !p2, p0  }
0x20: {  	[sflag:s8] =	ssyncset.s32 @!p0 $0xFFFFF086;
	s6 =	sadd.s32 @!p0 s3, s7;
	s7 =	simm.s32 @!p0 $0x108  }
0x21: {  	s3 =	sadd.s32 s3, s9;
	s6 =	sadd.s32 @!p0 $0x88, s6;
	s7 =	simm.s32 @p2 $0x1082  }
0x22: {  	[simem:s7], [sflag:s8] =	dma.local @!p0 [hbm:s6], $0xF7A  }
0x23: {  	s9 =	sor.u32 $0xD0000000, s2;
	s6 =	simm.s32 $0x108;
	_ =	swait.ge @!p0 [sflag:s8], $0x0  }
0x24: {  	s3 =	sadd.s32 $0x88, s3;
	s6 =	simm.s32 @!p1 $0x1082;
	[sflag:s4] =	ssyncset.s32 $0xFFFFF086  }
0x25: {  	[simem:s6], [sflag:s4] =	dma.local [hbm:s3], $0xF7A  }
0x26: {  	[smem:$0x3F65] =	sst s1;
	(tag) =	ssettag s2;
	_ =	strace s9  }
0x27: {  	s1 =	sld [smem:$0x3F75]  }
0x28: {  	s2 =	sld [smem:$0x3F76]  }
0x29: {  	s4 =	sld [smem:$0x3F78]  }
0x2a: {  	p0 =	seq.s32 s5, $0x0;
	s5 =	sld [smem:$0x3F79]  }
0x2b: {  	s6 =	sld [smem:$0x3F7A]  }
0x2c: {  	s7 =	sld [smem:$0x3F7B]  }
0x2d: {  	s3 =	simm.s32 $0x108;
	s8 =	sld [smem:$0x3F7C]  }
0x2e: {  	s3 =	simm.s32 @!p0 $0x1082;
	s9 =	sld [smem:$0x3F7D]  }
0x2f: {  	lr =	sadd.s32 s0, s3;
	s0 =	sld [smem:$0x3F74]  }
0x30: {  	s3 =	sld [smem:$0x3F77]  }
0x31: {  	[smem:$0x3F80] =	sst s10  }
0x32: {  	s10 =	sld [smem:$0x3F7E];
	_ =	sdelay $0x3  }
0x33: {  	p0 =	seq.s32 s10, $0x1;
	s10 =	sld [smem:$0x3F80];
	_ =	sdelay $0x3  }
0x34: {  	[smem:$0x3F80] =	sst s10  }
0x35: {  	s10 =	sld [smem:$0x3F7F];
	_ =	sdelay $0x3  }
0x36: {  	p1 =	seq.s32 s10, $0x1;
	s10 =	sld [smem:$0x3F80];
	_ =	sdelay $0x3  }
0x37: {  	[smem:$0x3F80] =	sst s10  }
0x38: {  	s10 =	sld [smem:$0x3F81]  }
0x39: {  	_ = 	snop;
	(pc) =	sbr.ind lr, $3  }
0x3a: {  	_ = 	snop  }
0x3b: {  	_ = 	snop  }
0x3c: {  	p2 =	seq.s32 s10, $0x1;
	s10 =	sld [smem:$0x3F80]  }
0x3d: {  	_ =	shalt  }
0x3e: {  	_ =	shalt  }
0x3f: {  	_ =	shalt  }
0x40: {  	_ =	shalt  }
0x41: {  	_ =	shalt  }
0x42: {  	_ =	shalt  }
0x43: {  	_ =	shalt  }
0x44: {  	_ =	shalt  }
0x45: {  	_ =	shalt  }
0x46: {  	_ =	shalt  }
0x47: {  	_ =	shalt  }
0x48: {  	_ =	shalt  }
0x49: {  	_ =	shalt  }
0x4a: {  	_ =	shalt  }
0x4b: {  	_ =	shalt  }
0x4c: {  	_ =	shalt  }
0x4d: {  	_ =	shalt  }
0x4e: {  	_ =	shalt  }
0x4f: {  	_ =	shalt  }
0x50: {  	_ =	shalt  }
0x51: {  	_ =	shalt  }
0x52: {  	_ =	shalt  }
0x53: {  	_ =	shalt  }
0x54: {  	_ =	shalt  }
0x55: {  	_ =	shalt  }
0x56: {  	_ =	shalt  }
0x57: {  	_ =	shalt  }
0x58: {  	_ =	shalt  }
0x59: {  	_ =	shalt  }
0x5a: {  	_ =	shalt  }
0x5b: {  	_ =	shalt  }
0x5c: {  	_ =	shalt  }
0x5d: {  	_ =	shalt  }
0x5e: {  	_ =	shalt  }
0x5f: {  	_ =	shalt  }
0x60: {  	_ =	shalt  }
0x61: {  	_ =	shalt  }
0x62: {  	_ =	shalt  }
0x63: {  	_ =	shalt  }
0x64: {  	_ =	shalt  }
0x65: {  	_ =	shalt  }
0x66: {  	_ =	shalt  }
0x67: {  	_ =	shalt  }
0x68: {  	_ =	shalt  }
0x69: {  	_ =	shalt  }
0x6a: {  	_ =	shalt  }
0x6b: {  	_ =	shalt  }
0x6c: {  	_ =	shalt  }
0x6d: {  	_ =	shalt  }
0x6e: {  	_ =	shalt  }
0x6f: {  	_ =	shalt  }
0x70: {  	_ =	shalt  }
0x71: {  	_ =	shalt  }
0x72: {  	_ =	shalt  }
0x73: {  	_ =	shalt  }
0x74: {  	_ =	shalt  }
0x75: {  	_ =	shalt  }
0x76: {  	_ =	shalt  }
0x77: {  	_ =	shalt  }
0x78: {  	_ =	shalt  }
0x79: {  	_ =	shalt  }
0x7a: {  	_ =	shalt  }
0x7b: {  	_ =	shalt  }
0x7c: {  	_ =	shalt  }
0x7d: {  	_ =	shalt  }
0x7e: {  	_ =	shalt  }
0x7f: {  	_ =	shalt  }
0x80: {  	_ =	shalt  }
0x81: {  	_ =	shalt  }
0x82: {  	_ =	shalt  }
0x83: {  	_ =	shalt  }
0x84: {  	_ =	shalt  }
0x85: {  	_ =	shalt  }
0x86: {  	_ =	shalt  }
0x87: {  	_ =	shalt  }
.Lfunc_end0:
.L_simem_size_0:
called_computation.3_lowered:
.L_overlay_start_0:
0x88: {  	s2 =	sld [smem:$0x3FD9]  }
0x89: {  	s3 =	sld [smem:$0x3FFE];
	_ =	sdelay $0x1  }
0x8a: {  	s1 =	srdreg.scid  }
0x8b: {  	s0 =	sand.u32 $0x1, s1  }
0x8c: {  	s14 =	sshll.u32 s0, $0xA;
	s2 =	sadd.s32 s3, s2  }
0x8d: {  	s2 =	sadd.s32 s2, s14  }
0x8e: {  	[smem:$0x3F8C] =	sst s2  }
0x8f: {  	_ = 	snop  }
0x90: {  	s2 =	sld [smem:$0x3FD0];
	_ =	sdelay $0x2  }
0x91: {  	s15 =	simm.s32 $0xB;
	s4 =	simm.s32 $0x10  }
0x92: {  	[smem:s4], [sflag:s15] =	dma.local [hbm:s2], $0x1  }
0x93: {  	_ =	swait.eq [sflag:s15], $0x1  }
0x94: {  	[sflag:s15] =	ssyncset.done $0x0  }
0x95: {  	[sflag:s15] =	ssyncadd.s32 $0xFFFFFFFF  }
0x96: {  	s16 =	sld [smem:$0x12];
	(tm) =	ssettm $0x1  }
0x97: {  	s17 =	sld [smem:$0x3FFB];
	_ =	sdelay $0x3  }
0x98: {  	_ =	strace s17  }
0x99: {  	s3 =	sld [smem:$0x3FFC];
	_ =	sdelay $0x3  }
0x9a: {  	_ =	strace s3  }
0x9b: {  	s3 =	sld [smem:$0x3FFD];
	_ =	sdelay $0x3  }
0x9c: {  	_ =	strace s3  }
0x9d: {  	_ =	strace $0x8FFFFFFF  }
0x9e: {  	s18 =	sld [smem:$0x3FDB];
	_ =	sdelay $0x1  }
0x9f: {  	s19 =	simm.s32 $_scs_section_size  }
0xa0: {  	s5 =	simm.s32 $_size__tile_overlayer_lowered;
	s6 =	simm.s32 $_tile_overlayer_lowered  }
0xa1: {  	s22 =	simm.s32 $0x1BFF;
	s21 =	sshll.u32 s6, $0x1;
	s3 =	sadd.s32 s19, s18  }
0xa2: {  	s7 =	simm.s32 $0x0;
	s20 =	sshll.u32 s5, $0x1;
	s5 =	sadd.s32 s21, s3  }
0xa3: {  	[timem:s7], [sflag:s22] =	dma.local [hbm:s5], s20  }
0xa4: {  	_ =	swait.ge [sflag:s22], s20  }
0xa5: {  	s4 =	ssub.s32 $0x0, s20;
	[sflag:s22] =	ssyncset.done $0x0  }
0xa6: {  	[sflag:s22] =	ssyncadd.s32 s4;
	_ =	sdelay $0x1  }
0xa7: {  	s23 =	simm.s32 $0x1B8B  }
0xa8: {  	_ =	swait.ge [sflag:s23], $0x1  }
0xa9: {  	[sflag:s23] =	ssyncset.done $0x0  }
0xaa: {  	s25 =	simm.s32 $0x1B8E;
	s24 =	sld [smem:$0x3FFE];
	[sflag:s23] =	ssyncadd.s32 $0xFFFFFFFF  }
0xab: {  	s26 =	simm.s32 $execute0_lowered;
	[smem:$0x3FD2] =	sst s25  }
0xac: {  	s5 =	sshll.u32 s26, $0x1;
	_ =	strace $0x8000004C;
	[dreg:$0x1] =	wrdreg $0xFFFFFFFF  }
0xad: {  	s28 =	simm.s32 $_size_execute0_lowered;
	s3 =	sadd.s32 s3, s5;
	[dreg:$0x0] =	wrdreg $0x0  }
0xae: {  	s5 =	sshll.u32 s28, $0x1;
	[dreg:$0x2] =	wrdreg s3  }
0xaf: {  	[dreg:$0x3] =	wrdreg s5  }
0xb0: {  	[dreg:$0x4] =	wrdreg $0xC0  }
0xb1: {  	_ =	task [dreg:s7], $0x5FFFF  }
0xb2: {  	[dreg:$0x1] =	wrdreg $0xFFFFFFFF  }
0xb3: {  	[dreg:$0x0] =	wrdreg $0x60  }
0xb4: {  	[dreg:$0x2] =	wrdreg s24  }
0xb5: {  	[dreg:$0x3] =	wrdreg s16  }
0xb6: {  	[dreg:$0x4] =	wrdreg $0x11000  }
0xb7: {  	[dreg:$0x5] =	wrdreg $0x9  }
0xb8: {  	_ =	task.clear_ibuf [dreg:s7], $0x6FFFF;
	_ =	strace $0x9000004C  }
0xb9: {  	s29 =	simm.s32 $0x9;
	_ =	strace $0x8000004E  }
0xba: {  	_ =	swait.ge [sflag:s29], $0x1  }
0xbb: {  	[sflag:s29] =	ssyncadd.s32 $0xFFFFFFFF  }
0xbc: {  	_ =	strace $0x9000004E  }
0xbd: {  	_ =	sfence  }
0xbe: {  	s30 =	sld [smem:$0x0];
	_ =	sdelay $0x2  }
0xbf: {  	s31 =	sshll.u32 s1, $0xD;
	s1 =	sshrl.u32 s1, $0x2  }
0xc0: {  	s3 =	sand.u32 $0x4000, s31;
	s1 =	sadd.s32 s1, s30  }
0xc1: {  	s0 =	sor.u32 s3, s0;
	s1 =	sshll.u32 s1, $0x11  }
0xc2: {  	s0 =	sor.u32 s1, s0  }
0xc3: {  	s0 =	sadd.s32 $0x8F2B, s0  }
0xc4: {  	[sflag:s0] =	ssyncadd.remote.s32 $0x1  }
0xc5: {  	_ =	sfence.sel $0xFFFF  }
0xc6: {  	[dreg:$0x0] =	wrdreg $0xFFFFFFFF;
	(pc) =	sbr.abs _section_cstart, $3  }
0xc7: {  	[dreg:$0x1] =	wrdreg $0xFFFFFFFF  }
0xc8: {  	_ =	task.clear_ibuf [dreg:s7], $0x2FFFF;
	_ =	strace $0x9FFFFFFF  }
0xc9: {  	(tm) =	ssettm $0x7FFFFFFF  }
tec
execute0_lowered:
.L_overlay_start_1:
0x0: {  	(tag) =	ssettag $0x1  }
0x1: {  	s6 =	rddreg [dreg:$0x0]  }
0x2: {  	s2 =	rddreg [dreg:$0x1]  }
0x3: {  	s0 =	srdreg.scid;
	s3 =	rddreg [dreg:$0x2]  }
0x4: {  	s1 =	rddreg [dreg:$0x3];
	s4 =	simm.s32 $0x0;
	s16 =	simm.s32 $0x100  }
0x5: {  	s17 =	simm.s32 $0x1;
	s18 =	simm.s32 $0x8;
	s7 =	sand.u32 $0x1, s0  }
0x6: {  	s19 =	simm.s32 $0x4;
	s0 =	stileid.u32;
	s8 =	smul.u32 $0x62000, s7  }
0x7: {  	s20 =	simm.s32 $0x0;
	s5 =	sadd.s32 $0x407800, s6;
	s9 =	smul.u32 $0x6200, s0  }
0x8: {  	[smem:$0x7FF] =	sst s4;
	s13 =	sadd.s32 $0x18C600, s6;
	s10 =	smul.u32 $0x30E000, s7  }
0x9: {  	s11 =	smul.u32 $0x30E00, s0;
	_ =	strace $0x8000004D;
	s7 =	ssub.s32 $0x2, s7  }
0xa: {  	s25 =	smul.u32 $0x61C00, s0;
	s31 =	sshll.u32 s0, $0x6;
	s28 =	sshrl.u32 s7, $0x1  }
0xb: {  	s12 =	sadd.s32 s9, s8;
	s24 =	sadd.s32 s11, s10;
	s29 =	ssub.s32 s7, s28  }
0xc: {  	s30 =	sshrl.u32 s25, $0x2;
	s14 =	sshrl.u32 s12, $0x3;
	s8 =	sshrl.u32 s24, $0x3  }
0xd: {  	s15 =	sadd.s32 s30, s3;
	s9 =	smax.u32 s29, $0x1;
	s12 =	sadd.s32 $0xC4000, s12  }
0xe: {  	s26 =	sadd.s32 s14, s6;
	s8 =	sadd.s32 s8, s6;
	s6 =	sor.u32 $0x1C02, s31  }
0xf: {  	s11 =	sadd.s32 s14, s13;
	s12 =	sshrl.u32 s12, $0x3;
	s7 =	sadd.s32 $0x469400, s8  }
0x10: {  	s14 =	simm.s32 $0x2;
	s8 =	sadd.s32 $0x469404, s8;
	s10 =	sadd.s32 $0x5000, s26  }
0x11: {  	s12 =	sadd.s32 s12, s13;
	s13 =	sshrl.u32 s15, $0x3;
	s15 =	simm.s32 $0x80  }
.LBB2_1:
0x12: {  	[spmem:s13], [sflag:s6] =	dma.local [hbm:s2], $0x30E0  }
0x13: {  	_ =	swait.ge [sflag:s14], $0x30E0  }
0x14: {  	[sflag:s14] =	ssyncset.done $0x0  }
0x15: {  	[sflag:s14] =	ssyncadd.s32 $0xFFFFCF20  }
0x16: {  	s21 =	sadd.s32 $0x0, s11;
	[bflag:$0x0] =	sbarrier.arrive $0xFFFF  }
0x17: {  	[tilespmem:s4], [sflag:$0x2] =	stream.linear.gather [hbm4b:s21+s4], $0x80, $0x38;
	[tilespmem:$0x19800] =	vst v63  }
0x18: {  	_ =	swait.ge [sflag:s14], $0x80  }
0x19: {  	[sflag:s14] =	ssyncset.done $0x0  }
0x1a: {  	s31 =	sadd.s32 $0x0, s10;
	[sflag:s14] =	ssyncadd.s32 $0xFFFFFF80  }
0x1b: {  	[tilespmem:s15], [sflag:$0x2] =	stream.linear.gather [hbm4b:s31+s4], $0x80, $0x38;
	[tilespmem:$0x19800] =	vst v63  }
0x1c: {  	_ =	swait.ge [sflag:s14], $0x80  }
0x1d: {  	[sflag:s14] =	ssyncset.done $0x0  }
0x1e: {  	[sflag:s14] =	ssyncadd.s32 $0xFFFFFF80  }
0x1f: {  	[tilespmem:s16], [sflag:$0x1] =	stream.indirect.gather [hbm4b:s5+s15], $0x20, s4, s15, $0xb8;
	[tilespmem:$0x19800] =	vst v63  }
0x20: {  	_ =	swait.ge [sflag:s17], $0x1000  }
0x21: {  	[sflag:s17] =	ssyncset.done $0x0  }
0x22: {  	[sflag:s17] =	ssyncadd.s32 $0xFFFFF000  }
0x23: {  	[spmem:s3] =	stream.indirect.scatter.add.f32 [tilespmem:s16], [sflag:$0x2], $0x20, s15, s15, $0xb8;
	[tilespmem:$0x19800] =	vst v63  }
0x24: {  	_ =	swait.ge [sflag:s14], $0x1000  }
0x25: {  	s22 =	simm.s32 $0x20;
	s21 =	simm.s32 $0x10;
	[sflag:s14] =	ssyncset.done $0x0  }
.LBB2_2:
0x26: {  	s23 =	sadd.s32 s21, s11  }
0x27: {  	[sflag:s14] =	ssyncadd.s32 $0xFFFFF000;
	s24 =	smov.u32 s22;
	s25 =	sadd.s32 $0x10, s22  }
0x28: {  	[tilespmem:s4], [sflag:$0x2] =	stream.linear.gather [hbm4b:s23+s4], $0x80, $0x38;
	[tilespmem:$0x19800] =	vst v63  }
0x29: {  	p0 =	sne.s32 s22, $0xC30;
	_ =	swait.ge [sflag:s14], $0x80  }
0x2a: {  	[sflag:s14] =	ssyncset.done $0x0  }
0x2b: {  	s22 =	sadd.s32 s21, s10;
	s21 =	smov.u32 s24;
	[sflag:s14] =	ssyncadd.s32 $0xFFFFFF80  }
0x2c: {  	[tilespmem:s15], [sflag:$0x2] =	stream.linear.gather [hbm4b:s22+s4], $0x80, $0x38;
	[tilespmem:$0x19800] =	vst v63  }
0x2d: {  	_ =	swait.ge [sflag:s14], $0x80  }
0x2e: {  	[sflag:s14] =	ssyncset.done $0x0  }
0x2f: {  	[sflag:s14] =	ssyncadd.s32 $0xFFFFFF80  }
0x30: {  	[tilespmem:s16], [sflag:$0x1] =	stream.indirect.gather [hbm4b:s5+s15], $0x20, s4, s15, $0xb8;
	[tilespmem:$0x19800] =	vst v63  }
0x31: {  	_ =	swait.ge [sflag:s17], $0x1000  }
.Ltmp0:
0x32: {  	[sflag:s17] =	ssyncset.done $0x0;
	(pc) =	sbr.rel @p0 .LBB2_2-.Ltmp0, $4  }
0x33: {  	[sflag:s17] =	ssyncadd.s32 $0xFFFFF000  }
0x34: {  	[spmem:s3] =	stream.indirect.scatter.add.f32 [tilespmem:s16], [sflag:$0x2], $0x20, s15, s15, $0xb8;
	[tilespmem:$0x19800] =	vst v63  }
0x35: {  	_ =	swait.ge [sflag:s14], $0x1000  }
0x36: {  	s22 =	smov.u32 s25;
	[sflag:s14] =	ssyncset.done $0x0  }
0x37: {  	s22 =	sadd.s32 s21, s11;
	[sflag:s14] =	ssyncadd.s32 $0xFFFFF000  }
0x38: {  	[tilespmem:s4], [sflag:$0x2] =	stream.linear.gather [hbm4b:s22+s4], $0x80, $0x38;
	[tilespmem:$0x19800] =	vst v63  }
0x39: {  	_ =	swait.ge [sflag:s14], $0x80  }
0x3a: {  	[sflag:s14] =	ssyncset.done $0x0  }
0x3b: {  	s29 =	sadd.s32 s21, s10;
	[sflag:s14] =	ssyncadd.s32 $0xFFFFFF80  }
0x3c: {  	[tilespmem:s15], [sflag:$0x2] =	stream.linear.gather [hbm4b:s29+s4], $0x80, $0x38;
	[tilespmem:$0x19800] =	vst v63  }
0x3d: {  	_ =	swait.ge [sflag:s14], $0x80  }
0x3e: {  	[sflag:s14] =	ssyncset.done $0x0  }
0x3f: {  	[sflag:s14] =	ssyncadd.s32 $0xFFFFFF80  }
0x40: {  	[tilespmem:s16], [sflag:$0x1] =	stream.indirect.gather [hbm4b:s5+s15], $0x20, s4, s15, $0xb8;
	[tilespmem:$0x19800] =	vst v63  }
0x41: {  	_ =	swait.ge [sflag:s17], $0x1000  }
0x42: {  	[sflag:s17] =	ssyncset.done $0x0  }
0x43: {  	[sflag:s17] =	ssyncadd.s32 $0xFFFFF000  }
0x44: {  	[spmem:s3] =	stream.indirect.scatter.add.f32 [tilespmem:s16], [sflag:$0x2], $0x20, s15, s15, $0xb8;
	[tilespmem:$0x19800] =	vst v63  }
0x45: {  	_ =	swait.ge [sflag:s14], $0x1000  }
0x46: {  	[sflag:s14] =	ssyncset.done $0x0  }
0x47: {  	[sflag:s14] =	ssyncadd.s32 $0xFFFFF000  }
0x48: {  	[bflag:$0x0] =	sbarrier.arrive $0xFFFF  }
0x49: {  	[hbm:s7@s18], [sflag:s6] =	dma.strided [spmem:s13@s19], $0x30E0, s17, $0x4   }
0x4a: {  	_ =	swait.ge [sflag:s14], $0x30E0  }
0x4b: {  	[sflag:s14] =	ssyncset.done $0x0  }
0x4c: {  	[sflag:s14] =	ssyncadd.s32 $0xFFFFCF20  }
0x4d: {  	[spmem:s13], [sflag:s6] =	dma.local [hbm:s2], $0x30E0  }
0x4e: {  	_ =	swait.ge [sflag:s14], $0x30E0  }
0x4f: {  	[sflag:s14] =	ssyncset.done $0x0  }
0x50: {  	[sflag:s14] =	ssyncadd.s32 $0xFFFFCF20  }
0x51: {  	s30 =	sadd.s32 $0x0, s12;
	[bflag:$0x0] =	sbarrier.arrive $0xFFFF  }
0x52: {  	[tilespmem:s4], [sflag:$0x2] =	stream.linear.gather [hbm4b:s30+s4], $0x80, $0x38;
	[tilespmem:$0x19800] =	vst v63  }
0x53: {  	_ =	swait.ge [sflag:s14], $0x80  }
0x54: {  	[sflag:s14] =	ssyncset.done $0x0  }
0x55: {  	s31 =	sadd.s32 $0x0, s10;
	[sflag:s14] =	ssyncadd.s32 $0xFFFFFF80  }
0x56: {  	[tilespmem:s15], [sflag:$0x2] =	stream.linear.gather [hbm4b:s31+s4], $0x80, $0x38;
	[tilespmem:$0x19800] =	vst v63  }
0x57: {  	_ =	swait.ge [sflag:s14], $0x80  }
0x58: {  	[sflag:s14] =	ssyncset.done $0x0  }
0x59: {  	[sflag:s14] =	ssyncadd.s32 $0xFFFFFF80  }
0x5a: {  	[tilespmem:s16], [sflag:$0x1] =	stream.indirect.gather [hbm4b:s5+s15], $0x20, s4, s15, $0xb8;
	[tilespmem:$0x19800] =	vst v63  }
0x5b: {  	_ =	swait.ge [sflag:s17], $0x1000  }
0x5c: {  	[sflag:s17] =	ssyncset.done $0x0  }
0x5d: {  	[sflag:s17] =	ssyncadd.s32 $0xFFFFF000  }
0x5e: {  	[spmem:s3] =	stream.indirect.scatter.add.f32 [tilespmem:s16], [sflag:$0x2], $0x20, s15, s15, $0xb8;
	[tilespmem:$0x19800] =	vst v63  }
0x5f: {  	_ =	swait.ge [sflag:s14], $0x1000  }
0x60: {  	s21 =	simm.s32 $0x10;
	s22 =	simm.s32 $0x20;
	[sflag:s14] =	ssyncset.done $0x0  }
.LBB2_4:
0x61: {  	s23 =	sadd.s32 s21, s12  }
0x62: {  	[sflag:s14] =	ssyncadd.s32 $0xFFFFF000;
	s24 =	smov.u32 s22;
	s25 =	sadd.s32 $0x10, s22  }
0x63: {  	[tilespmem:s4], [sflag:$0x2] =	stream.linear.gather [hbm4b:s23+s4], $0x80, $0x38;
	[tilespmem:$0x19800] =	vst v63  }
0x64: {  	p0 =	sne.s32 s22, $0xC30;
	_ =	swait.ge [sflag:s14], $0x80  }
0x65: {  	[sflag:s14] =	ssyncset.done $0x0  }
0x66: {  	s22 =	sadd.s32 s21, s10;
	s21 =	smov.u32 s24;
	[sflag:s14] =	ssyncadd.s32 $0xFFFFFF80  }
0x67: {  	[tilespmem:s15], [sflag:$0x2] =	stream.linear.gather [hbm4b:s22+s4], $0x80, $0x38;
	[tilespmem:$0x19800] =	vst v63  }
0x68: {  	_ =	swait.ge [sflag:s14], $0x80  }
0x69: {  	[sflag:s14] =	ssyncset.done $0x0  }
0x6a: {  	[sflag:s14] =	ssyncadd.s32 $0xFFFFFF80  }
0x6b: {  	[tilespmem:s16], [sflag:$0x1] =	stream.indirect.gather [hbm4b:s5+s15], $0x20, s4, s15, $0xb8;
	[tilespmem:$0x19800] =	vst v63  }
0x6c: {  	_ =	swait.ge [sflag:s17], $0x1000  }
.Ltmp1:
0x6d: {  	[sflag:s17] =	ssyncset.done $0x0;
	(pc) =	sbr.rel @p0 .LBB2_4-.Ltmp1, $4  }
0x6e: {  	[sflag:s17] =	ssyncadd.s32 $0xFFFFF000  }
0x6f: {  	[spmem:s3] =	stream.indirect.scatter.add.f32 [tilespmem:s16], [sflag:$0x2], $0x20, s15, s15, $0xb8;
	[tilespmem:$0x19800] =	vst v63  }
0x70: {  	_ =	swait.ge [sflag:s14], $0x1000  }
0x71: {  	s22 =	smov.u32 s25;
	[sflag:s14] =	ssyncset.done $0x0  }
0x72: {  	s22 =	sadd.s32 s21, s12;
	[sflag:s14] =	ssyncadd.s32 $0xFFFFF000  }
0x73: {  	[tilespmem:s4], [sflag:$0x2] =	stream.linear.gather [hbm4b:s22+s4], $0x80, $0x38;
	[tilespmem:$0x19800] =	vst v63  }
0x74: {  	_ =	swait.ge [sflag:s14], $0x80  }
0x75: {  	[sflag:s14] =	ssyncset.done $0x0  }
0x76: {  	s31 =	sadd.s32 s21, s10;
	[sflag:s14] =	ssyncadd.s32 $0xFFFFFF80  }
0x77: {  	[tilespmem:s15], [sflag:$0x2] =	stream.linear.gather [hbm4b:s31+s4], $0x80, $0x38;
	[tilespmem:$0x19800] =	vst v63  }
0x78: {  	_ =	swait.ge [sflag:s14], $0x80  }
0x79: {  	[sflag:s14] =	ssyncset.done $0x0  }
0x7a: {  	[sflag:s14] =	ssyncadd.s32 $0xFFFFFF80  }
0x7b: {  	[tilespmem:s16], [sflag:$0x1] =	stream.indirect.gather [hbm4b:s5+s15], $0x20, s4, s15, $0xb8;
	[tilespmem:$0x19800] =	vst v63  }
0x7c: {  	_ =	swait.ge [sflag:s17], $0x1000  }
0x7d: {  	[sflag:s17] =	ssyncset.done $0x0  }
0x7e: {  	[sflag:s17] =	ssyncadd.s32 $0xFFFFF000  }
0x7f: {  	[spmem:s3] =	stream.indirect.scatter.add.f32 [tilespmem:s16], [sflag:$0x2], $0x20, s15, s15, $0xb8;
	[tilespmem:$0x19800] =	vst v63  }
0x80: {  	_ =	swait.ge [sflag:s14], $0x1000  }
0x81: {  	s20 =	sadd.s32 $0x1, s20;
	[sflag:s14] =	ssyncset.done $0x0  }
0x82: {  	p0 =	sne.s32 s20, s9;
	[sflag:s14] =	ssyncadd.s32 $0xFFFFF000  }
.Ltmp2:
0x83: {  	[bflag:$0x0] =	sbarrier.arrive $0xFFFF;
	(pc) =	sbr.rel @p0 .LBB2_1-.Ltmp2, $4  }
0x84: {  	[hbm:s8@s18], [sflag:s6] =	dma.strided [spmem:s13@s19], $0x30E0, s17, $0x4   }
0x85: {  	_ =	swait.ge [sflag:s14], $0x30E0  }
0x86: {  	[sflag:s14] =	ssyncset.done $0x0  }
0x87: {  	[sflag:s14] =	ssyncadd.s32 $0xFFFFCF20  }
0x88: {  	_ =	sfence.sel $0x180000  }
0x89: {  	[bflag:$0x0] =	sbarrier.arrive $0xFFFF  }
0x8a: {  	p0 =	sne.s32 s0, $0x0;
	_ =	strace $0x9000004D  }
0x8b: {  	s0 =	sadd.s32 @!p0 $0x100000, s1;
	[bflag:$0x2] =	sbarrier.arrive $0xFFFF  }
0x8c: {  	[sflag:s0] =	ssyncadd.tile.s32 @!p0 $0x1;
	_ =	shalt  }
.Lfunc_end2:
_tile_overlayer_lowered:
.L_overlay_start_2:
0x8d: {  	(tag) =	ssettag $0x2  }
0x8e: {  	s0 =	rddreg [dreg:$0x0];
	s2 =	stileid.u32  }
0x8f: {  	s1 =	rddreg [dreg:$0x1];
	p0 =	sne.s32 s2, $0x0  }
0x90: {  	s3 =	rddreg [dreg:$0x2];
	[bflag:$0x3] =	sbarrier.arrive $0xFFFF;
	s2 =	simm.s32 @!p0 $0x1C02  }
0x91: {  	[timem:s3], [sflag:s2] =	dma.local @!p0 [hbm:s0], s1  }
0x92: {  	s0 =	simm.s32 @!p0 $0x2  }
0x93: {  	_ =	swait.ge @!p0 [sflag:s0], s1  }
0x94: {  	s1 =	ssub.s32 @!p0 $0x0, s1;
	[sflag:s0] =	ssyncset.done @!p0 $0x0  }
0x95: {  	[sflag:s0] =	ssyncadd.s32 @!p0 s1  }
0x96: {  	[bflag:$0x3] =	sbarrier.arrive $0xFFFF  }
0x97: {  	_ =	shalt  }

// kernel: kernel.43.cloned.1.call-start
scs
__scs_entry_jumppad:
0x0: {  	(pc) =	sbr.rel $0x88, $3  }
0x1: {  	(tag) =	ssettag $0x0;
	lr =	simm.s32 $0x1  }
0x2: {  	[smem:$0x3F65] =	sst lr;
	_ =	strace $0xD0000000  }
0x3: {  	_ = 	snop  }
0x4: {  	_ = 	snop  }
0x5: {  	_ = 	snop  }
0x6: {  	_ = 	snop  }
0x7: {  	_ = 	snop  }
__scs_overlays_trampoline_lowered:
0x8: {  	[smem:$0x3F74] =	sst s0  }
0x9: {  	[smem:$0x3F75] =	sst s1  }
0xa: {  	[smem:$0x3F76] =	sst s2  }
0xb: {  	[smem:$0x3F77] =	sst s3  }
0xc: {  	[smem:$0x3F78] =	sst s4  }
0xd: {  	[smem:$0x3F79] =	sst s5  }
0xe: {  	[smem:$0x3F7A] =	sst s6  }
0xf: {  	[smem:$0x3F7B] =	sst s7  }
0x10: {  	[smem:$0x3F7C] =	sst s8  }
0x11: {  	[smem:$0x3F7D] =	sst s9;
	s0 =	simm.s32 @!p0 $0x0  }
0x12: {  	s1 =	sld [smem:$0x3F63];
	s0 =	simm.s32 @p0 $0x1  }
0x13: {  	[smem:$0x3F7E] =	sst s0;
	s0 =	simm.s32 @!p1 $0x0  }
0x14: {  	s2 =	sld [smem:$0x3F62];
	s0 =	simm.s32 @p1 $0x1  }
0x15: {  	[smem:$0x3F7F] =	sst s0;
	s0 =	simm.s32 @!p2 $0x0  }
0x16: {  	s3 =	sld [smem:$0x3FDB];
	s0 =	simm.s32 @p2 $0x1  }
0x17: {  	s4 =	simm.s32 $0x1BF5;
	[smem:$0x3F81] =	sst s0  }
0x18: {  	s0 =	sld [smem:$0x3F64];
	_ =	swait.ge [sflag:s4], $0x0  }
0x19: {  	s7 =	sld [smem:$0x3F65]  }
0x1a: {  	s8 =	sadd.s32 $0xFFFFE003, lr  }
0x1b: {  	s9 =	sadd.s32 $0xFFFFFEF7, lr;
	s5 =	simm.s32 $0xFFFFFFFF;
	p2 =	slt.u32 s8, $0xFFFFF086  }
0x1c: {  	p1 =	slt.u32 s9, $0xF7A;
	s5 =	simm.s32 @!p2 $0x0  }
0x1d: {  	s5 =	simm.s32 @p1 $0x1;
	p0 =	seq.s32 s7, s2  }
0x1e: {  	s7 =	smul.u32 @!p0 $0xF7A, s2;
	p2 =	seq.s32 @!p0 s5, $0x0  }
0x1f: {  	s9 =	smul.u32 $0xF7A, s1;
	s8 =	simm.s32 @!p0 $0x1BF5;
	p2 =	por !p2, p0  }
0x20: {  	[sflag:s8] =	ssyncset.s32 @!p0 $0xFFFFF086;
	s6 =	sadd.s32 @!p0 s3, s7;
	s7 =	simm.s32 @!p0 $0x108  }
0x21: {  	s3 =	sadd.s32 s3, s9;
	s6 =	sadd.s32 @!p0 $0x88, s6;
	s7 =	simm.s32 @p2 $0x1082  }
0x22: {  	[simem:s7], [sflag:s8] =	dma.local @!p0 [hbm:s6], $0xF7A  }
0x23: {  	s9 =	sor.u32 $0xD0000000, s2;
	s6 =	simm.s32 $0x108;
	_ =	swait.ge @!p0 [sflag:s8], $0x0  }
0x24: {  	s3 =	sadd.s32 $0x88, s3;
	s6 =	simm.s32 @!p1 $0x1082;
	[sflag:s4] =	ssyncset.s32 $0xFFFFF086  }
0x25: {  	[simem:s6], [sflag:s4] =	dma.local [hbm:s3], $0xF7A  }
0x26: {  	[smem:$0x3F65] =	sst s1;
	(tag) =	ssettag s2;
	_ =	strace s9  }
0x27: {  	s1 =	sld [smem:$0x3F75]  }
0x28: {  	s2 =	sld [smem:$0x3F76]  }
0x29: {  	s4 =	sld [smem:$0x3F78]  }
0x2a: {  	p0 =	seq.s32 s5, $0x0;
	s5 =	sld [smem:$0x3F79]  }
0x2b: {  	s6 =	sld [smem:$0x3F7A]  }
0x2c: {  	s7 =	sld [smem:$0x3F7B]  }
0x2d: {  	s3 =	simm.s32 $0x108;
	s8 =	sld [smem:$0x3F7C]  }
0x2e: {  	s3 =	simm.s32 @!p0 $0x1082;
	s9 =	sld [smem:$0x3F7D]  }
0x2f: {  	lr =	sadd.s32 s0, s3;
	s0 =	sld [smem:$0x3F74]  }
0x30: {  	s3 =	sld [smem:$0x3F77]  }
0x31: {  	[smem:$0x3F80] =	sst s10  }
0x32: {  	s10 =	sld [smem:$0x3F7E];
	_ =	sdelay $0x3  }
0x33: {  	p0 =	seq.s32 s10, $0x1;
	s10 =	sld [smem:$0x3F80];
	_ =	sdelay $0x3  }
0x34: {  	[smem:$0x3F80] =	sst s10  }
0x35: {  	s10 =	sld [smem:$0x3F7F];
	_ =	sdelay $0x3  }
0x36: {  	p1 =	seq.s32 s10, $0x1;
	s10 =	sld [smem:$0x3F80];
	_ =	sdelay $0x3  }
0x37: {  	[smem:$0x3F80] =	sst s10  }
0x38: {  	s10 =	sld [smem:$0x3F81]  }
0x39: {  	_ = 	snop;
	(pc) =	sbr.ind lr, $3  }
0x3a: {  	_ = 	snop  }
0x3b: {  	_ = 	snop  }
0x3c: {  	p2 =	seq.s32 s10, $0x1;
	s10 =	sld [smem:$0x3F80]  }
0x3d: {  	_ =	shalt  }
0x3e: {  	_ =	shalt  }
0x3f: {  	_ =	shalt  }
0x40: {  	_ =	shalt  }
0x41: {  	_ =	shalt  }
0x42: {  	_ =	shalt  }
0x43: {  	_ =	shalt  }
0x44: {  	_ =	shalt  }
0x45: {  	_ =	shalt  }
0x46: {  	_ =	shalt  }
0x47: {  	_ =	shalt  }
0x48: {  	_ =	shalt  }
0x49: {  	_ =	shalt  }
0x4a: {  	_ =	shalt  }
0x4b: {  	_ =	shalt  }
0x4c: {  	_ =	shalt  }
0x4d: {  	_ =	shalt  }
0x4e: {  	_ =	shalt  }
0x4f: {  	_ =	shalt  }
0x50: {  	_ =	shalt  }
0x51: {  	_ =	shalt  }
0x52: {  	_ =	shalt  }
0x53: {  	_ =	shalt  }
0x54: {  	_ =	shalt  }
0x55: {  	_ =	shalt  }
0x56: {  	_ =	shalt  }
0x57: {  	_ =	shalt  }
0x58: {  	_ =	shalt  }
0x59: {  	_ =	shalt  }
0x5a: {  	_ =	shalt  }
0x5b: {  	_ =	shalt  }
0x5c: {  	_ =	shalt  }
0x5d: {  	_ =	shalt  }
0x5e: {  	_ =	shalt  }
0x5f: {  	_ =	shalt  }
0x60: {  	_ =	shalt  }
0x61: {  	_ =	shalt  }
0x62: {  	_ =	shalt  }
0x63: {  	_ =	shalt  }
0x64: {  	_ =	shalt  }
0x65: {  	_ =	shalt  }
0x66: {  	_ =	shalt  }
0x67: {  	_ =	shalt  }
0x68: {  	_ =	shalt  }
0x69: {  	_ =	shalt  }
0x6a: {  	_ =	shalt  }
0x6b: {  	_ =	shalt  }
0x6c: {  	_ =	shalt  }
0x6d: {  	_ =	shalt  }
0x6e: {  	_ =	shalt  }
0x6f: {  	_ =	shalt  }
0x70: {  	_ =	shalt  }
0x71: {  	_ =	shalt  }
0x72: {  	_ =	shalt  }
0x73: {  	_ =	shalt  }
0x74: {  	_ =	shalt  }
0x75: {  	_ =	shalt  }
0x76: {  	_ =	shalt  }
0x77: {  	_ =	shalt  }
0x78: {  	_ =	shalt  }
0x79: {  	_ =	shalt  }
0x7a: {  	_ =	shalt  }
0x7b: {  	_ =	shalt  }
0x7c: {  	_ =	shalt  }
0x7d: {  	_ =	shalt  }
0x7e: {  	_ =	shalt  }
0x7f: {  	_ =	shalt  }
0x80: {  	_ =	shalt  }
0x81: {  	_ =	shalt  }
0x82: {  	_ =	shalt  }
0x83: {  	_ =	shalt  }
0x84: {  	_ =	shalt  }
0x85: {  	_ =	shalt  }
0x86: {  	_ =	shalt  }
0x87: {  	_ =	shalt  }
.Lfunc_end0:
.L_simem_size_0:
called_computation.4_lowered:
.L_overlay_start_0:
0x88: {  	s2 =	sld [smem:$0x3FD9]  }
0x89: {  	s3 =	sld [smem:$0x3FFE];
	_ =	sdelay $0x1  }
0x8a: {  	s1 =	srdreg.scid  }
0x8b: {  	s0 =	sand.u32 $0x1, s1  }
0x8c: {  	s14 =	sshll.u32 s0, $0xA;
	s2 =	sadd.s32 s3, s2  }
0x8d: {  	s2 =	sadd.s32 s2, s14  }
0x8e: {  	[smem:$0x3F8C] =	sst s2  }
0x8f: {  	_ = 	snop  }
0x90: {  	s2 =	sld [smem:$0x3FD0];
	_ =	sdelay $0x2  }
0x91: {  	s15 =	simm.s32 $0xB;
	s4 =	simm.s32 $0x10  }
0x92: {  	[smem:s4], [sflag:s15] =	dma.local [hbm:s2], $0x1  }
0x93: {  	_ =	swait.eq [sflag:s15], $0x1  }
0x94: {  	[sflag:s15] =	ssyncset.done $0x0  }
0x95: {  	[sflag:s15] =	ssyncadd.s32 $0xFFFFFFFF  }
0x96: {  	s16 =	sld [smem:$0x12];
	(tm) =	ssettm $0x1  }
0x97: {  	s17 =	sld [smem:$0x3FFB];
	_ =	sdelay $0x3  }
0x98: {  	_ =	strace s17  }
0x99: {  	s3 =	sld [smem:$0x3FFC];
	_ =	sdelay $0x3  }
0x9a: {  	_ =	strace s3  }
0x9b: {  	s3 =	sld [smem:$0x3FFD];
	_ =	sdelay $0x3  }
0x9c: {  	_ =	strace s3  }
0x9d: {  	_ =	strace $0x8FFFFFFF  }
0x9e: {  	s18 =	sld [smem:$0x3FDB];
	_ =	sdelay $0x1  }
0x9f: {  	s19 =	simm.s32 $_scs_section_size  }
0xa0: {  	s5 =	simm.s32 $_size__tile_overlayer_lowered;
	s6 =	simm.s32 $_tile_overlayer_lowered  }
0xa1: {  	s22 =	simm.s32 $0x1BFF;
	s21 =	sshll.u32 s6, $0x1;
	s3 =	sadd.s32 s19, s18  }
0xa2: {  	s7 =	simm.s32 $0x0;
	s20 =	sshll.u32 s5, $0x1;
	s5 =	sadd.s32 s21, s3  }
0xa3: {  	[timem:s7], [sflag:s22] =	dma.local [hbm:s5], s20  }
0xa4: {  	_ =	swait.ge [sflag:s22], s20  }
0xa5: {  	s4 =	ssub.s32 $0x0, s20;
	[sflag:s22] =	ssyncset.done $0x0  }
0xa6: {  	[sflag:s22] =	ssyncadd.s32 s4;
	_ =	sdelay $0x1  }
0xa7: {  	s23 =	simm.s32 $0x1B8B  }
0xa8: {  	_ =	swait.ge [sflag:s23], $0x1  }
0xa9: {  	[sflag:s23] =	ssyncset.done $0x0  }
0xaa: {  	s25 =	simm.s32 $0x1B8E;
	s24 =	sld [smem:$0x3FFE];
	[sflag:s23] =	ssyncadd.s32 $0xFFFFFFFF  }
0xab: {  	s26 =	simm.s32 $execute0_lowered;
	[smem:$0x3FD2] =	sst s25  }
0xac: {  	s5 =	sshll.u32 s26, $0x1;
	_ =	strace $0x8000004F;
	[dreg:$0x1] =	wrdreg $0xFFFFFFFF  }
0xad: {  	s28 =	simm.s32 $_size_execute0_lowered;
	s3 =	sadd.s32 s3, s5;
	[dreg:$0x0] =	wrdreg $0x0  }
0xae: {  	s5 =	sshll.u32 s28, $0x1;
	[dreg:$0x2] =	wrdreg s3  }
0xaf: {  	[dreg:$0x3] =	wrdreg s5  }
0xb0: {  	[dreg:$0x4] =	wrdreg $0xC0  }
0xb1: {  	_ =	task [dreg:s7], $0x5FFFF  }
0xb2: {  	[dreg:$0x1] =	wrdreg $0xFFFFFFFF  }
0xb3: {  	[dreg:$0x0] =	wrdreg $0x60  }
0xb4: {  	[dreg:$0x2] =	wrdreg s24  }
0xb5: {  	[dreg:$0x3] =	wrdreg s16  }
0xb6: {  	[dreg:$0x4] =	wrdreg $0x11000  }
0xb7: {  	[dreg:$0x5] =	wrdreg $0x9  }
0xb8: {  	_ =	task.clear_ibuf [dreg:s7], $0x6FFFF;
	_ =	strace $0x9000004F  }
0xb9: {  	s29 =	simm.s32 $0x9;
	_ =	strace $0x80000051  }
0xba: {  	_ =	swait.ge [sflag:s29], $0x1  }
0xbb: {  	[sflag:s29] =	ssyncadd.s32 $0xFFFFFFFF  }
0xbc: {  	_ =	strace $0x90000051  }
0xbd: {  	_ =	sfence  }
0xbe: {  	s30 =	sld [smem:$0x0];
	_ =	sdelay $0x2  }
0xbf: {  	s31 =	sshll.u32 s1, $0xD;
	s1 =	sshrl.u32 s1, $0x2  }
0xc0: {  	s3 =	sand.u32 $0x4000, s31;
	s1 =	sadd.s32 s1, s30  }
0xc1: {  	s0 =	sor.u32 s3, s0;
	s1 =	sshll.u32 s1, $0x11  }
0xc2: {  	s0 =	sor.u32 s1, s0  }
0xc3: {  	s0 =	sadd.s32 $0x8F2B, s0  }
0xc4: {  	[sflag:s0] =	ssyncadd.remote.s32 $0x1  }
0xc5: {  	_ =	sfence.sel $0xFFFF  }
0xc6: {  	[dreg:$0x0] =	wrdreg $0xFFFFFFFF;
	(pc) =	sbr.abs _section_cstart, $3  }
0xc7: {  	[dreg:$0x1] =	wrdreg $0xFFFFFFFF  }
0xc8: {  	_ =	task.clear_ibuf [dreg:s7], $0x2FFFF;
	_ =	strace $0x9FFFFFFF  }
0xc9: {  	(tm) =	ssettm $0x7FFFFFFF  }
tec
execute0_lowered:
.L_overlay_start_1:
0x0: {  	(tag) =	ssettag $0x1  }
0x1: {  	s6 =	rddreg [dreg:$0x0]  }
0x2: {  	s2 =	rddreg [dreg:$0x1]  }
0x3: {  	s0 =	srdreg.scid;
	s3 =	rddreg [dreg:$0x2]  }
0x4: {  	s1 =	rddreg [dreg:$0x3];
	s4 =	simm.s32 $0x0;
	s7 =	sand.u32 $0x1, s0  }
0x5: {  	s13 =	simm.s32 $0x80;
	s0 =	stileid.u32;
	s8 =	smul.u32 $0x62000, s7  }
0x6: {  	s14 =	simm.s32 $0x100;
	s15 =	simm.s32 $0x1;
	s9 =	smul.u32 $0x6200, s0  }
0x7: {  	s16 =	simm.s32 $0x0;
	[smem:$0x7FF] =	sst s4;
	s10 =	smul.u32 $0x18700, s0  }
0x8: {  	s5 =	sadd.s32 $0x1D800, s6;
	s11 =	smul.u32 $0x187000, s7;
	s7 =	ssub.s32 $0x2, s7  }
0x9: {  	_ =	strace $0x80000050;
	s31 =	sshll.u32 s0, $0x6;
	s30 =	sshrl.u32 s7, $0x1  }
0xa: {  	s8 =	sadd.s32 s9, s8;
	s26 =	sadd.s32 s10, s11;
	s9 =	ssub.s32 s7, s30  }
0xb: {  	s12 =	sadd.s32 s10, s3;
	s8 =	sshrl.u32 s8, $0x3;
	s29 =	sshrl.u32 s26, $0x3  }
0xc: {  	s11 =	sshrl.u32 s12, $0x3;
	s28 =	sadd.s32 s8, s6;
	s8 =	sadd.s32 s29, s6  }
0xd: {  	s12 =	simm.s32 $0x2;
	s6 =	sor.u32 $0x1C02, s31;
	s7 =	sadd.s32 $0x344200, s8  }
0xe: {  	s8 =	smax.u32 s9, $0x1;
	s9 =	sadd.s32 $0x5000, s28;
	s10 =	sadd.s32 $0x4E800, s28  }
.LBB2_1:
0xf: {  	[spmem:s11], [sflag:s6] =	dma.local [hbm:s2], $0x30E0  }
0x10: {  	_ =	swait.ge [sflag:s12], $0x30E0  }
0x11: {  	[sflag:s12] =	ssyncset.done $0x0  }
0x12: {  	[sflag:s12] =	ssyncadd.s32 $0xFFFFCF20  }
0x13: {  	s17 =	sadd.s32 $0x0, s10;
	[bflag:$0x0] =	sbarrier.arrive $0xFFFF  }
0x14: {  	[tilespmem:s4], [sflag:$0x2] =	stream.linear.gather [hbm4b:s17+s4], $0x80, $0x38;
	[tilespmem:$0x19800] =	vst v63  }
0x15: {  	_ =	swait.ge [sflag:s12], $0x80  }
0x16: {  	[sflag:s12] =	ssyncset.done $0x0  }
0x17: {  	s31 =	sadd.s32 $0x0, s9;
	[sflag:s12] =	ssyncadd.s32 $0xFFFFFF80  }
0x18: {  	[tilespmem:s13], [sflag:$0x2] =	stream.linear.gather [hbm4b:s31+s4], $0x80, $0x38;
	[tilespmem:$0x19800] =	vst v63  }
0x19: {  	_ =	swait.ge [sflag:s12], $0x80  }
0x1a: {  	[sflag:s12] =	ssyncset.done $0x0  }
0x1b: {  	[sflag:s12] =	ssyncadd.s32 $0xFFFFFF80  }
0x1c: {  	[tilespmem:s14], [sflag:$0x1] =	stream.indirect.gather [hbm4b:s5+s13], $0x20, s4, s13, $0xb8;
	[tilespmem:$0x19800] =	vst v63  }
0x1d: {  	_ =	swait.ge [sflag:s15], $0x1000  }
0x1e: {  	[sflag:s15] =	ssyncset.done $0x0  }
0x1f: {  	[sflag:s15] =	ssyncadd.s32 $0xFFFFF000  }
0x20: {  	[spmem:s3] =	stream.indirect.scatter.add.f32 [tilespmem:s14], [sflag:$0x2], $0x20, s13, s13, $0xb8;
	[tilespmem:$0x19800] =	vst v63  }
0x21: {  	_ =	swait.ge [sflag:s12], $0x1000  }
0x22: {  	s18 =	simm.s32 $0x20;
	s17 =	simm.s32 $0x10;
	[sflag:s12] =	ssyncset.done $0x0  }
.LBB2_2:
0x23: {  	s19 =	sadd.s32 s17, s10  }
0x24: {  	[sflag:s12] =	ssyncadd.s32 $0xFFFFF000;
	s20 =	smov.u32 s18;
	s21 =	sadd.s32 $0x10, s18  }
0x25: {  	[tilespmem:s4], [sflag:$0x2] =	stream.linear.gather [hbm4b:s19+s4], $0x80, $0x38;
	[tilespmem:$0x19800] =	vst v63  }
0x26: {  	p0 =	sne.s32 s18, $0xC30;
	_ =	swait.ge [sflag:s12], $0x80  }
0x27: {  	[sflag:s12] =	ssyncset.done $0x0  }
0x28: {  	s18 =	sadd.s32 s17, s9;
	s17 =	smov.u32 s20;
	[sflag:s12] =	ssyncadd.s32 $0xFFFFFF80  }
0x29: {  	[tilespmem:s13], [sflag:$0x2] =	stream.linear.gather [hbm4b:s18+s4], $0x80, $0x38;
	[tilespmem:$0x19800] =	vst v63  }
0x2a: {  	_ =	swait.ge [sflag:s12], $0x80  }
0x2b: {  	[sflag:s12] =	ssyncset.done $0x0  }
0x2c: {  	[sflag:s12] =	ssyncadd.s32 $0xFFFFFF80  }
0x2d: {  	[tilespmem:s14], [sflag:$0x1] =	stream.indirect.gather [hbm4b:s5+s13], $0x20, s4, s13, $0xb8;
	[tilespmem:$0x19800] =	vst v63  }
0x2e: {  	_ =	swait.ge [sflag:s15], $0x1000  }
.Ltmp0:
0x2f: {  	[sflag:s15] =	ssyncset.done $0x0;
	(pc) =	sbr.rel @p0 .LBB2_2-.Ltmp0, $4  }
0x30: {  	[sflag:s15] =	ssyncadd.s32 $0xFFFFF000  }
0x31: {  	[spmem:s3] =	stream.indirect.scatter.add.f32 [tilespmem:s14], [sflag:$0x2], $0x20, s13, s13, $0xb8;
	[tilespmem:$0x19800] =	vst v63  }
0x32: {  	_ =	swait.ge [sflag:s12], $0x1000  }
0x33: {  	s18 =	smov.u32 s21;
	[sflag:s12] =	ssyncset.done $0x0  }
0x34: {  	s18 =	sadd.s32 s17, s10;
	[sflag:s12] =	ssyncadd.s32 $0xFFFFF000  }
0x35: {  	[tilespmem:s4], [sflag:$0x2] =	stream.linear.gather [hbm4b:s18+s4], $0x80, $0x38;
	[tilespmem:$0x19800] =	vst v63  }
0x36: {  	_ =	swait.ge [sflag:s12], $0x80  }
0x37: {  	[sflag:s12] =	ssyncset.done $0x0  }
0x38: {  	s31 =	sadd.s32 s17, s9;
	[sflag:s12] =	ssyncadd.s32 $0xFFFFFF80  }
0x39: {  	[tilespmem:s13], [sflag:$0x2] =	stream.linear.gather [hbm4b:s31+s4], $0x80, $0x38;
	[tilespmem:$0x19800] =	vst v63  }
0x3a: {  	_ =	swait.ge [sflag:s12], $0x80  }
0x3b: {  	[sflag:s12] =	ssyncset.done $0x0  }
0x3c: {  	[sflag:s12] =	ssyncadd.s32 $0xFFFFFF80  }
0x3d: {  	[tilespmem:s14], [sflag:$0x1] =	stream.indirect.gather [hbm4b:s5+s13], $0x20, s4, s13, $0xb8;
	[tilespmem:$0x19800] =	vst v63  }
0x3e: {  	_ =	swait.ge [sflag:s15], $0x1000  }
0x3f: {  	[sflag:s15] =	ssyncset.done $0x0  }
0x40: {  	[sflag:s15] =	ssyncadd.s32 $0xFFFFF000  }
0x41: {  	[spmem:s3] =	stream.indirect.scatter.add.f32 [tilespmem:s14], [sflag:$0x2], $0x20, s13, s13, $0xb8;
	[tilespmem:$0x19800] =	vst v63  }
0x42: {  	_ =	swait.ge [sflag:s12], $0x1000  }
0x43: {  	s16 =	sadd.s32 $0x1, s16;
	[sflag:s12] =	ssyncset.done $0x0  }
0x44: {  	p0 =	sne.s32 s16, s8;
	[sflag:s12] =	ssyncadd.s32 $0xFFFFF000  }
.Ltmp1:
0x45: {  	[bflag:$0x0] =	sbarrier.arrive $0xFFFF;
	(pc) =	sbr.rel @p0 .LBB2_1-.Ltmp1, $4  }
0x46: {  	[hbm:s7], [sflag:s6] =	dma.local [spmem:s11], $0x30E0  }
0x47: {  	_ =	swait.ge [sflag:s12], $0x30E0  }
0x48: {  	[sflag:s12] =	ssyncset.done $0x0  }
0x49: {  	[sflag:s12] =	ssyncadd.s32 $0xFFFFCF20  }
0x4a: {  	_ =	sfence.sel $0x180000  }
0x4b: {  	[bflag:$0x0] =	sbarrier.arrive $0xFFFF  }
0x4c: {  	p0 =	sne.s32 s0, $0x0;
	_ =	strace $0x90000050  }
0x4d: {  	s0 =	sadd.s32 @!p0 $0x100000, s1;
	[bflag:$0x2] =	sbarrier.arrive $0xFFFF  }
0x4e: {  	[sflag:s0] =	ssyncadd.tile.s32 @!p0 $0x1;
	_ =	shalt  }
.Lfunc_end2:
_tile_overlayer_lowered:
.L_overlay_start_2:
0x4f: {  	(tag) =	ssettag $0x2  }
0x50: {  	s0 =	rddreg [dreg:$0x0];
	s2 =	stileid.u32  }
0x51: {  	s1 =	rddreg [dreg:$0x1];
	p0 =	sne.s32 s2, $0x0  }
0x52: {  	s3 =	rddreg [dreg:$0x2];
	[bflag:$0x3] =	sbarrier.arrive $0xFFFF;
	s2 =	simm.s32 @!p0 $0x1C02  }
0x53: {  	[timem:s3], [sflag:s2] =	dma.local @!p0 [hbm:s0], s1  }
0x54: {  	s0 =	simm.s32 @!p0 $0x2  }
0x55: {  	_ =	swait.ge @!p0 [sflag:s0], s1  }
0x56: {  	s1 =	ssub.s32 @!p0 $0x0, s1;
	[sflag:s0] =	ssyncset.done @!p0 $0x0  }
0x57: {  	[sflag:s0] =	ssyncadd.s32 @!p0 s1  }
0x58: {  	[bflag:$0x3] =	sbarrier.arrive $0xFFFF  }
0x59: {  	_ =	shalt  }

// kernel: kernel.46.cloned.1.call-start
scs
__scs_entry_jumppad:
0x0: {  	(pc) =	sbr.rel $0x88, $3  }
0x1: {  	(tag) =	ssettag $0x0;
	lr =	simm.s32 $0x1  }
0x2: {  	[smem:$0x3F65] =	sst lr;
	_ =	strace $0xD0000000  }
0x3: {  	_ = 	snop  }
0x4: {  	_ = 	snop  }
0x5: {  	_ = 	snop  }
0x6: {  	_ = 	snop  }
0x7: {  	_ = 	snop  }
__scs_overlays_trampoline_lowered:
0x8: {  	[smem:$0x3F74] =	sst s0  }
0x9: {  	[smem:$0x3F75] =	sst s1  }
0xa: {  	[smem:$0x3F76] =	sst s2  }
0xb: {  	[smem:$0x3F77] =	sst s3  }
0xc: {  	[smem:$0x3F78] =	sst s4  }
0xd: {  	[smem:$0x3F79] =	sst s5  }
0xe: {  	[smem:$0x3F7A] =	sst s6  }
0xf: {  	[smem:$0x3F7B] =	sst s7  }
0x10: {  	[smem:$0x3F7C] =	sst s8  }
0x11: {  	[smem:$0x3F7D] =	sst s9;
	s0 =	simm.s32 @!p0 $0x0  }
0x12: {  	s1 =	sld [smem:$0x3F63];
	s0 =	simm.s32 @p0 $0x1  }
0x13: {  	[smem:$0x3F7E] =	sst s0;
	s0 =	simm.s32 @!p1 $0x0  }
0x14: {  	s2 =	sld [smem:$0x3F62];
	s0 =	simm.s32 @p1 $0x1  }
0x15: {  	[smem:$0x3F7F] =	sst s0;
	s0 =	simm.s32 @!p2 $0x0  }
0x16: {  	s3 =	sld [smem:$0x3FDB];
	s0 =	simm.s32 @p2 $0x1  }
0x17: {  	s4 =	simm.s32 $0x1BF5;
	[smem:$0x3F81] =	sst s0  }
0x18: {  	s0 =	sld [smem:$0x3F64];
	_ =	swait.ge [sflag:s4], $0x0  }
0x19: {  	s7 =	sld [smem:$0x3F65]  }
0x1a: {  	s8 =	sadd.s32 $0xFFFFE003, lr  }
0x1b: {  	s9 =	sadd.s32 $0xFFFFFEF7, lr;
	s5 =	simm.s32 $0xFFFFFFFF;
	p2 =	slt.u32 s8, $0xFFFFF086  }
0x1c: {  	p1 =	slt.u32 s9, $0xF7A;
	s5 =	simm.s32 @!p2 $0x0  }
0x1d: {  	s5 =	simm.s32 @p1 $0x1;
	p0 =	seq.s32 s7, s2  }
0x1e: {  	s7 =	smul.u32 @!p0 $0xF7A, s2;
	p2 =	seq.s32 @!p0 s5, $0x0  }
0x1f: {  	s9 =	smul.u32 $0xF7A, s1;
	s8 =	simm.s32 @!p0 $0x1BF5;
	p2 =	por !p2, p0  }
0x20: {  	[sflag:s8] =	ssyncset.s32 @!p0 $0xFFFFF086;
	s6 =	sadd.s32 @!p0 s3, s7;
	s7 =	simm.s32 @!p0 $0x108  }
0x21: {  	s3 =	sadd.s32 s3, s9;
	s6 =	sadd.s32 @!p0 $0x88, s6;
	s7 =	simm.s32 @p2 $0x1082  }
0x22: {  	[simem:s7], [sflag:s8] =	dma.local @!p0 [hbm:s6], $0xF7A  }
0x23: {  	s9 =	sor.u32 $0xD0000000, s2;
	s6 =	simm.s32 $0x108;
	_ =	swait.ge @!p0 [sflag:s8], $0x0  }
0x24: {  	s3 =	sadd.s32 $0x88, s3;
	s6 =	simm.s32 @!p1 $0x1082;
	[sflag:s4] =	ssyncset.s32 $0xFFFFF086  }
0x25: {  	[simem:s6], [sflag:s4] =	dma.local [hbm:s3], $0xF7A  }
0x26: {  	[smem:$0x3F65] =	sst s1;
	(tag) =	ssettag s2;
	_ =	strace s9  }
0x27: {  	s1 =	sld [smem:$0x3F75]  }
0x28: {  	s2 =	sld [smem:$0x3F76]  }
0x29: {  	s4 =	sld [smem:$0x3F78]  }
0x2a: {  	p0 =	seq.s32 s5, $0x0;
	s5 =	sld [smem:$0x3F79]  }
0x2b: {  	s6 =	sld [smem:$0x3F7A]  }
0x2c: {  	s7 =	sld [smem:$0x3F7B]  }
0x2d: {  	s3 =	simm.s32 $0x108;
	s8 =	sld [smem:$0x3F7C]  }
0x2e: {  	s3 =	simm.s32 @!p0 $0x1082;
	s9 =	sld [smem:$0x3F7D]  }
0x2f: {  	lr =	sadd.s32 s0, s3;
	s0 =	sld [smem:$0x3F74]  }
0x30: {  	s3 =	sld [smem:$0x3F77]  }
0x31: {  	[smem:$0x3F80] =	sst s10  }
0x32: {  	s10 =	sld [smem:$0x3F7E];
	_ =	sdelay $0x3  }
0x33: {  	p0 =	seq.s32 s10, $0x1;
	s10 =	sld [smem:$0x3F80];
	_ =	sdelay $0x3  }
0x34: {  	[smem:$0x3F80] =	sst s10  }
0x35: {  	s10 =	sld [smem:$0x3F7F];
	_ =	sdelay $0x3  }
0x36: {  	p1 =	seq.s32 s10, $0x1;
	s10 =	sld [smem:$0x3F80];
	_ =	sdelay $0x3  }
0x37: {  	[smem:$0x3F80] =	sst s10  }
0x38: {  	s10 =	sld [smem:$0x3F81]  }
0x39: {  	_ = 	snop;
	(pc) =	sbr.ind lr, $3  }
0x3a: {  	_ = 	snop  }
0x3b: {  	_ = 	snop  }
0x3c: {  	p2 =	seq.s32 s10, $0x1;
	s10 =	sld [smem:$0x3F80]  }
0x3d: {  	_ =	shalt  }
0x3e: {  	_ =	shalt  }
0x3f: {  	_ =	shalt  }
0x40: {  	_ =	shalt  }
0x41: {  	_ =	shalt  }
0x42: {  	_ =	shalt  }
0x43: {  	_ =	shalt  }
0x44: {  	_ =	shalt  }
0x45: {  	_ =	shalt  }
0x46: {  	_ =	shalt  }
0x47: {  	_ =	shalt  }
0x48: {  	_ =	shalt  }
0x49: {  	_ =	shalt  }
0x4a: {  	_ =	shalt  }
0x4b: {  	_ =	shalt  }
0x4c: {  	_ =	shalt  }
0x4d: {  	_ =	shalt  }
0x4e: {  	_ =	shalt  }
0x4f: {  	_ =	shalt  }
0x50: {  	_ =	shalt  }
0x51: {  	_ =	shalt  }
0x52: {  	_ =	shalt  }
0x53: {  	_ =	shalt  }
0x54: {  	_ =	shalt  }
0x55: {  	_ =	shalt  }
0x56: {  	_ =	shalt  }
0x57: {  	_ =	shalt  }
0x58: {  	_ =	shalt  }
0x59: {  	_ =	shalt  }
0x5a: {  	_ =	shalt  }
0x5b: {  	_ =	shalt  }
0x5c: {  	_ =	shalt  }
0x5d: {  	_ =	shalt  }
0x5e: {  	_ =	shalt  }
0x5f: {  	_ =	shalt  }
0x60: {  	_ =	shalt  }
0x61: {  	_ =	shalt  }
0x62: {  	_ =	shalt  }
0x63: {  	_ =	shalt  }
0x64: {  	_ =	shalt  }
0x65: {  	_ =	shalt  }
0x66: {  	_ =	shalt  }
0x67: {  	_ =	shalt  }
0x68: {  	_ =	shalt  }
0x69: {  	_ =	shalt  }
0x6a: {  	_ =	shalt  }
0x6b: {  	_ =	shalt  }
0x6c: {  	_ =	shalt  }
0x6d: {  	_ =	shalt  }
0x6e: {  	_ =	shalt  }
0x6f: {  	_ =	shalt  }
0x70: {  	_ =	shalt  }
0x71: {  	_ =	shalt  }
0x72: {  	_ =	shalt  }
0x73: {  	_ =	shalt  }
0x74: {  	_ =	shalt  }
0x75: {  	_ =	shalt  }
0x76: {  	_ =	shalt  }
0x77: {  	_ =	shalt  }
0x78: {  	_ =	shalt  }
0x79: {  	_ =	shalt  }
0x7a: {  	_ =	shalt  }
0x7b: {  	_ =	shalt  }
0x7c: {  	_ =	shalt  }
0x7d: {  	_ =	shalt  }
0x7e: {  	_ =	shalt  }
0x7f: {  	_ =	shalt  }
0x80: {  	_ =	shalt  }
0x81: {  	_ =	shalt  }
0x82: {  	_ =	shalt  }
0x83: {  	_ =	shalt  }
0x84: {  	_ =	shalt  }
0x85: {  	_ =	shalt  }
0x86: {  	_ =	shalt  }
0x87: {  	_ =	shalt  }
.Lfunc_end0:
.L_simem_size_0:
called_computation.5_lowered:
.L_overlay_start_0:
0x88: {  	s2 =	sld [smem:$0x3FD9]  }
0x89: {  	s3 =	sld [smem:$0x3FFE];
	_ =	sdelay $0x1  }
0x8a: {  	s1 =	srdreg.scid  }
0x8b: {  	s0 =	sand.u32 $0x1, s1  }
0x8c: {  	s14 =	sshll.u32 s0, $0xA;
	s2 =	sadd.s32 s3, s2  }
0x8d: {  	s2 =	sadd.s32 s2, s14  }
0x8e: {  	[smem:$0x3F8C] =	sst s2  }
0x8f: {  	_ = 	snop  }
0x90: {  	s2 =	sld [smem:$0x3FD0];
	_ =	sdelay $0x2  }
0x91: {  	s15 =	simm.s32 $0xB;
	s4 =	simm.s32 $0x10  }
0x92: {  	[smem:s4], [sflag:s15] =	dma.local [hbm:s2], $0x1  }
0x93: {  	_ =	swait.eq [sflag:s15], $0x1  }
0x94: {  	[sflag:s15] =	ssyncset.done $0x0  }
0x95: {  	[sflag:s15] =	ssyncadd.s32 $0xFFFFFFFF  }
0x96: {  	s16 =	sld [smem:$0x12];
	(tm) =	ssettm $0x1  }
0x97: {  	s17 =	sld [smem:$0x3FFB];
	_ =	sdelay $0x3  }
0x98: {  	_ =	strace s17  }
0x99: {  	s3 =	sld [smem:$0x3FFC];
	_ =	sdelay $0x3  }
0x9a: {  	_ =	strace s3  }
0x9b: {  	s3 =	sld [smem:$0x3FFD];
	_ =	sdelay $0x3  }
0x9c: {  	_ =	strace s3  }
0x9d: {  	_ =	strace $0x8FFFFFFF  }
0x9e: {  	s18 =	sld [smem:$0x3FDB];
	_ =	sdelay $0x1  }
0x9f: {  	s19 =	simm.s32 $_scs_section_size  }
0xa0: {  	s5 =	simm.s32 $_size__tile_overlayer_lowered;
	s6 =	simm.s32 $_tile_overlayer_lowered  }
0xa1: {  	s22 =	simm.s32 $0x1BFF;
	s21 =	sshll.u32 s6, $0x1;
	s3 =	sadd.s32 s19, s18  }
0xa2: {  	s7 =	simm.s32 $0x0;
	s20 =	sshll.u32 s5, $0x1;
	s5 =	sadd.s32 s21, s3  }
0xa3: {  	[timem:s7], [sflag:s22] =	dma.local [hbm:s5], s20  }
0xa4: {  	_ =	swait.ge [sflag:s22], s20  }
0xa5: {  	s4 =	ssub.s32 $0x0, s20;
	[sflag:s22] =	ssyncset.done $0x0  }
0xa6: {  	[sflag:s22] =	ssyncadd.s32 s4;
	_ =	sdelay $0x1  }
0xa7: {  	s23 =	simm.s32 $0x1B8B  }
0xa8: {  	_ =	swait.ge [sflag:s23], $0x1  }
0xa9: {  	[sflag:s23] =	ssyncset.done $0x0  }
0xaa: {  	s25 =	simm.s32 $0x1B8E;
	s24 =	sld [smem:$0x3FFE];
	[sflag:s23] =	ssyncadd.s32 $0xFFFFFFFF  }
0xab: {  	s26 =	simm.s32 $execute0_lowered;
	[smem:$0x3FD2] =	sst s25  }
0xac: {  	s5 =	sshll.u32 s26, $0x1;
	_ =	strace $0x80000052;
	[dreg:$0x1] =	wrdreg $0xFFFFFFFF  }
0xad: {  	s28 =	simm.s32 $_size_execute0_lowered;
	s3 =	sadd.s32 s3, s5;
	[dreg:$0x0] =	wrdreg $0x0  }
0xae: {  	s5 =	sshll.u32 s28, $0x1;
	[dreg:$0x2] =	wrdreg s3  }
0xaf: {  	[dreg:$0x3] =	wrdreg s5  }
0xb0: {  	[dreg:$0x4] =	wrdreg $0xC0  }
0xb1: {  	_ =	task [dreg:s7], $0x5FFFF  }
0xb2: {  	[dreg:$0x1] =	wrdreg $0xFFFFFFFF  }
0xb3: {  	[dreg:$0x0] =	wrdreg $0x60  }
0xb4: {  	[dreg:$0x2] =	wrdreg s24  }
0xb5: {  	[dreg:$0x3] =	wrdreg s16  }
0xb6: {  	[dreg:$0x4] =	wrdreg $0x11000  }
0xb7: {  	[dreg:$0x5] =	wrdreg $0x9  }
0xb8: {  	_ =	task.clear_ibuf [dreg:s7], $0x6FFFF;
	_ =	strace $0x90000052  }
0xb9: {  	s29 =	simm.s32 $0x9;
	_ =	strace $0x80000054  }
0xba: {  	_ =	swait.ge [sflag:s29], $0x1  }
0xbb: {  	[sflag:s29] =	ssyncadd.s32 $0xFFFFFFFF  }
0xbc: {  	_ =	strace $0x90000054  }
0xbd: {  	_ =	sfence  }
0xbe: {  	s30 =	sld [smem:$0x0];
	_ =	sdelay $0x2  }
0xbf: {  	s31 =	sshll.u32 s1, $0xD;
	s1 =	sshrl.u32 s1, $0x2  }
0xc0: {  	s3 =	sand.u32 $0x4000, s31;
	s1 =	sadd.s32 s1, s30  }
0xc1: {  	s0 =	sor.u32 s3, s0;
	s1 =	sshll.u32 s1, $0x11  }
0xc2: {  	s0 =	sor.u32 s1, s0  }
0xc3: {  	s0 =	sadd.s32 $0x8F2B, s0  }
0xc4: {  	[sflag:s0] =	ssyncadd.remote.s32 $0x1  }
0xc5: {  	_ =	sfence.sel $0xFFFF  }
0xc6: {  	[dreg:$0x0] =	wrdreg $0xFFFFFFFF;
	(pc) =	sbr.abs _section_cstart, $3  }
0xc7: {  	[dreg:$0x1] =	wrdreg $0xFFFFFFFF  }
0xc8: {  	_ =	task.clear_ibuf [dreg:s7], $0x2FFFF;
	_ =	strace $0x9FFFFFFF  }
0xc9: {  	(tm) =	ssettm $0x7FFFFFFF  }
tec
execute0_lowered:
.L_overlay_start_1:
0x0: {  	(tag) =	ssettag $0x1  }
0x1: {  	s6 =	rddreg [dreg:$0x0]  }
0x2: {  	s2 =	rddreg [dreg:$0x1]  }
0x3: {  	s0 =	srdreg.scid;
	s3 =	rddreg [dreg:$0x2]  }
0x4: {  	s1 =	rddreg [dreg:$0x3];
	s4 =	simm.s32 $0x0;
	s16 =	simm.s32 $0x100  }
0x5: {  	s17 =	simm.s32 $0x1;
	s18 =	simm.s32 $0x8;
	s7 =	sand.u32 $0x1, s0  }
0x6: {  	s19 =	simm.s32 $0x4;
	s0 =	stileid.u32;
	s8 =	smul.u32 $0x62000, s7  }
0x7: {  	s20 =	simm.s32 $0x0;
	s5 =	sadd.s32 $0x407800, s6;
	s9 =	smul.u32 $0x6200, s0  }
0x8: {  	[smem:$0x7FF] =	sst s4;
	s13 =	sadd.s32 $0x18C600, s6;
	s10 =	smul.u32 $0x30E000, s7  }
0x9: {  	s11 =	smul.u32 $0x30E00, s0;
	_ =	strace $0x80000053;
	s7 =	ssub.s32 $0x2, s7  }
0xa: {  	s25 =	smul.u32 $0x61C00, s0;
	s31 =	sshll.u32 s0, $0x6;
	s28 =	sshrl.u32 s7, $0x1  }
0xb: {  	s12 =	sadd.s32 s9, s8;
	s24 =	sadd.s32 s11, s10;
	s29 =	ssub.s32 s7, s28  }
0xc: {  	s30 =	sshrl.u32 s25, $0x2;
	s14 =	sshrl.u32 s12, $0x3;
	s8 =	sshrl.u32 s24, $0x3  }
0xd: {  	s15 =	sadd.s32 s30, s3;
	s9 =	smax.u32 s29, $0x1;
	s12 =	sadd.s32 $0xC4000, s12  }
0xe: {  	s26 =	sadd.s32 s14, s6;
	s8 =	sadd.s32 s8, s6;
	s6 =	sor.u32 $0x1C02, s31  }
0xf: {  	s11 =	sadd.s32 s14, s13;
	s12 =	sshrl.u32 s12, $0x3;
	s7 =	sadd.s32 $0x469400, s8  }
0x10: {  	s14 =	simm.s32 $0x2;
	s8 =	sadd.s32 $0x469404, s8;
	s10 =	sadd.s32 $0x5000, s26  }
0x11: {  	s12 =	sadd.s32 s12, s13;
	s13 =	sshrl.u32 s15, $0x3;
	s15 =	simm.s32 $0x80  }
.LBB2_1:
0x12: {  	[spmem:s13], [sflag:s6] =	dma.local [hbm:s2], $0x30E0  }
0x13: {  	_ =	swait.ge [sflag:s14], $0x30E0  }
0x14: {  	[sflag:s14] =	ssyncset.done $0x0  }
0x15: {  	[sflag:s14] =	ssyncadd.s32 $0xFFFFCF20  }
0x16: {  	s21 =	sadd.s32 $0x0, s11;
	[bflag:$0x0] =	sbarrier.arrive $0xFFFF  }
0x17: {  	[tilespmem:s4], [sflag:$0x2] =	stream.linear.gather [hbm4b:s21+s4], $0x80, $0x38;
	[tilespmem:$0x19800] =	vst v63  }
0x18: {  	_ =	swait.ge [sflag:s14], $0x80  }
0x19: {  	[sflag:s14] =	ssyncset.done $0x0  }
0x1a: {  	s31 =	sadd.s32 $0x0, s10;
	[sflag:s14] =	ssyncadd.s32 $0xFFFFFF80  }
0x1b: {  	[tilespmem:s15], [sflag:$0x2] =	stream.linear.gather [hbm4b:s31+s4], $0x80, $0x38;
	[tilespmem:$0x19800] =	vst v63  }
0x1c: {  	_ =	swait.ge [sflag:s14], $0x80  }
0x1d: {  	[sflag:s14] =	ssyncset.done $0x0  }
0x1e: {  	[sflag:s14] =	ssyncadd.s32 $0xFFFFFF80  }
0x1f: {  	[tilespmem:s16], [sflag:$0x1] =	stream.indirect.gather [hbm4b:s5+s15], $0x20, s4, s15, $0xb8;
	[tilespmem:$0x19800] =	vst v63  }
0x20: {  	_ =	swait.ge [sflag:s17], $0x1000  }
0x21: {  	[sflag:s17] =	ssyncset.done $0x0  }
0x22: {  	[sflag:s17] =	ssyncadd.s32 $0xFFFFF000  }
0x23: {  	[spmem:s3] =	stream.indirect.scatter.add.f32 [tilespmem:s16], [sflag:$0x2], $0x20, s15, s15, $0xb8;
	[tilespmem:$0x19800] =	vst v63  }
0x24: {  	_ =	swait.ge [sflag:s14], $0x1000  }
0x25: {  	s22 =	simm.s32 $0x20;
	s21 =	simm.s32 $0x10;
	[sflag:s14] =	ssyncset.done $0x0  }
.LBB2_2:
0x26: {  	s23 =	sadd.s32 s21, s11  }
0x27: {  	[sflag:s14] =	ssyncadd.s32 $0xFFFFF000;
	s24 =	smov.u32 s22;
	s25 =	sadd.s32 $0x10, s22  }
0x28: {  	[tilespmem:s4], [sflag:$0x2] =	stream.linear.gather [hbm4b:s23+s4], $0x80, $0x38;
	[tilespmem:$0x19800] =	vst v63  }
0x29: {  	p0 =	sne.s32 s22, $0xC30;
	_ =	swait.ge [sflag:s14], $0x80  }
0x2a: {  	[sflag:s14] =	ssyncset.done $0x0  }
0x2b: {  	s22 =	sadd.s32 s21, s10;
	s21 =	smov.u32 s24;
	[sflag:s14] =	ssyncadd.s32 $0xFFFFFF80  }
0x2c: {  	[tilespmem:s15], [sflag:$0x2] =	stream.linear.gather [hbm4b:s22+s4], $0x80, $0x38;
	[tilespmem:$0x19800] =	vst v63  }
0x2d: {  	_ =	swait.ge [sflag:s14], $0x80  }
0x2e: {  	[sflag:s14] =	ssyncset.done $0x0  }
0x2f: {  	[sflag:s14] =	ssyncadd.s32 $0xFFFFFF80  }
0x30: {  	[tilespmem:s16], [sflag:$0x1] =	stream.indirect.gather [hbm4b:s5+s15], $0x20, s4, s15, $0xb8;
	[tilespmem:$0x19800] =	vst v63  }
0x31: {  	_ =	swait.ge [sflag:s17], $0x1000  }
.Ltmp0:
0x32: {  	[sflag:s17] =	ssyncset.done $0x0;
	(pc) =	sbr.rel @p0 .LBB2_2-.Ltmp0, $4  }
0x33: {  	[sflag:s17] =	ssyncadd.s32 $0xFFFFF000  }
0x34: {  	[spmem:s3] =	stream.indirect.scatter.add.f32 [tilespmem:s16], [sflag:$0x2], $0x20, s15, s15, $0xb8;
	[tilespmem:$0x19800] =	vst v63  }
0x35: {  	_ =	swait.ge [sflag:s14], $0x1000  }
0x36: {  	s22 =	smov.u32 s25;
	[sflag:s14] =	ssyncset.done $0x0  }
0x37: {  	s22 =	sadd.s32 s21, s11;
	[sflag:s14] =	ssyncadd.s32 $0xFFFFF000  }
0x38: {  	[tilespmem:s4], [sflag:$0x2] =	stream.linear.gather [hbm4b:s22+s4], $0x80, $0x38;
	[tilespmem:$0x19800] =	vst v63  }
0x39: {  	_ =	swait.ge [sflag:s14], $0x80  }
0x3a: {  	[sflag:s14] =	ssyncset.done $0x0  }
0x3b: {  	s29 =	sadd.s32 s21, s10;
	[sflag:s14] =	ssyncadd.s32 $0xFFFFFF80  }
0x3c: {  	[tilespmem:s15], [sflag:$0x2] =	stream.linear.gather [hbm4b:s29+s4], $0x80, $0x38;
	[tilespmem:$0x19800] =	vst v63  }
0x3d: {  	_ =	swait.ge [sflag:s14], $0x80  }
0x3e: {  	[sflag:s14] =	ssyncset.done $0x0  }
0x3f: {  	[sflag:s14] =	ssyncadd.s32 $0xFFFFFF80  }
0x40: {  	[tilespmem:s16], [sflag:$0x1] =	stream.indirect.gather [hbm4b:s5+s15], $0x20, s4, s15, $0xb8;
	[tilespmem:$0x19800] =	vst v63  }
0x41: {  	_ =	swait.ge [sflag:s17], $0x1000  }
0x42: {  	[sflag:s17] =	ssyncset.done $0x0  }
0x43: {  	[sflag:s17] =	ssyncadd.s32 $0xFFFFF000  }
0x44: {  	[spmem:s3] =	stream.indirect.scatter.add.f32 [tilespmem:s16], [sflag:$0x2], $0x20, s15, s15, $0xb8;
	[tilespmem:$0x19800] =	vst v63  }
0x45: {  	_ =	swait.ge [sflag:s14], $0x1000  }
0x46: {  	[sflag:s14] =	ssyncset.done $0x0  }
0x47: {  	[sflag:s14] =	ssyncadd.s32 $0xFFFFF000  }
0x48: {  	[bflag:$0x0] =	sbarrier.arrive $0xFFFF  }
0x49: {  	[hbm:s7@s18], [sflag:s6] =	dma.strided [spmem:s13@s19], $0x30E0, s17, $0x4   }
0x4a: {  	_ =	swait.ge [sflag:s14], $0x30E0  }
0x4b: {  	[sflag:s14] =	ssyncset.done $0x0  }
0x4c: {  	[sflag:s14] =	ssyncadd.s32 $0xFFFFCF20  }
0x4d: {  	[spmem:s13], [sflag:s6] =	dma.local [hbm:s2], $0x30E0  }
0x4e: {  	_ =	swait.ge [sflag:s14], $0x30E0  }
0x4f: {  	[sflag:s14] =	ssyncset.done $0x0  }
0x50: {  	[sflag:s14] =	ssyncadd.s32 $0xFFFFCF20  }
0x51: {  	s30 =	sadd.s32 $0x0, s12;
	[bflag:$0x0] =	sbarrier.arrive $0xFFFF  }
0x52: {  	[tilespmem:s4], [sflag:$0x2] =	stream.linear.gather [hbm4b:s30+s4], $0x80, $0x38;
	[tilespmem:$0x19800] =	vst v63  }
0x53: {  	_ =	swait.ge [sflag:s14], $0x80  }
0x54: {  	[sflag:s14] =	ssyncset.done $0x0  }
0x55: {  	s31 =	sadd.s32 $0x0, s10;
	[sflag:s14] =	ssyncadd.s32 $0xFFFFFF80  }
0x56: {  	[tilespmem:s15], [sflag:$0x2] =	stream.linear.gather [hbm4b:s31+s4], $0x80, $0x38;
	[tilespmem:$0x19800] =	vst v63  }
0x57: {  	_ =	swait.ge [sflag:s14], $0x80  }
0x58: {  	[sflag:s14] =	ssyncset.done $0x0  }
0x59: {  	[sflag:s14] =	ssyncadd.s32 $0xFFFFFF80  }
0x5a: {  	[tilespmem:s16], [sflag:$0x1] =	stream.indirect.gather [hbm4b:s5+s15], $0x20, s4, s15, $0xb8;
	[tilespmem:$0x19800] =	vst v63  }
0x5b: {  	_ =	swait.ge [sflag:s17], $0x1000  }
0x5c: {  	[sflag:s17] =	ssyncset.done $0x0  }
0x5d: {  	[sflag:s17] =	ssyncadd.s32 $0xFFFFF000  }
0x5e: {  	[spmem:s3] =	stream.indirect.scatter.add.f32 [tilespmem:s16], [sflag:$0x2], $0x20, s15, s15, $0xb8;
	[tilespmem:$0x19800] =	vst v63  }
0x5f: {  	_ =	swait.ge [sflag:s14], $0x1000  }
0x60: {  	s21 =	simm.s32 $0x10;
	s22 =	simm.s32 $0x20;
	[sflag:s14] =	ssyncset.done $0x0  }
.LBB2_4:
0x61: {  	s23 =	sadd.s32 s21, s12  }
0x62: {  	[sflag:s14] =	ssyncadd.s32 $0xFFFFF000;
	s24 =	smov.u32 s22;
	s25 =	sadd.s32 $0x10, s22  }
0x63: {  	[tilespmem:s4], [sflag:$0x2] =	stream.linear.gather [hbm4b:s23+s4], $0x80, $0x38;
	[tilespmem:$0x19800] =	vst v63  }
0x64: {  	p0 =	sne.s32 s22, $0xC30;
	_ =	swait.ge [sflag:s14], $0x80  }
0x65: {  	[sflag:s14] =	ssyncset.done $0x0  }
0x66: {  	s22 =	sadd.s32 s21, s10;
	s21 =	smov.u32 s24;
	[sflag:s14] =	ssyncadd.s32 $0xFFFFFF80  }
0x67: {  	[tilespmem:s15], [sflag:$0x2] =	stream.linear.gather [hbm4b:s22+s4], $0x80, $0x38;
	[tilespmem:$0x19800] =	vst v63  }
0x68: {  	_ =	swait.ge [sflag:s14], $0x80  }
0x69: {  	[sflag:s14] =	ssyncset.done $0x0  }
0x6a: {  	[sflag:s14] =	ssyncadd.s32 $0xFFFFFF80  }
0x6b: {  	[tilespmem:s16], [sflag:$0x1] =	stream.indirect.gather [hbm4b:s5+s15], $0x20, s4, s15, $0xb8;
	[tilespmem:$0x19800] =	vst v63  }
0x6c: {  	_ =	swait.ge [sflag:s17], $0x1000  }
.Ltmp1:
0x6d: {  	[sflag:s17] =	ssyncset.done $0x0;
	(pc) =	sbr.rel @p0 .LBB2_4-.Ltmp1, $4  }
0x6e: {  	[sflag:s17] =	ssyncadd.s32 $0xFFFFF000  }
0x6f: {  	[spmem:s3] =	stream.indirect.scatter.add.f32 [tilespmem:s16], [sflag:$0x2], $0x20, s15, s15, $0xb8;
	[tilespmem:$0x19800] =	vst v63  }
0x70: {  	_ =	swait.ge [sflag:s14], $0x1000  }
0x71: {  	s22 =	smov.u32 s25;
	[sflag:s14] =	ssyncset.done $0x0  }
0x72: {  	s22 =	sadd.s32 s21, s12;
	[sflag:s14] =	ssyncadd.s32 $0xFFFFF000  }
0x73: {  	[tilespmem:s4], [sflag:$0x2] =	stream.linear.gather [hbm4b:s22+s4], $0x80, $0x38;
	[tilespmem:$0x19800] =	vst v63  }
0x74: {  	_ =	swait.ge [sflag:s14], $0x80  }
0x75: {  	[sflag:s14] =	ssyncset.done $0x0  }
0x76: {  	s31 =	sadd.s32 s21, s10;
	[sflag:s14] =	ssyncadd.s32 $0xFFFFFF80  }
0x77: {  	[tilespmem:s15], [sflag:$0x2] =	stream.linear.gather [hbm4b:s31+s4], $0x80, $0x38;
	[tilespmem:$0x19800] =	vst v63  }
0x78: {  	_ =	swait.ge [sflag:s14], $0x80  }
0x79: {  	[sflag:s14] =	ssyncset.done $0x0  }
0x7a: {  	[sflag:s14] =	ssyncadd.s32 $0xFFFFFF80  }
0x7b: {  	[tilespmem:s16], [sflag:$0x1] =	stream.indirect.gather [hbm4b:s5+s15], $0x20, s4, s15, $0xb8;
	[tilespmem:$0x19800] =	vst v63  }
0x7c: {  	_ =	swait.ge [sflag:s17], $0x1000  }
0x7d: {  	[sflag:s17] =	ssyncset.done $0x0  }
0x7e: {  	[sflag:s17] =	ssyncadd.s32 $0xFFFFF000  }
0x7f: {  	[spmem:s3] =	stream.indirect.scatter.add.f32 [tilespmem:s16], [sflag:$0x2], $0x20, s15, s15, $0xb8;
	[tilespmem:$0x19800] =	vst v63  }
0x80: {  	_ =	swait.ge [sflag:s14], $0x1000  }
0x81: {  	s20 =	sadd.s32 $0x1, s20;
	[sflag:s14] =	ssyncset.done $0x0  }
0x82: {  	p0 =	sne.s32 s20, s9;
	[sflag:s14] =	ssyncadd.s32 $0xFFFFF000  }
.Ltmp2:
0x83: {  	[bflag:$0x0] =	sbarrier.arrive $0xFFFF;
	(pc) =	sbr.rel @p0 .LBB2_1-.Ltmp2, $4  }
0x84: {  	[hbm:s8@s18], [sflag:s6] =	dma.strided [spmem:s13@s19], $0x30E0, s17, $0x4   }
0x85: {  	_ =	swait.ge [sflag:s14], $0x30E0  }
0x86: {  	[sflag:s14] =	ssyncset.done $0x0  }
0x87: {  	[sflag:s14] =	ssyncadd.s32 $0xFFFFCF20  }
0x88: {  	_ =	sfence.sel $0x180000  }
0x89: {  	[bflag:$0x0] =	sbarrier.arrive $0xFFFF  }
0x8a: {  	p0 =	sne.s32 s0, $0x0;
	_ =	strace $0x90000053  }
0x8b: {  	s0 =	sadd.s32 @!p0 $0x100000, s1;
	[bflag:$0x2] =	sbarrier.arrive $0xFFFF  }
0x8c: {  	[sflag:s0] =	ssyncadd.tile.s32 @!p0 $0x1;
	_ =	shalt  }
.Lfunc_end2:
_tile_overlayer_lowered:
.L_overlay_start_2:
0x8d: {  	(tag) =	ssettag $0x2  }
0x8e: {  	s0 =	rddreg [dreg:$0x0];
	s2 =	stileid.u32  }
0x8f: {  	s1 =	rddreg [dreg:$0x1];
	p0 =	sne.s32 s2, $0x0  }
0x90: {  	s3 =	rddreg [dreg:$0x2];
	[bflag:$0x3] =	sbarrier.arrive $0xFFFF;
	s2 =	simm.s32 @!p0 $0x1C02  }
0x91: {  	[timem:s3], [sflag:s2] =	dma.local @!p0 [hbm:s0], s1  }
0x92: {  	s0 =	simm.s32 @!p0 $0x2  }
0x93: {  	_ =	swait.ge @!p0 [sflag:s0], s1  }
0x94: {  	s1 =	ssub.s32 @!p0 $0x0, s1;
	[sflag:s0] =	ssyncset.done @!p0 $0x0  }
0x95: {  	[sflag:s0] =	ssyncadd.s32 @!p0 s1  }
0x96: {  	[bflag:$0x3] =	sbarrier.arrive $0xFFFF  }
0x97: {  	_ =	shalt  }

// kernel: kernel.49.cloned.1.call-start
scs
__scs_entry_jumppad:
0x0: {  	(pc) =	sbr.rel $0x88, $3  }
0x1: {  	(tag) =	ssettag $0x0;
	lr =	simm.s32 $0x1  }
0x2: {  	[smem:$0x3F65] =	sst lr;
	_ =	strace $0xD0000000  }
0x3: {  	_ = 	snop  }
0x4: {  	_ = 	snop  }
0x5: {  	_ = 	snop  }
0x6: {  	_ = 	snop  }
0x7: {  	_ = 	snop  }
__scs_overlays_trampoline_lowered:
0x8: {  	[smem:$0x3F74] =	sst s0  }
0x9: {  	[smem:$0x3F75] =	sst s1  }
0xa: {  	[smem:$0x3F76] =	sst s2  }
0xb: {  	[smem:$0x3F77] =	sst s3  }
0xc: {  	[smem:$0x3F78] =	sst s4  }
0xd: {  	[smem:$0x3F79] =	sst s5  }
0xe: {  	[smem:$0x3F7A] =	sst s6  }
0xf: {  	[smem:$0x3F7B] =	sst s7  }
0x10: {  	[smem:$0x3F7C] =	sst s8  }
0x11: {  	[smem:$0x3F7D] =	sst s9;
	s0 =	simm.s32 @!p0 $0x0  }
0x12: {  	s1 =	sld [smem:$0x3F63];
	s0 =	simm.s32 @p0 $0x1  }
0x13: {  	[smem:$0x3F7E] =	sst s0;
	s0 =	simm.s32 @!p1 $0x0  }
0x14: {  	s2 =	sld [smem:$0x3F62];
	s0 =	simm.s32 @p1 $0x1  }
0x15: {  	[smem:$0x3F7F] =	sst s0;
	s0 =	simm.s32 @!p2 $0x0  }
0x16: {  	s3 =	sld [smem:$0x3FDB];
	s0 =	simm.s32 @p2 $0x1  }
0x17: {  	s4 =	simm.s32 $0x1BF5;
	[smem:$0x3F81] =	sst s0  }
0x18: {  	s0 =	sld [smem:$0x3F64];
	_ =	swait.ge [sflag:s4], $0x0  }
0x19: {  	s7 =	sld [smem:$0x3F65]  }
0x1a: {  	s8 =	sadd.s32 $0xFFFFE003, lr  }
0x1b: {  	s9 =	sadd.s32 $0xFFFFFEF7, lr;
	s5 =	simm.s32 $0xFFFFFFFF;
	p2 =	slt.u32 s8, $0xFFFFF086  }
0x1c: {  	p1 =	slt.u32 s9, $0xF7A;
	s5 =	simm.s32 @!p2 $0x0  }
0x1d: {  	s5 =	simm.s32 @p1 $0x1;
	p0 =	seq.s32 s7, s2  }
0x1e: {  	s7 =	smul.u32 @!p0 $0xF7A, s2;
	p2 =	seq.s32 @!p0 s5, $0x0  }
0x1f: {  	s9 =	smul.u32 $0xF7A, s1;
	s8 =	simm.s32 @!p0 $0x1BF5;
	p2 =	por !p2, p0  }
0x20: {  	[sflag:s8] =	ssyncset.s32 @!p0 $0xFFFFF086;
	s6 =	sadd.s32 @!p0 s3, s7;
	s7 =	simm.s32 @!p0 $0x108  }
0x21: {  	s3 =	sadd.s32 s3, s9;
	s6 =	sadd.s32 @!p0 $0x88, s6;
	s7 =	simm.s32 @p2 $0x1082  }
0x22: {  	[simem:s7], [sflag:s8] =	dma.local @!p0 [hbm:s6], $0xF7A  }
0x23: {  	s9 =	sor.u32 $0xD0000000, s2;
	s6 =	simm.s32 $0x108;
	_ =	swait.ge @!p0 [sflag:s8], $0x0  }
0x24: {  	s3 =	sadd.s32 $0x88, s3;
	s6 =	simm.s32 @!p1 $0x1082;
	[sflag:s4] =	ssyncset.s32 $0xFFFFF086  }
0x25: {  	[simem:s6], [sflag:s4] =	dma.local [hbm:s3], $0xF7A  }
0x26: {  	[smem:$0x3F65] =	sst s1;
	(tag) =	ssettag s2;
	_ =	strace s9  }
0x27: {  	s1 =	sld [smem:$0x3F75]  }
0x28: {  	s2 =	sld [smem:$0x3F76]  }
0x29: {  	s4 =	sld [smem:$0x3F78]  }
0x2a: {  	p0 =	seq.s32 s5, $0x0;
	s5 =	sld [smem:$0x3F79]  }
0x2b: {  	s6 =	sld [smem:$0x3F7A]  }
0x2c: {  	s7 =	sld [smem:$0x3F7B]  }
0x2d: {  	s3 =	simm.s32 $0x108;
	s8 =	sld [smem:$0x3F7C]  }
0x2e: {  	s3 =	simm.s32 @!p0 $0x1082;
	s9 =	sld [smem:$0x3F7D]  }
0x2f: {  	lr =	sadd.s32 s0, s3;
	s0 =	sld [smem:$0x3F74]  }
0x30: {  	s3 =	sld [smem:$0x3F77]  }
0x31: {  	[smem:$0x3F80] =	sst s10  }
0x32: {  	s10 =	sld [smem:$0x3F7E];
	_ =	sdelay $0x3  }
0x33: {  	p0 =	seq.s32 s10, $0x1;
	s10 =	sld [smem:$0x3F80];
	_ =	sdelay $0x3  }
0x34: {  	[smem:$0x3F80] =	sst s10  }
0x35: {  	s10 =	sld [smem:$0x3F7F];
	_ =	sdelay $0x3  }
0x36: {  	p1 =	seq.s32 s10, $0x1;
	s10 =	sld [smem:$0x3F80];
	_ =	sdelay $0x3  }
0x37: {  	[smem:$0x3F80] =	sst s10  }
0x38: {  	s10 =	sld [smem:$0x3F81]  }
0x39: {  	_ = 	snop;
	(pc) =	sbr.ind lr, $3  }
0x3a: {  	_ = 	snop  }
0x3b: {  	_ = 	snop  }
0x3c: {  	p2 =	seq.s32 s10, $0x1;
	s10 =	sld [smem:$0x3F80]  }
0x3d: {  	_ =	shalt  }
0x3e: {  	_ =	shalt  }
0x3f: {  	_ =	shalt  }
0x40: {  	_ =	shalt  }
0x41: {  	_ =	shalt  }
0x42: {  	_ =	shalt  }
0x43: {  	_ =	shalt  }
0x44: {  	_ =	shalt  }
0x45: {  	_ =	shalt  }
0x46: {  	_ =	shalt  }
0x47: {  	_ =	shalt  }
0x48: {  	_ =	shalt  }
0x49: {  	_ =	shalt  }
0x4a: {  	_ =	shalt  }
0x4b: {  	_ =	shalt  }
0x4c: {  	_ =	shalt  }
0x4d: {  	_ =	shalt  }
0x4e: {  	_ =	shalt  }
0x4f: {  	_ =	shalt  }
0x50: {  	_ =	shalt  }
0x51: {  	_ =	shalt  }
0x52: {  	_ =	shalt  }
0x53: {  	_ =	shalt  }
0x54: {  	_ =	shalt  }
0x55: {  	_ =	shalt  }
0x56: {  	_ =	shalt  }
0x57: {  	_ =	shalt  }
0x58: {  	_ =	shalt  }
0x59: {  	_ =	shalt  }
0x5a: {  	_ =	shalt  }
0x5b: {  	_ =	shalt  }
0x5c: {  	_ =	shalt  }
0x5d: {  	_ =	shalt  }
0x5e: {  	_ =	shalt  }
0x5f: {  	_ =	shalt  }
0x60: {  	_ =	shalt  }
0x61: {  	_ =	shalt  }
0x62: {  	_ =	shalt  }
0x63: {  	_ =	shalt  }
0x64: {  	_ =	shalt  }
0x65: {  	_ =	shalt  }
0x66: {  	_ =	shalt  }
0x67: {  	_ =	shalt  }
0x68: {  	_ =	shalt  }
0x69: {  	_ =	shalt  }
0x6a: {  	_ =	shalt  }
0x6b: {  	_ =	shalt  }
0x6c: {  	_ =	shalt  }
0x6d: {  	_ =	shalt  }
0x6e: {  	_ =	shalt  }
0x6f: {  	_ =	shalt  }
0x70: {  	_ =	shalt  }
0x71: {  	_ =	shalt  }
0x72: {  	_ =	shalt  }
0x73: {  	_ =	shalt  }
0x74: {  	_ =	shalt  }
0x75: {  	_ =	shalt  }
0x76: {  	_ =	shalt  }
0x77: {  	_ =	shalt  }
0x78: {  	_ =	shalt  }
0x79: {  	_ =	shalt  }
0x7a: {  	_ =	shalt  }
0x7b: {  	_ =	shalt  }
0x7c: {  	_ =	shalt  }
0x7d: {  	_ =	shalt  }
0x7e: {  	_ =	shalt  }
0x7f: {  	_ =	shalt  }
0x80: {  	_ =	shalt  }
0x81: {  	_ =	shalt  }
0x82: {  	_ =	shalt  }
0x83: {  	_ =	shalt  }
0x84: {  	_ =	shalt  }
0x85: {  	_ =	shalt  }
0x86: {  	_ =	shalt  }
0x87: {  	_ =	shalt  }
.Lfunc_end0:
.L_simem_size_0:
called_computation.6_lowered:
.L_overlay_start_0:
0x88: {  	s2 =	sld [smem:$0x3FD9]  }
0x89: {  	s3 =	sld [smem:$0x3FFE];
	_ =	sdelay $0x1  }
0x8a: {  	s1 =	srdreg.scid  }
0x8b: {  	s0 =	sand.u32 $0x1, s1  }
0x8c: {  	s14 =	sshll.u32 s0, $0xA;
	s2 =	sadd.s32 s3, s2  }
0x8d: {  	s2 =	sadd.s32 s2, s14  }
0x8e: {  	[smem:$0x3F8C] =	sst s2  }
0x8f: {  	_ = 	snop  }
0x90: {  	s2 =	sld [smem:$0x3FD0];
	_ =	sdelay $0x2  }
0x91: {  	s15 =	simm.s32 $0xB;
	s4 =	simm.s32 $0x10  }
0x92: {  	[smem:s4], [sflag:s15] =	dma.local [hbm:s2], $0x1  }
0x93: {  	_ =	swait.eq [sflag:s15], $0x1  }
0x94: {  	[sflag:s15] =	ssyncset.done $0x0  }
0x95: {  	[sflag:s15] =	ssyncadd.s32 $0xFFFFFFFF  }
0x96: {  	s16 =	sld [smem:$0x12];
	(tm) =	ssettm $0x1  }
0x97: {  	s17 =	sld [smem:$0x3FFB];
	_ =	sdelay $0x3  }
0x98: {  	_ =	strace s17  }
0x99: {  	s3 =	sld [smem:$0x3FFC];
	_ =	sdelay $0x3  }
0x9a: {  	_ =	strace s3  }
0x9b: {  	s3 =	sld [smem:$0x3FFD];
	_ =	sdelay $0x3  }
0x9c: {  	_ =	strace s3  }
0x9d: {  	_ =	strace $0x8FFFFFFF  }
0x9e: {  	s18 =	sld [smem:$0x3FDB];
	_ =	sdelay $0x1  }
0x9f: {  	s19 =	simm.s32 $_scs_section_size  }
0xa0: {  	s5 =	simm.s32 $_size__tile_overlayer_lowered;
	s6 =	simm.s32 $_tile_overlayer_lowered  }
0xa1: {  	s22 =	simm.s32 $0x1BFF;
	s21 =	sshll.u32 s6, $0x1;
	s3 =	sadd.s32 s19, s18  }
0xa2: {  	s7 =	simm.s32 $0x0;
	s20 =	sshll.u32 s5, $0x1;
	s5 =	sadd.s32 s21, s3  }
0xa3: {  	[timem:s7], [sflag:s22] =	dma.local [hbm:s5], s20  }
0xa4: {  	_ =	swait.ge [sflag:s22], s20  }
0xa5: {  	s4 =	ssub.s32 $0x0, s20;
	[sflag:s22] =	ssyncset.done $0x0  }
0xa6: {  	[sflag:s22] =	ssyncadd.s32 s4;
	_ =	sdelay $0x1  }
0xa7: {  	s23 =	simm.s32 $0x1B8B  }
0xa8: {  	_ =	swait.ge [sflag:s23], $0x1  }
0xa9: {  	[sflag:s23] =	ssyncset.done $0x0  }
0xaa: {  	s25 =	simm.s32 $0x1B8E;
	s24 =	sld [smem:$0x3FFE];
	[sflag:s23] =	ssyncadd.s32 $0xFFFFFFFF  }
0xab: {  	s26 =	simm.s32 $execute0_lowered;
	[smem:$0x3FD2] =	sst s25  }
0xac: {  	s5 =	sshll.u32 s26, $0x1;
	_ =	strace $0x80000055;
	[dreg:$0x1] =	wrdreg $0xFFFFFFFF  }
0xad: {  	s28 =	simm.s32 $_size_execute0_lowered;
	s3 =	sadd.s32 s3, s5;
	[dreg:$0x0] =	wrdreg $0x0  }
0xae: {  	s5 =	sshll.u32 s28, $0x1;
	[dreg:$0x2] =	wrdreg s3  }
0xaf: {  	[dreg:$0x3] =	wrdreg s5  }
0xb0: {  	[dreg:$0x4] =	wrdreg $0xC0  }
0xb1: {  	_ =	task [dreg:s7], $0x5FFFF  }
0xb2: {  	[dreg:$0x1] =	wrdreg $0xFFFFFFFF  }
0xb3: {  	[dreg:$0x0] =	wrdreg $0x60  }
0xb4: {  	[dreg:$0x2] =	wrdreg s24  }
0xb5: {  	[dreg:$0x3] =	wrdreg s16  }
0xb6: {  	[dreg:$0x4] =	wrdreg $0x11000  }
0xb7: {  	[dreg:$0x5] =	wrdreg $0x9  }
0xb8: {  	_ =	task.clear_ibuf [dreg:s7], $0x6FFFF;
	_ =	strace $0x90000055  }
0xb9: {  	s29 =	simm.s32 $0x9;
	_ =	strace $0x80000057  }
0xba: {  	_ =	swait.ge [sflag:s29], $0x1  }
0xbb: {  	[sflag:s29] =	ssyncadd.s32 $0xFFFFFFFF  }
0xbc: {  	_ =	strace $0x90000057  }
0xbd: {  	_ =	sfence  }
0xbe: {  	s30 =	sld [smem:$0x0];
	_ =	sdelay $0x2  }
0xbf: {  	s31 =	sshll.u32 s1, $0xD;
	s1 =	sshrl.u32 s1, $0x2  }
0xc0: {  	s3 =	sand.u32 $0x4000, s31;
	s1 =	sadd.s32 s1, s30  }
0xc1: {  	s0 =	sor.u32 s3, s0;
	s1 =	sshll.u32 s1, $0x11  }
0xc2: {  	s0 =	sor.u32 s1, s0  }
0xc3: {  	s0 =	sadd.s32 $0x8F2B, s0  }
0xc4: {  	[sflag:s0] =	ssyncadd.remote.s32 $0x1  }
0xc5: {  	_ =	sfence.sel $0xFFFF  }
0xc6: {  	[dreg:$0x0] =	wrdreg $0xFFFFFFFF;
	(pc) =	sbr.abs _section_cstart, $3  }
0xc7: {  	[dreg:$0x1] =	wrdreg $0xFFFFFFFF  }
0xc8: {  	_ =	task.clear_ibuf [dreg:s7], $0x2FFFF;
	_ =	strace $0x9FFFFFFF  }
0xc9: {  	(tm) =	ssettm $0x7FFFFFFF  }
tec
execute0_lowered:
.L_overlay_start_1:
0x0: {  	(tag) =	ssettag $0x1  }
0x1: {  	s6 =	rddreg [dreg:$0x0]  }
0x2: {  	s2 =	rddreg [dreg:$0x1];
	s0 =	srdreg.scid  }
0x3: {  	s3 =	rddreg [dreg:$0x2];
	s1 =	stileid.u32  }
0x4: {  	s4 =	simm.s32 $0x0;
	s20 =	simm.s32 $0x100;
	s21 =	simm.s32 $0x1  }
0x5: {  	s22 =	simm.s32 $0x10;
	s23 =	simm.s32 $0x4;
	s9 =	smul.u32 $0x6200, s1  }
0x6: {  	s7 =	sand.u32 $0x1, s0;
	s0 =	rddreg [dreg:$0x3];
	s10 =	smul.u32 $0x61C00, s1  }
0x7: {  	[smem:$0x7FF] =	sst s4;
	s5 =	sadd.s32 $0x407800, s6;
	s8 =	smul.u32 $0x62000, s7  }
0x8: {  	s16 =	sadd.s32 $0x1D800, s6;
	s11 =	smul.u32 $0x61C000, s7;
	s7 =	ssub.s32 $0x2, s7  }
0x9: {  	s28 =	sshll.u32 s1, $0x6;
	_ =	strace $0x80000056;
	s25 =	sshrl.u32 s7, $0x1  }
0xa: {  	s29 =	sshrl.u32 s10, $0x2;
	s14 =	sadd.s32 s9, s8;
	s24 =	sadd.s32 s10, s11  }
0xb: {  	s15 =	ssub.s32 s7, s25;
	s17 =	sadd.s32 s29, s3;
	s13 =	sshrl.u32 s14, $0x3  }
0xc: {  	s8 =	sshrl.u32 s24, $0x3;
	s11 =	smax.u32 s15, $0x1;
	s30 =	sadd.s32 $0xC4000, s14  }
0xd: {  	s18 =	sadd.s32 $0x188000, s14;
	s19 =	sadd.s32 $0x24C000, s14;
	s17 =	sshrl.u32 s17, $0x3  }
0xe: {  	s24 =	simm.s32 $0x0;
	s12 =	sadd.s32 s13, s6;
	s26 =	sadd.s32 s8, s6  }
0xf: {  	s6 =	sor.u32 $0x1C02, s28;
	s13 =	sadd.s32 s13, s16;
	s15 =	sshrl.u32 s30, $0x3  }
0x10: {  	s18 =	sshrl.u32 s18, $0x3;
	s31 =	sshrl.u32 s19, $0x3;
	s7 =	sadd.s32 $0x4CAE00, s26  }
0x11: {  	s19 =	simm.s32 $0x80;
	s8 =	sadd.s32 $0x4CAE04, s26;
	s9 =	sadd.s32 $0x4CAE08, s26  }
0x12: {  	s10 =	sadd.s32 $0x4CAE0C, s26;
	s12 =	sadd.s32 $0x5000, s12;
	s14 =	sadd.s32 s15, s16  }
0x13: {  	s15 =	sadd.s32 s18, s16;
	s16 =	sadd.s32 s31, s16;
	s18 =	simm.s32 $0x2  }
.LBB2_1:
0x14: {  	[spmem:s17], [sflag:s6] =	dma.local [hbm:s2], $0x30E0  }
0x15: {  	_ =	swait.ge [sflag:s18], $0x30E0  }
0x16: {  	[sflag:s18] =	ssyncset.done $0x0  }
0x17: {  	[sflag:s18] =	ssyncadd.s32 $0xFFFFCF20  }
0x18: {  	s25 =	sadd.s32 $0x0, s13;
	[bflag:$0x0] =	sbarrier.arrive $0xFFFF  }
0x19: {  	[tilespmem:s4], [sflag:$0x2] =	stream.linear.gather [hbm4b:s25+s4], $0x80, $0x38;
	[tilespmem:$0x19800] =	vst v63  }
0x1a: {  	_ =	swait.ge [sflag:s18], $0x80  }
0x1b: {  	[sflag:s18] =	ssyncset.done $0x0  }
0x1c: {  	s31 =	sadd.s32 $0x0, s12;
	[sflag:s18] =	ssyncadd.s32 $0xFFFFFF80  }
0x1d: {  	[tilespmem:s19], [sflag:$0x2] =	stream.linear.gather [hbm4b:s31+s4], $0x80, $0x38;
	[tilespmem:$0x19800] =	vst v63  }
0x1e: {  	_ =	swait.ge [sflag:s18], $0x80  }
0x1f: {  	[sflag:s18] =	ssyncset.done $0x0  }
0x20: {  	[sflag:s18] =	ssyncadd.s32 $0xFFFFFF80  }
0x21: {  	[tilespmem:s20], [sflag:$0x1] =	stream.indirect.gather [hbm4b:s5+s19], $0x20, s4, s19, $0xb8;
	[tilespmem:$0x19800] =	vst v63  }
0x22: {  	_ =	swait.ge [sflag:s21], $0x1000  }
0x23: {  	[sflag:s21] =	ssyncset.done $0x0  }
0x24: {  	[sflag:s21] =	ssyncadd.s32 $0xFFFFF000  }
0x25: {  	[spmem:s3] =	stream.indirect.scatter.add.f32 [tilespmem:s20], [sflag:$0x2], $0x20, s19, s19, $0xb8;
	[tilespmem:$0x19800] =	vst v63  }
0x26: {  	_ =	swait.ge [sflag:s18], $0x1000  }
0x27: {  	s26 =	simm.s32 $0x20;
	s25 =	simm.s32 $0x10;
	[sflag:s18] =	ssyncset.done $0x0  }
.LBB2_2:
0x28: {  	s28 =	sadd.s32 s25, s13  }
0x29: {  	[sflag:s18] =	ssyncadd.s32 $0xFFFFF000;
	s29 =	smov.u32 s26;
	s30 =	sadd.s32 $0x10, s26  }
0x2a: {  	[tilespmem:s4], [sflag:$0x2] =	stream.linear.gather [hbm4b:s28+s4], $0x80, $0x38;
	[tilespmem:$0x19800] =	vst v63  }
0x2b: {  	p0 =	sne.s32 s26, $0xC30;
	_ =	swait.ge [sflag:s18], $0x80  }
0x2c: {  	[sflag:s18] =	ssyncset.done $0x0  }
0x2d: {  	s26 =	sadd.s32 s25, s12;
	s25 =	smov.u32 s29;
	[sflag:s18] =	ssyncadd.s32 $0xFFFFFF80  }
0x2e: {  	[tilespmem:s19], [sflag:$0x2] =	stream.linear.gather [hbm4b:s26+s4], $0x80, $0x38;
	[tilespmem:$0x19800] =	vst v63  }
0x2f: {  	_ =	swait.ge [sflag:s18], $0x80  }
0x30: {  	[sflag:s18] =	ssyncset.done $0x0  }
0x31: {  	[sflag:s18] =	ssyncadd.s32 $0xFFFFFF80  }
0x32: {  	[tilespmem:s20], [sflag:$0x1] =	stream.indirect.gather [hbm4b:s5+s19], $0x20, s4, s19, $0xb8;
	[tilespmem:$0x19800] =	vst v63  }
0x33: {  	_ =	swait.ge [sflag:s21], $0x1000  }
.Ltmp0:
0x34: {  	[sflag:s21] =	ssyncset.done $0x0;
	(pc) =	sbr.rel @p0 .LBB2_2-.Ltmp0, $4  }
0x35: {  	[sflag:s21] =	ssyncadd.s32 $0xFFFFF000  }
0x36: {  	[spmem:s3] =	stream.indirect.scatter.add.f32 [tilespmem:s20], [sflag:$0x2], $0x20, s19, s19, $0xb8;
	[tilespmem:$0x19800] =	vst v63  }
0x37: {  	_ =	swait.ge [sflag:s18], $0x1000  }
0x38: {  	s26 =	smov.u32 s30;
	[sflag:s18] =	ssyncset.done $0x0  }
0x39: {  	s26 =	sadd.s32 s25, s13;
	[sflag:s18] =	ssyncadd.s32 $0xFFFFF000  }
0x3a: {  	[tilespmem:s4], [sflag:$0x2] =	stream.linear.gather [hbm4b:s26+s4], $0x80, $0x38;
	[tilespmem:$0x19800] =	vst v63  }
0x3b: {  	_ =	swait.ge [sflag:s18], $0x80  }
0x3c: {  	[sflag:s18] =	ssyncset.done $0x0  }
0x3d: {  	s29 =	sadd.s32 s25, s12;
	[sflag:s18] =	ssyncadd.s32 $0xFFFFFF80  }
0x3e: {  	[tilespmem:s19], [sflag:$0x2] =	stream.linear.gather [hbm4b:s29+s4], $0x80, $0x38;
	[tilespmem:$0x19800] =	vst v63  }
0x3f: {  	_ =	swait.ge [sflag:s18], $0x80  }
0x40: {  	[sflag:s18] =	ssyncset.done $0x0  }
0x41: {  	[sflag:s18] =	ssyncadd.s32 $0xFFFFFF80  }
0x42: {  	[tilespmem:s20], [sflag:$0x1] =	stream.indirect.gather [hbm4b:s5+s19], $0x20, s4, s19, $0xb8;
	[tilespmem:$0x19800] =	vst v63  }
0x43: {  	_ =	swait.ge [sflag:s21], $0x1000  }
0x44: {  	[sflag:s21] =	ssyncset.done $0x0  }
0x45: {  	[sflag:s21] =	ssyncadd.s32 $0xFFFFF000  }
0x46: {  	[spmem:s3] =	stream.indirect.scatter.add.f32 [tilespmem:s20], [sflag:$0x2], $0x20, s19, s19, $0xb8;
	[tilespmem:$0x19800] =	vst v63  }
0x47: {  	_ =	swait.ge [sflag:s18], $0x1000  }
0x48: {  	[sflag:s18] =	ssyncset.done $0x0  }
0x49: {  	[sflag:s18] =	ssyncadd.s32 $0xFFFFF000  }
0x4a: {  	[bflag:$0x0] =	sbarrier.arrive $0xFFFF  }
0x4b: {  	[hbm:s7@s22], [sflag:s6] =	dma.strided [spmem:s17@s23], $0x30E0, s21, $0x4   }
0x4c: {  	_ =	swait.ge [sflag:s18], $0x30E0  }
0x4d: {  	[sflag:s18] =	ssyncset.done $0x0  }
0x4e: {  	[sflag:s18] =	ssyncadd.s32 $0xFFFFCF20  }
0x4f: {  	[spmem:s17], [sflag:s6] =	dma.local [hbm:s2], $0x30E0  }
0x50: {  	_ =	swait.ge [sflag:s18], $0x30E0  }
0x51: {  	[sflag:s18] =	ssyncset.done $0x0  }
0x52: {  	[sflag:s18] =	ssyncadd.s32 $0xFFFFCF20  }
0x53: {  	s30 =	sadd.s32 $0x0, s14;
	[bflag:$0x0] =	sbarrier.arrive $0xFFFF  }
0x54: {  	[tilespmem:s4], [sflag:$0x2] =	stream.linear.gather [hbm4b:s30+s4], $0x80, $0x38;
	[tilespmem:$0x19800] =	vst v63  }
0x55: {  	_ =	swait.ge [sflag:s18], $0x80  }
0x56: {  	[sflag:s18] =	ssyncset.done $0x0  }
0x57: {  	s31 =	sadd.s32 $0x0, s12;
	[sflag:s18] =	ssyncadd.s32 $0xFFFFFF80  }
0x58: {  	[tilespmem:s19], [sflag:$0x2] =	stream.linear.gather [hbm4b:s31+s4], $0x80, $0x38;
	[tilespmem:$0x19800] =	vst v63  }
0x59: {  	_ =	swait.ge [sflag:s18], $0x80  }
0x5a: {  	[sflag:s18] =	ssyncset.done $0x0  }
0x5b: {  	[sflag:s18] =	ssyncadd.s32 $0xFFFFFF80  }
0x5c: {  	[tilespmem:s20], [sflag:$0x1] =	stream.indirect.gather [hbm4b:s5+s19], $0x20, s4, s19, $0xb8;
	[tilespmem:$0x19800] =	vst v63  }
0x5d: {  	_ =	swait.ge [sflag:s21], $0x1000  }
0x5e: {  	[sflag:s21] =	ssyncset.done $0x0  }
0x5f: {  	[sflag:s21] =	ssyncadd.s32 $0xFFFFF000  }
0x60: {  	[spmem:s3] =	stream.indirect.scatter.add.f32 [tilespmem:s20], [sflag:$0x2], $0x20, s19, s19, $0xb8;
	[tilespmem:$0x19800] =	vst v63  }
0x61: {  	_ =	swait.ge [sflag:s18], $0x1000  }
0x62: {  	s25 =	simm.s32 $0x10;
	s26 =	simm.s32 $0x20;
	[sflag:s18] =	ssyncset.done $0x0  }
.LBB2_4:
0x63: {  	s28 =	sadd.s32 s25, s14  }
0x64: {  	[sflag:s18] =	ssyncadd.s32 $0xFFFFF000;
	s29 =	smov.u32 s26;
	s30 =	sadd.s32 $0x10, s26  }
0x65: {  	[tilespmem:s4], [sflag:$0x2] =	stream.linear.gather [hbm4b:s28+s4], $0x80, $0x38;
	[tilespmem:$0x19800] =	vst v63  }
0x66: {  	p0 =	sne.s32 s26, $0xC30;
	_ =	swait.ge [sflag:s18], $0x80  }
0x67: {  	[sflag:s18] =	ssyncset.done $0x0  }
0x68: {  	s26 =	sadd.s32 s25, s12;
	s25 =	smov.u32 s29;
	[sflag:s18] =	ssyncadd.s32 $0xFFFFFF80  }
0x69: {  	[tilespmem:s19], [sflag:$0x2] =	stream.linear.gather [hbm4b:s26+s4], $0x80, $0x38;
	[tilespmem:$0x19800] =	vst v63  }
0x6a: {  	_ =	swait.ge [sflag:s18], $0x80  }
0x6b: {  	[sflag:s18] =	ssyncset.done $0x0  }
0x6c: {  	[sflag:s18] =	ssyncadd.s32 $0xFFFFFF80  }
0x6d: {  	[tilespmem:s20], [sflag:$0x1] =	stream.indirect.gather [hbm4b:s5+s19], $0x20, s4, s19, $0xb8;
	[tilespmem:$0x19800] =	vst v63  }
0x6e: {  	_ =	swait.ge [sflag:s21], $0x1000  }
.Ltmp1:
0x6f: {  	[sflag:s21] =	ssyncset.done $0x0;
	(pc) =	sbr.rel @p0 .LBB2_4-.Ltmp1, $4  }
0x70: {  	[sflag:s21] =	ssyncadd.s32 $0xFFFFF000  }
0x71: {  	[spmem:s3] =	stream.indirect.scatter.add.f32 [tilespmem:s20], [sflag:$0x2], $0x20, s19, s19, $0xb8;
	[tilespmem:$0x19800] =	vst v63  }
0x72: {  	_ =	swait.ge [sflag:s18], $0x1000  }
0x73: {  	s26 =	smov.u32 s30;
	[sflag:s18] =	ssyncset.done $0x0  }
0x74: {  	s26 =	sadd.s32 s25, s14;
	[sflag:s18] =	ssyncadd.s32 $0xFFFFF000  }
0x75: {  	[tilespmem:s4], [sflag:$0x2] =	stream.linear.gather [hbm4b:s26+s4], $0x80, $0x38;
	[tilespmem:$0x19800] =	vst v63  }
0x76: {  	_ =	swait.ge [sflag:s18], $0x80  }
0x77: {  	[sflag:s18] =	ssyncset.done $0x0  }
0x78: {  	s29 =	sadd.s32 s25, s12;
	[sflag:s18] =	ssyncadd.s32 $0xFFFFFF80  }
0x79: {  	[tilespmem:s19], [sflag:$0x2] =	stream.linear.gather [hbm4b:s29+s4], $0x80, $0x38;
	[tilespmem:$0x19800] =	vst v63  }
0x7a: {  	_ =	swait.ge [sflag:s18], $0x80  }
0x7b: {  	[sflag:s18] =	ssyncset.done $0x0  }
0x7c: {  	[sflag:s18] =	ssyncadd.s32 $0xFFFFFF80  }
0x7d: {  	[tilespmem:s20], [sflag:$0x1] =	stream.indirect.gather [hbm4b:s5+s19], $0x20, s4, s19, $0xb8;
	[tilespmem:$0x19800] =	vst v63  }
0x7e: {  	_ =	swait.ge [sflag:s21], $0x1000  }
0x7f: {  	[sflag:s21] =	ssyncset.done $0x0  }
0x80: {  	[sflag:s21] =	ssyncadd.s32 $0xFFFFF000  }
0x81: {  	[spmem:s3] =	stream.indirect.scatter.add.f32 [tilespmem:s20], [sflag:$0x2], $0x20, s19, s19, $0xb8;
	[tilespmem:$0x19800] =	vst v63  }
0x82: {  	_ =	swait.ge [sflag:s18], $0x1000  }
0x83: {  	[sflag:s18] =	ssyncset.done $0x0  }
0x84: {  	[sflag:s18] =	ssyncadd.s32 $0xFFFFF000  }
0x85: {  	[bflag:$0x0] =	sbarrier.arrive $0xFFFF  }
0x86: {  	[hbm:s8@s22], [sflag:s6] =	dma.strided [spmem:s17@s23], $0x30E0, s21, $0x4   }
0x87: {  	_ =	swait.ge [sflag:s18], $0x30E0  }
0x88: {  	[sflag:s18] =	ssyncset.done $0x0  }
0x89: {  	[sflag:s18] =	ssyncadd.s32 $0xFFFFCF20  }
0x8a: {  	[spmem:s17], [sflag:s6] =	dma.local [hbm:s2], $0x30E0  }
0x8b: {  	_ =	swait.ge [sflag:s18], $0x30E0  }
0x8c: {  	[sflag:s18] =	ssyncset.done $0x0  }
0x8d: {  	[sflag:s18] =	ssyncadd.s32 $0xFFFFCF20  }
0x8e: {  	s30 =	sadd.s32 $0x0, s15;
	[bflag:$0x0] =	sbarrier.arrive $0xFFFF  }
0x8f: {  	[tilespmem:s4], [sflag:$0x2] =	stream.linear.gather [hbm4b:s30+s4], $0x80, $0x38;
	[tilespmem:$0x19800] =	vst v63  }
0x90: {  	_ =	swait.ge [sflag:s18], $0x80  }
0x91: {  	[sflag:s18] =	ssyncset.done $0x0  }
0x92: {  	s31 =	sadd.s32 $0x0, s12;
	[sflag:s18] =	ssyncadd.s32 $0xFFFFFF80  }
0x93: {  	[tilespmem:s19], [sflag:$0x2] =	stream.linear.gather [hbm4b:s31+s4], $0x80, $0x38;
	[tilespmem:$0x19800] =	vst v63  }
0x94: {  	_ =	swait.ge [sflag:s18], $0x80  }
0x95: {  	[sflag:s18] =	ssyncset.done $0x0  }
0x96: {  	[sflag:s18] =	ssyncadd.s32 $0xFFFFFF80  }
0x97: {  	[tilespmem:s20], [sflag:$0x1] =	stream.indirect.gather [hbm4b:s5+s19], $0x20, s4, s19, $0xb8;
	[tilespmem:$0x19800] =	vst v63  }
0x98: {  	_ =	swait.ge [sflag:s21], $0x1000  }
0x99: {  	[sflag:s21] =	ssyncset.done $0x0  }
0x9a: {  	[sflag:s21] =	ssyncadd.s32 $0xFFFFF000  }
0x9b: {  	[spmem:s3] =	stream.indirect.scatter.add.f32 [tilespmem:s20], [sflag:$0x2], $0x20, s19, s19, $0xb8;
	[tilespmem:$0x19800] =	vst v63  }
0x9c: {  	_ =	swait.ge [sflag:s18], $0x1000  }
0x9d: {  	s25 =	simm.s32 $0x10;
	s26 =	simm.s32 $0x20;
	[sflag:s18] =	ssyncset.done $0x0  }
.LBB2_6:
0x9e: {  	s28 =	sadd.s32 s25, s15  }
0x9f: {  	[sflag:s18] =	ssyncadd.s32 $0xFFFFF000;
	s29 =	smov.u32 s26;
	s30 =	sadd.s32 $0x10, s26  }
0xa0: {  	[tilespmem:s4], [sflag:$0x2] =	stream.linear.gather [hbm4b:s28+s4], $0x80, $0x38;
	[tilespmem:$0x19800] =	vst v63  }
0xa1: {  	p0 =	sne.s32 s26, $0xC30;
	_ =	swait.ge [sflag:s18], $0x80  }
0xa2: {  	[sflag:s18] =	ssyncset.done $0x0  }
0xa3: {  	s26 =	sadd.s32 s25, s12;
	s25 =	smov.u32 s29;
	[sflag:s18] =	ssyncadd.s32 $0xFFFFFF80  }
0xa4: {  	[tilespmem:s19], [sflag:$0x2] =	stream.linear.gather [hbm4b:s26+s4], $0x80, $0x38;
	[tilespmem:$0x19800] =	vst v63  }
0xa5: {  	_ =	swait.ge [sflag:s18], $0x80  }
0xa6: {  	[sflag:s18] =	ssyncset.done $0x0  }
0xa7: {  	[sflag:s18] =	ssyncadd.s32 $0xFFFFFF80  }
0xa8: {  	[tilespmem:s20], [sflag:$0x1] =	stream.indirect.gather [hbm4b:s5+s19], $0x20, s4, s19, $0xb8;
	[tilespmem:$0x19800] =	vst v63  }
0xa9: {  	_ =	swait.ge [sflag:s21], $0x1000  }
.Ltmp2:
0xaa: {  	[sflag:s21] =	ssyncset.done $0x0;
	(pc) =	sbr.rel @p0 .LBB2_6-.Ltmp2, $4  }
0xab: {  	[sflag:s21] =	ssyncadd.s32 $0xFFFFF000  }
0xac: {  	[spmem:s3] =	stream.indirect.scatter.add.f32 [tilespmem:s20], [sflag:$0x2], $0x20, s19, s19, $0xb8;
	[tilespmem:$0x19800] =	vst v63  }
0xad: {  	_ =	swait.ge [sflag:s18], $0x1000  }
0xae: {  	s26 =	smov.u32 s30;
	[sflag:s18] =	ssyncset.done $0x0  }
0xaf: {  	s26 =	sadd.s32 s25, s15;
	[sflag:s18] =	ssyncadd.s32 $0xFFFFF000  }
0xb0: {  	[tilespmem:s4], [sflag:$0x2] =	stream.linear.gather [hbm4b:s26+s4], $0x80, $0x38;
	[tilespmem:$0x19800] =	vst v63  }
0xb1: {  	_ =	swait.ge [sflag:s18], $0x80  }
0xb2: {  	[sflag:s18] =	ssyncset.done $0x0  }
0xb3: {  	s29 =	sadd.s32 s25, s12;
	[sflag:s18] =	ssyncadd.s32 $0xFFFFFF80  }
0xb4: {  	[tilespmem:s19], [sflag:$0x2] =	stream.linear.gather [hbm4b:s29+s4], $0x80, $0x38;
	[tilespmem:$0x19800] =	vst v63  }
0xb5: {  	_ =	swait.ge [sflag:s18], $0x80  }
0xb6: {  	[sflag:s18] =	ssyncset.done $0x0  }
0xb7: {  	[sflag:s18] =	ssyncadd.s32 $0xFFFFFF80  }
0xb8: {  	[tilespmem:s20], [sflag:$0x1] =	stream.indirect.gather [hbm4b:s5+s19], $0x20, s4, s19, $0xb8;
	[tilespmem:$0x19800] =	vst v63  }
0xb9: {  	_ =	swait.ge [sflag:s21], $0x1000  }
0xba: {  	[sflag:s21] =	ssyncset.done $0x0  }
0xbb: {  	[sflag:s21] =	ssyncadd.s32 $0xFFFFF000  }
0xbc: {  	[spmem:s3] =	stream.indirect.scatter.add.f32 [tilespmem:s20], [sflag:$0x2], $0x20, s19, s19, $0xb8;
	[tilespmem:$0x19800] =	vst v63  }
0xbd: {  	_ =	swait.ge [sflag:s18], $0x1000  }
0xbe: {  	[sflag:s18] =	ssyncset.done $0x0  }
0xbf: {  	[sflag:s18] =	ssyncadd.s32 $0xFFFFF000  }
0xc0: {  	[bflag:$0x0] =	sbarrier.arrive $0xFFFF  }
0xc1: {  	[hbm:s9@s22], [sflag:s6] =	dma.strided [spmem:s17@s23], $0x30E0, s21, $0x4   }
0xc2: {  	_ =	swait.ge [sflag:s18], $0x30E0  }
0xc3: {  	[sflag:s18] =	ssyncset.done $0x0  }
0xc4: {  	[sflag:s18] =	ssyncadd.s32 $0xFFFFCF20  }
0xc5: {  	[spmem:s17], [sflag:s6] =	dma.local [hbm:s2], $0x30E0  }
0xc6: {  	_ =	swait.ge [sflag:s18], $0x30E0  }
0xc7: {  	[sflag:s18] =	ssyncset.done $0x0  }
0xc8: {  	[sflag:s18] =	ssyncadd.s32 $0xFFFFCF20  }
0xc9: {  	s30 =	sadd.s32 $0x0, s16;
	[bflag:$0x0] =	sbarrier.arrive $0xFFFF  }
0xca: {  	[tilespmem:s4], [sflag:$0x2] =	stream.linear.gather [hbm4b:s30+s4], $0x80, $0x38;
	[tilespmem:$0x19800] =	vst v63  }
0xcb: {  	_ =	swait.ge [sflag:s18], $0x80  }
0xcc: {  	[sflag:s18] =	ssyncset.done $0x0  }
0xcd: {  	s31 =	sadd.s32 $0x0, s12;
	[sflag:s18] =	ssyncadd.s32 $0xFFFFFF80  }
0xce: {  	[tilespmem:s19], [sflag:$0x2] =	stream.linear.gather [hbm4b:s31+s4], $0x80, $0x38;
	[tilespmem:$0x19800] =	vst v63  }
0xcf: {  	_ =	swait.ge [sflag:s18], $0x80  }
0xd0: {  	[sflag:s18] =	ssyncset.done $0x0  }
0xd1: {  	[sflag:s18] =	ssyncadd.s32 $0xFFFFFF80  }
0xd2: {  	[tilespmem:s20], [sflag:$0x1] =	stream.indirect.gather [hbm4b:s5+s19], $0x20, s4, s19, $0xb8;
	[tilespmem:$0x19800] =	vst v63  }
0xd3: {  	_ =	swait.ge [sflag:s21], $0x1000  }
0xd4: {  	[sflag:s21] =	ssyncset.done $0x0  }
0xd5: {  	[sflag:s21] =	ssyncadd.s32 $0xFFFFF000  }
0xd6: {  	[spmem:s3] =	stream.indirect.scatter.add.f32 [tilespmem:s20], [sflag:$0x2], $0x20, s19, s19, $0xb8;
	[tilespmem:$0x19800] =	vst v63  }
0xd7: {  	_ =	swait.ge [sflag:s18], $0x1000  }
0xd8: {  	s25 =	simm.s32 $0x10;
	s26 =	simm.s32 $0x20;
	[sflag:s18] =	ssyncset.done $0x0  }
.LBB2_8:
0xd9: {  	s28 =	sadd.s32 s25, s16  }
0xda: {  	[sflag:s18] =	ssyncadd.s32 $0xFFFFF000;
	s29 =	smov.u32 s26;
	s30 =	sadd.s32 $0x10, s26  }
0xdb: {  	[tilespmem:s4], [sflag:$0x2] =	stream.linear.gather [hbm4b:s28+s4], $0x80, $0x38;
	[tilespmem:$0x19800] =	vst v63  }
0xdc: {  	p0 =	sne.s32 s26, $0xC30;
	_ =	swait.ge [sflag:s18], $0x80  }
0xdd: {  	[sflag:s18] =	ssyncset.done $0x0  }
0xde: {  	s26 =	sadd.s32 s25, s12;
	s25 =	smov.u32 s29;
	[sflag:s18] =	ssyncadd.s32 $0xFFFFFF80  }
0xdf: {  	[tilespmem:s19], [sflag:$0x2] =	stream.linear.gather [hbm4b:s26+s4], $0x80, $0x38;
	[tilespmem:$0x19800] =	vst v63  }
0xe0: {  	_ =	swait.ge [sflag:s18], $0x80  }
0xe1: {  	[sflag:s18] =	ssyncset.done $0x0  }
0xe2: {  	[sflag:s18] =	ssyncadd.s32 $0xFFFFFF80  }
0xe3: {  	[tilespmem:s20], [sflag:$0x1] =	stream.indirect.gather [hbm4b:s5+s19], $0x20, s4, s19, $0xb8;
	[tilespmem:$0x19800] =	vst v63  }
0xe4: {  	_ =	swait.ge [sflag:s21], $0x1000  }
.Ltmp3:
0xe5: {  	[sflag:s21] =	ssyncset.done $0x0;
	(pc) =	sbr.rel @p0 .LBB2_8-.Ltmp3, $4  }
0xe6: {  	[sflag:s21] =	ssyncadd.s32 $0xFFFFF000  }
0xe7: {  	[spmem:s3] =	stream.indirect.scatter.add.f32 [tilespmem:s20], [sflag:$0x2], $0x20, s19, s19, $0xb8;
	[tilespmem:$0x19800] =	vst v63  }
0xe8: {  	_ =	swait.ge [sflag:s18], $0x1000  }
0xe9: {  	s26 =	smov.u32 s30;
	[sflag:s18] =	ssyncset.done $0x0  }
0xea: {  	s26 =	sadd.s32 s25, s16;
	[sflag:s18] =	ssyncadd.s32 $0xFFFFF000  }
0xeb: {  	[tilespmem:s4], [sflag:$0x2] =	stream.linear.gather [hbm4b:s26+s4], $0x80, $0x38;
	[tilespmem:$0x19800] =	vst v63  }
0xec: {  	_ =	swait.ge [sflag:s18], $0x80  }
0xed: {  	[sflag:s18] =	ssyncset.done $0x0  }
0xee: {  	s31 =	sadd.s32 s25, s12;
	[sflag:s18] =	ssyncadd.s32 $0xFFFFFF80  }
0xef: {  	[tilespmem:s19], [sflag:$0x2] =	stream.linear.gather [hbm4b:s31+s4], $0x80, $0x38;
	[tilespmem:$0x19800] =	vst v63  }
0xf0: {  	_ =	swait.ge [sflag:s18], $0x80  }
0xf1: {  	[sflag:s18] =	ssyncset.done $0x0  }
0xf2: {  	[sflag:s18] =	ssyncadd.s32 $0xFFFFFF80  }
0xf3: {  	[tilespmem:s20], [sflag:$0x1] =	stream.indirect.gather [hbm4b:s5+s19], $0x20, s4, s19, $0xb8;
	[tilespmem:$0x19800] =	vst v63  }
0xf4: {  	_ =	swait.ge [sflag:s21], $0x1000  }
0xf5: {  	[sflag:s21] =	ssyncset.done $0x0  }
0xf6: {  	[sflag:s21] =	ssyncadd.s32 $0xFFFFF000  }
0xf7: {  	[spmem:s3] =	stream.indirect.scatter.add.f32 [tilespmem:s20], [sflag:$0x2], $0x20, s19, s19, $0xb8;
	[tilespmem:$0x19800] =	vst v63  }
0xf8: {  	_ =	swait.ge [sflag:s18], $0x1000  }
0xf9: {  	s24 =	sadd.s32 $0x1, s24;
	[sflag:s18] =	ssyncset.done $0x0  }
0xfa: {  	p0 =	sne.s32 s24, s11;
	[sflag:s18] =	ssyncadd.s32 $0xFFFFF000  }
.Ltmp4:
0xfb: {  	[bflag:$0x0] =	sbarrier.arrive $0xFFFF;
	(pc) =	sbr.rel @p0 .LBB2_1-.Ltmp4, $4  }
0xfc: {  	[hbm:s10@s22], [sflag:s6] =	dma.strided [spmem:s17@s23], $0x30E0, s21, $0x4   }
0xfd: {  	_ =	swait.ge [sflag:s18], $0x30E0  }
0xfe: {  	[sflag:s18] =	ssyncset.done $0x0  }
0xff: {  	[sflag:s18] =	ssyncadd.s32 $0xFFFFCF20  }
0x100: {  	_ =	sfence.sel $0x180000  }
0x101: {  	[bflag:$0x0] =	sbarrier.arrive $0xFFFF  }
0x102: {  	p0 =	sne.s32 s1, $0x0;
	_ =	strace $0x90000056  }
0x103: {  	s0 =	sadd.s32 @!p0 $0x100000, s0;
	[bflag:$0x2] =	sbarrier.arrive $0xFFFF  }
0x104: {  	[sflag:s0] =	ssyncadd.tile.s32 @!p0 $0x1;
	_ =	shalt  }
.Lfunc_end2:
_tile_overlayer_lowered:
.L_overlay_start_2:
0x105: {  	(tag) =	ssettag $0x2  }
0x106: {  	s0 =	rddreg [dreg:$0x0];
	s2 =	stileid.u32  }
0x107: {  	s1 =	rddreg [dreg:$0x1];
	p0 =	sne.s32 s2, $0x0  }
0x108: {  	s3 =	rddreg [dreg:$0x2];
	[bflag:$0x3] =	sbarrier.arrive $0xFFFF;
	s2 =	simm.s32 @!p0 $0x1C02  }
0x109: {  	[timem:s3], [sflag:s2] =	dma.local @!p0 [hbm:s0], s1  }
0x10a: {  	s0 =	simm.s32 @!p0 $0x2  }
0x10b: {  	_ =	swait.ge @!p0 [sflag:s0], s1  }
0x10c: {  	s1 =	ssub.s32 @!p0 $0x0, s1;
	[sflag:s0] =	ssyncset.done @!p0 $0x0  }
0x10d: {  	[sflag:s0] =	ssyncadd.s32 @!p0 s1  }
0x10e: {  	[bflag:$0x3] =	sbarrier.arrive $0xFFFF  }
0x10f: {  	_ =	shalt  }

// kernel: scatter_offload_async_start
scs
__scs_entry_jumppad:
0x0: {  	(pc) =	sbr.rel $0x88, $3  }
0x1: {  	(tag) =	ssettag $0x0;
	lr =	simm.s32 $0x1  }
0x2: {  	[smem:$0x3F65] =	sst lr;
	_ =	strace $0xD0000000  }
0x3: {  	_ = 	snop  }
0x4: {  	_ = 	snop  }
0x5: {  	_ = 	snop  }
0x6: {  	_ = 	snop  }
0x7: {  	_ = 	snop  }
__scs_overlays_trampoline_lowered:
0x8: {  	[smem:$0x3F74] =	sst s0  }
0x9: {  	[smem:$0x3F75] =	sst s1  }
0xa: {  	[smem:$0x3F76] =	sst s2  }
0xb: {  	[smem:$0x3F77] =	sst s3  }
0xc: {  	[smem:$0x3F78] =	sst s4  }
0xd: {  	[smem:$0x3F79] =	sst s5  }
0xe: {  	[smem:$0x3F7A] =	sst s6  }
0xf: {  	[smem:$0x3F7B] =	sst s7  }
0x10: {  	[smem:$0x3F7C] =	sst s8  }
0x11: {  	[smem:$0x3F7D] =	sst s9;
	s0 =	simm.s32 @!p0 $0x0  }
0x12: {  	s1 =	sld [smem:$0x3F63];
	s0 =	simm.s32 @p0 $0x1  }
0x13: {  	[smem:$0x3F7E] =	sst s0;
	s0 =	simm.s32 @!p1 $0x0  }
0x14: {  	s2 =	sld [smem:$0x3F62];
	s0 =	simm.s32 @p1 $0x1  }
0x15: {  	[smem:$0x3F7F] =	sst s0;
	s0 =	simm.s32 @!p2 $0x0  }
0x16: {  	s3 =	sld [smem:$0x3FDB];
	s0 =	simm.s32 @p2 $0x1  }
0x17: {  	s4 =	simm.s32 $0x1BF5;
	[smem:$0x3F81] =	sst s0  }
0x18: {  	s0 =	sld [smem:$0x3F64];
	_ =	swait.ge [sflag:s4], $0x0  }
0x19: {  	s7 =	sld [smem:$0x3F65]  }
0x1a: {  	s8 =	sadd.s32 $0xFFFFE003, lr  }
0x1b: {  	s9 =	sadd.s32 $0xFFFFFEF7, lr;
	s5 =	simm.s32 $0xFFFFFFFF;
	p2 =	slt.u32 s8, $0xFFFFF086  }
0x1c: {  	p1 =	slt.u32 s9, $0xF7A;
	s5 =	simm.s32 @!p2 $0x0  }
0x1d: {  	s5 =	simm.s32 @p1 $0x1;
	p0 =	seq.s32 s7, s2  }
0x1e: {  	s7 =	smul.u32 @!p0 $0xF7A, s2;
	p2 =	seq.s32 @!p0 s5, $0x0  }
0x1f: {  	s9 =	smul.u32 $0xF7A, s1;
	s8 =	simm.s32 @!p0 $0x1BF5;
	p2 =	por !p2, p0  }
0x20: {  	[sflag:s8] =	ssyncset.s32 @!p0 $0xFFFFF086;
	s6 =	sadd.s32 @!p0 s3, s7;
	s7 =	simm.s32 @!p0 $0x108  }
0x21: {  	s3 =	sadd.s32 s3, s9;
	s6 =	sadd.s32 @!p0 $0x88, s6;
	s7 =	simm.s32 @p2 $0x1082  }
0x22: {  	[simem:s7], [sflag:s8] =	dma.local @!p0 [hbm:s6], $0xF7A  }
0x23: {  	s9 =	sor.u32 $0xD0000000, s2;
	s6 =	simm.s32 $0x108;
	_ =	swait.ge @!p0 [sflag:s8], $0x0  }
0x24: {  	s3 =	sadd.s32 $0x88, s3;
	s6 =	simm.s32 @!p1 $0x1082;
	[sflag:s4] =	ssyncset.s32 $0xFFFFF086  }
0x25: {  	[simem:s6], [sflag:s4] =	dma.local [hbm:s3], $0xF7A  }
0x26: {  	[smem:$0x3F65] =	sst s1;
	(tag) =	ssettag s2;
	_ =	strace s9  }
0x27: {  	s1 =	sld [smem:$0x3F75]  }
0x28: {  	s2 =	sld [smem:$0x3F76]  }
0x29: {  	s4 =	sld [smem:$0x3F78]  }
0x2a: {  	p0 =	seq.s32 s5, $0x0;
	s5 =	sld [smem:$0x3F79]  }
0x2b: {  	s6 =	sld [smem:$0x3F7A]  }
0x2c: {  	s7 =	sld [smem:$0x3F7B]  }
0x2d: {  	s3 =	simm.s32 $0x108;
	s8 =	sld [smem:$0x3F7C]  }
0x2e: {  	s3 =	simm.s32 @!p0 $0x1082;
	s9 =	sld [smem:$0x3F7D]  }
0x2f: {  	lr =	sadd.s32 s0, s3;
	s0 =	sld [smem:$0x3F74]  }
0x30: {  	s3 =	sld [smem:$0x3F77]  }
0x31: {  	[smem:$0x3F80] =	sst s10  }
0x32: {  	s10 =	sld [smem:$0x3F7E];
	_ =	sdelay $0x3  }
0x33: {  	p0 =	seq.s32 s10, $0x1;
	s10 =	sld [smem:$0x3F80];
	_ =	sdelay $0x3  }
0x34: {  	[smem:$0x3F80] =	sst s10  }
0x35: {  	s10 =	sld [smem:$0x3F7F];
	_ =	sdelay $0x3  }
0x36: {  	p1 =	seq.s32 s10, $0x1;
	s10 =	sld [smem:$0x3F80];
	_ =	sdelay $0x3  }
0x37: {  	[smem:$0x3F80] =	sst s10  }
0x38: {  	s10 =	sld [smem:$0x3F81]  }
0x39: {  	_ = 	snop;
	(pc) =	sbr.ind lr, $3  }
0x3a: {  	_ = 	snop  }
0x3b: {  	_ = 	snop  }
0x3c: {  	p2 =	seq.s32 s10, $0x1;
	s10 =	sld [smem:$0x3F80]  }
0x3d: {  	_ =	shalt  }
0x3e: {  	_ =	shalt  }
0x3f: {  	_ =	shalt  }
0x40: {  	_ =	shalt  }
0x41: {  	_ =	shalt  }
0x42: {  	_ =	shalt  }
0x43: {  	_ =	shalt  }
0x44: {  	_ =	shalt  }
0x45: {  	_ =	shalt  }
0x46: {  	_ =	shalt  }
0x47: {  	_ =	shalt  }
0x48: {  	_ =	shalt  }
0x49: {  	_ =	shalt  }
0x4a: {  	_ =	shalt  }
0x4b: {  	_ =	shalt  }
0x4c: {  	_ =	shalt  }
0x4d: {  	_ =	shalt  }
0x4e: {  	_ =	shalt  }
0x4f: {  	_ =	shalt  }
0x50: {  	_ =	shalt  }
0x51: {  	_ =	shalt  }
0x52: {  	_ =	shalt  }
0x53: {  	_ =	shalt  }
0x54: {  	_ =	shalt  }
0x55: {  	_ =	shalt  }
0x56: {  	_ =	shalt  }
0x57: {  	_ =	shalt  }
0x58: {  	_ =	shalt  }
0x59: {  	_ =	shalt  }
0x5a: {  	_ =	shalt  }
0x5b: {  	_ =	shalt  }
0x5c: {  	_ =	shalt  }
0x5d: {  	_ =	shalt  }
0x5e: {  	_ =	shalt  }
0x5f: {  	_ =	shalt  }
0x60: {  	_ =	shalt  }
0x61: {  	_ =	shalt  }
0x62: {  	_ =	shalt  }
0x63: {  	_ =	shalt  }
0x64: {  	_ =	shalt  }
0x65: {  	_ =	shalt  }
0x66: {  	_ =	shalt  }
0x67: {  	_ =	shalt  }
0x68: {  	_ =	shalt  }
0x69: {  	_ =	shalt  }
0x6a: {  	_ =	shalt  }
0x6b: {  	_ =	shalt  }
0x6c: {  	_ =	shalt  }
0x6d: {  	_ =	shalt  }
0x6e: {  	_ =	shalt  }
0x6f: {  	_ =	shalt  }
0x70: {  	_ =	shalt  }
0x71: {  	_ =	shalt  }
0x72: {  	_ =	shalt  }
0x73: {  	_ =	shalt  }
0x74: {  	_ =	shalt  }
0x75: {  	_ =	shalt  }
0x76: {  	_ =	shalt  }
0x77: {  	_ =	shalt  }
0x78: {  	_ =	shalt  }
0x79: {  	_ =	shalt  }
0x7a: {  	_ =	shalt  }
0x7b: {  	_ =	shalt  }
0x7c: {  	_ =	shalt  }
0x7d: {  	_ =	shalt  }
0x7e: {  	_ =	shalt  }
0x7f: {  	_ =	shalt  }
0x80: {  	_ =	shalt  }
0x81: {  	_ =	shalt  }
0x82: {  	_ =	shalt  }
0x83: {  	_ =	shalt  }
0x84: {  	_ =	shalt  }
0x85: {  	_ =	shalt  }
0x86: {  	_ =	shalt  }
0x87: {  	_ =	shalt  }
.Lfunc_end0:
.L_simem_size_0:
called_computation_lowered:
.L_overlay_start_0:
0x88: {  	s0 =	sld [smem:$0x3FD9]  }
0x89: {  	s1 =	sld [smem:$0x3FFE];
	_ =	sdelay $0x3  }
0x8a: {  	s0 =	sadd.s32 s1, s0  }
0x8b: {  	[smem:$0x3F8C] =	sst s0  }
0x8c: {  	_ = 	snop  }
0x8d: {  	s0 =	sld [smem:$0x3FD0];
	_ =	sdelay $0x2  }
0x8e: {  	s2 =	simm.s32 $0xB;
	s3 =	simm.s32 $0x10;
	s13 =	sld [smem:$0x3FC9]  }
0x8f: {  	[smem:s3], [sflag:s2] =	dma.local [hbm:s0], $0x1  }
0x90: {  	_ =	swait.eq [sflag:s2], $0x1  }
0x91: {  	[sflag:s2] =	ssyncset.done $0x0  }
0x92: {  	[sflag:s2] =	ssyncadd.s32 $0xFFFFFFFF  }
0x93: {  	s14 =	sld [smem:$0x10];
	(tm) =	ssettm $0x1  }
0x94: {  	s15 =	sld [smem:$0x3FFB];
	_ =	sdelay $0x3  }
0x95: {  	_ =	strace s15  }
0x96: {  	s2 =	sld [smem:$0x3FFC];
	_ =	sdelay $0x3  }
0x97: {  	_ =	strace s2  }
0x98: {  	s2 =	sld [smem:$0x3FFD];
	_ =	sdelay $0x3  }
0x99: {  	_ =	strace s2  }
0x9a: {  	_ =	strace $0x8FFFFFFF  }
0x9b: {  	s16 =	sld [smem:$0x3FDB];
	_ =	sdelay $0x1  }
0x9c: {  	s17 =	simm.s32 $_scs_section_size  }
0x9d: {  	s4 =	simm.s32 $_size__tile_overlayer_lowered;
	s5 =	simm.s32 $_tile_overlayer_lowered  }
0x9e: {  	s20 =	simm.s32 $0x1BFF;
	s19 =	sshll.u32 s5, $0x1;
	s2 =	sadd.s32 s17, s16  }
0x9f: {  	s6 =	simm.s32 $0x0;
	s18 =	sshll.u32 s4, $0x1;
	s4 =	sadd.s32 s19, s2  }
0xa0: {  	[timem:s6], [sflag:s20] =	dma.local [hbm:s4], s18  }
0xa1: {  	_ =	swait.ge [sflag:s20], s18  }
0xa2: {  	s3 =	ssub.s32 $0x0, s18;
	[sflag:s20] =	ssyncset.done $0x0  }
0xa3: {  	[sflag:s20] =	ssyncadd.s32 s3;
	_ =	sdelay $0x1  }
0xa4: {  	s21 =	simm.s32 $0x1B8B  }
0xa5: {  	_ =	swait.ge [sflag:s21], $0x1  }
0xa6: {  	[sflag:s21] =	ssyncset.done $0x0  }
0xa7: {  	s23 =	simm.s32 $0x1B8E;
	s22 =	sld [smem:$0x3FFE];
	[sflag:s21] =	ssyncadd.s32 $0xFFFFFFFF  }
0xa8: {  	s24 =	simm.s32 $execute0_lowered;
	[smem:$0x3FD2] =	sst s23  }
0xa9: {  	s4 =	sshll.u32 s24, $0x1;
	_ =	strace $0x80000046;
	[dreg:$0x1] =	wrdreg $0xFFFFFFFF  }
0xaa: {  	s25 =	simm.s32 $_size_execute0_lowered;
	s2 =	sadd.s32 s2, s4;
	[dreg:$0x0] =	wrdreg $0x0  }
0xab: {  	s4 =	sshll.u32 s25, $0x1;
	[dreg:$0x2] =	wrdreg s2  }
0xac: {  	[dreg:$0x3] =	wrdreg s4  }
0xad: {  	[dreg:$0x4] =	wrdreg $0xC0  }
0xae: {  	_ =	task [dreg:s6], $0x5FFFF  }
0xaf: {  	[dreg:$0x1] =	wrdreg $0xFFFFFFFF  }
0xb0: {  	[dreg:$0x0] =	wrdreg $0x60  }
0xb1: {  	[dreg:$0x2] =	wrdreg s22  }
0xb2: {  	[dreg:$0x3] =	wrdreg s14  }
0xb3: {  	[dreg:$0x4] =	wrdreg s13  }
0xb4: {  	[dreg:$0x5] =	wrdreg $0x9  }
0xb5: {  	_ =	task.clear_ibuf [dreg:s6], $0x6FFFF;
	_ =	strace $0x90000046  }
0xb6: {  	s26 =	simm.s32 $0x9;
	_ =	strace $0x80000048  }
0xb7: {  	_ =	swait.ge [sflag:s26], $0x1  }
0xb8: {  	[sflag:s26] =	ssyncadd.s32 $0xFFFFFFFF  }
0xb9: {  	_ =	strace $0x90000048  }
0xba: {  	_ =	sfence  }
0xbb: {  	s28 =	sld [smem:$0x0];
	_ =	sdelay $0x1  }
0xbc: {  	s29 =	srdreg.scid  }
0xbd: {  	s30 =	sshll.u32 s29, $0xD;
	s31 =	sshrl.u32 s29, $0x2  }
0xbe: {  	s1 =	sand.u32 $0x1, s29;
	s2 =	sand.u32 $0x4000, s30;
	s0 =	sadd.s32 s31, s28  }
0xbf: {  	s1 =	sor.u32 s2, s1;
	s0 =	sshll.u32 s0, $0x11  }
0xc0: {  	s0 =	sor.u32 s0, s1  }
0xc1: {  	s0 =	sadd.s32 $0x8F2B, s0  }
0xc2: {  	[sflag:s0] =	ssyncadd.remote.s32 $0x1  }
0xc3: {  	_ =	sfence.sel $0xFFFF  }
0xc4: {  	[dreg:$0x0] =	wrdreg $0xFFFFFFFF;
	(pc) =	sbr.abs _section_cstart, $3  }
0xc5: {  	[dreg:$0x1] =	wrdreg $0xFFFFFFFF  }
0xc6: {  	_ =	task.clear_ibuf [dreg:s6], $0x2FFFF;
	_ =	strace $0x9FFFFFFF  }
0xc7: {  	(tm) =	ssettm $0x7FFFFFFF  }
tec
execute0_lowered:
.L_overlay_start_1:
0x0: {  	(tag) =	ssettag $0x1  }
0x1: {  	s0 =	rddreg [dreg:$0x0]  }
0x2: {  	s29 =	rddreg [dreg:$0x1]  }
0x3: {  	s4 =	rddreg [dreg:$0x2];
	_ =	strace $0x80000047;
	s1 =	simm.s32 $0x1  }
0x4: {  	s8 =	simm.s32 $0x108;
	v0 =	vimm.s32 $0x0;
	[sflag:s1] =	ssyncpa.u1 $0x0  }
0x5: {  	[tilespmem:s8+$0x70] =	vst v0  }
0x6: {  	[tilespmem:s8+$0x60] =	vst v0  }
0x7: {  	[tilespmem:s8+$0x50] =	vst v0  }
0x8: {  	[tilespmem:s8+$0x40] =	vst v0  }
0x9: {  	[tilespmem:s8+$0x30] =	vst v0  }
0xa: {  	[tilespmem:s8+$0x20] =	vst v0  }
0xb: {  	s2 =	simm.s32 $0x40;
	s1 =	sadd.s32 $0x4E00, s0;
	s5 =	sadd.s32 $0x4A00, s0;
	[tilespmem:s8+$0x10] =	vst v0  }
.LBB2_1:
0xc: {  	s2 =	sadd.s32 $0x40, s2;
	[tilespmem:s8+$0x0] =	vst v0;
	s8 =	sadd.s32 $0x80, s8  }
0xd: {  	p0 =	slt.u32 s2, $0x3C40;
	[tilespmem:s8+$0x70] =	vst v0  }
0xe: {  	[tilespmem:s8+$0x60] =	vst v0  }
.Ltmp0:
0xf: {  	[tilespmem:s8+$0x50] =	vst v0;
	(pc) =	sbr.rel @p0 .LBB2_1-.Ltmp0, $4  }
0x10: {  	[tilespmem:s8+$0x40] =	vst v0  }
0x11: {  	[tilespmem:s8+$0x30] =	vst v0  }
0x12: {  	[tilespmem:s8+$0x20] =	vst v0  }
0x13: {  	[tilespmem:s8+$0x10] =	vst v0  }
0x14: {  	s3 =	stileid.u32  }
0x15: {  	s0 =	smin.u32 s3, $0x5  }
0x16: {  	s0 =	sadd.s32 s3, s0  }
0x17: {  	p0 =	slt.u32 s3, $0x5;
	s6 =	smul.u32 $0xF0, s0;
	s0 =	simm.s32 $0x1E0  }
0x18: {  	s0 =	simm.s32 @!p0 $0xF0  }
0x19: {  	s0 =	sadd.s32 s0, s6  }
0x1a: {  	s7 =	smin.u32 s0, $0x1388  }
0x1b: {  	s0 =	ssub.s32 s7, s6  }
0x1c: {  	p0 =	sgt.s32 s0, $0x0  }
0x1d: {  	s0 =	simm.s32 @!p0 $0x0  }
0x1e: {  	s2 =	smul.u32 $0x8889, s0  }
0x1f: {  	s31 =	simm.s32 $0x2;
	s9 =	simm.s32 $0x7;
	s10 =	simm.s32 $0x8  }
0x20: {  	s19 =	simm.s32 $0x0;
	s15 =	simm.s32 $0xA;
	s2 =	sshrl.u32 s2, $0x17  }
0x21: {  	s17 =	simm.s32 $0x0;
	s18 =	simm.s32 $0x0;
	s11 =	smul.u32 $0xF0, s2  }
.Ltmp1:
0x22: {  	[tilespmem:s8+$0x0] =	vst v0;
	v0 =	vimm.s32 $0xFFFFFFFF;
	[sflag:s31] =	ssyncpa.u1 $0x0;
	s13 =	sshll.u32 s3, $0x8;
	(pc) =	sbr.rel .LBB2_3-.Ltmp1, $4  }
0x23: {  	[tilespmem:$0xF208] =	vst v0;
	[sflag:s9] =	ssyncpa.u1 $0x0;
	p0 =	sne.s32 s0, s11;
	s0 =	simm.s32 $0x1  }
0x24: {  	[sflag:s10] =	ssyncpa.u1 $0x0;
	s10 =	simm.s32 $0x9;
	s0 =	simm.s32 @!p0 $0x0  }
0x25: {  	[sflag:s10] =	ssyncpa.u1 $0x0;
	s16 =	smov.u32 s6;
	s12 =	sadd.s32 s2, s0  }
0x26: {  	v0 =	vlaneseq.u32;
	s11 =	simm.s32 $0x1;
	p0 =	por $0x0, $0x0;
	s14 =	sadd.s32 $0x1, s12  }
.LBB2_18:
0x27: {  	s0 =	sshrl.u32 s28, $0x2  }
.LBB2_20:
0x28: {  	_ =	swait.ge [sflag:s15], s0  }
0x29: {  	s31 =	ssub.s32 $0x0, s0;
	v1 =	vmov s22;
	vm0 =	veq.s32 v0, $0x0;
	[sflag:s15] =	ssyncset.done $0x0  }
0x2a: {  	vm15 =	veq.s32 v0, $0x2;
	v1 =	vsel vm0, s26, v1;
	[sflag:s15] =	ssyncadd.s32 s31  }
0x2b: {  	v1 =	vsel vm15, s19, v1;
	[sflag:s15] =	ssyncpa.u1 $0x1  }
0x2c: {  	[tilespmem:$0xF208] =	vst v1  }
.LBB2_21:
0x2d: {  	s0 =	sadd.s32 $0xF0, s16  }
0x2e: {  	s2 =	smov.u32 s6;
	p1 =	slt.s32 s0, s7  }
0x2f: {  	s2 =	smov.u32 @p1 s0;
	p1 =	sne.s32 s18, s14  }
.Ltmp2:
0x30: {  	_ = 	snop;
	(pc) =	sbr.rel @!p1 .LBB2_22-.Ltmp2, $3  }
0x31: {  	_ =	sdelay $0x1  }
0x32: {  	s19 =	smov.u32 s17;
	s31 =	sadd.s32 $0x1, s18;
	s17 =	smov.u32 s16  }
0x33: {  	p0 =	por !p0, !p0;
	s18 =	smov.u32 s31;
	s16 =	smov.u32 s2  }
.LBB2_3:
0x34: {  	p1 =	sge.u32 s18, s12  }
0x35: {  	s0 =	smulhi.u32 @!p1 $0xAAAAAAAB, s18  }
0x36: {  	s2 =	smov.u32 s16;
	p2 =	sgt.s32 @!p1 s16, $0x1298  }
0x37: {  	s20 =	sshra.s32 @!p1 s16, $0x1F;
	p2 =	por !p2, p1;
	s0 =	sshrl.u32 @!p1 s0, $0x1  }
0x38: {  	s20 =	sand.u32 @!p1 s20, s16;
	s2 =	simm.s32 @p2 $0x1298;
	s0 =	smul.u32 @!p1 $0x3, s0  }
0x39: {  	s2 =	ssub.s32 @!p1 s2, s20  }
0x3a: {  	s2 =	sadd.s32 @!p1 $0xFFFFED68, s2;
	s0 =	ssub.s32 @!p1 s18, s0  }
0x3b: {  	s20 =	sshll.u32 @!p1 s2, $0x2;
	p2 =	sgt.s32 @!p1 s2, $0xEF;
	s0 =	smul.u32 @!p1 $0x3C0, s0  }
0x3c: {  	s21 =	sand.u32 @!p1 $0x7, s16;
	s2 =	ssub.s32 @!p1 $0x3C0, s20;
	p2 =	por !p2, p1  }
0x3d: {  	s20 =	sshrl.u32 @!p1 s16, $0x3;
	s2 =	sshrl.u32 @!p1 s2, $0x2;
	s0 =	sshrl.u32 @!p1 s0, $0x2  }
0x3e: {  	s20 =	sadd.s32 @!p1 s5, s20;
	s2 =	simm.s32 @!p2 $0x0;
	s0 =	sadd.s32 @!p1 $0x10238, s0  }
0x3f: {  	[tilespmem:s0], [sflag:$0x8] =	stream.linear.gather @!p1 [hbm4b:s20+s21], s2, $0x38;
	[tilespmem:$0x1F6E8] =	vst v63  }
0x40: {  	s0 =	sadd.s32 $0xFFFFFFFF, s18  }
0x41: {  	p1 =	sge.u32 s0, s12  }
0x42: {  	p2 =	sgt.s32 @!p1 s17, $0x1298  }
0x43: {  	s2 =	smov.u32 s17;
	s20 =	sshra.s32 @!p1 s17, $0x1F;
	p2 =	por !p2, p1  }
0x44: {  	s20 =	sand.u32 @!p1 s20, s17;
	s2 =	simm.s32 @p2 $0x1298  }
0x45: {  	s2 =	ssub.s32 @!p1 s2, s20  }
0x46: {  	s2 =	sadd.s32 @!p1 $0xFFFFED68, s2  }
0x47: {  	s21 =	sand.u32 @!p1 $0x1, s0;
	s20 =	sshll.u32 @!p1 s2, $0x2  }
0x48: {  	p2 =	sgt.s32 @!p1 s2, $0xEF;
	s2 =	ssub.s32 @!p1 $0x3C0, s20;
	s20 =	smulhi.u32 @!p1 $0xAAAAAAAB, s0  }
0x49: {  	s23 =	smul.u32 @!p1 $0x3C0, s21;
	p2 =	por !p2, p1;
	s2 =	sshrl.u32 @!p1 s2, $0x2  }
0x4a: {  	s22 =	simm.s32 @!p1 $0x8;
	s2 =	simm.s32 @!p2 $0x0;
	s20 =	sshrl.u32 @!p1 s20, $0x1  }
0x4b: {  	s23 =	sshrl.u32 @!p1 s23, $0x2;
	_ =	swait.ge @!p1 [sflag:s22], s2;
	s20 =	smul.u32 @!p1 $0x3, s20  }
0x4c: {  	s23 =	sor.u32 @!p1 $0x10508, s23;
	s24 =	ssub.s32 @!p1 $0x0, s2;
	[sflag:s22] =	ssyncset.done @!p1 $0x0  }
0x4d: {  	[sflag:s22] =	ssyncadd.s32 @!p1 s24;
	s22 =	sshrl.u32 @!p1 s17, $0x3;
	s0 =	ssub.s32 @!p1 s0, s20  }
0x4e: {  	s24 =	sand.u32 @!p1 $0x7, s17;
	s22 =	sadd.s32 @!p1 s29, s22;
	s0 =	smul.u32 @!p1 $0x3C0, s0  }
0x4f: {  	[tilespmem:s23], [sflag:$0x9] =	stream.linear.gather @!p1 [hbm4b:s22+s24], s2, $0x38;
	[tilespmem:$0x1F6E8] =	vst v63  }
0x50: {  	s20 =	ssub.s32 @!p1 $0x1388, s17;
	s2 =	smul.u32 @!p1 $0x1E000, s21  }
0x51: {  	p2 =	slt.s32 @!p1 s20, $0xF0  }
0x52: {  	p2 =	por !p2, p1;
	s0 =	sshrl.u32 @!p1 s0, $0x2;
	s2 =	sshrl.u32 @!p1 s2, $0x2  }
0x53: {  	s20 =	simm.s32 @p2 $0xF0;
	s0 =	sadd.s32 @!p1 $0x10238, s0;
	s2 =	sor.u32 @!p1 $0x106E8, s2  }
0x54: {  	[tilespmem:s2], [sflag:$0x7] =	stream.indirect.gather @!p1 [hbm4b:s4+s20], $0x80, s0, s20, $0xb8;
	[tilespmem:$0x1F6E8] =	vst v63  }
0x55: {  	p1 =	slt.u32 s18, $0x2  }
.Ltmp3:
0x56: {  	_ = 	snop;
	(pc) =	sbr.rel @p1 .LBB2_21-.Ltmp3, $1  }
0x57: {  	_ =	sdelay $0x3  }
0x58: {  	p1 =	sgt.s32 s19, $0x1298;
	s0 =	smov.u32 s19  }
0x59: {  	s2 =	sshra.s32 s19, $0x1F;
	s21 =	ssub.s32 $0x1388, s19;
	s0 =	simm.s32 @!p1 $0x1298  }
0x5a: {  	s2 =	sand.u32 s2, s19;
	p1 =	slt.s32 s21, $0xF0;
	s20 =	smov.u32 s21  }
0x5b: {  	s0 =	ssub.s32 s0, s2;
	s20 =	simm.s32 @!p1 $0xF0  }
0x5c: {  	s0 =	sadd.s32 $0xFFFFED68, s0;
	s26 =	sshll.u32 s20, $0x7  }
0x5d: {  	s28 =	sshll.u32 s0, $0x2;
	s2 =	sand.u32 $0x3FFFFF80, s26  }
0x5e: {  	p1 =	sgt.s32 s0, $0xEF;
	s30 =	ssub.s32 $0x3C0, s28;
	_ =	swait.ge [sflag:s9], s2  }
0x5f: {  	s2 =	ssub.s32 $0x0, s2;
	[sflag:s9] =	ssyncset.done $0x0;
	s0 =	sshrl.u32 s30, $0x2  }
0x60: {  	[sflag:s9] =	ssyncadd.s32 s2;
	s0 =	simm.s32 @p1 $0x0  }
0x61: {  	_ =	swait.ge [sflag:s10], s0  }
0x62: {  	s0 =	ssub.s32 $0x0, s0;
	[sflag:s10] =	ssyncset.done $0x0  }
0x63: {  	[sflag:s10] =	ssyncadd.s32 s0  }
0x64: {  	v1 =	vld [tilespmem:$0xF208];
	_ =	sdelay $0x4  }
0x65: {  	(v2sf) =	vpush v1, $0x0  }
0x66: {  	(v2sf) =	vpush v1, $0x1  }
0x67: {  	(v2sf) =	vpush v1, $0x2;
	_ =	sdelay $0x3  }
0x68: {  	s0 =	sadd.s32 $0xF0, s19  }
0x69: {  	p1 =	slt.s32 s7, s0  }
0x6a: {  	s0 =	smov.u32 @p1 s7;
	p1 =	sgt.s32 s21, $0x0  }
0x6b: {  	s20 =	ssub.s32 s0, s19;
	s21 =	simm.s32 @!p1 $0x0  }
0x6c: {  	p1 =	slt.s32 s21, s20  }
0x6d: {  	s20 =	smov.u32 @p1 s21  }
0x6e: {  	s23 =	simm.s32 $0x1;
	p1 =	slt.s32 s20, $0x1  }
.Ltmp4:
0x6f: {  	s23 =	simm.s32 @!p0 $0x0;
	(pc) =	sbr.rel @p1 .LBB2_8-.Ltmp4, $4  }
0x70: {  	s31 =	smul.u32 $0x3C0, s23  }
0x71: {  	s24 =	spop (v2sf)  }
0x72: {  	s0 =	sshrl.u32 s31, $0x2;
	s26 =	spop (v2sf)  }
0x73: {  	s21 =	sor.u32 $0x10508, s0;
	s19 =	spop (v2sf)  }
0x74: {  	s0 =	smin.u32 s20, $0x10  }
0x75: {  	v1 =	vmov s0  }
0x76: {  	p2 =	sgt.s32 s20, $0x10;
	vm1 =	vgt.u32 v1, v0  }
.Ltmp5:
0x77: {  	_ = 	snop;
	(pc) =	sbr.rel @!p2 .LBB2_7-.Ltmp5, $2  }
0x78: {  	_ =	sdelay $0x2  }
0x79: {  	s25 =	simm.s32 $0x10;
	s28 =	sadd.s32 $0xFFFFFFF0, s20;
	s22 =	smov.u32 s21;
	vm0 =	vmmov vm1  }
.LBB2_6:
0x7a: {  	s0 =	smin.u32 s28, $0x10;
	s25 =	sadd.s32 $0x10, s25;
	v1 =	vld.msk [tilespmem:s22+$0x0 ss:$0x1], vm1  }
0x7b: {  	v2 =	vmov s0;
	p2 =	slt.s32 s25, s20  }
0x7c: {  	vm1 =	vgt.u32 v2, v0  }
.Ltmp6:
0x7d: {  	(pc) =	sbr.rel @p2 .LBB2_6-.Ltmp6, $3  }
0x7e: {  	_ =	sdelay $0x1  }
0x7f: {  	v1 =	vshll.u32 v1, $0x4  }
0x80: {  	s28 =	sadd.s32 $0xFFFFFFF0, s28;
	[tilespmem:s22+$0x0] =	vst.msk vm0, v1;
	s22 =	sadd.s32 $0x10, s22;
	vm0 =	vmmov vm1  }
.LBB2_7:
0x81: {  	_ =	sdelay $0x4  }
0x82: {  	v1 =	vld.msk [tilespmem:s22+$0x0 ss:$0x1], vm1;
	_ =	sdelay $0x4  }
0x83: {  	v1 =	vshll.u32 v1, $0x4  }
0x84: {  	[tilespmem:s22+$0x0] =	vst.msk vm0, v1  }
.LBB2_8:
0x85: {  	s0 =	sand.u32 $0x1, s18  }
0x86: {  	s0 =	smul.u32 $0xF0, s0  }
0x87: {  	p2 =	sne.s32 s26, $0xFFFFFFFF  }
0x88: {  	v1 =	vld.msk @!p2 [tilespmem:s0+$0x10508], $0x1;
	_ =	sdelay $0x4  }
0x89: {  	(v2sf) =	vpush @!p2 v1, $0x0;
	_ =	sdelay $0xc  }
.Ltmp7:
0x8a: {  	_ = 	snop;
	(pc) =	sbr.rel @p1 .LBB2_19-.Ltmp7, $4  }
0x8b: {  	_ = 	snop  }
0x8c: {  	s25 =	spop @!p2 (v2sf)  }
0x8d: {  	s19 =	simm.s32 @!p2 $0x0;
	s22 =	smov.u32 s25  }
0x8e: {  	[sflag:s15] =	ssyncpa.u1 $0x0;
	s25 =	smov.u32 @p2 s24;
	s22 =	smov.u32 @p2 s26  }
0x8f: {  	v1 =	vld.msk [tilespmem:s21+$0x0], $0x1;
	_ =	sdelay $0x4  }
0x90: {  	(v2sf) =	vpush v1, $0x0;
	_ =	sdelay $0xd  }
0x91: {  	s8 =	smov.u32 s4  }
0x92: {  	s4 =	smov.u32 s29;
	s0 =	smul.u32 $0x1E000, s23;
	s29 =	spop (v2sf)  }
0x93: {  	p1 =	seq.s32 s25, s29  }
0x94: {  	s26 =	sadd.s32 $0xFFFFFFFF, s20;
	s0 =	sshrl.u32 s0, $0x2;
	p2 =	sgt.s32 @!p1 s25, $0x0  }
0x95: {  	s23 =	sor.u32 $0x10728, s0;
	s0 =	smov.u32 s25;
	p2 =	por !p2, p1  }
0x96: {  	s0 =	simm.s32 @p2 $0x0;
	p2 =	sne.s32 s26, $0x0  }
.Ltmp8:
0x97: {  	_ = 	snop;
	(pc) =	sbr.rel @!p2 .LBB2_11-.Ltmp8, $4  }
0x98: {  	_ = 	snop  }
0x99: {  	s24 =	simm.s32 $0x0;
	s28 =	sadd.s32 $0x1, s21;
	s0 =	smin.u32 @!p1 s0, $0xF0  }
0x9a: {  	s30 =	simm.s32 @!p1 $0x1;
	s31 =	simm.s32 @!p1 $0x7988;
	s2 =	sand.u32 @!p1 $0xF8, s0  }
0x9b: {  	s30 =	smov.u32 @p1 s24;
	s0 =	sand.u32 @!p1 $0x7, s0;
	s2 =	sadd.s32 @!p1 s1, s2  }
.LBB2_10:
0x9c: {  	s3 =	smov.u32 s30  }
0x9d: {  	[tilespmem:s31], [sflag:$0x2] =	stream.linear.gather @!p1 [hbm4b:s2+s0], $0x80, $0x38;
	[tilespmem:$0x1F6E8] =	vst v63  }
0x9e: {  	s26 =	sadd.s32 $0xFFFFFFFF, s26;
	s0 =	smov.u32 s29;
	v1 =	vld.msk [tilespmem:s28+$0x0], $0x1  }
0x9f: {  	p2 =	sne.s32 s26, $0x0;
	_ =	sdelay $0x3  }
0xa0: {  	(v2sf) =	vpush v1, $0x0;
	_ =	sdelay $0xe  }
0xa1: {  	s29 =	spop (v2sf)  }
0xa2: {  	p1 =	seq.s32 s0, s29  }
0xa3: {  	p3 =	sgt.s32 @!p1 s0, $0x0;
	s2 =	sshll.u32 @!p1 s30, $0x9;
	s30 =	sadd.s32 @!p1 $0x1, s30  }
.Ltmp9:
0xa4: {  	p3 =	por !p3, p1;
	s2 =	sshra.s32 @!p1 s2, $0x2;
	(pc) =	sbr.rel @p2 .LBB2_10-.Ltmp9, $4  }
0xa5: {  	s30 =	smov.u32 @p1 s3;
	s0 =	simm.s32 @p3 $0x0;
	s31 =	sadd.s32 @!p1 $0x7988, s2  }
0xa6: {  	s0 =	smin.u32 @!p1 s0, $0xF0  }
0xa7: {  	s2 =	sand.u32 @!p1 $0xF8, s0;
	s0 =	sand.u32 @!p1 $0x7, s0  }
0xa8: {  	s28 =	sadd.s32 $0x1, s28;
	s2 =	sadd.s32 @!p1 s1, s2  }
.LBB2_11:
0xa9: {  	[tilespmem:s31], [sflag:$0x2] =	stream.linear.gather @!p1 [hbm4b:s2+s0], $0x80, $0x38;
	[tilespmem:$0x1F6E8] =	vst v63  }
.Ltmp10:
0xaa: {  	s30 =	sshll.u32 s30, $0x7;
	(pc) =	sbr.rel .LBB2_12-.Ltmp10, $4  }
0xab: {  	s31 =	simm.s32 $0x2;
	s0 =	sand.u32 $0x3FFFFF80, s30  }
0xac: {  	_ =	swait.ge [sflag:s31], s0  }
0xad: {  	s28 =	simm.s32 $0x0;
	s0 =	ssub.s32 $0x0, s0;
	[sflag:s31] =	ssyncset.done $0x0  }
0xae: {  	s29 =	smov.u32 s4;
	s4 =	smov.u32 s8;
	[sflag:s31] =	ssyncadd.s32 s0  }
.LBB2_13:
0xaf: {  	v1 =	vld [tilespmem:s23+$0xFFFFFFC0];
	_ =	sdelay $0x3  }
0xb0: {  	s0 =	sshra.s32 s0, $0x2  }
0xb1: {  	[tilespmem:s0+$0x108] =	vst.add.f32.msk $0xffff, v1  }
0xb2: {  	v1 =	vld [tilespmem:s23+$0xFFFFFFD0];
	_ =	sdelay $0x4  }
0xb3: {  	[tilespmem:s0+$0x118] =	vst.add.f32.msk $0xffff, v1  }
0xb4: {  	v1 =	vld [tilespmem:s23+$0xFFFFFFE0];
	_ =	sdelay $0x4  }
0xb5: {  	[tilespmem:s0+$0x128] =	vst.add.f32.msk $0xffff, v1  }
0xb6: {  	v1 =	vld [tilespmem:s23+$0xFFFFFFF0];
	_ =	sdelay $0x4  }
0xb7: {  	[tilespmem:s0+$0x138] =	vst.add.f32.msk $0xffff, v1  }
0xb8: {  	v1 =	vld [tilespmem:s23+$0x0];
	_ =	sdelay $0x4  }
0xb9: {  	[tilespmem:s0+$0x148] =	vst.add.f32.msk $0xffff, v1  }
0xba: {  	v1 =	vld [tilespmem:s23+$0x10];
	_ =	sdelay $0x4  }
0xbb: {  	[tilespmem:s0+$0x158] =	vst.add.f32.msk $0xffff, v1  }
0xbc: {  	v1 =	vld [tilespmem:s23+$0x20];
	_ =	sdelay $0x4  }
0xbd: {  	[tilespmem:s0+$0x168] =	vst.add.f32.msk $0xffff, v1  }
0xbe: {  	v1 =	vld [tilespmem:s23+$0x30];
	_ =	sdelay $0x4  }
0xbf: {  	[tilespmem:s0+$0x178] =	vst.add.f32.msk $0xffff, v1  }
.LBB2_17:
0xc0: {  	s20 =	sadd.s32 $0xFFFFFFFF, s20  }
0xc1: {  	p1 =	sne.s32 s20, $0x0  }
.Ltmp11:
0xc2: {  	_ = 	snop;
	(pc) =	sbr.rel @!p1 .LBB2_18-.Ltmp11, $2  }
0xc3: {  	_ =	sdelay $0x2  }
0xc4: {  	s21 =	sadd.s32 $0x1, s21;
	s23 =	sadd.s32 $0x80, s23;
	s25 =	smov.u32 s26  }
.LBB2_12:
0xc5: {  	v1 =	vld.msk [tilespmem:s21+$0x0], $0x1;
	_ =	sdelay $0x4  }
0xc6: {  	(v2sf) =	vpush v1, $0x0;
	_ =	sdelay $0xe  }
0xc7: {  	s26 =	spop (v2sf)  }
0xc8: {  	p1 =	sne.s32 s25, s26  }
.Ltmp12:
0xc9: {  	_ = 	snop;
	(pc) =	sbr.rel @!p1 .LBB2_13-.Ltmp12, $2  }
0xca: {  	_ =	sdelay $0x2  }
0xcb: {  	s0 =	sshll.u32 s19, $0x9  }
0xcc: {  	p1 =	seq.s32 s25, s22  }
.Ltmp13:
0xcd: {  	_ = 	snop;
	(pc) =	sbr.rel @!p1 .LBB2_15-.Ltmp13, $1  }
0xce: {  	_ =	sdelay $0x3  }
0xcf: {  	s0 =	sshra.s32 s0, $0x2  }
.Ltmp14:
0xd0: {  	s0 =	sadd.s32 $0x108, s0;
	(pc) =	sbr.rel .LBB2_16-.Ltmp14, $4  }
0xd1: {  	[spmem:s13] =	stream.linear.scatter [tilespmem:s0], [sflag:$0x1], $0x80, $0x38;
	[tilespmem:$0x1F6E8] =	vst v63  }
0xd2: {  	_ =	swait.ge [sflag:s11], $0x80  }
0xd3: {  	[sflag:s11] =	ssyncset.done $0x0  }
0xd4: {  	[sflag:s11] =	ssyncadd.s32 $0xFFFFFF80  }
.LBB2_15:
0xd5: {  	s2 =	sshll.u32 s24, $0x9  }
0xd6: {  	s2 =	sshra.s32 s2, $0x2  }
0xd7: {  	v1 =	vld [tilespmem:s2+$0x7988];
	_ =	sdelay $0x3  }
0xd8: {  	s0 =	sshra.s32 s0, $0x2  }
0xd9: {  	[tilespmem:s0+$0x108] =	vst.add.f32.msk $0xffff, v1  }
0xda: {  	v1 =	vld [tilespmem:s2+$0x7998];
	_ =	sdelay $0x4  }
0xdb: {  	[tilespmem:s0+$0x118] =	vst.add.f32.msk $0xffff, v1  }
0xdc: {  	v1 =	vld [tilespmem:s2+$0x79A8];
	_ =	sdelay $0x4  }
0xdd: {  	[tilespmem:s0+$0x128] =	vst.add.f32.msk $0xffff, v1  }
0xde: {  	v1 =	vld [tilespmem:s2+$0x79B8];
	_ =	sdelay $0x4  }
0xdf: {  	[tilespmem:s0+$0x138] =	vst.add.f32.msk $0xffff, v1  }
0xe0: {  	v1 =	vld [tilespmem:s2+$0x79C8];
	_ =	sdelay $0x4  }
0xe1: {  	[tilespmem:s0+$0x148] =	vst.add.f32.msk $0xffff, v1  }
0xe2: {  	v1 =	vld [tilespmem:s2+$0x79D8];
	_ =	sdelay $0x4  }
0xe3: {  	[tilespmem:s0+$0x158] =	vst.add.f32.msk $0xffff, v1  }
0xe4: {  	v1 =	vld [tilespmem:s2+$0x79E8];
	_ =	sdelay $0x4  }
0xe5: {  	[tilespmem:s0+$0x168] =	vst.add.f32.msk $0xffff, v1  }
0xe6: {  	v1 =	vld [tilespmem:s2+$0x79F8];
	_ =	sdelay $0x2  }
0xe7: {  	p1 =	sgt.u32 s25, $0xF0  }
0xe8: {  	s2 =	sand.u32 @!p1 $0xF8, s25  }
0xe9: {  	s3 =	sadd.s32 $0x108, s0;
	[tilespmem:s0+$0x178] =	vst.add.f32.msk $0xffff, v1;
	s0 =	sadd.s32 @!p1 s1, s2;
	s2 =	sand.u32 @!p1 $0x7, s25  }
0xea: {  	[hbm4b:s0+s2] =	stream.linear.scatter @!p1 [tilespmem:s3], [sflag:$0xA], $0x80, $0x38;
	[tilespmem:$0x1F6E8] =	vst v63  }
0xeb: {  	s0 =	simm.s32 $0x0  }
0xec: {  	s0 =	simm.s32 @!p1 $0x200  }
0xed: {  	s28 =	sadd.s32 s0, s28  }
.LBB2_16:
0xee: {  	s0 =	sadd.s32 $0x1, s19  }
0xef: {  	s2 =	smulhi.u32 $0x88888889, s0;
	_ =	sdelay $0x1  }
0xf0: {  	v1 =	vld [tilespmem:s23+$0xFFFFFFC0];
	s2 =	sshrl.u32 s2, $0x7  }
0xf1: {  	s2 =	smul.u32 $0xF0, s2;
	_ =	sdelay $0x1  }
0xf2: {  	s19 =	ssub.s32 s0, s2  }
0xf3: {  	s0 =	sshll.u32 s19, $0x7  }
0xf4: {  	[tilespmem:s0+$0x108] =	vst v1  }
0xf5: {  	v1 =	vld [tilespmem:s23+$0xFFFFFFD0];
	_ =	sdelay $0x4  }
0xf6: {  	[tilespmem:s0+$0x118] =	vst v1  }
0xf7: {  	v1 =	vld [tilespmem:s23+$0xFFFFFFE0];
	_ =	sdelay $0x4  }
0xf8: {  	[tilespmem:s0+$0x128] =	vst v1  }
0xf9: {  	v1 =	vld [tilespmem:s23+$0xFFFFFFF0];
	_ =	sdelay $0x4  }
0xfa: {  	[tilespmem:s0+$0x138] =	vst v1  }
0xfb: {  	v1 =	vld [tilespmem:s23+$0x0];
	_ =	sdelay $0x4  }
0xfc: {  	[tilespmem:s0+$0x148] =	vst v1  }
0xfd: {  	v1 =	vld [tilespmem:s23+$0x10];
	_ =	sdelay $0x4  }
0xfe: {  	[tilespmem:s0+$0x158] =	vst v1  }
0xff: {  	v1 =	vld [tilespmem:s23+$0x20];
	_ =	sdelay $0x4  }
0x100: {  	[tilespmem:s0+$0x168] =	vst v1  }
0x101: {  	v1 =	vld [tilespmem:s23+$0x30]  }
.Ltmp15:
0x102: {  	_ = 	snop;
	(pc) =	sbr.rel .LBB2_17-.Ltmp15, $2  }
0x103: {  	_ =	sdelay $0x2  }
0x104: {  	s24 =	sadd.s32 $0x1, s24;
	[tilespmem:s0+$0x178] =	vst v1  }
.LBB2_19:
.Ltmp16:
0x105: {  	(pc) =	sbr.rel .LBB2_20-.Ltmp16, $4  }
0x106: {  	_ = 	snop  }
0x107: {  	s0 =	simm.s32 $0x2  }
0x108: {  	_ =	swait.ge [sflag:s0], $0x0  }
0x109: {  	s26 =	smov.u32 s25;
	[sflag:s0] =	ssyncset.done $0x0;
	s0 =	simm.s32 $0x0  }
.LBB2_22:
0x10a: {  	_ =	sfence.sel $0x180000  }
0x10b: {  	s0 =	simm.s32 $0x7;
	[bflag:$0x0] =	sbarrier.arrive $0xFFFF  }
0x10c: {  	s25 =	simm.s32 $0x8;
	[sflag:s0] =	ssyncpa.u1 $0x1  }
0x10d: {  	s26 =	simm.s32 $0x9;
	[sflag:s25] =	ssyncpa.u1 $0x1  }
0x10e: {  	s28 =	simm.s32 $0x2;
	[sflag:s26] =	ssyncpa.u1 $0x1  }
0x10f: {  	[sflag:s28] =	ssyncpa.u1 $0x1  }
0x110: {  	v0 =	vld [tilespmem:$0xF208];
	_ =	sdelay $0x4  }
0x111: {  	(v2sf) =	vpush v0, $0x0  }
0x112: {  	(v2sf) =	vpush v0, $0x1;
	_ =	sdelay $0x1  }
0x113: {  	(v2sf) =	vpush v0, $0x2;
	_ =	sdelay $0xb  }
0x114: {  	s0 =	spop (v2sf)  }
0x115: {  	s2 =	spop (v2sf)  }
0x116: {  	s3 =	smov.u32 s0;
	p0 =	sne.s32 s0, s2  }
0x117: {  	s4 =	spop (v2sf);
	s3 =	simm.s32 @!p0 $0xFFFFFFFF  }
0x118: {  	v2 =	vimm.s32 $0x1;
	v3 =	vlaneseq.u32;
	p0 =	seq.s32 s4, $0xFFFFFFFF;
	v1 =	vmov s3  }
0x119: {  	s7 =	stileid.u32;
	v0 =	vperm.xlane v0, v2;
	p1 =	sne.s32 @!p0 s0, s2;
	v1 =	vperm.xlane v1, v3  }
0x11a: {  	vm0 =	vcmask $0x3F04;
	s6 =	simm.s32 $0xF208;
	s0 =	simm.s32 @!p0 $0x1;
	p1 =	por !p1, p0  }
0x11b: {  	s3 =	sshll.u32 s7, $0x1;
	s2 =	sshll.u32 @!p0 s4, $0x9;
	s0 =	simm.s32 @p1 $0x0;
	v0 =	vsel vm0, v1, v0  }
0x11c: {  	s5 =	sor.u32 $0x1000, s3;
	s2 =	sshra.s32 @!p0 s2, $0x2;
	s0 =	sor.u32 @!p0 s0, s3;
	[tilespmem:$0xF208] =	vst v0  }
0x11d: {  	[spmem:s5] =	stream.linear.scatter [tilespmem:s6], [sflag:$0x1], $0x2, $0x38;
	[tilespmem:$0x1F6E8] =	vst v63  }
0x11e: {  	s2 =	sadd.s32 @!p0 $0x108, s2;
	s0 =	sshll.u32 @!p0 s0, $0x7  }
0x11f: {  	[spmem:s0] =	stream.linear.scatter @!p0 [tilespmem:s2], [sflag:$0x1], $0x80, $0x38;
	[tilespmem:$0x1F6E8] =	vst v63  }
0x120: {  	s0 =	simm.s32 @!p0 $0x82  }
0x121: {  	s3 =	simm.s32 $0x1;
	s0 =	simm.s32 @p0 $0x2  }
0x122: {  	_ =	swait.ge [sflag:s3], s0  }
0x123: {  	s0 =	ssub.s32 $0x0, s0;
	[sflag:s3] =	ssyncset.done $0x0  }
0x124: {  	[sflag:s3] =	ssyncadd.s32 s0  }
0x125: {  	_ =	sfence.stream.spmem  }
0x126: {  	s29 =	simm.s32 $0x3;
	[bflag:$0x0] =	sbarrier.arrive $0xFFFF  }
0x127: {  	s30 =	simm.s32 $0x4;
	[sflag:s29] =	ssyncpa.u1 $0x1  }
0x128: {  	s31 =	simm.s32 $0x3C;
	[sflag:s30] =	ssyncpa.u1 $0x1  }
0x129: {  	p0 =	sne.s32 s7, $0x0;
	[sflag:s31] =	ssyncpa.u1 $0x1  }
0x12a: {  	_ =	sfence @p0  }
0x12b: {  	[sflag:s3] =	ssyncpa.u1 @p0 $0x1  }
0x12c: {  	_ =	strace @p0 $0x90000047  }
0x12d: {  	[bflag:$0x2] =	sbarrier.arrive @p0 $0xFFFF  }
0x12e: {  	_ =	shalt @p0  }
.LBB2_23:
0x12f: {  	_ =	sfence.stream.spmem;
	s0 =	simm.s32 $0x5  }
0x130: {  	s2 =	simm.s32 $0x1000;
	s3 =	simm.s32 $0xF218;
	[sflag:s0] =	ssyncpa.u1 $0x0  }
0x131: {  	[tilespmem:s3], [sflag:$0x5] =	stream.linear.gather [spmem:s2], $0x20, $0x38;
	[tilespmem:$0x1F6E8] =	vst v63  }
0x132: {  	s30 =	simm.s32 $0xF238;
	s2 =	simm.s32 $0x0  }
0x133: {  	[tilespmem:s30], [sflag:$0x5] =	stream.linear.gather [spmem:s2], $0x1000, $0x38;
	[tilespmem:$0x1F6E8] =	vst v63  }
.Ltmp17:
0x134: {  	_ = 	snop;
	(pc) =	sbr.rel .LBB2_24-.Ltmp17, $4  }
0x135: {  	_ =	swait.ge [sflag:s0], $0x1020  }
0x136: {  	[sflag:s0] =	ssyncset.done $0x0  }
0x137: {  	s31 =	simm.s32 $0x6;
	[sflag:s0] =	ssyncadd.s32 $0xFFFFEFE0  }
0x138: {  	s3 =	simm.s32 $0x0;
	[sflag:s31] =	ssyncpa.u1 $0x0  }
.LBB2_30:
0x139: {  	p0 =	slt.u32 s4, $0xF1  }
0x13a: {  	s0 =	sand.u32 @p0 $0xF8, s4  }
0x13b: {  	s4 =	sand.u32 @p0 $0x7, s4;
	s5 =	simm.s32 @p0 $0xF188;
	s0 =	sadd.s32 @p0 s1, s0  }
0x13c: {  	[tilespmem:s5], [sflag:$0x6] =	stream.linear.gather @p0 [hbm4b:s0+s4], $0x80, $0x38;
	[tilespmem:$0x1F6E8] =	vst v63  }
0x13d: {  	s0 =	simm.s32 @p0 $0x6  }
0x13e: {  	_ =	swait.ge @p0 [sflag:s0], $0x80  }
0x13f: {  	[sflag:s0] =	ssyncset.done @p0 $0x0  }
0x140: {  	[sflag:s0] =	ssyncadd.s32 @p0 $0xFFFFFF80  }
0x141: {  	v1 =	vld @p0 [tilespmem:$0xF188];
	_ =	sdelay $0x2  }
0x142: {  	s0 =	sshll.u32 @p0 s3, $0x9  }
0x143: {  	s4 =	sshrl.u32 @p0 s0, $0x2  }
0x144: {  	[tilespmem:s4+$0xF238] =	vst.add.f32.msk @p0 $0xffff, v1  }
0x145: {  	v1 =	vld @p0 [tilespmem:$0xF198];
	_ =	sdelay $0x4  }
0x146: {  	[tilespmem:s4+$0xF248] =	vst.add.f32.msk @p0 $0xffff, v1  }
0x147: {  	v1 =	vld @p0 [tilespmem:$0xF1A8];
	_ =	sdelay $0x4  }
0x148: {  	[tilespmem:s4+$0xF258] =	vst.add.f32.msk @p0 $0xffff, v1  }
0x149: {  	v1 =	vld @p0 [tilespmem:$0xF1B8];
	_ =	sdelay $0x4  }
0x14a: {  	[tilespmem:s4+$0xF268] =	vst.add.f32.msk @p0 $0xffff, v1  }
0x14b: {  	v1 =	vld @p0 [tilespmem:$0xF1C8];
	_ =	sdelay $0x4  }
0x14c: {  	[tilespmem:s4+$0xF278] =	vst.add.f32.msk @p0 $0xffff, v1  }
0x14d: {  	v1 =	vld @p0 [tilespmem:$0xF1D8];
	_ =	sdelay $0x4  }
0x14e: {  	[tilespmem:s4+$0xF288] =	vst.add.f32.msk @p0 $0xffff, v1  }
0x14f: {  	v1 =	vld @p0 [tilespmem:$0xF1E8];
	_ =	sdelay $0x4  }
0x150: {  	[tilespmem:s4+$0xF298] =	vst.add.f32.msk @p0 $0xffff, v1  }
0x151: {  	v1 =	vld @p0 [tilespmem:$0xF1F8];
	_ =	sdelay $0x3  }
0x152: {  	s5 =	sshll.u32 @!p0 s3, $0x9  }
0x153: {  	s5 =	smov.u32 @p0 s0;
	[tilespmem:s4+$0xF2A8] =	vst.add.f32.msk @p0 $0xffff, v1  }
0x154: {  	s0 =	sshrl.u32 s5, $0x2;
	[tilespmem:s2+$0xF218] =	vst.msk $0x1, v0  }
0x155: {  	v0 =	vld [tilespmem:s0+$0xF238];
	_ =	sdelay $0x2  }
0x156: {  	s31 =	sshll.u32 s2, $0x9  }
0x157: {  	s4 =	sshra.s32 s31, $0x2  }
0x158: {  	[tilespmem:s4+$0xF238] =	vst v0  }
0x159: {  	v0 =	vld [tilespmem:s0+$0xF248];
	_ =	sdelay $0x4  }
0x15a: {  	[tilespmem:s4+$0xF248] =	vst v0  }
0x15b: {  	v0 =	vld [tilespmem:s0+$0xF258];
	_ =	sdelay $0x4  }
0x15c: {  	[tilespmem:s4+$0xF258] =	vst v0  }
0x15d: {  	v0 =	vld [tilespmem:s0+$0xF268];
	_ =	sdelay $0x4  }
0x15e: {  	[tilespmem:s4+$0xF268] =	vst v0  }
0x15f: {  	v0 =	vld [tilespmem:s0+$0xF278];
	_ =	sdelay $0x4  }
0x160: {  	[tilespmem:s4+$0xF278] =	vst v0  }
0x161: {  	v0 =	vld [tilespmem:s0+$0xF288];
	_ =	sdelay $0x4  }
0x162: {  	[tilespmem:s4+$0xF288] =	vst v0  }
0x163: {  	v0 =	vld [tilespmem:s0+$0xF298];
	_ =	sdelay $0x4  }
0x164: {  	[tilespmem:s4+$0xF298] =	vst v0  }
0x165: {  	v0 =	vld [tilespmem:s0+$0xF2A8];
	_ =	sdelay $0x4  }
0x166: {  	s2 =	sadd.s32 $0x1, s2;
	[tilespmem:s4+$0xF2A8] =	vst v0  }
.LBB2_31:
0x167: {  	s3 =	sadd.s32 $0x1, s3  }
0x168: {  	p0 =	sne.s32 s3, $0x20  }
.Ltmp18:
0x169: {  	_ = 	snop;
	(pc) =	sbr.rel @!p0 .LBB2_32-.Ltmp18, $1  }
0x16a: {  	_ =	sdelay $0x3  }
.LBB2_24:
0x16b: {  	v0 =	vld.msk [tilespmem:s3+$0xF218], $0x1;
	_ =	sdelay $0x4  }
0x16c: {  	(v2sf) =	vpush v0, $0x0;
	_ =	sdelay $0xe  }
0x16d: {  	s4 =	spop (v2sf)  }
0x16e: {  	p0 =	seq.s32 s4, $0xFFFFFFFF  }
.Ltmp19:
0x16f: {  	_ = 	snop;
	(pc) =	sbr.rel @p0 .LBB2_31-.Ltmp19, $1  }
0x170: {  	_ =	sdelay $0x3  }
0x171: {  	p0 =	slt.s32 s2, $0x1  }
.Ltmp20:
0x172: {  	_ = 	snop;
	(pc) =	sbr.rel @p0 .LBB2_30-.Ltmp20, $1  }
0x173: {  	_ =	sdelay $0x3  }
0x174: {  	s5 =	simm.s32 $0xF218;
	p0 =	por $0x0, $0x0  }
0x175: {  	v1 =	vld.msk @!p0 [tilespmem:s5+$0x0], $0x1;
	_ =	sdelay $0x4  }
0x176: {  	(v2sf) =	vpush @!p0 v1, $0x0;
	_ =	sdelay $0xd  }
0x177: {  	p2 =	sne.s32 s2, $0x1  }
.Ltmp21:
0x178: {  	s0 =	spop @!p0 (v2sf);
	(pc) =	sbr.rel @!p2 .LBB2_28-.Ltmp21, $4  }
0x179: {  	p1 =	seq.s32 @!p0 s4, s0  }
0x17a: {  	s6 =	simm.s32 $0x0;
	p1 =	por !p1, p0  }
0x17b: {  	s0 =	simm.s32 $0xFFFFFFFF;
	s6 =	simm.s32 @p1 $0xFFFFFFFF  }
0x17c: {  	s7 =	simm.s32 $0x1;
	s6 =	smov.u32 @p0 s0  }
.LBB2_27:
0x17d: {  	s0 =	smov.u32 s6;
	p0 =	sne.s32 s6, $0xFFFFFFFF  }
0x17e: {  	s5 =	sadd.s32 $0x1, s5;
	s6 =	smov.u32 s7;
	s7 =	sadd.s32 $0x1, s7  }
0x17f: {  	p1 =	sne.s32 s2, s7;
	v1 =	vld.msk @!p0 [tilespmem:s5+$0x0], $0x1;
	_ =	sdelay $0x4  }
0x180: {  	(v2sf) =	vpush @!p0 v1, $0x0;
	_ =	sdelay $0xe  }
.Ltmp22:
0x181: {  	s8 =	spop @!p0 (v2sf);
	(pc) =	sbr.rel @p1 .LBB2_27-.Ltmp22, $4  }
0x182: {  	p2 =	seq.s32 @!p0 s4, s8  }
0x183: {  	p2 =	por !p2, p0  }
0x184: {  	s6 =	simm.s32 @p2 $0xFFFFFFFF  }
0x185: {  	s6 =	smov.u32 @p0 s0  }
.LBB2_28:
0x186: {  	p0 =	seq.s32 s6, $0xFFFFFFFF  }
.Ltmp23:
0x187: {  	_ = 	snop;
	(pc) =	sbr.rel @p0 .LBB2_30-.Ltmp23, $1  }
0x188: {  	_ =	sdelay $0x3  }
0x189: {  	s0 =	sshll.u32 s3, $0x7  }
0x18a: {  	s0 =	sand.u32 $0x3FFFFF80, s0  }
0x18b: {  	v0 =	vld [tilespmem:s0+$0xF238];
	_ =	sdelay $0x2  }
0x18c: {  	s4 =	sshll.u32 s6, $0x9  }
0x18d: {  	s4 =	sshra.s32 s4, $0x2  }
0x18e: {  	[tilespmem:s4+$0xF238] =	vst.add.f32.msk $0xffff, v0  }
0x18f: {  	v0 =	vld [tilespmem:s0+$0xF248];
	_ =	sdelay $0x4  }
0x190: {  	[tilespmem:s4+$0xF248] =	vst.add.f32.msk $0xffff, v0  }
0x191: {  	v0 =	vld [tilespmem:s0+$0xF258];
	_ =	sdelay $0x4  }
0x192: {  	[tilespmem:s4+$0xF258] =	vst.add.f32.msk $0xffff, v0  }
0x193: {  	v0 =	vld [tilespmem:s0+$0xF268];
	_ =	sdelay $0x4  }
0x194: {  	[tilespmem:s4+$0xF268] =	vst.add.f32.msk $0xffff, v0  }
0x195: {  	v0 =	vld [tilespmem:s0+$0xF278];
	_ =	sdelay $0x4  }
0x196: {  	[tilespmem:s4+$0xF278] =	vst.add.f32.msk $0xffff, v0  }
0x197: {  	v0 =	vld [tilespmem:s0+$0xF288];
	_ =	sdelay $0x4  }
0x198: {  	[tilespmem:s4+$0xF288] =	vst.add.f32.msk $0xffff, v0  }
0x199: {  	v0 =	vld [tilespmem:s0+$0xF298];
	_ =	sdelay $0x4  }
0x19a: {  	[tilespmem:s4+$0xF298] =	vst.add.f32.msk $0xffff, v0  }
0x19b: {  	v0 =	vld [tilespmem:s0+$0xF2A8]  }
.Ltmp24:
0x19c: {  	_ = 	snop;
	(pc) =	sbr.rel .LBB2_31-.Ltmp24, $2  }
0x19d: {  	_ =	sdelay $0x2  }
0x19e: {  	[tilespmem:s4+$0xF2A8] =	vst.add.f32.msk $0xffff, v0  }
.LBB2_32:
0x19f: {  	p0 =	slt.s32 s2, $0x1  }
.Ltmp25:
0x1a0: {  	_ = 	snop;
	(pc) =	sbr.rel @p0 .LBB2_36-.Ltmp25, $3  }
0x1a1: {  	_ =	sdelay $0x1  }
0x1a2: {  	s0 =	simm.s32 $0x6  }
0x1a3: {  	s3 =	simm.s32 $0x0;
	[sflag:s0] =	ssyncpa.u1 $0x1  }
0x1a4: {  	s0 =	simm.s32 $0xF218  }
0x1a5: {  	v0 =	vld.msk [tilespmem:s0+$0x0], $0x1;
	_ =	sdelay $0x4  }
0x1a6: {  	(v2sf) =	vpush v0, $0x0;
	_ =	sdelay $0xd  }
0x1a7: {  	s2 =	sadd.s32 $0xFFFFFFFF, s2  }
0x1a8: {  	p1 =	sne.s32 s2, $0x0;
	s0 =	spop (v2sf)  }
.Ltmp26:
0x1a9: {  	p0 =	sgt.u32 s0, $0xF0;
	(pc) =	sbr.rel @!p1 .LBB2_35-.Ltmp26, $4  }
0x1aa: {  	s4 =	simm.s32 $0xF238;
	s5 =	sand.u32 @!p0 $0xF8, s0  }
0x1ab: {  	s6 =	simm.s32 $0x0;
	s0 =	sand.u32 @!p0 $0x7, s0;
	s5 =	sadd.s32 @!p0 s1, s5  }
0x1ac: {  	[hbm4b:s5+s0] =	stream.linear.scatter @!p0 [tilespmem:s4], [sflag:$0x5], $0x80, $0x38;
	[tilespmem:$0x1F6E8] =	vst v63  }
0x1ad: {  	s6 =	simm.s32 @!p0 $0x200;
	s5 =	simm.s32 $0xF219  }
.LBB2_34:
0x1ae: {  	v0 =	vld.msk [tilespmem:s5+$0x0], $0x1;
	s2 =	sadd.s32 $0xFFFFFFFF, s2;
	s3 =	sadd.s32 s3, s6  }
0x1af: {  	p0 =	sne.s32 s2, $0x0;
	_ =	sdelay $0x3  }
0x1b0: {  	(v2sf) =	vpush v0, $0x0;
	_ =	sdelay $0xe  }
.Ltmp27:
0x1b1: {  	s0 =	spop (v2sf);
	(pc) =	sbr.rel @p0 .LBB2_34-.Ltmp27, $4  }
0x1b2: {  	s6 =	simm.s32 $0x0;
	p1 =	sgt.u32 s0, $0xF0  }
0x1b3: {  	s4 =	sadd.s32 $0x80, s4;
	s6 =	simm.s32 @!p1 $0x200;
	s7 =	sand.u32 @!p1 $0xF8, s0  }
0x1b4: {  	s5 =	sadd.s32 $0x1, s5;
	s0 =	sand.u32 @!p1 $0x7, s0;
	s7 =	sadd.s32 @!p1 s1, s7  }
0x1b5: {  	[hbm4b:s7+s0] =	stream.linear.scatter @!p1 [tilespmem:s4], [sflag:$0x5], $0x80, $0x38;
	[tilespmem:$0x1F6E8] =	vst v63  }
.LBB2_35:
0x1b6: {  	s0 =	sadd.s32 s3, s6  }
0x1b7: {  	s3 =	sshrl.u32 s0, $0x2  }
.LBB2_36:
0x1b8: {  	s0 =	simm.s32 $0x5  }
0x1b9: {  	_ =	swait.ge [sflag:s0], s3  }
0x1ba: {  	s1 =	ssub.s32 $0x0, s3;
	[sflag:s0] =	ssyncset.done $0x0  }
0x1bb: {  	[sflag:s0] =	ssyncadd.s32 s1  }
0x1bc: {  	[sflag:s0] =	ssyncpa.u1 $0x1  }
0x1bd: {  	s30 =	simm.s32 $0x1;
	_ =	sfence  }
0x1be: {  	[sflag:s30] =	ssyncpa.u1 $0x1  }
0x1bf: {  	_ =	strace $0x90000047  }
0x1c0: {  	[bflag:$0x2] =	sbarrier.arrive $0xFFFF  }
0x1c1: {  	s31 =	rddreg [dreg:$0x3]  }
0x1c2: {  	s0 =	sadd.s32 $0x100000, s31  }
0x1c3: {  	[sflag:s0] =	ssyncadd.tile.s32 $0x1;
	_ =	shalt  }
.Lfunc_end2:
_tile_overlayer_lowered:
.L_overlay_start_2:
0x1c4: {  	(tag) =	ssettag $0x2  }
0x1c5: {  	s0 =	rddreg [dreg:$0x0];
	s2 =	stileid.u32  }
0x1c6: {  	s1 =	rddreg [dreg:$0x1];
	p0 =	sne.s32 s2, $0x0  }
0x1c7: {  	s3 =	rddreg [dreg:$0x2];
	[bflag:$0x3] =	sbarrier.arrive $0xFFFF;
	s2 =	simm.s32 @!p0 $0x1C01  }
0x1c8: {  	[timem:s3], [sflag:s2] =	dma.local @!p0 [hbm:s0], s1  }
0x1c9: {  	s0 =	simm.s32 @!p0 $0x1  }
0x1ca: {  	_ =	swait.ge @!p0 [sflag:s0], s1  }
0x1cb: {  	s1 =	ssub.s32 @!p0 $0x0, s1;
	[sflag:s0] =	ssyncset.done @!p0 $0x0  }
0x1cc: {  	[sflag:s0] =	ssyncadd.s32 @!p0 s1  }
0x1cd: {  	[bflag:$0x3] =	sbarrier.arrive $0xFFFF  }
0x1ce: {  	_ =	shalt  }

// kernel: sparse-core-data-format-call.cloned.1.call-start
scs
called_computation.1_lowered:
.L_overlay_start_0:
0x0: {  	s1 =	sld [smem:$0x3FD9]  }
0x1: {  	s2 =	sld [smem:$0x3FFE];
	_ =	sdelay $0x1  }
0x2: {  	s3 =	srdreg.scid  }
0x3: {  	s0 =	sand.u32 $0x1, s3  }
0x4: {  	s17 =	sshll.u32 s0, $0xA;
	s1 =	sadd.s32 s2, s1  }
0x5: {  	s1 =	sadd.s32 s1, s17  }
0x6: {  	[smem:$0x3F8C] =	sst s1  }
0x7: {  	_ = 	snop  }
0x8: {  	(tm) =	ssettm $0x1  }
0x9: {  	s18 =	sld [smem:$0x3FFB];
	_ =	sdelay $0x3  }
0xa: {  	_ =	strace s18  }
0xb: {  	s1 =	sld [smem:$0x3FFC];
	_ =	sdelay $0x3  }
0xc: {  	_ =	strace s1  }
0xd: {  	s1 =	sld [smem:$0x3FFD];
	_ =	sdelay $0x3  }
0xe: {  	_ =	strace s1  }
0xf: {  	_ =	strace $0x8FFFFFFF  }
0x10: {  	s19 =	sld [smem:$0x3FDB];
	_ =	sdelay $0x1  }
0x11: {  	s20 =	simm.s32 $_scs_section_size  }
0x12: {  	s4 =	simm.s32 $_size__tile_overlayer_lowered;
	s5 =	simm.s32 $_tile_overlayer_lowered  }
0x13: {  	s23 =	simm.s32 $0x1BFF;
	s22 =	sshll.u32 s5, $0x1;
	s1 =	sadd.s32 s20, s19  }
0x14: {  	s6 =	simm.s32 $0x0;
	s21 =	sshll.u32 s4, $0x1;
	s4 =	sadd.s32 s22, s1  }
0x15: {  	[timem:s6], [sflag:s23] =	dma.local [hbm:s4], s21  }
0x16: {  	_ =	swait.ge [sflag:s23], s21  }
0x17: {  	s2 =	ssub.s32 $0x0, s21;
	[sflag:s23] =	ssyncset.done $0x0  }
0x18: {  	[sflag:s23] =	ssyncadd.s32 s2;
	_ =	sdelay $0x1  }
0x19: {  	s24 =	simm.s32 $0x1B8B  }
0x1a: {  	_ =	swait.ge [sflag:s24], $0x1  }
0x1b: {  	[sflag:s24] =	ssyncset.done $0x0  }
0x1c: {  	s26 =	simm.s32 $0x1B8E;
	s25 =	sld [smem:$0x3FFE];
	[sflag:s24] =	ssyncadd.s32 $0xFFFFFFFF  }
0x1d: {  	s27 =	simm.s32 $execute0_lowered;
	[smem:$0x3FD2] =	sst s26  }
0x1e: {  	s4 =	sshll.u32 s27, $0x1;
	_ =	strace $0x80000058;
	[dreg:$0x1] =	wrdreg $0xFFFFFFFF  }
0x1f: {  	s28 =	simm.s32 $_size_execute0_lowered;
	s1 =	sadd.s32 s1, s4;
	[dreg:$0x0] =	wrdreg $0x0  }
0x20: {  	s4 =	sshll.u32 s28, $0x1;
	[dreg:$0x2] =	wrdreg s1  }
0x21: {  	[dreg:$0x3] =	wrdreg s4  }
0x22: {  	[dreg:$0x4] =	wrdreg $0xC0  }
0x23: {  	_ =	task [dreg:s6], $0x5FFFF  }
0x24: {  	[dreg:$0x1] =	wrdreg $0xFFFFFFFF  }
0x25: {  	[dreg:$0x0] =	wrdreg $0x60  }
0x26: {  	[dreg:$0x2] =	wrdreg s25  }
0x27: {  	[dreg:$0x3] =	wrdreg $0x9  }
0x28: {  	_ =	task.clear_ibuf [dreg:s6], $0x4FFFF;
	_ =	strace $0x90000058  }
0x29: {  	s29 =	simm.s32 $0x9;
	_ =	strace $0x8000005A  }
0x2a: {  	_ =	swait.ge [sflag:s29], $0x1  }
0x2b: {  	[sflag:s29] =	ssyncadd.s32 $0xFFFFFFFF  }
0x2c: {  	_ =	strace $0x9000005A  }
0x2d: {  	_ =	sfence  }
0x2e: {  	s30 =	sld [smem:$0x0];
	_ =	sdelay $0x2  }
0x2f: {  	s31 =	sshll.u32 s3, $0xD;
	s3 =	sshrl.u32 s3, $0x2  }
0x30: {  	s2 =	sand.u32 $0x4000, s31;
	s1 =	sadd.s32 s3, s30  }
0x31: {  	s0 =	sor.u32 s2, s0;
	s1 =	sshll.u32 s1, $0x11  }
0x32: {  	s0 =	sor.u32 s1, s0  }
0x33: {  	s0 =	sadd.s32 $0x8F2B, s0  }
0x34: {  	[sflag:s0] =	ssyncadd.remote.s32 $0x1  }
0x35: {  	_ =	sfence.sel $0xFFFF  }
0x36: {  	[dreg:$0x0] =	wrdreg $0xFFFFFFFF;
	(pc) =	sbr.abs _section_cstart, $3  }
0x37: {  	[dreg:$0x1] =	wrdreg $0xFFFFFFFF  }
0x38: {  	_ =	task.clear_ibuf [dreg:s6], $0x2FFFF;
	_ =	strace $0x9FFFFFFF  }
0x39: {  	(tm) =	ssettm $0x7FFFFFFF  }
tec
execute0_lowered:
.L_overlay_start_1:
0x0: {  	(tag) =	ssettag $0x1  }
0x1: {  	s0 =	stileid.u32  }
0x2: {  	s1 =	srdreg.scid;
	s7 =	rddreg [dreg:$0x0];
	s31 =	simm.s32 $0x2  }
0x3: {  	s14 =	simm.s32 $0x0;
	s2 =	sshll.u32 s0, $0x6;
	s1 =	sshll.u32 s1, $0xA  }
0x4: {  	s13 =	simm.s32 $0x0;
	s3 =	sand.u32 $0x1, s0;
	s1 =	sor.u32 s2, s1  }
0x5: {  	s12 =	simm.s32 $0x0;
	s5 =	ssub.s32 $0x2, s3;
	s2 =	sand.u32 $0x780, s1  }
0x6: {  	s11 =	smov.u32 s3;
	s1 =	rddreg [dreg:$0x1];
	s4 =	ssub.s32 $0xC380, s2  }
0x7: {  	_ =	strace $0x80000059;
	s8 =	sshrl.u32 s5, $0x1;
	s6 =	sand.u32 $0x780, s4  }
0x8: {  	s5 =	sand.u32 $0x1, s5;
	p0 =	sne.s32 s6, $0x0;
	s6 =	simm.s32 $0x1  }
.Ltmp0:
0x9: {  	s9 =	sshrl.u32 s4, $0xB;
	s6 =	simm.s32 @!p0 $0x0;
	(pc) =	sbr.rel .LBB1_1-.Ltmp0, $4  }
0xa: {  	s5 =	sadd.s32 s5, s8;
	s4 =	simm.s32 $0x1;
	s6 =	sadd.s32 s6, s9  }
0xb: {  	s10 =	smov.u32 s2;
	[sflag:s4] =	ssyncpa.u1 $0x0;
	s5 =	smul.u32 s5, s6  }
0xc: {  	[sflag:s31] =	ssyncpa.u1 $0x0;
	p0 =	por $0x0, $0x0;
	s9 =	simm.s32 $0x61C00  }
0xd: {  	s6 =	sadd.s32 $0x651E00, s7;
	s7 =	sadd.s32 $0x4CAE00, s7;
	s8 =	sadd.s32 $0x1, s5  }
.LBB1_7:
0xe: {  	s15 =	sadd.s32 $0x800, s10  }
0xf: {  	s13 =	sadd.s32 $0x2, s11;
	s17 =	smov.u32 s11;
	p2 =	sgt.s32 s15, $0xC37F  }
0x10: {  	s17 =	smov.u32 @p2 s13  }
0x11: {  	s15 =	smov.u32 @p2 s2;
	p2 =	sgt.s32 s17, $0x1  }
0x12: {  	s17 =	smov.u32 @p2 s3;
	p2 =	sne.s32 s12, s8  }
.Ltmp1:
0x13: {  	p1 =	slt.u32 s12, $0x2;
	(pc) =	sbr.rel @!p2 .LBB1_8-.Ltmp1, $4  }
0x14: {  	s16 =	simm.s32 @!p1 $0x2  }
0x15: {  	s14 =	smov.u32 s10;
	p0 =	por !p0, !p0;
	_ =	swait.ge @!p1 [sflag:s16], $0x4000  }
0x16: {  	s13 =	smov.u32 s11;
	[sflag:s16] =	ssyncset.done @!p1 $0x0;
	s10 =	smov.u32 s15  }
0x17: {  	s12 =	sadd.s32 $0x1, s12;
	[sflag:s16] =	ssyncadd.s32 @!p1 $0xFFFFC000;
	s11 =	smov.u32 s17  }
.LBB1_1:
0x18: {  	p1 =	sge.u32 s12, s5  }
0x19: {  	s16 =	smul.u32 @!p1 $0x30E000, s11  }
0x1a: {  	s31 =	sadd.s32 $0xFFFFFFFF, s12;
	s15 =	sxor.u32 @!p1 $0xFFFFFFFF, s12;
	s17 =	sshll.u32 @!p1 s10, $0x6  }
0x1b: {  	s18 =	simm.s32 @!p1 $0x80;
	s15 =	sshll.u32 @!p1 s15, $0xE;
	s16 =	sadd.s32 @!p1 s6, s16  }
0x1c: {  	s15 =	sand.u32 @!p1 $0x4000, s15;
	s16 =	sadd.s32 @!p1 s17, s16;
	s17 =	simm.s32 @!p1 $0x20  }
0x1d: {  	[tilespmem:s15], [sflag:$0x1] =	stream.strided.gather @!p1 [hbm4b:s16+s17], $0x4000, s18, s17, $0x38;
	[tilespmem:$0x10100] =	vst v63  }
0x1e: {  	p1 =	sge.u32 s31, s5  }
.Ltmp2:
0x1f: {  	_ = 	snop;
	(pc) =	sbr.rel @p1 .LBB1_7-.Ltmp2, $1  }
0x20: {  	_ =	sdelay $0x3  }
0x21: {  	s15 =	simm.s32 $0x1;
	s17 =	sand.u32 $0x1, s12  }
0x22: {  	s15 =	simm.s32 @!p0 $0x0;
	s18 =	smul.u32 $0x10200, s17  }
0x23: {  	_ =	swait.ge [sflag:s4], $0x4000;
	s16 =	smul.u32 $0x10200, s15  }
0x24: {  	[sflag:s4] =	ssyncset.done $0x0;
	s17 =	sshll.u32 s15, $0xE  }
0x25: {  	[sflag:s4] =	ssyncadd.s32 $0xFFFFC000;
	s31 =	sshrl.u32 s18, $0x2;
	s16 =	sshrl.u32 s16, $0x2  }
0x26: {  	s18 =	simm.s32 $0x0;
	s15 =	sor.u32 $0x8000, s31;
	s16 =	sadd.s32 $0x8810, s16  }
.LBB1_3:
0x27: {  	v0 =	vmov s17;
	_ =	sdelay $0x3  }
0x28: {  	s19 =	simm.s32 $0x0  }
0x29: {  	v1 =	vld.idx.msk [tilespmem:v0+s19+$0x10 ss:$0x1], $0xffff  }
0x2a: {  	v2 =	vld.idx.msk [tilespmem:v0+s19+$0x0 ss:$0x1], $0xffff;
	_ =	sdelay $0x1  }
0x2b: {  	s20 =	simm.s32 $0x80;
	s19 =	smov.u32 s16  }
.LBB1_4:
0x2c: {  	s21 =	sshra.s32 s20, $0x2;
	p1 =	sne.s32 s20, $0x180;
	s20 =	sadd.s32 $0x80, s20  }
.Ltmp3:
0x2d: {  	[tilespmem:s19+$0x0 ss:$0x81] =	vst.msk $0xffff, v1;
	v1 =	vld.idx.msk [tilespmem:v0+s21+$0x10 ss:$0x1], $0xffff;
	(pc) =	sbr.rel @p1 .LBB1_4-.Ltmp3, $2  }
0x2e: {  	[tilespmem:s19+$0xFFFFF7F0 ss:$0x81] =	vst.msk $0xffff, v2;
	v2 =	vld.idx.msk [tilespmem:v0+s21+$0x0 ss:$0x1], $0xffff;
	_ =	sdelay $0x2  }
0x2f: {  	s19 =	sadd.s32 $0x1020, s19  }
0x30: {  	s18 =	sadd.s32 $0x1, s18  }
0x31: {  	p1 =	sne.s32 s18, $0x80  }
.Ltmp4:
0x32: {  	_ = 	snop;
	(pc) =	sbr.rel @p1 .LBB1_3-.Ltmp4, $3  }
0x33: {  	_ =	sdelay $0x1  }
0x34: {  	[tilespmem:s19+$0x0 ss:$0x81] =	vst.msk $0xffff, v1  }
0x35: {  	s16 =	sadd.s32 $0x1, s16;
	s17 =	sadd.s32 $0x80, s17;
	[tilespmem:s19+$0xFFFFF7F0 ss:$0x81] =	vst.msk $0xffff, v2  }
0x36: {  	s16 =	sshll.u32 s14, $0x3  }
0x37: {  	s29 =	sand.u32 $0x7F, s14;
	s16 =	sand.u32 $0xFFFFFC00, s16  }
0x38: {  	s14 =	sor.u32 s29, s16;
	s16 =	smulhi.u32 $0xA79C7B17, s16  }
0x39: {  	s17 =	smulhi.u32 $0xA79C7B17, s14;
	_ =	sdelay $0x1  }
0x3a: {  	s13 =	smul.u32 $0xC3800, s13;
	s16 =	sshrl.u32 s16, $0xF;
	s17 =	sshrl.u32 s17, $0xF  }
0x3b: {  	s16 =	sand.u32 $0x1F, s16;
	s17 =	smul.u32 $0xC380, s17  }
0x3c: {  	s16 =	smul.u32 $0x1870, s16  }
.Ltmp5:
0x3d: {  	s14 =	ssub.s32 s14, s17;
	(pc) =	sbr.rel .LBB1_7-.Ltmp5, $4  }
0x3e: {  	s13 =	sadd.s32 s7, s13;
	s17 =	sand.u32 $0x7, s14  }
0x3f: {  	s13 =	sadd.s32 s16, s13;
	s14 =	sshrl.u32 s14, $0x3;
	s30 =	sshll.u32 s17, $0x12  }
0x40: {  	s13 =	sadd.s32 s14, s13;
	s31 =	sor.u32 $0x400, s30  }
0x41: {  	[hbm4b:s13+s31] =	stream.strided.scatter [tilespmem:s15], [sflag:$0x2], $0x4000, s9, s31, $0x20;
	[tilespmem:$0x10100] =	vst v63  }
.LBB1_8:
0x42: {  	_ =	sfence.sel $0x180000  }
0x43: {  	s2 =	simm.s32 $0x1;
	[bflag:$0x0] =	sbarrier.arrive $0xFFFF  }
0x44: {  	s31 =	simm.s32 $0x2;
	[sflag:s2] =	ssyncpa.u1 $0x1  }
0x45: {  	[sflag:s31] =	ssyncpa.u1 $0x1  }
0x46: {  	p0 =	sne.s32 s0, $0x0;
	_ =	strace $0x90000059  }
0x47: {  	s0 =	sadd.s32 @!p0 $0x100000, s1;
	[bflag:$0x2] =	sbarrier.arrive $0xFFFF  }
0x48: {  	[sflag:s0] =	ssyncadd.tile.s32 @!p0 $0x1;
	_ =	shalt  }
.Lfunc_end1:
_tile_overlayer_lowered:
.L_overlay_start_2:
0x49: {  	(tag) =	ssettag $0x2  }
0x4a: {  	s0 =	rddreg [dreg:$0x0];
	s2 =	stileid.u32  }
0x4b: {  	s1 =	rddreg [dreg:$0x1];
	p0 =	sne.s32 s2, $0x0  }
0x4c: {  	s3 =	rddreg [dreg:$0x2];
	[bflag:$0x3] =	sbarrier.arrive $0xFFFF;
	s2 =	simm.s32 @!p0 $0x1C01  }
0x4d: {  	[timem:s3], [sflag:s2] =	dma.local @!p0 [hbm:s0], s1  }
0x4e: {  	s0 =	simm.s32 @!p0 $0x1  }
0x4f: {  	_ =	swait.ge @!p0 [sflag:s0], s1  }
0x50: {  	s1 =	ssub.s32 @!p0 $0x0, s1;
	[sflag:s0] =	ssyncset.done @!p0 $0x0  }
0x51: {  	[sflag:s0] =	ssyncadd.s32 @!p0 s1  }
0x52: {  	[bflag:$0x3] =	sbarrier.arrive $0xFFFF  }
0x53: {  	_ =	shalt  }

</sc_bundles>
